<compile_context>
chip_gen: v7x
topology: tpu7x:2x2x1
jax: 0.10.2.dev20260603
libtpu: 0.0.44.dev20260713+nightly
codegen_flags: <defaults>
</compile_context>

<pallas_src>
import jax
import jax.numpy as jnp
from jax import lax
from jax.experimental import pallas as pl
from jax.experimental.pallas import tpu as pltpu
from jax.experimental.pallas import tpu_sc as plsc

N = 10000
D = 128
E = 320000

NC = 2
NS = 16
NW = NC * NS
C = 128
R = 16
SUP = 5
EPAD = NW * SUP * R * C
NPAD = 10112
ROWS_PT = NPAD // NS

_mesh = plsc.VectorSubcoreMesh(
    core_axis_name="c", subcore_axis_name="s", num_cores=NC, num_subcores=NS)


DT = 80


def _deg_body(dst_hbm, zeros_hbm, out_hbm, dst_v, deg_v):
    cid = lax.axis_index("c")
    sid = lax.axis_index("s")
    wid = sid * NC + cid
    ones = jnp.ones((16,), jnp.float32)
    pltpu.sync_copy(zeros_hbm, deg_v)

    def sup_body(sp, carry):
        pltpu.sync_copy(dst_hbm.at[wid * SUP + sp], dst_v)

        def row_body(r, carry2):
            row = dst_v.at[r]
            for g in range(C // 16):
                idx = row[pl.ds(g * 16, 16)]
                plsc.addupdate_scatter(deg_v, [idx], ones)
            return carry2

        lax.fori_loop(0, R, row_body, 0)
        return carry

    lax.fori_loop(0, SUP, sup_body, 0)
    pltpu.sync_copy(deg_v, out_hbm.at[pl.ds(wid * (DT * 128), DT * 128)])


_deg_call = pl.kernel(
    _deg_body,
    out_type=jax.ShapeDtypeStruct((NW * DT * 128,), jnp.float32),
    mesh=_mesh,
    scratch_types=[
        pltpu.VMEM((R, C), jnp.int32),
        pltpu.VMEM((DT * 128,), jnp.float32),
    ],
    compiler_params=pltpu.CompilerParams(needs_layout_passes=False),
)


TS = NW * SUP
N0 = 5
N1 = SUP * 2 - N0


def _conv_body(h_hbm, src_hbm, dst_hbm, out_hbm,
               src_v, dst_v, buf0, buf1, acc_sh, g0, g1):
    cid = lax.axis_index("c")
    sid = lax.axis_index("s")
    with jax.named_scope("acc_init"):
        pltpu.sync_copy(h_hbm.at[pl.ds(sid * ROWS_PT, ROWS_PT)],
                        acc_sh.at[pl.ds(sid * ROWS_PT, ROWS_PT)])
        plsc.subcore_barrier()
    base = jnp.where(cid == 0, sid * N0, NS * N0 + sid * N1)
    nsup = jnp.where(cid == 0, N0, N1)

    def sup_body(sp, carry):
        pltpu.sync_copy(src_hbm.at[base + sp], src_v)
        pltpu.sync_copy(dst_hbm.at[base + sp], dst_v)
        pltpu.async_copy(h_hbm.at[src_v.at[0]], buf0, g0)

        def pair(t, carry2):
            j0 = 2 * t
            pltpu.async_copy(h_hbm.at[src_v.at[j0 + 1]], buf1, g1)
            pltpu.make_async_copy(h_hbm.at[src_v.at[j0]], buf0, g0).wait()
            pltpu.sync_copy(buf0, acc_sh.at[dst_v.at[j0]], add=True)

            @pl.when(t < R // 2 - 1)
            def _():
                pltpu.async_copy(h_hbm.at[src_v.at[j0 + 2]], buf0, g0)

            pltpu.make_async_copy(h_hbm.at[src_v.at[j0 + 1]], buf1, g1).wait()
            pltpu.sync_copy(buf1, acc_sh.at[dst_v.at[j0 + 1]], add=True)
            return carry2

        lax.fori_loop(0, R // 2, pair, 0)
        return carry

    with jax.named_scope("edges"):
        lax.fori_loop(0, nsup, sup_body, 0)
        plsc.subcore_barrier()
    with jax.named_scope("writeback"):
        pltpu.sync_copy(acc_sh.at[pl.ds(sid * ROWS_PT, ROWS_PT)],
                        out_hbm.at[cid, pl.ds(sid * ROWS_PT, ROWS_PT)])


_conv_call = pl.kernel(
    _conv_body,
    out_type=jax.ShapeDtypeStruct((NC, NPAD, D), jnp.float32),
    mesh=_mesh,
    scratch_types=[
        pltpu.VMEM((R, C), jnp.int32),
        pltpu.VMEM((R, C), jnp.int32),
        pltpu.VMEM((C, D), jnp.float32),
        pltpu.VMEM((C, D), jnp.float32),
        pltpu.VMEM_SHARED((NPAD, D), jnp.float32),
        pltpu.SemaphoreType.DMA,
        pltpu.SemaphoreType.DMA,
    ],
)


def _tc_deg_body(degp_ref, out_ref):
    out_ref[...] = lax.rsqrt(jnp.sum(degp_ref[...], axis=0) + 1.0)


_tc_deg = pl.pallas_call(
    _tc_deg_body, out_shape=jax.ShapeDtypeStruct((DT, 128), jnp.float32))


def _tc_pre_body(x_ref, w_ref, dinv_ref, out_ref):
    dinv = dinv_ref[...]
    h = jnp.dot(x_ref[...], w_ref[...], preferred_element_type=jnp.float32)
    out_ref[0:N, :] = h * dinv
    out_ref[N:NPAD, :] = jnp.zeros((NPAD - N, D), jnp.float32)


_tc_pre = pl.pallas_call(
    _tc_pre_body, out_shape=jax.ShapeDtypeStruct((NPAD, D), jnp.float32))


def _tc_mid_body(acc_ref, hp_ref, dinv_ref, b_ref, g_ref, beta_ref, w_ref,
                 out_ref):
    dinv = dinv_ref[...]
    s = acc_ref[0, 0:N, :] + acc_ref[1, 0:N, :] - hp_ref[0:N, :]
    z = s * dinv + b_ref[...]
    mean = jnp.mean(z, axis=0, keepdims=True)
    var = jnp.mean((z - mean) ** 2, axis=0, keepdims=True)
    zh = (z - mean) * lax.rsqrt(var + 1e-5) * g_ref[...] + beta_ref[...]
    r = jnp.maximum(zh, 0.0)
    out_ref[0:N, :] = jnp.dot(
        r, w_ref[...], preferred_element_type=jnp.float32) * dinv
    out_ref[N:NPAD, :] = jnp.zeros((NPAD - N, D), jnp.float32)


_tc_mid = pl.pallas_call(
    _tc_mid_body, out_shape=jax.ShapeDtypeStruct((NPAD, D), jnp.float32))


def _tc_post_body(acc_ref, hp_ref, dinv_ref, b_ref, out_ref):
    dinv = dinv_ref[...]
    s = acc_ref[0, 0:N, :] + acc_ref[1, 0:N, :] - hp_ref[0:N, :]
    out_ref[...] = s * dinv + b_ref[...]


_tc_post = pl.pallas_call(
    _tc_post_body, out_shape=jax.ShapeDtypeStruct((N, D), jnp.float32))


def kernel(x, edge_index, W1, b1, g1, beta1, W2, b2, g2, beta2, W3, b3):
    src = edge_index[0]
    dst = edge_index[1]
    pad = EPAD - E
    pad_src = (jnp.arange(pad, dtype=jnp.int32) * 131) % N
    pad_dst = N + (jnp.arange(pad, dtype=jnp.int32) % (NPAD - N))
    src_flat = jnp.concatenate([src, pad_src])
    dst_flat = jnp.concatenate([dst, pad_dst])
    src4d = src_flat.reshape(TS, R, C)
    dst4d = dst_flat.reshape(TS, R, C)
    zeros_tab = jnp.zeros((DT * 128,), jnp.float32)

    degp = _deg_call(dst4d, zeros_tab).reshape(NW, DT, 128)
    dinv_tab = _tc_deg(degp)
    dinv_col = dinv_tab.reshape(DT * 128)[:N].reshape(N, 1)

    b1r, g1r, beta1r = b1.reshape(1, D), g1.reshape(1, D), beta1.reshape(1, D)
    b2r, g2r, beta2r = b2.reshape(1, D), g2.reshape(1, D), beta2.reshape(1, D)
    b3r = b3.reshape(1, D)

    h1p = _tc_pre(x, W1, dinv_col)
    acc1 = _conv_call(h1p, src4d, dst4d)
    h2p = _tc_mid(acc1, h1p, dinv_col, b1r, g1r, beta1r, W2)
    acc2 = _conv_call(h2p, src4d, dst4d)
    h3p = _tc_mid(acc2, h2p, dinv_col, b2r, g2r, beta2r, W3)
    acc3 = _conv_call(h3p, src4d, dst4d)
    q = _tc_post(acc3, h3p, dinv_col, b3r)
    return q

# --- scband reference (transcript-rebuilt; emitter-appended) ---
"""Pipeline reference for scband-gcn-72241349919044 (READ-ONLY COPY).

The authoritative reference and input builder live on the scoring server;
editing this copy changes nothing except your own understanding.
"""

import jax, jax.numpy as jnp
import numpy as np

N_NODES = 10000
N_EDGES = 320000
D = 128


def gcn_conv(x, edge_index, W, b):
    # PyG-style GCNConv: add self-loops, symmetric normalization, linear, scatter-add aggregate, bias.
    N = x.shape[0]
    loop = jnp.arange(N, dtype=edge_index.dtype)
    src = jnp.concatenate([edge_index[0], loop])
    dst = jnp.concatenate([edge_index[1], loop])
    deg = jax.ops.segment_sum(jnp.ones(src.shape[0], dtype=x.dtype), dst, num_segments=N)
    dinv = jnp.where(deg > 0, jax.lax.rsqrt(jnp.maximum(deg, 1e-12)), 0.0)
    norm = dinv[src] * dinv[dst]
    h = x @ W
    msg = h[src] * norm[:, None]
    out = jax.ops.segment_sum(msg, dst, num_segments=N)
    return out + b


def batch_norm(h, g, beta, eps=1e-5):
    # BatchNorm1d in training mode (biased variance, per-feature over nodes)
    mean = jnp.mean(h, axis=0)
    var = jnp.mean((h - mean) ** 2, axis=0)
    return (h - mean) * jax.lax.rsqrt(var + eps) * g + beta


def setup_inputs(seed: int = 0) -> dict:
    key = jax.random.key(seed)
    ks = jax.random.split(key, 8)
    x = jax.random.normal(ks[0], (N_NODES, D), dtype=jnp.float32)
    edge_index = jax.random.randint(ks[1], (2, N_EDGES), 0, N_NODES, dtype=jnp.int32)
    s = 1.0 / np.sqrt(D)
    return {
        "x": x,
        "edge_index": edge_index,
        "W1": jax.random.uniform(ks[2], (D, D), jnp.float32, -s, s),
        "b1": jnp.zeros((D,), jnp.float32),
        "g1": jnp.ones((D,), jnp.float32),
        "beta1": jnp.zeros((D,), jnp.float32),
        "W2": jax.random.uniform(ks[3], (D, D), jnp.float32, -s, s),
        "b2": jnp.zeros((D,), jnp.float32),
        "g2": jnp.ones((D,), jnp.float32),
        "beta2": jnp.zeros((D,), jnp.float32),
        "W3": jax.random.uniform(ks[4], (D, D), jnp.float32, -s, s),
        "b3": jnp.zeros((D,), jnp.float32),
    }


def reference(x, edge_index, W1, b1, g1, beta1, W2, b2, g2, beta2, W3, b3):
    # conv1 -> bn1 -> relu
    h = gcn_conv(x, edge_index, W1, b1)
    h = jax.nn.relu(batch_norm(h, g1, beta1))
    # one hidden layer (num_hidden_layers=2 -> 1 extra GCNConv+BN)
    h = gcn_conv(h, edge_index, W2, b2)
    h = jax.nn.relu(batch_norm(h, g2, beta2))
    # output conv (q-values)
    q = gcn_conv(h, edge_index, W3, b3)
    return q

if __name__ == "__main__":
    import jax
    _d = setup_inputs()
    print(jax.jit(kernel)(*tuple(_d.values())))

</pallas_src>

<mosaic_0001>
#map = affine_map<(d0, d1) -> (0, 0)>
#map1 = affine_map<(d0, d1) -> (0, 0, 0)>
module attributes {stable_mosaic.version = 14 : i64} {
  func.func @_conv_body(%arg0: i32, %arg1: i32, %arg2: memref<10112x128xf32, #tpu.memory_space<hbm>>, %arg3: memref<160x16x128xi32, #tpu.memory_space<hbm>>, %arg4: memref<160x16x128xi32, #tpu.memory_space<hbm>>, %arg5: memref<2x10112x128xf32, #tpu.memory_space<hbm>>, %arg6: memref<16x128xi32, #tpu.memory_space<vmem>>, %arg7: memref<16x128xi32, #tpu.memory_space<vmem>>, %arg8: memref<128x128xf32, #tpu.memory_space<vmem>>, %arg9: memref<128x128xf32, #tpu.memory_space<vmem>>, %arg10: memref<10112x128xf32, #tpu.memory_space<vmem_shared>>, %arg11: memref<!tpu.dma_semaphore, #tpu.memory_space<semaphore_mem>>, %arg12: memref<!tpu.dma_semaphore, #tpu.memory_space<semaphore_mem>>) attributes {dimension_semantics = [#tpu.dimension_semantics<core_parallel>, #tpu.dimension_semantics<subcore_parallel>], iteration_bounds = array<i64: 2, 16>, scalar_prefetch = 0 : i64, scratch_operands = 7 : i64, tpu.core_type = #tpu.core_type<sc_vector_subcore>, window_params = [{transform_indices = #map}, {transform_indices = #map1}, {transform_indices = #map1}, {transform_indices = #map1}]} {
    "tpu.trace_start"() <{level = 10 : i32, message = "acc_init"}> : () -> ()
    %mul3A = arith.constant 632 : i32
    %mul3A_0 = arith.muli %arg1, %mul3A : i32
    %mul3A_1 = arith.constant 632 : i32
    %mul3A_2 = arith.muli %arg1, %mul3A_1 : i32
    "tpu.region"() ({
      %run_scoped3A = tpu.sem_alloc : memref<!tpu.dma_semaphore, #tpu.memory_space<semaphore_mem>>
      %dma_start3A = arith.constant 0 : i32
      %dma_start3A_27 = tpu.memref_slice %arg10[%mul3A_2, %dma_start3A] : memref<10112x128xf32, #tpu.memory_space<vmem_shared>> -> memref<632x128xf32, #tpu.memory_space<vmem_shared>>
      %dma_start3A_28 = arith.constant 0 : i32
      %dma_start3A_29 = tpu.memref_slice %arg2[%mul3A_0, %dma_start3A_28] : memref<10112x128xf32, #tpu.memory_space<hbm>> -> memref<632x128xf32, #tpu.memory_space<hbm>>
      tpu.enqueue_dma source(%dma_start3A_29 : memref<632x128xf32, #tpu.memory_space<hbm>>) target(%dma_start3A_27 : memref<632x128xf32, #tpu.memory_space<vmem_shared>>) target_semaphore(%run_scoped3A : memref<!tpu.dma_semaphore, #tpu.memory_space<semaphore_mem>>)
      %dma_wait3A = arith.constant 0 : i32
      %dma_wait3A_30 = tpu.memref_slice %arg10[%mul3A_2, %dma_wait3A] : memref<10112x128xf32, #tpu.memory_space<vmem_shared>> -> memref<632x128xf32, #tpu.memory_space<vmem_shared>>
      %dma_wait3A_31 = arith.constant 0 : i32
      %dma_wait3A_32 = tpu.memref_slice %arg2[%mul3A_0, %dma_wait3A_31] : memref<10112x128xf32, #tpu.memory_space<hbm>> -> memref<632x128xf32, #tpu.memory_space<hbm>>
      tpu.wait_dma2 semaphore(%run_scoped3A : memref<!tpu.dma_semaphore, #tpu.memory_space<semaphore_mem>>) src(%dma_wait3A_32 : memref<632x128xf32, #tpu.memory_space<hbm>>) dst(%dma_wait3A_30 : memref<632x128xf32, #tpu.memory_space<vmem_shared>>)
      tpu.yield
    }) : () -> ()
    %barrier3A = arith.constant 0 : index
    tpu.barrier barrier_id(%barrier3A)
    %eq3A = arith.constant 0 : i32
    "tpu.trace_stop"() : () -> ()
    %eq3A_3 = arith.cmpi eq, %arg0, %eq3A : i32
    %mul3A_4 = arith.constant 5 : i32
    %mul3A_5 = arith.muli %arg1, %mul3A_4 : i32
    %mul3A_6 = arith.constant 5 : i32
    %mul3A_7 = arith.muli %arg1, %mul3A_6 : i32
    %add3A = arith.constant 80 : i32
    %add3A_8 = arith.addi %add3A, %mul3A_7 : i32
    %select_n3A = arith.select %eq3A_3, %mul3A_5, %add3A_8 : i32
    %eq3A_9 = arith.constant 0 : i32
    %eq3A_10 = arith.cmpi eq, %arg0, %eq3A_9 : i32
    %jit3A = arith.constant 5 : i32
    %jit3A_11 = arith.constant 5 : i32
    %select_n3A_12 = arith.select %eq3A_10, %jit3A, %jit3A_11 : i32
    %while3A = arith.constant 0 : i32
    %while3A_13 = arith.constant 0 : i32
    "tpu.trace_start"() <{level = 10 : i32, message = "edges"}> : () -> ()
    %while3A_14 = arith.subi %select_n3A_12, %while3A_13 : i32
    %while3A_15 = arith.addi %while3A_13, %while3A_14 : i32
    %while3A_16 = arith.constant 1 : i32
    %while3A_17 = arith.divsi %while3A_14, %while3A_16 : i32
    %while3A_18 = arith.muli %while3A_17, %while3A_16 : i32
    %while3A_19 = arith.addi %while3A_13, %while3A_18 : i32
    %while3A_20 = arith.constant 1 : i32
    scf.for %while3A_27 = %while3A_13 to %while3A_19 step %while3A_20  : i32 {
      %add3A_28 = arith.addi %select_n3A, %while3A_27 : i32
      "tpu.region"() ({
        %run_scoped3A = tpu.sem_alloc : memref<!tpu.dma_semaphore, #tpu.memory_space<semaphore_mem>>
        %dma_start3A_41 = arith.constant 0 : i32
        %dma_start3A_42 = arith.constant 0 : i32
        %dma_start3A_43 = tpu.memref_slice %arg3[%add3A_28, %dma_start3A_41, %dma_start3A_42] : memref<160x16x128xi32, #tpu.memory_space<hbm>> -> memref<1x16x128xi32, #tpu.memory_space<hbm>>
        %dma_start3A_44 = tpu.memref_squeeze %dma_start3A_43 : memref<1x16x128xi32, #tpu.memory_space<hbm>> -> memref<16x128xi32, #tpu.memory_space<hbm>>
        %dma_start3A_45 = arith.constant 0 : i32
        %dma_start3A_46 = arith.constant 0 : i32
        %dma_start3A_47 = tpu.memref_slice %arg3[%add3A_28, %dma_start3A_45, %dma_start3A_46] : memref<160x16x128xi32, #tpu.memory_space<hbm>> -> memref<1x16x128xi32, #tpu.memory_space<hbm>>
        %dma_start3A_48 = tpu.memref_squeeze %dma_start3A_47 : memref<1x16x128xi32, #tpu.memory_space<hbm>> -> memref<16x128xi32, #tpu.memory_space<hbm>>
        tpu.enqueue_dma source(%dma_start3A_48 : memref<16x128xi32, #tpu.memory_space<hbm>>) target(%arg6 : memref<16x128xi32, #tpu.memory_space<vmem>>) target_semaphore(%run_scoped3A : memref<!tpu.dma_semaphore, #tpu.memory_space<semaphore_mem>>)
        %dma_wait3A = arith.constant 0 : i32
        %dma_wait3A_49 = arith.constant 0 : i32
        %dma_wait3A_50 = tpu.memref_slice %arg3[%add3A_28, %dma_wait3A, %dma_wait3A_49] : memref<160x16x128xi32, #tpu.memory_space<hbm>> -> memref<1x16x128xi32, #tpu.memory_space<hbm>>
        %dma_wait3A_51 = tpu.memref_squeeze %dma_wait3A_50 : memref<1x16x128xi32, #tpu.memory_space<hbm>> -> memref<16x128xi32, #tpu.memory_space<hbm>>
        %dma_wait3A_52 = arith.constant 0 : i32
        %dma_wait3A_53 = arith.constant 0 : i32
        %dma_wait3A_54 = tpu.memref_slice %arg3[%add3A_28, %dma_wait3A_52, %dma_wait3A_53] : memref<160x16x128xi32, #tpu.memory_space<hbm>> -> memref<1x16x128xi32, #tpu.memory_space<hbm>>
        %dma_wait3A_55 = tpu.memref_squeeze %dma_wait3A_54 : memref<1x16x128xi32, #tpu.memory_space<hbm>> -> memref<16x128xi32, #tpu.memory_space<hbm>>
        tpu.wait_dma2 semaphore(%run_scoped3A : memref<!tpu.dma_semaphore, #tpu.memory_space<semaphore_mem>>) src(%dma_wait3A_55 : memref<16x128xi32, #tpu.memory_space<hbm>>) dst(%arg6 : memref<16x128xi32, #tpu.memory_space<vmem>>)
        tpu.yield
      }) : () -> ()
      %add3A_29 = arith.addi %select_n3A, %while3A_27 : i32
      "tpu.region"() ({
        %run_scoped3A = tpu.sem_alloc : memref<!tpu.dma_semaphore, #tpu.memory_space<semaphore_mem>>
        %dma_start3A_41 = arith.constant 0 : i32
        %dma_start3A_42 = arith.constant 0 : i32
        %dma_start3A_43 = tpu.memref_slice %arg4[%add3A_29, %dma_start3A_41, %dma_start3A_42] : memref<160x16x128xi32, #tpu.memory_space<hbm>> -> memref<1x16x128xi32, #tpu.memory_space<hbm>>
        %dma_start3A_44 = tpu.memref_squeeze %dma_start3A_43 : memref<1x16x128xi32, #tpu.memory_space<hbm>> -> memref<16x128xi32, #tpu.memory_space<hbm>>
        %dma_start3A_45 = arith.constant 0 : i32
        %dma_start3A_46 = arith.constant 0 : i32
        %dma_start3A_47 = tpu.memref_slice %arg4[%add3A_29, %dma_start3A_45, %dma_start3A_46] : memref<160x16x128xi32, #tpu.memory_space<hbm>> -> memref<1x16x128xi32, #tpu.memory_space<hbm>>
        %dma_start3A_48 = tpu.memref_squeeze %dma_start3A_47 : memref<1x16x128xi32, #tpu.memory_space<hbm>> -> memref<16x128xi32, #tpu.memory_space<hbm>>
        tpu.enqueue_dma source(%dma_start3A_48 : memref<16x128xi32, #tpu.memory_space<hbm>>) target(%arg7 : memref<16x128xi32, #tpu.memory_space<vmem>>) target_semaphore(%run_scoped3A : memref<!tpu.dma_semaphore, #tpu.memory_space<semaphore_mem>>)
        %dma_wait3A = arith.constant 0 : i32
        %dma_wait3A_49 = arith.constant 0 : i32
        %dma_wait3A_50 = tpu.memref_slice %arg4[%add3A_29, %dma_wait3A, %dma_wait3A_49] : memref<160x16x128xi32, #tpu.memory_space<hbm>> -> memref<1x16x128xi32, #tpu.memory_space<hbm>>
        %dma_wait3A_51 = tpu.memref_squeeze %dma_wait3A_50 : memref<1x16x128xi32, #tpu.memory_space<hbm>> -> memref<16x128xi32, #tpu.memory_space<hbm>>
        %dma_wait3A_52 = arith.constant 0 : i32
        %dma_wait3A_53 = arith.constant 0 : i32
        %dma_wait3A_54 = tpu.memref_slice %arg4[%add3A_29, %dma_wait3A_52, %dma_wait3A_53] : memref<160x16x128xi32, #tpu.memory_space<hbm>> -> memref<1x16x128xi32, #tpu.memory_space<hbm>>
        %dma_wait3A_55 = tpu.memref_squeeze %dma_wait3A_54 : memref<1x16x128xi32, #tpu.memory_space<hbm>> -> memref<16x128xi32, #tpu.memory_space<hbm>>
        tpu.wait_dma2 semaphore(%run_scoped3A : memref<!tpu.dma_semaphore, #tpu.memory_space<semaphore_mem>>) src(%dma_wait3A_55 : memref<16x128xi32, #tpu.memory_space<hbm>>) dst(%arg7 : memref<16x128xi32, #tpu.memory_space<vmem>>)
        tpu.yield
      }) : () -> ()
      %dma_start3A = arith.constant 0 : i32
      %dma_start3A_30 = arith.constant 0 : i32
      %dma_start3A_31 = tpu.memref_slice %arg6[%dma_start3A, %dma_start3A_30] : memref<16x128xi32, #tpu.memory_space<vmem>> -> memref<1x128xi32, #tpu.memory_space<vmem>>
      %dma_start3A_32 = tpu.memref_squeeze %dma_start3A_31 : memref<1x128xi32, #tpu.memory_space<vmem>> -> memref<128xi32, #tpu.memory_space<vmem>>
      %dma_start3A_33 = arith.constant 0 : i32
      %dma_start3A_34 = arith.constant 0 : i32
      %dma_start3A_35 = tpu.memref_slice %arg2[%dma_start3A_33, %dma_start3A_34] : memref<10112x128xf32, #tpu.memory_space<hbm>> -> memref<10112x128xf32, #tpu.memory_space<hbm>>
      tpu.enqueue_indirect_dma source(%dma_start3A_35 : memref<10112x128xf32, #tpu.memory_space<hbm>>) target(%arg8 : memref<128x128xf32, #tpu.memory_space<vmem>>) offsets(%dma_start3A_32 : memref<128xi32, #tpu.memory_space<vmem>>) semaphore(%arg11 : memref<!tpu.dma_semaphore, #tpu.memory_space<semaphore_mem>>)
      %scan3A = arith.constant 0 : i32
      %scan3A_36 = arith.constant 0 : i32
      %scan3A_37 = arith.constant 8 : i32
      %scan3A_38 = arith.addi %scan3A_36, %scan3A_37 : i32
      %scan3A_39 = arith.constant 1 : i32
      scf.for %scan3A_41 = %scan3A_36 to %scan3A_38 step %scan3A_39  : i32 {
        %mul3A_42 = arith.constant 2 : i32
        %mul3A_43 = arith.muli %mul3A_42, %scan3A_41 : i32
        %add3A_44 = arith.constant 1 : i32
        %add3A_45 = arith.addi %mul3A_43, %add3A_44 : i32
        %dma_start3A_46 = arith.constant 0 : i32
        %dma_start3A_47 = tpu.memref_slice %arg6[%add3A_45, %dma_start3A_46] : memref<16x128xi32, #tpu.memory_space<vmem>> -> memref<1x128xi32, #tpu.memory_space<vmem>>
        %dma_start3A_48 = tpu.memref_squeeze %dma_start3A_47 : memref<1x128xi32, #tpu.memory_space<vmem>> -> memref<128xi32, #tpu.memory_space<vmem>>
        %dma_start3A_49 = arith.constant 0 : i32
        %dma_start3A_50 = arith.constant 0 : i32
        %dma_start3A_51 = tpu.memref_slice %arg2[%dma_start3A_49, %dma_start3A_50] : memref<10112x128xf32, #tpu.memory_space<hbm>> -> memref<10112x128xf32, #tpu.memory_space<hbm>>
        tpu.enqueue_indirect_dma source(%dma_start3A_51 : memref<10112x128xf32, #tpu.memory_space<hbm>>) target(%arg9 : memref<128x128xf32, #tpu.memory_space<vmem>>) offsets(%dma_start3A_48 : memref<128xi32, #tpu.memory_space<vmem>>) semaphore(%arg12 : memref<!tpu.dma_semaphore, #tpu.memory_space<semaphore_mem>>)
        %dma_wait3A = arith.constant 0 : i32
        %dma_wait3A_52 = tpu.memref_slice %arg6[%mul3A_43, %dma_wait3A] : memref<16x128xi32, #tpu.memory_space<vmem>> -> memref<1x128xi32, #tpu.memory_space<vmem>>
        %dma_wait3A_53 = tpu.memref_squeeze %dma_wait3A_52 : memref<1x128xi32, #tpu.memory_space<vmem>> -> memref<128xi32, #tpu.memory_space<vmem>>
        %dma_wait3A_54 = arith.constant 0 : i32
        %dma_wait3A_55 = arith.constant 0 : i32
        %dma_wait3A_56 = tpu.memref_slice %arg2[%dma_wait3A_54, %dma_wait3A_55] : memref<10112x128xf32, #tpu.memory_space<hbm>> -> memref<10112x128xf32, #tpu.memory_space<hbm>>
        tpu.wait_indirect_dma semaphore(%arg11 : memref<!tpu.dma_semaphore, #tpu.memory_space<semaphore_mem>>) src(%dma_wait3A_56 : memref<10112x128xf32, #tpu.memory_space<hbm>>) dst(%arg8 : memref<128x128xf32, #tpu.memory_space<vmem>>)
        "tpu.region"() ({
          %run_scoped3A = tpu.sem_alloc : memref<!tpu.dma_semaphore, #tpu.memory_space<semaphore_mem>>
          %dma_start3A_69 = arith.constant 0 : i32
          %dma_start3A_70 = tpu.memref_slice %arg7[%mul3A_43, %dma_start3A_69] : memref<16x128xi32, #tpu.memory_space<vmem>> -> memref<1x128xi32, #tpu.memory_space<vmem>>
          %dma_start3A_71 = tpu.memref_squeeze %dma_start3A_70 : memref<1x128xi32, #tpu.memory_space<vmem>> -> memref<128xi32, #tpu.memory_space<vmem>>
          %dma_start3A_72 = arith.constant 0 : i32
          %dma_start3A_73 = arith.constant 0 : i32
          %dma_start3A_74 = tpu.memref_slice %arg10[%dma_start3A_72, %dma_start3A_73] : memref<10112x128xf32, #tpu.memory_space<vmem_shared>> -> memref<10112x128xf32, #tpu.memory_space<vmem_shared>>
          tpu.enqueue_indirect_dma source(%arg8 : memref<128x128xf32, #tpu.memory_space<vmem>>) target(%dma_start3A_74 : memref<10112x128xf32, #tpu.memory_space<vmem_shared>>) offsets(%dma_start3A_71 : memref<128xi32, #tpu.memory_space<vmem>>) semaphore(%run_scoped3A : memref<!tpu.dma_semaphore, #tpu.memory_space<semaphore_mem>>) {add = true}
          %dma_wait3A_75 = arith.constant 0 : i32
          %dma_wait3A_76 = tpu.memref_slice %arg7[%mul3A_43, %dma_wait3A_75] : memref<16x128xi32, #tpu.memory_space<vmem>> -> memref<1x128xi32, #tpu.memory_space<vmem>>
          %dma_wait3A_77 = tpu.memref_squeeze %dma_wait3A_76 : memref<1x128xi32, #tpu.memory_space<vmem>> -> memref<128xi32, #tpu.memory_space<vmem>>
          %dma_wait3A_78 = arith.constant 0 : i32
          %dma_wait3A_79 = arith.constant 0 : i32
          %dma_wait3A_80 = tpu.memref_slice %arg10[%dma_wait3A_78, %dma_wait3A_79] : memref<10112x128xf32, #tpu.memory_space<vmem_shared>> -> memref<10112x128xf32, #tpu.memory_space<vmem_shared>>
          tpu.wait_indirect_dma semaphore(%run_scoped3A : memref<!tpu.dma_semaphore, #tpu.memory_space<semaphore_mem>>) src(%arg8 : memref<128x128xf32, #tpu.memory_space<vmem>>) dst(%dma_wait3A_80 : memref<10112x128xf32, #tpu.memory_space<vmem_shared>>)
          tpu.yield
        }) : () -> ()
        %lt3A = arith.constant 7 : i32
        %lt3A_57 = arith.cmpi slt, %scan3A_41, %lt3A : i32
        %convert_element_type3A = arith.extui %lt3A_57 : i1 to i32
        %cond3A = arith.constant 0 : i32
        %cond3A_58 = arith.cmpi ne, %convert_element_type3A, %cond3A : i32
        scf.if %cond3A_58 {
          %add3A_69 = arith.constant 2 : i32
          %add3A_70 = arith.addi %mul3A_43, %add3A_69 : i32
          %dma_start3A_71 = arith.constant 0 : i32
          %dma_start3A_72 = tpu.memref_slice %arg6[%add3A_70, %dma_start3A_71] : memref<16x128xi32, #tpu.memory_space<vmem>> -> memref<1x128xi32, #tpu.memory_space<vmem>>
          %dma_start3A_73 = tpu.memref_squeeze %dma_start3A_72 : memref<1x128xi32, #tpu.memory_space<vmem>> -> memref<128xi32, #tpu.memory_space<vmem>>
          %dma_start3A_74 = arith.constant 0 : i32
          %dma_start3A_75 = arith.constant 0 : i32
          %dma_start3A_76 = tpu.memref_slice %arg2[%dma_start3A_74, %dma_start3A_75] : memref<10112x128xf32, #tpu.memory_space<hbm>> -> memref<10112x128xf32, #tpu.memory_space<hbm>>
          tpu.enqueue_indirect_dma source(%dma_start3A_76 : memref<10112x128xf32, #tpu.memory_space<hbm>>) target(%arg8 : memref<128x128xf32, #tpu.memory_space<vmem>>) offsets(%dma_start3A_73 : memref<128xi32, #tpu.memory_space<vmem>>) semaphore(%arg11 : memref<!tpu.dma_semaphore, #tpu.memory_space<semaphore_mem>>)
        } else {
        }
        %add3A_59 = arith.constant 1 : i32
        %add3A_60 = arith.addi %mul3A_43, %add3A_59 : i32
        %dma_wait3A_61 = arith.constant 0 : i32
        %dma_wait3A_62 = tpu.memref_slice %arg6[%add3A_60, %dma_wait3A_61] : memref<16x128xi32, #tpu.memory_space<vmem>> -> memref<1x128xi32, #tpu.memory_space<vmem>>
        %dma_wait3A_63 = tpu.memref_squeeze %dma_wait3A_62 : memref<1x128xi32, #tpu.memory_space<vmem>> -> memref<128xi32, #tpu.memory_space<vmem>>
        %dma_wait3A_64 = arith.constant 0 : i32
        %dma_wait3A_65 = arith.constant 0 : i32
        %dma_wait3A_66 = tpu.memref_slice %arg2[%dma_wait3A_64, %dma_wait3A_65] : memref<10112x128xf32, #tpu.memory_space<hbm>> -> memref<10112x128xf32, #tpu.memory_space<hbm>>
        tpu.wait_indirect_dma semaphore(%arg12 : memref<!tpu.dma_semaphore, #tpu.memory_space<semaphore_mem>>) src(%dma_wait3A_66 : memref<10112x128xf32, #tpu.memory_space<hbm>>) dst(%arg9 : memref<128x128xf32, #tpu.memory_space<vmem>>)
        %add3A_67 = arith.constant 1 : i32
        %add3A_68 = arith.addi %mul3A_43, %add3A_67 : i32
        "tpu.region"() ({
          %run_scoped3A = tpu.sem_alloc : memref<!tpu.dma_semaphore, #tpu.memory_space<semaphore_mem>>
          %dma_start3A_69 = arith.constant 0 : i32
          %dma_start3A_70 = tpu.memref_slice %arg7[%add3A_68, %dma_start3A_69] : memref<16x128xi32, #tpu.memory_space<vmem>> -> memref<1x128xi32, #tpu.memory_space<vmem>>
          %dma_start3A_71 = tpu.memref_squeeze %dma_start3A_70 : memref<1x128xi32, #tpu.memory_space<vmem>> -> memref<128xi32, #tpu.memory_space<vmem>>
          %dma_start3A_72 = arith.constant 0 : i32
          %dma_start3A_73 = arith.constant 0 : i32
          %dma_start3A_74 = tpu.memref_slice %arg10[%dma_start3A_72, %dma_start3A_73] : memref<10112x128xf32, #tpu.memory_space<vmem_shared>> -> memref<10112x128xf32, #tpu.memory_space<vmem_shared>>
          tpu.enqueue_indirect_dma source(%arg9 : memref<128x128xf32, #tpu.memory_space<vmem>>) target(%dma_start3A_74 : memref<10112x128xf32, #tpu.memory_space<vmem_shared>>) offsets(%dma_start3A_71 : memref<128xi32, #tpu.memory_space<vmem>>) semaphore(%run_scoped3A : memref<!tpu.dma_semaphore, #tpu.memory_space<semaphore_mem>>) {add = true}
          %dma_wait3A_75 = arith.constant 0 : i32
          %dma_wait3A_76 = tpu.memref_slice %arg7[%add3A_68, %dma_wait3A_75] : memref<16x128xi32, #tpu.memory_space<vmem>> -> memref<1x128xi32, #tpu.memory_space<vmem>>
          %dma_wait3A_77 = tpu.memref_squeeze %dma_wait3A_76 : memref<1x128xi32, #tpu.memory_space<vmem>> -> memref<128xi32, #tpu.memory_space<vmem>>
          %dma_wait3A_78 = arith.constant 0 : i32
          %dma_wait3A_79 = arith.constant 0 : i32
          %dma_wait3A_80 = tpu.memref_slice %arg10[%dma_wait3A_78, %dma_wait3A_79] : memref<10112x128xf32, #tpu.memory_space<vmem_shared>> -> memref<10112x128xf32, #tpu.memory_space<vmem_shared>>
          tpu.wait_indirect_dma semaphore(%run_scoped3A : memref<!tpu.dma_semaphore, #tpu.memory_space<semaphore_mem>>) src(%arg9 : memref<128x128xf32, #tpu.memory_space<vmem>>) dst(%dma_wait3A_80 : memref<10112x128xf32, #tpu.memory_space<vmem_shared>>)
          tpu.yield
        }) : () -> ()
      }
      %scan3A_40 = arith.constant 8 : i32
    }
    %while3A_21 = arith.constant 1 : i32
    scf.for %while3A_27 = %while3A_19 to %while3A_15 step %while3A_21  : i32 {
      %add3A_28 = arith.addi %select_n3A, %while3A_27 : i32
      "tpu.region"() ({
        %run_scoped3A = tpu.sem_alloc : memref<!tpu.dma_semaphore, #tpu.memory_space<semaphore_mem>>
        %dma_start3A_41 = arith.constant 0 : i32
        %dma_start3A_42 = arith.constant 0 : i32
        %dma_start3A_43 = tpu.memref_slice %arg3[%add3A_28, %dma_start3A_41, %dma_start3A_42] : memref<160x16x128xi32, #tpu.memory_space<hbm>> -> memref<1x16x128xi32, #tpu.memory_space<hbm>>
        %dma_start3A_44 = tpu.memref_squeeze %dma_start3A_43 : memref<1x16x128xi32, #tpu.memory_space<hbm>> -> memref<16x128xi32, #tpu.memory_space<hbm>>
        %dma_start3A_45 = arith.constant 0 : i32
        %dma_start3A_46 = arith.constant 0 : i32
        %dma_start3A_47 = tpu.memref_slice %arg3[%add3A_28, %dma_start3A_45, %dma_start3A_46] : memref<160x16x128xi32, #tpu.memory_space<hbm>> -> memref<1x16x128xi32, #tpu.memory_space<hbm>>
        %dma_start3A_48 = tpu.memref_squeeze %dma_start3A_47 : memref<1x16x128xi32, #tpu.memory_space<hbm>> -> memref<16x128xi32, #tpu.memory_space<hbm>>
        tpu.enqueue_dma source(%dma_start3A_48 : memref<16x128xi32, #tpu.memory_space<hbm>>) target(%arg6 : memref<16x128xi32, #tpu.memory_space<vmem>>) target_semaphore(%run_scoped3A : memref<!tpu.dma_semaphore, #tpu.memory_space<semaphore_mem>>)
        %dma_wait3A = arith.constant 0 : i32
        %dma_wait3A_49 = arith.constant 0 : i32
        %dma_wait3A_50 = tpu.memref_slice %arg3[%add3A_28, %dma_wait3A, %dma_wait3A_49] : memref<160x16x128xi32, #tpu.memory_space<hbm>> -> memref<1x16x128xi32, #tpu.memory_space<hbm>>
        %dma_wait3A_51 = tpu.memref_squeeze %dma_wait3A_50 : memref<1x16x128xi32, #tpu.memory_space<hbm>> -> memref<16x128xi32, #tpu.memory_space<hbm>>
        %dma_wait3A_52 = arith.constant 0 : i32
        %dma_wait3A_53 = arith.constant 0 : i32
        %dma_wait3A_54 = tpu.memref_slice %arg3[%add3A_28, %dma_wait3A_52, %dma_wait3A_53] : memref<160x16x128xi32, #tpu.memory_space<hbm>> -> memref<1x16x128xi32, #tpu.memory_space<hbm>>
        %dma_wait3A_55 = tpu.memref_squeeze %dma_wait3A_54 : memref<1x16x128xi32, #tpu.memory_space<hbm>> -> memref<16x128xi32, #tpu.memory_space<hbm>>
        tpu.wait_dma2 semaphore(%run_scoped3A : memref<!tpu.dma_semaphore, #tpu.memory_space<semaphore_mem>>) src(%dma_wait3A_55 : memref<16x128xi32, #tpu.memory_space<hbm>>) dst(%arg6 : memref<16x128xi32, #tpu.memory_space<vmem>>)
        tpu.yield
      }) : () -> ()
      %add3A_29 = arith.addi %select_n3A, %while3A_27 : i32
      "tpu.region"() ({
        %run_scoped3A = tpu.sem_alloc : memref<!tpu.dma_semaphore, #tpu.memory_space<semaphore_mem>>
        %dma_start3A_41 = arith.constant 0 : i32
        %dma_start3A_42 = arith.constant 0 : i32
        %dma_start3A_43 = tpu.memref_slice %arg4[%add3A_29, %dma_start3A_41, %dma_start3A_42] : memref<160x16x128xi32, #tpu.memory_space<hbm>> -> memref<1x16x128xi32, #tpu.memory_space<hbm>>
        %dma_start3A_44 = tpu.memref_squeeze %dma_start3A_43 : memref<1x16x128xi32, #tpu.memory_space<hbm>> -> memref<16x128xi32, #tpu.memory_space<hbm>>
        %dma_start3A_45 = arith.constant 0 : i32
        %dma_start3A_46 = arith.constant 0 : i32
        %dma_start3A_47 = tpu.memref_slice %arg4[%add3A_29, %dma_start3A_45, %dma_start3A_46] : memref<160x16x128xi32, #tpu.memory_space<hbm>> -> memref<1x16x128xi32, #tpu.memory_space<hbm>>
        %dma_start3A_48 = tpu.memref_squeeze %dma_start3A_47 : memref<1x16x128xi32, #tpu.memory_space<hbm>> -> memref<16x128xi32, #tpu.memory_space<hbm>>
        tpu.enqueue_dma source(%dma_start3A_48 : memref<16x128xi32, #tpu.memory_space<hbm>>) target(%arg7 : memref<16x128xi32, #tpu.memory_space<vmem>>) target_semaphore(%run_scoped3A : memref<!tpu.dma_semaphore, #tpu.memory_space<semaphore_mem>>)
        %dma_wait3A = arith.constant 0 : i32
        %dma_wait3A_49 = arith.constant 0 : i32
        %dma_wait3A_50 = tpu.memref_slice %arg4[%add3A_29, %dma_wait3A, %dma_wait3A_49] : memref<160x16x128xi32, #tpu.memory_space<hbm>> -> memref<1x16x128xi32, #tpu.memory_space<hbm>>
        %dma_wait3A_51 = tpu.memref_squeeze %dma_wait3A_50 : memref<1x16x128xi32, #tpu.memory_space<hbm>> -> memref<16x128xi32, #tpu.memory_space<hbm>>
        %dma_wait3A_52 = arith.constant 0 : i32
        %dma_wait3A_53 = arith.constant 0 : i32
        %dma_wait3A_54 = tpu.memref_slice %arg4[%add3A_29, %dma_wait3A_52, %dma_wait3A_53] : memref<160x16x128xi32, #tpu.memory_space<hbm>> -> memref<1x16x128xi32, #tpu.memory_space<hbm>>
        %dma_wait3A_55 = tpu.memref_squeeze %dma_wait3A_54 : memref<1x16x128xi32, #tpu.memory_space<hbm>> -> memref<16x128xi32, #tpu.memory_space<hbm>>
        tpu.wait_dma2 semaphore(%run_scoped3A : memref<!tpu.dma_semaphore, #tpu.memory_space<semaphore_mem>>) src(%dma_wait3A_55 : memref<16x128xi32, #tpu.memory_space<hbm>>) dst(%arg7 : memref<16x128xi32, #tpu.memory_space<vmem>>)
        tpu.yield
      }) : () -> ()
      %dma_start3A = arith.constant 0 : i32
      %dma_start3A_30 = arith.constant 0 : i32
      %dma_start3A_31 = tpu.memref_slice %arg6[%dma_start3A, %dma_start3A_30] : memref<16x128xi32, #tpu.memory_space<vmem>> -> memref<1x128xi32, #tpu.memory_space<vmem>>
      %dma_start3A_32 = tpu.memref_squeeze %dma_start3A_31 : memref<1x128xi32, #tpu.memory_space<vmem>> -> memref<128xi32, #tpu.memory_space<vmem>>
      %dma_start3A_33 = arith.constant 0 : i32
      %dma_start3A_34 = arith.constant 0 : i32
      %dma_start3A_35 = tpu.memref_slice %arg2[%dma_start3A_33, %dma_start3A_34] : memref<10112x128xf32, #tpu.memory_space<hbm>> -> memref<10112x128xf32, #tpu.memory_space<hbm>>
      tpu.enqueue_indirect_dma source(%dma_start3A_35 : memref<10112x128xf32, #tpu.memory_space<hbm>>) target(%arg8 : memref<128x128xf32, #tpu.memory_space<vmem>>) offsets(%dma_start3A_32 : memref<128xi32, #tpu.memory_space<vmem>>) semaphore(%arg11 : memref<!tpu.dma_semaphore, #tpu.memory_space<semaphore_mem>>)
      %scan3A = arith.constant 0 : i32
      %scan3A_36 = arith.constant 0 : i32
      %scan3A_37 = arith.constant 8 : i32
      %scan3A_38 = arith.addi %scan3A_36, %scan3A_37 : i32
      %scan3A_39 = arith.constant 1 : i32
      scf.for %scan3A_41 = %scan3A_36 to %scan3A_38 step %scan3A_39  : i32 {
        %mul3A_42 = arith.constant 2 : i32
        %mul3A_43 = arith.muli %mul3A_42, %scan3A_41 : i32
        %add3A_44 = arith.constant 1 : i32
        %add3A_45 = arith.addi %mul3A_43, %add3A_44 : i32
        %dma_start3A_46 = arith.constant 0 : i32
        %dma_start3A_47 = tpu.memref_slice %arg6[%add3A_45, %dma_start3A_46] : memref<16x128xi32, #tpu.memory_space<vmem>> -> memref<1x128xi32, #tpu.memory_space<vmem>>
        %dma_start3A_48 = tpu.memref_squeeze %dma_start3A_47 : memref<1x128xi32, #tpu.memory_space<vmem>> -> memref<128xi32, #tpu.memory_space<vmem>>
        %dma_start3A_49 = arith.constant 0 : i32
        %dma_start3A_50 = arith.constant 0 : i32
        %dma_start3A_51 = tpu.memref_slice %arg2[%dma_start3A_49, %dma_start3A_50] : memref<10112x128xf32, #tpu.memory_space<hbm>> -> memref<10112x128xf32, #tpu.memory_space<hbm>>
        tpu.enqueue_indirect_dma source(%dma_start3A_51 : memref<10112x128xf32, #tpu.memory_space<hbm>>) target(%arg9 : memref<128x128xf32, #tpu.memory_space<vmem>>) offsets(%dma_start3A_48 : memref<128xi32, #tpu.memory_space<vmem>>) semaphore(%arg12 : memref<!tpu.dma_semaphore, #tpu.memory_space<semaphore_mem>>)
        %dma_wait3A = arith.constant 0 : i32
        %dma_wait3A_52 = tpu.memref_slice %arg6[%mul3A_43, %dma_wait3A] : memref<16x128xi32, #tpu.memory_space<vmem>> -> memref<1x128xi32, #tpu.memory_space<vmem>>
        %dma_wait3A_53 = tpu.memref_squeeze %dma_wait3A_52 : memref<1x128xi32, #tpu.memory_space<vmem>> -> memref<128xi32, #tpu.memory_space<vmem>>
        %dma_wait3A_54 = arith.constant 0 : i32
        %dma_wait3A_55 = arith.constant 0 : i32
        %dma_wait3A_56 = tpu.memref_slice %arg2[%dma_wait3A_54, %dma_wait3A_55] : memref<10112x128xf32, #tpu.memory_space<hbm>> -> memref<10112x128xf32, #tpu.memory_space<hbm>>
        tpu.wait_indirect_dma semaphore(%arg11 : memref<!tpu.dma_semaphore, #tpu.memory_space<semaphore_mem>>) src(%dma_wait3A_56 : memref<10112x128xf32, #tpu.memory_space<hbm>>) dst(%arg8 : memref<128x128xf32, #tpu.memory_space<vmem>>)
        "tpu.region"() ({
          %run_scoped3A = tpu.sem_alloc : memref<!tpu.dma_semaphore, #tpu.memory_space<semaphore_mem>>
          %dma_start3A_69 = arith.constant 0 : i32
          %dma_start3A_70 = tpu.memref_slice %arg7[%mul3A_43, %dma_start3A_69] : memref<16x128xi32, #tpu.memory_space<vmem>> -> memref<1x128xi32, #tpu.memory_space<vmem>>
          %dma_start3A_71 = tpu.memref_squeeze %dma_start3A_70 : memref<1x128xi32, #tpu.memory_space<vmem>> -> memref<128xi32, #tpu.memory_space<vmem>>
          %dma_start3A_72 = arith.constant 0 : i32
          %dma_start3A_73 = arith.constant 0 : i32
          %dma_start3A_74 = tpu.memref_slice %arg10[%dma_start3A_72, %dma_start3A_73] : memref<10112x128xf32, #tpu.memory_space<vmem_shared>> -> memref<10112x128xf32, #tpu.memory_space<vmem_shared>>
          tpu.enqueue_indirect_dma source(%arg8 : memref<128x128xf32, #tpu.memory_space<vmem>>) target(%dma_start3A_74 : memref<10112x128xf32, #tpu.memory_space<vmem_shared>>) offsets(%dma_start3A_71 : memref<128xi32, #tpu.memory_space<vmem>>) semaphore(%run_scoped3A : memref<!tpu.dma_semaphore, #tpu.memory_space<semaphore_mem>>) {add = true}
          %dma_wait3A_75 = arith.constant 0 : i32
          %dma_wait3A_76 = tpu.memref_slice %arg7[%mul3A_43, %dma_wait3A_75] : memref<16x128xi32, #tpu.memory_space<vmem>> -> memref<1x128xi32, #tpu.memory_space<vmem>>
          %dma_wait3A_77 = tpu.memref_squeeze %dma_wait3A_76 : memref<1x128xi32, #tpu.memory_space<vmem>> -> memref<128xi32, #tpu.memory_space<vmem>>
          %dma_wait3A_78 = arith.constant 0 : i32
          %dma_wait3A_79 = arith.constant 0 : i32
          %dma_wait3A_80 = tpu.memref_slice %arg10[%dma_wait3A_78, %dma_wait3A_79] : memref<10112x128xf32, #tpu.memory_space<vmem_shared>> -> memref<10112x128xf32, #tpu.memory_space<vmem_shared>>
          tpu.wait_indirect_dma semaphore(%run_scoped3A : memref<!tpu.dma_semaphore, #tpu.memory_space<semaphore_mem>>) src(%arg8 : memref<128x128xf32, #tpu.memory_space<vmem>>) dst(%dma_wait3A_80 : memref<10112x128xf32, #tpu.memory_space<vmem_shared>>)
          tpu.yield
        }) : () -> ()
        %lt3A = arith.constant 7 : i32
        %lt3A_57 = arith.cmpi slt, %scan3A_41, %lt3A : i32
        %convert_element_type3A = arith.extui %lt3A_57 : i1 to i32
        %cond3A = arith.constant 0 : i32
        %cond3A_58 = arith.cmpi ne, %convert_element_type3A, %cond3A : i32
        scf.if %cond3A_58 {
          %add3A_69 = arith.constant 2 : i32
          %add3A_70 = arith.addi %mul3A_43, %add3A_69 : i32
          %dma_start3A_71 = arith.constant 0 : i32
          %dma_start3A_72 = tpu.memref_slice %arg6[%add3A_70, %dma_start3A_71] : memref<16x128xi32, #tpu.memory_space<vmem>> -> memref<1x128xi32, #tpu.memory_space<vmem>>
          %dma_start3A_73 = tpu.memref_squeeze %dma_start3A_72 : memref<1x128xi32, #tpu.memory_space<vmem>> -> memref<128xi32, #tpu.memory_space<vmem>>
          %dma_start3A_74 = arith.constant 0 : i32
          %dma_start3A_75 = arith.constant 0 : i32
          %dma_start3A_76 = tpu.memref_slice %arg2[%dma_start3A_74, %dma_start3A_75] : memref<10112x128xf32, #tpu.memory_space<hbm>> -> memref<10112x128xf32, #tpu.memory_space<hbm>>
          tpu.enqueue_indirect_dma source(%dma_start3A_76 : memref<10112x128xf32, #tpu.memory_space<hbm>>) target(%arg8 : memref<128x128xf32, #tpu.memory_space<vmem>>) offsets(%dma_start3A_73 : memref<128xi32, #tpu.memory_space<vmem>>) semaphore(%arg11 : memref<!tpu.dma_semaphore, #tpu.memory_space<semaphore_mem>>)
        } else {
        }
        %add3A_59 = arith.constant 1 : i32
        %add3A_60 = arith.addi %mul3A_43, %add3A_59 : i32
        %dma_wait3A_61 = arith.constant 0 : i32
        %dma_wait3A_62 = tpu.memref_slice %arg6[%add3A_60, %dma_wait3A_61] : memref<16x128xi32, #tpu.memory_space<vmem>> -> memref<1x128xi32, #tpu.memory_space<vmem>>
        %dma_wait3A_63 = tpu.memref_squeeze %dma_wait3A_62 : memref<1x128xi32, #tpu.memory_space<vmem>> -> memref<128xi32, #tpu.memory_space<vmem>>
        %dma_wait3A_64 = arith.constant 0 : i32
        %dma_wait3A_65 = arith.constant 0 : i32
        %dma_wait3A_66 = tpu.memref_slice %arg2[%dma_wait3A_64, %dma_wait3A_65] : memref<10112x128xf32, #tpu.memory_space<hbm>> -> memref<10112x128xf32, #tpu.memory_space<hbm>>
        tpu.wait_indirect_dma semaphore(%arg12 : memref<!tpu.dma_semaphore, #tpu.memory_space<semaphore_mem>>) src(%dma_wait3A_66 : memref<10112x128xf32, #tpu.memory_space<hbm>>) dst(%arg9 : memref<128x128xf32, #tpu.memory_space<vmem>>)
        %add3A_67 = arith.constant 1 : i32
        %add3A_68 = arith.addi %mul3A_43, %add3A_67 : i32
        "tpu.region"() ({
          %run_scoped3A = tpu.sem_alloc : memref<!tpu.dma_semaphore, #tpu.memory_space<semaphore_mem>>
          %dma_start3A_69 = arith.constant 0 : i32
          %dma_start3A_70 = tpu.memref_slice %arg7[%add3A_68, %dma_start3A_69] : memref<16x128xi32, #tpu.memory_space<vmem>> -> memref<1x128xi32, #tpu.memory_space<vmem>>
          %dma_start3A_71 = tpu.memref_squeeze %dma_start3A_70 : memref<1x128xi32, #tpu.memory_space<vmem>> -> memref<128xi32, #tpu.memory_space<vmem>>
          %dma_start3A_72 = arith.constant 0 : i32
          %dma_start3A_73 = arith.constant 0 : i32
          %dma_start3A_74 = tpu.memref_slice %arg10[%dma_start3A_72, %dma_start3A_73] : memref<10112x128xf32, #tpu.memory_space<vmem_shared>> -> memref<10112x128xf32, #tpu.memory_space<vmem_shared>>
          tpu.enqueue_indirect_dma source(%arg9 : memref<128x128xf32, #tpu.memory_space<vmem>>) target(%dma_start3A_74 : memref<10112x128xf32, #tpu.memory_space<vmem_shared>>) offsets(%dma_start3A_71 : memref<128xi32, #tpu.memory_space<vmem>>) semaphore(%run_scoped3A : memref<!tpu.dma_semaphore, #tpu.memory_space<semaphore_mem>>) {add = true}
          %dma_wait3A_75 = arith.constant 0 : i32
          %dma_wait3A_76 = tpu.memref_slice %arg7[%add3A_68, %dma_wait3A_75] : memref<16x128xi32, #tpu.memory_space<vmem>> -> memref<1x128xi32, #tpu.memory_space<vmem>>
          %dma_wait3A_77 = tpu.memref_squeeze %dma_wait3A_76 : memref<1x128xi32, #tpu.memory_space<vmem>> -> memref<128xi32, #tpu.memory_space<vmem>>
          %dma_wait3A_78 = arith.constant 0 : i32
          %dma_wait3A_79 = arith.constant 0 : i32
          %dma_wait3A_80 = tpu.memref_slice %arg10[%dma_wait3A_78, %dma_wait3A_79] : memref<10112x128xf32, #tpu.memory_space<vmem_shared>> -> memref<10112x128xf32, #tpu.memory_space<vmem_shared>>
          tpu.wait_indirect_dma semaphore(%run_scoped3A : memref<!tpu.dma_semaphore, #tpu.memory_space<semaphore_mem>>) src(%arg9 : memref<128x128xf32, #tpu.memory_space<vmem>>) dst(%dma_wait3A_80 : memref<10112x128xf32, #tpu.memory_space<vmem_shared>>)
          tpu.yield
        }) : () -> ()
      }
      %scan3A_40 = arith.constant 8 : i32
    }
    %barrier3A_22 = arith.constant 0 : index
    tpu.barrier barrier_id(%barrier3A_22)
    "tpu.trace_stop"() : () -> ()
    "tpu.trace_start"() <{level = 10 : i32, message = "writeback"}> : () -> ()
    %mul3A_23 = arith.constant 632 : i32
    %mul3A_24 = arith.muli %arg1, %mul3A_23 : i32
    %mul3A_25 = arith.constant 632 : i32
    %mul3A_26 = arith.muli %arg1, %mul3A_25 : i32
    "tpu.region"() ({
      %run_scoped3A = tpu.sem_alloc : memref<!tpu.dma_semaphore, #tpu.memory_space<semaphore_mem>>
      %dma_start3A = arith.constant 0 : i32
      %dma_start3A_27 = tpu.memref_slice %arg5[%arg0, %mul3A_26, %dma_start3A] : memref<2x10112x128xf32, #tpu.memory_space<hbm>> -> memref<1x632x128xf32, #tpu.memory_space<hbm>>
      %dma_start3A_28 = tpu.memref_squeeze %dma_start3A_27 : memref<1x632x128xf32, #tpu.memory_space<hbm>> -> memref<632x128xf32, #tpu.memory_space<hbm>>
      %dma_start3A_29 = arith.constant 0 : i32
      %dma_start3A_30 = tpu.memref_slice %arg10[%mul3A_24, %dma_start3A_29] : memref<10112x128xf32, #tpu.memory_space<vmem_shared>> -> memref<632x128xf32, #tpu.memory_space<vmem_shared>>
      tpu.enqueue_dma source(%dma_start3A_30 : memref<632x128xf32, #tpu.memory_space<vmem_shared>>) target(%dma_start3A_28 : memref<632x128xf32, #tpu.memory_space<hbm>>) target_semaphore(%run_scoped3A : memref<!tpu.dma_semaphore, #tpu.memory_space<semaphore_mem>>)
      %dma_wait3A = arith.constant 0 : i32
      %dma_wait3A_31 = tpu.memref_slice %arg5[%arg0, %mul3A_26, %dma_wait3A] : memref<2x10112x128xf32, #tpu.memory_space<hbm>> -> memref<1x632x128xf32, #tpu.memory_space<hbm>>
      %dma_wait3A_32 = tpu.memref_squeeze %dma_wait3A_31 : memref<1x632x128xf32, #tpu.memory_space<hbm>> -> memref<632x128xf32, #tpu.memory_space<hbm>>
      %dma_wait3A_33 = arith.constant 0 : i32
      %dma_wait3A_34 = tpu.memref_slice %arg10[%mul3A_24, %dma_wait3A_33] : memref<10112x128xf32, #tpu.memory_space<vmem_shared>> -> memref<632x128xf32, #tpu.memory_space<vmem_shared>>
      tpu.wait_dma2 semaphore(%run_scoped3A : memref<!tpu.dma_semaphore, #tpu.memory_space<semaphore_mem>>) src(%dma_wait3A_34 : memref<632x128xf32, #tpu.memory_space<vmem_shared>>) dst(%dma_wait3A_32 : memref<632x128xf32, #tpu.memory_space<hbm>>)
      tpu.yield
    }) : () -> ()
    "tpu.trace_stop"() : () -> ()
    return
  }
}

#map = affine_map<(d0, d1) -> (0, 0, 0)>
#map1 = affine_map<(d0, d1) -> (0)>
module attributes {stable_mosaic.version = 14 : i64} {
  func.func @_deg_body(%arg0: i32, %arg1: i32, %arg2: memref<160x16x128xi32, #tpu.memory_space<hbm>>, %arg3: memref<10240xf32, #tpu.memory_space<hbm>>, %arg4: memref<327680xf32, #tpu.memory_space<hbm>>, %arg5: memref<16x128xi32, #tpu.memory_space<vmem>>, %arg6: memref<10240xf32, #tpu.memory_space<vmem>>) attributes {dimension_semantics = [#tpu.dimension_semantics<core_parallel>, #tpu.dimension_semantics<subcore_parallel>], iteration_bounds = array<i64: 2, 16>, scalar_prefetch = 0 : i64, scratch_operands = 2 : i64, tpu.core_type = #tpu.core_type<sc_vector_subcore>, window_params = [{transform_indices = #map}, {transform_indices = #map1}, {transform_indices = #map1}]} {
    %mul3A = arith.constant 2 : i32
    %mul3A_0 = arith.muli %arg1, %mul3A : i32
    %add3A = arith.addi %mul3A_0, %arg0 : i32
    %broadcast_in_dim3A = arith.constant 1.000000e+00 : f32
    %broadcast_in_dim3A_1 = vector.broadcast %broadcast_in_dim3A : f32 to vector<16xf32>
    "tpu.region"() ({
      %run_scoped3A = tpu.sem_alloc : memref<!tpu.dma_semaphore, #tpu.memory_space<semaphore_mem>>
      tpu.enqueue_dma source(%arg3 : memref<10240xf32, #tpu.memory_space<hbm>>) target(%arg6 : memref<10240xf32, #tpu.memory_space<vmem>>) target_semaphore(%run_scoped3A : memref<!tpu.dma_semaphore, #tpu.memory_space<semaphore_mem>>)
      tpu.wait_dma2 semaphore(%run_scoped3A : memref<!tpu.dma_semaphore, #tpu.memory_space<semaphore_mem>>) src(%arg3 : memref<10240xf32, #tpu.memory_space<hbm>>) dst(%arg6 : memref<10240xf32, #tpu.memory_space<vmem>>)
      tpu.yield
    }) : () -> ()
    %scan3A = arith.constant 0 : i32
    %scan3A_2 = arith.constant 0 : i32
    %scan3A_3 = arith.constant 5 : i32
    %scan3A_4 = arith.addi %scan3A_2, %scan3A_3 : i32
    %scan3A_5 = arith.constant 1 : i32
    scf.for %scan3A_9 = %scan3A_2 to %scan3A_4 step %scan3A_5  : i32 {
      %mul3A_10 = arith.constant 5 : i32
      %mul3A_11 = arith.muli %add3A, %mul3A_10 : i32
      %add3A_12 = arith.addi %mul3A_11, %scan3A_9 : i32
      "tpu.region"() ({
        %run_scoped3A = tpu.sem_alloc : memref<!tpu.dma_semaphore, #tpu.memory_space<semaphore_mem>>
        %dma_start3A = arith.constant 0 : i32
        %dma_start3A_19 = arith.constant 0 : i32
        %dma_start3A_20 = tpu.memref_slice %arg2[%add3A_12, %dma_start3A, %dma_start3A_19] : memref<160x16x128xi32, #tpu.memory_space<hbm>> -> memref<1x16x128xi32, #tpu.memory_space<hbm>>
        %dma_start3A_21 = tpu.memref_squeeze %dma_start3A_20 : memref<1x16x128xi32, #tpu.memory_space<hbm>> -> memref<16x128xi32, #tpu.memory_space<hbm>>
        %dma_start3A_22 = arith.constant 0 : i32
        %dma_start3A_23 = arith.constant 0 : i32
        %dma_start3A_24 = tpu.memref_slice %arg2[%add3A_12, %dma_start3A_22, %dma_start3A_23] : memref<160x16x128xi32, #tpu.memory_space<hbm>> -> memref<1x16x128xi32, #tpu.memory_space<hbm>>
        %dma_start3A_25 = tpu.memref_squeeze %dma_start3A_24 : memref<1x16x128xi32, #tpu.memory_space<hbm>> -> memref<16x128xi32, #tpu.memory_space<hbm>>
        tpu.enqueue_dma source(%dma_start3A_25 : memref<16x128xi32, #tpu.memory_space<hbm>>) target(%arg5 : memref<16x128xi32, #tpu.memory_space<vmem>>) target_semaphore(%run_scoped3A : memref<!tpu.dma_semaphore, #tpu.memory_space<semaphore_mem>>)
        %dma_wait3A = arith.constant 0 : i32
        %dma_wait3A_26 = arith.constant 0 : i32
        %dma_wait3A_27 = tpu.memref_slice %arg2[%add3A_12, %dma_wait3A, %dma_wait3A_26] : memref<160x16x128xi32, #tpu.memory_space<hbm>> -> memref<1x16x128xi32, #tpu.memory_space<hbm>>
        %dma_wait3A_28 = tpu.memref_squeeze %dma_wait3A_27 : memref<1x16x128xi32, #tpu.memory_space<hbm>> -> memref<16x128xi32, #tpu.memory_space<hbm>>
        %dma_wait3A_29 = arith.constant 0 : i32
        %dma_wait3A_30 = arith.constant 0 : i32
        %dma_wait3A_31 = tpu.memref_slice %arg2[%add3A_12, %dma_wait3A_29, %dma_wait3A_30] : memref<160x16x128xi32, #tpu.memory_space<hbm>> -> memref<1x16x128xi32, #tpu.memory_space<hbm>>
        %dma_wait3A_32 = tpu.memref_squeeze %dma_wait3A_31 : memref<1x16x128xi32, #tpu.memory_space<hbm>> -> memref<16x128xi32, #tpu.memory_space<hbm>>
        tpu.wait_dma2 semaphore(%run_scoped3A : memref<!tpu.dma_semaphore, #tpu.memory_space<semaphore_mem>>) src(%dma_wait3A_32 : memref<16x128xi32, #tpu.memory_space<hbm>>) dst(%arg5 : memref<16x128xi32, #tpu.memory_space<vmem>>)
        tpu.yield
      }) : () -> ()
      %scan3A_13 = arith.constant 0 : i32
      %scan3A_14 = arith.constant 0 : i32
      %scan3A_15 = arith.constant 16 : i32
      %scan3A_16 = arith.addi %scan3A_14, %scan3A_15 : i32
      %scan3A_17 = arith.constant 1 : i32
      scf.for %scan3A_19 = %scan3A_14 to %scan3A_16 step %scan3A_17  : i32 {
        %get3A = arith.constant 0 : i32
        %get3A_20 = tpu.memref_slice %arg5[%scan3A_19, %get3A] : memref<16x128xi32, #tpu.memory_space<vmem>> -> memref<1x128xi32, #tpu.memory_space<vmem>>
        %get3A_21 = tpu.memref_squeeze %get3A_20 : memref<1x128xi32, #tpu.memory_space<vmem>> -> memref<128xi32, #tpu.memory_space<vmem>>
        %get3A_22 = arith.constant 0 : index
        %get3A_23 = tpu.vector_load %get3A_21[%get3A_22] {strides = array<i32>} : memref<128xi32, #tpu.memory_space<vmem>>, vector<16xi32>,
        tpu.vector_store_idx %arg6[%get3A_23], %broadcast_in_dim3A_1 {add = true} : memref<10240xf32, #tpu.memory_space<vmem>>[vector<16xi32>], vector<16xf32>,
        %get3A_24 = arith.constant 0 : i32
        %get3A_25 = tpu.memref_slice %arg5[%scan3A_19, %get3A_24] : memref<16x128xi32, #tpu.memory_space<vmem>> -> memref<1x128xi32, #tpu.memory_space<vmem>>
        %get3A_26 = tpu.memref_squeeze %get3A_25 : memref<1x128xi32, #tpu.memory_space<vmem>> -> memref<128xi32, #tpu.memory_space<vmem>>
        %get3A_27 = arith.constant 16 : index
        %get3A_28 = tpu.vector_load %get3A_26[%get3A_27] {strides = array<i32>} : memref<128xi32, #tpu.memory_space<vmem>>, vector<16xi32>,
        tpu.vector_store_idx %arg6[%get3A_28], %broadcast_in_dim3A_1 {add = true} : memref<10240xf32, #tpu.memory_space<vmem>>[vector<16xi32>], vector<16xf32>,
        %get3A_29 = arith.constant 0 : i32
        %get3A_30 = tpu.memref_slice %arg5[%scan3A_19, %get3A_29] : memref<16x128xi32, #tpu.memory_space<vmem>> -> memref<1x128xi32, #tpu.memory_space<vmem>>
        %get3A_31 = tpu.memref_squeeze %get3A_30 : memref<1x128xi32, #tpu.memory_space<vmem>> -> memref<128xi32, #tpu.memory_space<vmem>>
        %get3A_32 = arith.constant 32 : index
        %get3A_33 = tpu.vector_load %get3A_31[%get3A_32] {strides = array<i32>} : memref<128xi32, #tpu.memory_space<vmem>>, vector<16xi32>,
        tpu.vector_store_idx %arg6[%get3A_33], %broadcast_in_dim3A_1 {add = true} : memref<10240xf32, #tpu.memory_space<vmem>>[vector<16xi32>], vector<16xf32>,
        %get3A_34 = arith.constant 0 : i32
        %get3A_35 = tpu.memref_slice %arg5[%scan3A_19, %get3A_34] : memref<16x128xi32, #tpu.memory_space<vmem>> -> memref<1x128xi32, #tpu.memory_space<vmem>>
        %get3A_36 = tpu.memref_squeeze %get3A_35 : memref<1x128xi32, #tpu.memory_space<vmem>> -> memref<128xi32, #tpu.memory_space<vmem>>
        %get3A_37 = arith.constant 48 : index
        %get3A_38 = tpu.vector_load %get3A_36[%get3A_37] {strides = array<i32>} : memref<128xi32, #tpu.memory_space<vmem>>, vector<16xi32>,
        tpu.vector_store_idx %arg6[%get3A_38], %broadcast_in_dim3A_1 {add = true} : memref<10240xf32, #tpu.memory_space<vmem>>[vector<16xi32>], vector<16xf32>,
        %get3A_39 = arith.constant 0 : i32
        %get3A_40 = tpu.memref_slice %arg5[%scan3A_19, %get3A_39] : memref<16x128xi32, #tpu.memory_space<vmem>> -> memref<1x128xi32, #tpu.memory_space<vmem>>
        %get3A_41 = tpu.memref_squeeze %get3A_40 : memref<1x128xi32, #tpu.memory_space<vmem>> -> memref<128xi32, #tpu.memory_space<vmem>>
        %get3A_42 = arith.constant 64 : index
        %get3A_43 = tpu.vector_load %get3A_41[%get3A_42] {strides = array<i32>} : memref<128xi32, #tpu.memory_space<vmem>>, vector<16xi32>,
        tpu.vector_store_idx %arg6[%get3A_43], %broadcast_in_dim3A_1 {add = true} : memref<10240xf32, #tpu.memory_space<vmem>>[vector<16xi32>], vector<16xf32>,
        %get3A_44 = arith.constant 0 : i32
        %get3A_45 = tpu.memref_slice %arg5[%scan3A_19, %get3A_44] : memref<16x128xi32, #tpu.memory_space<vmem>> -> memref<1x128xi32, #tpu.memory_space<vmem>>
        %get3A_46 = tpu.memref_squeeze %get3A_45 : memref<1x128xi32, #tpu.memory_space<vmem>> -> memref<128xi32, #tpu.memory_space<vmem>>
        %get3A_47 = arith.constant 80 : index
        %get3A_48 = tpu.vector_load %get3A_46[%get3A_47] {strides = array<i32>} : memref<128xi32, #tpu.memory_space<vmem>>, vector<16xi32>,
        tpu.vector_store_idx %arg6[%get3A_48], %broadcast_in_dim3A_1 {add = true} : memref<10240xf32, #tpu.memory_space<vmem>>[vector<16xi32>], vector<16xf32>,
        %get3A_49 = arith.constant 0 : i32
        %get3A_50 = tpu.memref_slice %arg5[%scan3A_19, %get3A_49] : memref<16x128xi32, #tpu.memory_space<vmem>> -> memref<1x128xi32, #tpu.memory_space<vmem>>
        %get3A_51 = tpu.memref_squeeze %get3A_50 : memref<1x128xi32, #tpu.memory_space<vmem>> -> memref<128xi32, #tpu.memory_space<vmem>>
        %get3A_52 = arith.constant 96 : index
        %get3A_53 = tpu.vector_load %get3A_51[%get3A_52] {strides = array<i32>} : memref<128xi32, #tpu.memory_space<vmem>>, vector<16xi32>,
        tpu.vector_store_idx %arg6[%get3A_53], %broadcast_in_dim3A_1 {add = true} : memref<10240xf32, #tpu.memory_space<vmem>>[vector<16xi32>], vector<16xf32>,
        %get3A_54 = arith.constant 0 : i32
        %get3A_55 = tpu.memref_slice %arg5[%scan3A_19, %get3A_54] : memref<16x128xi32, #tpu.memory_space<vmem>> -> memref<1x128xi32, #tpu.memory_space<vmem>>
        %get3A_56 = tpu.memref_squeeze %get3A_55 : memref<1x128xi32, #tpu.memory_space<vmem>> -> memref<128xi32, #tpu.memory_space<vmem>>
        %get3A_57 = arith.constant 112 : index
        %get3A_58 = tpu.vector_load %get3A_56[%get3A_57] {strides = array<i32>} : memref<128xi32, #tpu.memory_space<vmem>>, vector<16xi32>,
        tpu.vector_store_idx %arg6[%get3A_58], %broadcast_in_dim3A_1 {add = true} : memref<10240xf32, #tpu.memory_space<vmem>>[vector<16xi32>], vector<16xf32>,
      }
      %scan3A_18 = arith.constant 16 : i32
    }
    %scan3A_6 = arith.constant 5 : i32
    %mul3A_7 = arith.constant 10240 : i32
    %mul3A_8 = arith.muli %add3A, %mul3A_7 : i32
    "tpu.region"() ({
      %run_scoped3A = tpu.sem_alloc : memref<!tpu.dma_semaphore, #tpu.memory_space<semaphore_mem>>
      %dma_start3A = tpu.memref_slice %arg4[%mul3A_8] : memref<327680xf32, #tpu.memory_space<hbm>> -> memref<10240xf32, #tpu.memory_space<hbm>>
      %dma_start3A_9 = tpu.memref_slice %arg4[%mul3A_8] : memref<327680xf32, #tpu.memory_space<hbm>> -> memref<10240xf32, #tpu.memory_space<hbm>>
      tpu.enqueue_dma source(%arg6 : memref<10240xf32, #tpu.memory_space<vmem>>) target(%dma_start3A_9 : memref<10240xf32, #tpu.memory_space<hbm>>) target_semaphore(%run_scoped3A : memref<!tpu.dma_semaphore, #tpu.memory_space<semaphore_mem>>)
      %dma_wait3A = tpu.memref_slice %arg4[%mul3A_8] : memref<327680xf32, #tpu.memory_space<hbm>> -> memref<10240xf32, #tpu.memory_space<hbm>>
      %dma_wait3A_10 = tpu.memref_slice %arg4[%mul3A_8] : memref<327680xf32, #tpu.memory_space<hbm>> -> memref<10240xf32, #tpu.memory_space<hbm>>
      tpu.wait_dma2 semaphore(%run_scoped3A : memref<!tpu.dma_semaphore, #tpu.memory_space<semaphore_mem>>) src(%arg6 : memref<10240xf32, #tpu.memory_space<vmem>>) dst(%dma_wait3A_10 : memref<10240xf32, #tpu.memory_space<hbm>>)
      tpu.yield
    }) : () -> ()
    return
  }
}

#map = affine_map<(d0, d1) -> (0, 0)>
#map1 = affine_map<(d0, d1) -> (0, 0, 0)>
module attributes {stable_mosaic.version = 14 : i64} {
  func.func @_conv_body(%arg0: i32, %arg1: i32, %arg2: memref<10112x128xf32, #tpu.memory_space<hbm>>, %arg3: memref<160x16x128xi32, #tpu.memory_space<hbm>>, %arg4: memref<160x16x128xi32, #tpu.memory_space<hbm>>, %arg5: memref<2x10112x128xf32, #tpu.memory_space<hbm>>, %arg6: memref<16x128xi32, #tpu.memory_space<vmem>>, %arg7: memref<16x128xi32, #tpu.memory_space<vmem>>, %arg8: memref<128x128xf32, #tpu.memory_space<vmem>>, %arg9: memref<128x128xf32, #tpu.memory_space<vmem>>, %arg10: memref<10112x128xf32, #tpu.memory_space<vmem_shared>>, %arg11: memref<!tpu.dma_semaphore, #tpu.memory_space<semaphore_mem>>, %arg12: memref<!tpu.dma_semaphore, #tpu.memory_space<semaphore_mem>>) attributes {dimension_semantics = [#tpu.dimension_semantics<core_parallel>, #tpu.dimension_semantics<subcore_parallel>], iteration_bounds = array<i64: 2, 16>, scalar_prefetch = 0 : i64, scratch_operands = 7 : i64, tpu.core_type = #tpu.core_type<sc_vector_subcore>, window_params = [{transform_indices = #map}, {transform_indices = #map1}, {transform_indices = #map1}, {transform_indices = #map1}]} {
    "tpu.trace_start"() <{level = 10 : i32, message = "acc_init"}> : () -> ()
    %mul3A = arith.constant 632 : i32
    %mul3A_0 = arith.muli %arg1, %mul3A : i32
    %mul3A_1 = arith.constant 632 : i32
    %mul3A_2 = arith.muli %arg1, %mul3A_1 : i32
    "tpu.region"() ({
      %run_scoped3A = tpu.sem_alloc : memref<!tpu.dma_semaphore, #tpu.memory_space<semaphore_mem>>
      %dma_start3A = arith.constant 0 : i32
      %dma_start3A_27 = tpu.memref_slice %arg10[%mul3A_2, %dma_start3A] : memref<10112x128xf32, #tpu.memory_space<vmem_shared>> -> memref<632x128xf32, #tpu.memory_space<vmem_shared>>
      %dma_start3A_28 = arith.constant 0 : i32
      %dma_start3A_29 = tpu.memref_slice %arg2[%mul3A_0, %dma_start3A_28] : memref<10112x128xf32, #tpu.memory_space<hbm>> -> memref<632x128xf32, #tpu.memory_space<hbm>>
      tpu.enqueue_dma source(%dma_start3A_29 : memref<632x128xf32, #tpu.memory_space<hbm>>) target(%dma_start3A_27 : memref<632x128xf32, #tpu.memory_space<vmem_shared>>) target_semaphore(%run_scoped3A : memref<!tpu.dma_semaphore, #tpu.memory_space<semaphore_mem>>)
      %dma_wait3A = arith.constant 0 : i32
      %dma_wait3A_30 = tpu.memref_slice %arg10[%mul3A_2, %dma_wait3A] : memref<10112x128xf32, #tpu.memory_space<vmem_shared>> -> memref<632x128xf32, #tpu.memory_space<vmem_shared>>
      %dma_wait3A_31 = arith.constant 0 : i32
      %dma_wait3A_32 = tpu.memref_slice %arg2[%mul3A_0, %dma_wait3A_31] : memref<10112x128xf32, #tpu.memory_space<hbm>> -> memref<632x128xf32, #tpu.memory_space<hbm>>
      tpu.wait_dma2 semaphore(%run_scoped3A : memref<!tpu.dma_semaphore, #tpu.memory_space<semaphore_mem>>) src(%dma_wait3A_32 : memref<632x128xf32, #tpu.memory_space<hbm>>) dst(%dma_wait3A_30 : memref<632x128xf32, #tpu.memory_space<vmem_shared>>)
      tpu.yield
    }) : () -> ()
    %barrier3A = arith.constant 0 : index
    tpu.barrier barrier_id(%barrier3A)
    %eq3A = arith.constant 0 : i32
    "tpu.trace_stop"() : () -> ()
    %eq3A_3 = arith.cmpi eq, %arg0, %eq3A : i32
    %mul3A_4 = arith.constant 5 : i32
    %mul3A_5 = arith.muli %arg1, %mul3A_4 : i32
    %mul3A_6 = arith.constant 5 : i32
    %mul3A_7 = arith.muli %arg1, %mul3A_6 : i32
    %add3A = arith.constant 80 : i32
    %add3A_8 = arith.addi %add3A, %mul3A_7 : i32
    %select_n3A = arith.select %eq3A_3, %mul3A_5, %add3A_8 : i32
    %eq3A_9 = arith.constant 0 : i32
    %eq3A_10 = arith.cmpi eq, %arg0, %eq3A_9 : i32
    %jit3A = arith.constant 5 : i32
    %jit3A_11 = arith.constant 5 : i32
    %select_n3A_12 = arith.select %eq3A_10, %jit3A, %jit3A_11 : i32
    %while3A = arith.constant 0 : i32
    %while3A_13 = arith.constant 0 : i32
    "tpu.trace_start"() <{level = 10 : i32, message = "edges"}> : () -> ()
    %while3A_14 = arith.subi %select_n3A_12, %while3A_13 : i32
    %while3A_15 = arith.addi %while3A_13, %while3A_14 : i32
    %while3A_16 = arith.constant 1 : i32
    %while3A_17 = arith.divsi %while3A_14, %while3A_16 : i32
    %while3A_18 = arith.muli %while3A_17, %while3A_16 : i32
    %while3A_19 = arith.addi %while3A_13, %while3A_18 : i32
    %while3A_20 = arith.constant 1 : i32
    scf.for %while3A_27 = %while3A_13 to %while3A_19 step %while3A_20  : i32 {
      %add3A_28 = arith.addi %select_n3A, %while3A_27 : i32
      "tpu.region"() ({
        %run_scoped3A = tpu.sem_alloc : memref<!tpu.dma_semaphore, #tpu.memory_space<semaphore_mem>>
        %dma_start3A_41 = arith.constant 0 : i32
        %dma_start3A_42 = arith.constant 0 : i32
        %dma_start3A_43 = tpu.memref_slice %arg3[%add3A_28, %dma_start3A_41, %dma_start3A_42] : memref<160x16x128xi32, #tpu.memory_space<hbm>> -> memref<1x16x128xi32, #tpu.memory_space<hbm>>
        %dma_start3A_44 = tpu.memref_squeeze %dma_start3A_43 : memref<1x16x128xi32, #tpu.memory_space<hbm>> -> memref<16x128xi32, #tpu.memory_space<hbm>>
        %dma_start3A_45 = arith.constant 0 : i32
        %dma_start3A_46 = arith.constant 0 : i32
        %dma_start3A_47 = tpu.memref_slice %arg3[%add3A_28, %dma_start3A_45, %dma_start3A_46] : memref<160x16x128xi32, #tpu.memory_space<hbm>> -> memref<1x16x128xi32, #tpu.memory_space<hbm>>
        %dma_start3A_48 = tpu.memref_squeeze %dma_start3A_47 : memref<1x16x128xi32, #tpu.memory_space<hbm>> -> memref<16x128xi32, #tpu.memory_space<hbm>>
        tpu.enqueue_dma source(%dma_start3A_48 : memref<16x128xi32, #tpu.memory_space<hbm>>) target(%arg6 : memref<16x128xi32, #tpu.memory_space<vmem>>) target_semaphore(%run_scoped3A : memref<!tpu.dma_semaphore, #tpu.memory_space<semaphore_mem>>)
        %dma_wait3A = arith.constant 0 : i32
        %dma_wait3A_49 = arith.constant 0 : i32
        %dma_wait3A_50 = tpu.memref_slice %arg3[%add3A_28, %dma_wait3A, %dma_wait3A_49] : memref<160x16x128xi32, #tpu.memory_space<hbm>> -> memref<1x16x128xi32, #tpu.memory_space<hbm>>
        %dma_wait3A_51 = tpu.memref_squeeze %dma_wait3A_50 : memref<1x16x128xi32, #tpu.memory_space<hbm>> -> memref<16x128xi32, #tpu.memory_space<hbm>>
        %dma_wait3A_52 = arith.constant 0 : i32
        %dma_wait3A_53 = arith.constant 0 : i32
        %dma_wait3A_54 = tpu.memref_slice %arg3[%add3A_28, %dma_wait3A_52, %dma_wait3A_53] : memref<160x16x128xi32, #tpu.memory_space<hbm>> -> memref<1x16x128xi32, #tpu.memory_space<hbm>>
        %dma_wait3A_55 = tpu.memref_squeeze %dma_wait3A_54 : memref<1x16x128xi32, #tpu.memory_space<hbm>> -> memref<16x128xi32, #tpu.memory_space<hbm>>
        tpu.wait_dma2 semaphore(%run_scoped3A : memref<!tpu.dma_semaphore, #tpu.memory_space<semaphore_mem>>) src(%dma_wait3A_55 : memref<16x128xi32, #tpu.memory_space<hbm>>) dst(%arg6 : memref<16x128xi32, #tpu.memory_space<vmem>>)
        tpu.yield
      }) : () -> ()
      %add3A_29 = arith.addi %select_n3A, %while3A_27 : i32
      "tpu.region"() ({
        %run_scoped3A = tpu.sem_alloc : memref<!tpu.dma_semaphore, #tpu.memory_space<semaphore_mem>>
        %dma_start3A_41 = arith.constant 0 : i32
        %dma_start3A_42 = arith.constant 0 : i32
        %dma_start3A_43 = tpu.memref_slice %arg4[%add3A_29, %dma_start3A_41, %dma_start3A_42] : memref<160x16x128xi32, #tpu.memory_space<hbm>> -> memref<1x16x128xi32, #tpu.memory_space<hbm>>
        %dma_start3A_44 = tpu.memref_squeeze %dma_start3A_43 : memref<1x16x128xi32, #tpu.memory_space<hbm>> -> memref<16x128xi32, #tpu.memory_space<hbm>>
        %dma_start3A_45 = arith.constant 0 : i32
        %dma_start3A_46 = arith.constant 0 : i32
        %dma_start3A_47 = tpu.memref_slice %arg4[%add3A_29, %dma_start3A_45, %dma_start3A_46] : memref<160x16x128xi32, #tpu.memory_space<hbm>> -> memref<1x16x128xi32, #tpu.memory_space<hbm>>
        %dma_start3A_48 = tpu.memref_squeeze %dma_start3A_47 : memref<1x16x128xi32, #tpu.memory_space<hbm>> -> memref<16x128xi32, #tpu.memory_space<hbm>>
        tpu.enqueue_dma source(%dma_start3A_48 : memref<16x128xi32, #tpu.memory_space<hbm>>) target(%arg7 : memref<16x128xi32, #tpu.memory_space<vmem>>) target_semaphore(%run_scoped3A : memref<!tpu.dma_semaphore, #tpu.memory_space<semaphore_mem>>)
        %dma_wait3A = arith.constant 0 : i32
        %dma_wait3A_49 = arith.constant 0 : i32
        %dma_wait3A_50 = tpu.memref_slice %arg4[%add3A_29, %dma_wait3A, %dma_wait3A_49] : memref<160x16x128xi32, #tpu.memory_space<hbm>> -> memref<1x16x128xi32, #tpu.memory_space<hbm>>
        %dma_wait3A_51 = tpu.memref_squeeze %dma_wait3A_50 : memref<1x16x128xi32, #tpu.memory_space<hbm>> -> memref<16x128xi32, #tpu.memory_space<hbm>>
        %dma_wait3A_52 = arith.constant 0 : i32
        %dma_wait3A_53 = arith.constant 0 : i32
        %dma_wait3A_54 = tpu.memref_slice %arg4[%add3A_29, %dma_wait3A_52, %dma_wait3A_53] : memref<160x16x128xi32, #tpu.memory_space<hbm>> -> memref<1x16x128xi32, #tpu.memory_space<hbm>>
        %dma_wait3A_55 = tpu.memref_squeeze %dma_wait3A_54 : memref<1x16x128xi32, #tpu.memory_space<hbm>> -> memref<16x128xi32, #tpu.memory_space<hbm>>
        tpu.wait_dma2 semaphore(%run_scoped3A : memref<!tpu.dma_semaphore, #tpu.memory_space<semaphore_mem>>) src(%dma_wait3A_55 : memref<16x128xi32, #tpu.memory_space<hbm>>) dst(%arg7 : memref<16x128xi32, #tpu.memory_space<vmem>>)
        tpu.yield
      }) : () -> ()
      %dma_start3A = arith.constant 0 : i32
      %dma_start3A_30 = arith.constant 0 : i32
      %dma_start3A_31 = tpu.memref_slice %arg6[%dma_start3A, %dma_start3A_30] : memref<16x128xi32, #tpu.memory_space<vmem>> -> memref<1x128xi32, #tpu.memory_space<vmem>>
      %dma_start3A_32 = tpu.memref_squeeze %dma_start3A_31 : memref<1x128xi32, #tpu.memory_space<vmem>> -> memref<128xi32, #tpu.memory_space<vmem>>
      %dma_start3A_33 = arith.constant 0 : i32
      %dma_start3A_34 = arith.constant 0 : i32
      %dma_start3A_35 = tpu.memref_slice %arg2[%dma_start3A_33, %dma_start3A_34] : memref<10112x128xf32, #tpu.memory_space<hbm>> -> memref<10112x128xf32, #tpu.memory_space<hbm>>
      tpu.enqueue_indirect_dma source(%dma_start3A_35 : memref<10112x128xf32, #tpu.memory_space<hbm>>) target(%arg8 : memref<128x128xf32, #tpu.memory_space<vmem>>) offsets(%dma_start3A_32 : memref<128xi32, #tpu.memory_space<vmem>>) semaphore(%arg11 : memref<!tpu.dma_semaphore, #tpu.memory_space<semaphore_mem>>)
      %scan3A = arith.constant 0 : i32
      %scan3A_36 = arith.constant 0 : i32
      %scan3A_37 = arith.constant 8 : i32
      %scan3A_38 = arith.addi %scan3A_36, %scan3A_37 : i32
      %scan3A_39 = arith.constant 1 : i32
      scf.for %scan3A_41 = %scan3A_36 to %scan3A_38 step %scan3A_39  : i32 {
        %mul3A_42 = arith.constant 2 : i32
        %mul3A_43 = arith.muli %mul3A_42, %scan3A_41 : i32
        %add3A_44 = arith.constant 1 : i32
        %add3A_45 = arith.addi %mul3A_43, %add3A_44 : i32
        %dma_start3A_46 = arith.constant 0 : i32
        %dma_start3A_47 = tpu.memref_slice %arg6[%add3A_45, %dma_start3A_46] : memref<16x128xi32, #tpu.memory_space<vmem>> -> memref<1x128xi32, #tpu.memory_space<vmem>>
        %dma_start3A_48 = tpu.memref_squeeze %dma_start3A_47 : memref<1x128xi32, #tpu.memory_space<vmem>> -> memref<128xi32, #tpu.memory_space<vmem>>
        %dma_start3A_49 = arith.constant 0 : i32
        %dma_start3A_50 = arith.constant 0 : i32
        %dma_start3A_51 = tpu.memref_slice %arg2[%dma_start3A_49, %dma_start3A_50] : memref<10112x128xf32, #tpu.memory_space<hbm>> -> memref<10112x128xf32, #tpu.memory_space<hbm>>
        tpu.enqueue_indirect_dma source(%dma_start3A_51 : memref<10112x128xf32, #tpu.memory_space<hbm>>) target(%arg9 : memref<128x128xf32, #tpu.memory_space<vmem>>) offsets(%dma_start3A_48 : memref<128xi32, #tpu.memory_space<vmem>>) semaphore(%arg12 : memref<!tpu.dma_semaphore, #tpu.memory_space<semaphore_mem>>)
        %dma_wait3A = arith.constant 0 : i32
        %dma_wait3A_52 = tpu.memref_slice %arg6[%mul3A_43, %dma_wait3A] : memref<16x128xi32, #tpu.memory_space<vmem>> -> memref<1x128xi32, #tpu.memory_space<vmem>>
        %dma_wait3A_53 = tpu.memref_squeeze %dma_wait3A_52 : memref<1x128xi32, #tpu.memory_space<vmem>> -> memref<128xi32, #tpu.memory_space<vmem>>
        %dma_wait3A_54 = arith.constant 0 : i32
        %dma_wait3A_55 = arith.constant 0 : i32
        %dma_wait3A_56 = tpu.memref_slice %arg2[%dma_wait3A_54, %dma_wait3A_55] : memref<10112x128xf32, #tpu.memory_space<hbm>> -> memref<10112x128xf32, #tpu.memory_space<hbm>>
        tpu.wait_indirect_dma semaphore(%arg11 : memref<!tpu.dma_semaphore, #tpu.memory_space<semaphore_mem>>) src(%dma_wait3A_56 : memref<10112x128xf32, #tpu.memory_space<hbm>>) dst(%arg8 : memref<128x128xf32, #tpu.memory_space<vmem>>)
        "tpu.region"() ({
          %run_scoped3A = tpu.sem_alloc : memref<!tpu.dma_semaphore, #tpu.memory_space<semaphore_mem>>
          %dma_start3A_69 = arith.constant 0 : i32
          %dma_start3A_70 = tpu.memref_slice %arg7[%mul3A_43, %dma_start3A_69] : memref<16x128xi32, #tpu.memory_space<vmem>> -> memref<1x128xi32, #tpu.memory_space<vmem>>
          %dma_start3A_71 = tpu.memref_squeeze %dma_start3A_70 : memref<1x128xi32, #tpu.memory_space<vmem>> -> memref<128xi32, #tpu.memory_space<vmem>>
          %dma_start3A_72 = arith.constant 0 : i32
          %dma_start3A_73 = arith.constant 0 : i32
          %dma_start3A_74 = tpu.memref_slice %arg10[%dma_start3A_72, %dma_start3A_73] : memref<10112x128xf32, #tpu.memory_space<vmem_shared>> -> memref<10112x128xf32, #tpu.memory_space<vmem_shared>>
          tpu.enqueue_indirect_dma source(%arg8 : memref<128x128xf32, #tpu.memory_space<vmem>>) target(%dma_start3A_74 : memref<10112x128xf32, #tpu.memory_space<vmem_shared>>) offsets(%dma_start3A_71 : memref<128xi32, #tpu.memory_space<vmem>>) semaphore(%run_scoped3A : memref<!tpu.dma_semaphore, #tpu.memory_space<semaphore_mem>>) {add = true}
          %dma_wait3A_75 = arith.constant 0 : i32
          %dma_wait3A_76 = tpu.memref_slice %arg7[%mul3A_43, %dma_wait3A_75] : memref<16x128xi32, #tpu.memory_space<vmem>> -> memref<1x128xi32, #tpu.memory_space<vmem>>
          %dma_wait3A_77 = tpu.memref_squeeze %dma_wait3A_76 : memref<1x128xi32, #tpu.memory_space<vmem>> -> memref<128xi32, #tpu.memory_space<vmem>>
          %dma_wait3A_78 = arith.constant 0 : i32
          %dma_wait3A_79 = arith.constant 0 : i32
          %dma_wait3A_80 = tpu.memref_slice %arg10[%dma_wait3A_78, %dma_wait3A_79] : memref<10112x128xf32, #tpu.memory_space<vmem_shared>> -> memref<10112x128xf32, #tpu.memory_space<vmem_shared>>
          tpu.wait_indirect_dma semaphore(%run_scoped3A : memref<!tpu.dma_semaphore, #tpu.memory_space<semaphore_mem>>) src(%arg8 : memref<128x128xf32, #tpu.memory_space<vmem>>) dst(%dma_wait3A_80 : memref<10112x128xf32, #tpu.memory_space<vmem_shared>>)
          tpu.yield
        }) : () -> ()
        %lt3A = arith.constant 7 : i32
        %lt3A_57 = arith.cmpi slt, %scan3A_41, %lt3A : i32
        %convert_element_type3A = arith.extui %lt3A_57 : i1 to i32
        %cond3A = arith.constant 0 : i32
        %cond3A_58 = arith.cmpi ne, %convert_element_type3A, %cond3A : i32
        scf.if %cond3A_58 {
          %add3A_69 = arith.constant 2 : i32
          %add3A_70 = arith.addi %mul3A_43, %add3A_69 : i32
          %dma_start3A_71 = arith.constant 0 : i32
          %dma_start3A_72 = tpu.memref_slice %arg6[%add3A_70, %dma_start3A_71] : memref<16x128xi32, #tpu.memory_space<vmem>> -> memref<1x128xi32, #tpu.memory_space<vmem>>
          %dma_start3A_73 = tpu.memref_squeeze %dma_start3A_72 : memref<1x128xi32, #tpu.memory_space<vmem>> -> memref<128xi32, #tpu.memory_space<vmem>>
          %dma_start3A_74 = arith.constant 0 : i32
          %dma_start3A_75 = arith.constant 0 : i32
          %dma_start3A_76 = tpu.memref_slice %arg2[%dma_start3A_74, %dma_start3A_75] : memref<10112x128xf32, #tpu.memory_space<hbm>> -> memref<10112x128xf32, #tpu.memory_space<hbm>>
          tpu.enqueue_indirect_dma source(%dma_start3A_76 : memref<10112x128xf32, #tpu.memory_space<hbm>>) target(%arg8 : memref<128x128xf32, #tpu.memory_space<vmem>>) offsets(%dma_start3A_73 : memref<128xi32, #tpu.memory_space<vmem>>) semaphore(%arg11 : memref<!tpu.dma_semaphore, #tpu.memory_space<semaphore_mem>>)
        } else {
        }
        %add3A_59 = arith.constant 1 : i32
        %add3A_60 = arith.addi %mul3A_43, %add3A_59 : i32
        %dma_wait3A_61 = arith.constant 0 : i32
        %dma_wait3A_62 = tpu.memref_slice %arg6[%add3A_60, %dma_wait3A_61] : memref<16x128xi32, #tpu.memory_space<vmem>> -> memref<1x128xi32, #tpu.memory_space<vmem>>
        %dma_wait3A_63 = tpu.memref_squeeze %dma_wait3A_62 : memref<1x128xi32, #tpu.memory_space<vmem>> -> memref<128xi32, #tpu.memory_space<vmem>>
        %dma_wait3A_64 = arith.constant 0 : i32
        %dma_wait3A_65 = arith.constant 0 : i32
        %dma_wait3A_66 = tpu.memref_slice %arg2[%dma_wait3A_64, %dma_wait3A_65] : memref<10112x128xf32, #tpu.memory_space<hbm>> -> memref<10112x128xf32, #tpu.memory_space<hbm>>
        tpu.wait_indirect_dma semaphore(%arg12 : memref<!tpu.dma_semaphore, #tpu.memory_space<semaphore_mem>>) src(%dma_wait3A_66 : memref<10112x128xf32, #tpu.memory_space<hbm>>) dst(%arg9 : memref<128x128xf32, #tpu.memory_space<vmem>>)
        %add3A_67 = arith.constant 1 : i32
        %add3A_68 = arith.addi %mul3A_43, %add3A_67 : i32
        "tpu.region"() ({
          %run_scoped3A = tpu.sem_alloc : memref<!tpu.dma_semaphore, #tpu.memory_space<semaphore_mem>>
          %dma_start3A_69 = arith.constant 0 : i32
          %dma_start3A_70 = tpu.memref_slice %arg7[%add3A_68, %dma_start3A_69] : memref<16x128xi32, #tpu.memory_space<vmem>> -> memref<1x128xi32, #tpu.memory_space<vmem>>
          %dma_start3A_71 = tpu.memref_squeeze %dma_start3A_70 : memref<1x128xi32, #tpu.memory_space<vmem>> -> memref<128xi32, #tpu.memory_space<vmem>>
          %dma_start3A_72 = arith.constant 0 : i32
          %dma_start3A_73 = arith.constant 0 : i32
          %dma_start3A_74 = tpu.memref_slice %arg10[%dma_start3A_72, %dma_start3A_73] : memref<10112x128xf32, #tpu.memory_space<vmem_shared>> -> memref<10112x128xf32, #tpu.memory_space<vmem_shared>>
          tpu.enqueue_indirect_dma source(%arg9 : memref<128x128xf32, #tpu.memory_space<vmem>>) target(%dma_start3A_74 : memref<10112x128xf32, #tpu.memory_space<vmem_shared>>) offsets(%dma_start3A_71 : memref<128xi32, #tpu.memory_space<vmem>>) semaphore(%run_scoped3A : memref<!tpu.dma_semaphore, #tpu.memory_space<semaphore_mem>>) {add = true}
          %dma_wait3A_75 = arith.constant 0 : i32
          %dma_wait3A_76 = tpu.memref_slice %arg7[%add3A_68, %dma_wait3A_75] : memref<16x128xi32, #tpu.memory_space<vmem>> -> memref<1x128xi32, #tpu.memory_space<vmem>>
          %dma_wait3A_77 = tpu.memref_squeeze %dma_wait3A_76 : memref<1x128xi32, #tpu.memory_space<vmem>> -> memref<128xi32, #tpu.memory_space<vmem>>
          %dma_wait3A_78 = arith.constant 0 : i32
          %dma_wait3A_79 = arith.constant 0 : i32
          %dma_wait3A_80 = tpu.memref_slice %arg10[%dma_wait3A_78, %dma_wait3A_79] : memref<10112x128xf32, #tpu.memory_space<vmem_shared>> -> memref<10112x128xf32, #tpu.memory_space<vmem_shared>>
          tpu.wait_indirect_dma semaphore(%run_scoped3A : memref<!tpu.dma_semaphore, #tpu.memory_space<semaphore_mem>>) src(%arg9 : memref<128x128xf32, #tpu.memory_space<vmem>>) dst(%dma_wait3A_80 : memref<10112x128xf32, #tpu.memory_space<vmem_shared>>)
          tpu.yield
        }) : () -> ()
      }
      %scan3A_40 = arith.constant 8 : i32
    }
    %while3A_21 = arith.constant 1 : i32
    scf.for %while3A_27 = %while3A_19 to %while3A_15 step %while3A_21  : i32 {
      %add3A_28 = arith.addi %select_n3A, %while3A_27 : i32
      "tpu.region"() ({
        %run_scoped3A = tpu.sem_alloc : memref<!tpu.dma_semaphore, #tpu.memory_space<semaphore_mem>>
        %dma_start3A_41 = arith.constant 0 : i32
        %dma_start3A_42 = arith.constant 0 : i32
        %dma_start3A_43 = tpu.memref_slice %arg3[%add3A_28, %dma_start3A_41, %dma_start3A_42] : memref<160x16x128xi32, #tpu.memory_space<hbm>> -> memref<1x16x128xi32, #tpu.memory_space<hbm>>
        %dma_start3A_44 = tpu.memref_squeeze %dma_start3A_43 : memref<1x16x128xi32, #tpu.memory_space<hbm>> -> memref<16x128xi32, #tpu.memory_space<hbm>>
        %dma_start3A_45 = arith.constant 0 : i32
        %dma_start3A_46 = arith.constant 0 : i32
        %dma_start3A_47 = tpu.memref_slice %arg3[%add3A_28, %dma_start3A_45, %dma_start3A_46] : memref<160x16x128xi32, #tpu.memory_space<hbm>> -> memref<1x16x128xi32, #tpu.memory_space<hbm>>
        %dma_start3A_48 = tpu.memref_squeeze %dma_start3A_47 : memref<1x16x128xi32, #tpu.memory_space<hbm>> -> memref<16x128xi32, #tpu.memory_space<hbm>>
        tpu.enqueue_dma source(%dma_start3A_48 : memref<16x128xi32, #tpu.memory_space<hbm>>) target(%arg6 : memref<16x128xi32, #tpu.memory_space<vmem>>) target_semaphore(%run_scoped3A : memref<!tpu.dma_semaphore, #tpu.memory_space<semaphore_mem>>)
        %dma_wait3A = arith.constant 0 : i32
        %dma_wait3A_49 = arith.constant 0 : i32
        %dma_wait3A_50 = tpu.memref_slice %arg3[%add3A_28, %dma_wait3A, %dma_wait3A_49] : memref<160x16x128xi32, #tpu.memory_space<hbm>> -> memref<1x16x128xi32, #tpu.memory_space<hbm>>
        %dma_wait3A_51 = tpu.memref_squeeze %dma_wait3A_50 : memref<1x16x128xi32, #tpu.memory_space<hbm>> -> memref<16x128xi32, #tpu.memory_space<hbm>>
        %dma_wait3A_52 = arith.constant 0 : i32
        %dma_wait3A_53 = arith.constant 0 : i32
        %dma_wait3A_54 = tpu.memref_slice %arg3[%add3A_28, %dma_wait3A_52, %dma_wait3A_53] : memref<160x16x128xi32, #tpu.memory_space<hbm>> -> memref<1x16x128xi32, #tpu.memory_space<hbm>>
        %dma_wait3A_55 = tpu.memref_squeeze %dma_wait3A_54 : memref<1x16x128xi32, #tpu.memory_space<hbm>> -> memref<16x128xi32, #tpu.memory_space<hbm>>
        tpu.wait_dma2 semaphore(%run_scoped3A : memref<!tpu.dma_semaphore, #tpu.memory_space<semaphore_mem>>) src(%dma_wait3A_55 : memref<16x128xi32, #tpu.memory_space<hbm>>) dst(%arg6 : memref<16x128xi32, #tpu.memory_space<vmem>>)
        tpu.yield
      }) : () -> ()
      %add3A_29 = arith.addi %select_n3A, %while3A_27 : i32
      "tpu.region"() ({
        %run_scoped3A = tpu.sem_alloc : memref<!tpu.dma_semaphore, #tpu.memory_space<semaphore_mem>>
        %dma_start3A_41 = arith.constant 0 : i32
        %dma_start3A_42 = arith.constant 0 : i32
        %dma_start3A_43 = tpu.memref_slice %arg4[%add3A_29, %dma_start3A_41, %dma_start3A_42] : memref<160x16x128xi32, #tpu.memory_space<hbm>> -> memref<1x16x128xi32, #tpu.memory_space<hbm>>
        %dma_start3A_44 = tpu.memref_squeeze %dma_start3A_43 : memref<1x16x128xi32, #tpu.memory_space<hbm>> -> memref<16x128xi32, #tpu.memory_space<hbm>>
        %dma_start3A_45 = arith.constant 0 : i32
        %dma_start3A_46 = arith.constant 0 : i32
        %dma_start3A_47 = tpu.memref_slice %arg4[%add3A_29, %dma_start3A_45, %dma_start3A_46] : memref<160x16x128xi32, #tpu.memory_space<hbm>> -> memref<1x16x128xi32, #tpu.memory_space<hbm>>
        %dma_start3A_48 = tpu.memref_squeeze %dma_start3A_47 : memref<1x16x128xi32, #tpu.memory_space<hbm>> -> memref<16x128xi32, #tpu.memory_space<hbm>>
        tpu.enqueue_dma source(%dma_start3A_48 : memref<16x128xi32, #tpu.memory_space<hbm>>) target(%arg7 : memref<16x128xi32, #tpu.memory_space<vmem>>) target_semaphore(%run_scoped3A : memref<!tpu.dma_semaphore, #tpu.memory_space<semaphore_mem>>)
        %dma_wait3A = arith.constant 0 : i32
        %dma_wait3A_49 = arith.constant 0 : i32
        %dma_wait3A_50 = tpu.memref_slice %arg4[%add3A_29, %dma_wait3A, %dma_wait3A_49] : memref<160x16x128xi32, #tpu.memory_space<hbm>> -> memref<1x16x128xi32, #tpu.memory_space<hbm>>
        %dma_wait3A_51 = tpu.memref_squeeze %dma_wait3A_50 : memref<1x16x128xi32, #tpu.memory_space<hbm>> -> memref<16x128xi32, #tpu.memory_space<hbm>>
        %dma_wait3A_52 = arith.constant 0 : i32
        %dma_wait3A_53 = arith.constant 0 : i32
        %dma_wait3A_54 = tpu.memref_slice %arg4[%add3A_29, %dma_wait3A_52, %dma_wait3A_53] : memref<160x16x128xi32, #tpu.memory_space<hbm>> -> memref<1x16x128xi32, #tpu.memory_space<hbm>>
        %dma_wait3A_55 = tpu.memref_squeeze %dma_wait3A_54 : memref<1x16x128xi32, #tpu.memory_space<hbm>> -> memref<16x128xi32, #tpu.memory_space<hbm>>
        tpu.wait_dma2 semaphore(%run_scoped3A : memref<!tpu.dma_semaphore, #tpu.memory_space<semaphore_mem>>) src(%dma_wait3A_55 : memref<16x128xi32, #tpu.memory_space<hbm>>) dst(%arg7 : memref<16x128xi32, #tpu.memory_space<vmem>>)
        tpu.yield
      }) : () -> ()
      %dma_start3A = arith.constant 0 : i32
      %dma_start3A_30 = arith.constant 0 : i32
      %dma_start3A_31 = tpu.memref_slice %arg6[%dma_start3A, %dma_start3A_30] : memref<16x128xi32, #tpu.memory_space<vmem>> -> memref<1x128xi32, #tpu.memory_space<vmem>>
      %dma_start3A_32 = tpu.memref_squeeze %dma_start3A_31 : memref<1x128xi32, #tpu.memory_space<vmem>> -> memref<128xi32, #tpu.memory_space<vmem>>
      %dma_start3A_33 = arith.constant 0 : i32
      %dma_start3A_34 = arith.constant 0 : i32
      %dma_start3A_35 = tpu.memref_slice %arg2[%dma_start3A_33, %dma_start3A_34] : memref<10112x128xf32, #tpu.memory_space<hbm>> -> memref<10112x128xf32, #tpu.memory_space<hbm>>
      tpu.enqueue_indirect_dma source(%dma_start3A_35 : memref<10112x128xf32, #tpu.memory_space<hbm>>) target(%arg8 : memref<128x128xf32, #tpu.memory_space<vmem>>) offsets(%dma_start3A_32 : memref<128xi32, #tpu.memory_space<vmem>>) semaphore(%arg11 : memref<!tpu.dma_semaphore, #tpu.memory_space<semaphore_mem>>)
      %scan3A = arith.constant 0 : i32
      %scan3A_36 = arith.constant 0 : i32
      %scan3A_37 = arith.constant 8 : i32
      %scan3A_38 = arith.addi %scan3A_36, %scan3A_37 : i32
      %scan3A_39 = arith.constant 1 : i32
      scf.for %scan3A_41 = %scan3A_36 to %scan3A_38 step %scan3A_39  : i32 {
        %mul3A_42 = arith.constant 2 : i32
        %mul3A_43 = arith.muli %mul3A_42, %scan3A_41 : i32
        %add3A_44 = arith.constant 1 : i32
        %add3A_45 = arith.addi %mul3A_43, %add3A_44 : i32
        %dma_start3A_46 = arith.constant 0 : i32
        %dma_start3A_47 = tpu.memref_slice %arg6[%add3A_45, %dma_start3A_46] : memref<16x128xi32, #tpu.memory_space<vmem>> -> memref<1x128xi32, #tpu.memory_space<vmem>>
        %dma_start3A_48 = tpu.memref_squeeze %dma_start3A_47 : memref<1x128xi32, #tpu.memory_space<vmem>> -> memref<128xi32, #tpu.memory_space<vmem>>
        %dma_start3A_49 = arith.constant 0 : i32
        %dma_start3A_50 = arith.constant 0 : i32
        %dma_start3A_51 = tpu.memref_slice %arg2[%dma_start3A_49, %dma_start3A_50] : memref<10112x128xf32, #tpu.memory_space<hbm>> -> memref<10112x128xf32, #tpu.memory_space<hbm>>
        tpu.enqueue_indirect_dma source(%dma_start3A_51 : memref<10112x128xf32, #tpu.memory_space<hbm>>) target(%arg9 : memref<128x128xf32, #tpu.memory_space<vmem>>) offsets(%dma_start3A_48 : memref<128xi32, #tpu.memory_space<vmem>>) semaphore(%arg12 : memref<!tpu.dma_semaphore, #tpu.memory_space<semaphore_mem>>)
        %dma_wait3A = arith.constant 0 : i32
        %dma_wait3A_52 = tpu.memref_slice %arg6[%mul3A_43, %dma_wait3A] : memref<16x128xi32, #tpu.memory_space<vmem>> -> memref<1x128xi32, #tpu.memory_space<vmem>>
        %dma_wait3A_53 = tpu.memref_squeeze %dma_wait3A_52 : memref<1x128xi32, #tpu.memory_space<vmem>> -> memref<128xi32, #tpu.memory_space<vmem>>
        %dma_wait3A_54 = arith.constant 0 : i32
        %dma_wait3A_55 = arith.constant 0 : i32
        %dma_wait3A_56 = tpu.memref_slice %arg2[%dma_wait3A_54, %dma_wait3A_55] : memref<10112x128xf32, #tpu.memory_space<hbm>> -> memref<10112x128xf32, #tpu.memory_space<hbm>>
        tpu.wait_indirect_dma semaphore(%arg11 : memref<!tpu.dma_semaphore, #tpu.memory_space<semaphore_mem>>) src(%dma_wait3A_56 : memref<10112x128xf32, #tpu.memory_space<hbm>>) dst(%arg8 : memref<128x128xf32, #tpu.memory_space<vmem>>)
        "tpu.region"() ({
          %run_scoped3A = tpu.sem_alloc : memref<!tpu.dma_semaphore, #tpu.memory_space<semaphore_mem>>
          %dma_start3A_69 = arith.constant 0 : i32
          %dma_start3A_70 = tpu.memref_slice %arg7[%mul3A_43, %dma_start3A_69] : memref<16x128xi32, #tpu.memory_space<vmem>> -> memref<1x128xi32, #tpu.memory_space<vmem>>
          %dma_start3A_71 = tpu.memref_squeeze %dma_start3A_70 : memref<1x128xi32, #tpu.memory_space<vmem>> -> memref<128xi32, #tpu.memory_space<vmem>>
          %dma_start3A_72 = arith.constant 0 : i32
          %dma_start3A_73 = arith.constant 0 : i32
          %dma_start3A_74 = tpu.memref_slice %arg10[%dma_start3A_72, %dma_start3A_73] : memref<10112x128xf32, #tpu.memory_space<vmem_shared>> -> memref<10112x128xf32, #tpu.memory_space<vmem_shared>>
          tpu.enqueue_indirect_dma source(%arg8 : memref<128x128xf32, #tpu.memory_space<vmem>>) target(%dma_start3A_74 : memref<10112x128xf32, #tpu.memory_space<vmem_shared>>) offsets(%dma_start3A_71 : memref<128xi32, #tpu.memory_space<vmem>>) semaphore(%run_scoped3A : memref<!tpu.dma_semaphore, #tpu.memory_space<semaphore_mem>>) {add = true}
          %dma_wait3A_75 = arith.constant 0 : i32
          %dma_wait3A_76 = tpu.memref_slice %arg7[%mul3A_43, %dma_wait3A_75] : memref<16x128xi32, #tpu.memory_space<vmem>> -> memref<1x128xi32, #tpu.memory_space<vmem>>
          %dma_wait3A_77 = tpu.memref_squeeze %dma_wait3A_76 : memref<1x128xi32, #tpu.memory_space<vmem>> -> memref<128xi32, #tpu.memory_space<vmem>>
          %dma_wait3A_78 = arith.constant 0 : i32
          %dma_wait3A_79 = arith.constant 0 : i32
          %dma_wait3A_80 = tpu.memref_slice %arg10[%dma_wait3A_78, %dma_wait3A_79] : memref<10112x128xf32, #tpu.memory_space<vmem_shared>> -> memref<10112x128xf32, #tpu.memory_space<vmem_shared>>
          tpu.wait_indirect_dma semaphore(%run_scoped3A : memref<!tpu.dma_semaphore, #tpu.memory_space<semaphore_mem>>) src(%arg8 : memref<128x128xf32, #tpu.memory_space<vmem>>) dst(%dma_wait3A_80 : memref<10112x128xf32, #tpu.memory_space<vmem_shared>>)
          tpu.yield
        }) : () -> ()
        %lt3A = arith.constant 7 : i32
        %lt3A_57 = arith.cmpi slt, %scan3A_41, %lt3A : i32
        %convert_element_type3A = arith.extui %lt3A_57 : i1 to i32
        %cond3A = arith.constant 0 : i32
        %cond3A_58 = arith.cmpi ne, %convert_element_type3A, %cond3A : i32
        scf.if %cond3A_58 {
          %add3A_69 = arith.constant 2 : i32
          %add3A_70 = arith.addi %mul3A_43, %add3A_69 : i32
          %dma_start3A_71 = arith.constant 0 : i32
          %dma_start3A_72 = tpu.memref_slice %arg6[%add3A_70, %dma_start3A_71] : memref<16x128xi32, #tpu.memory_space<vmem>> -> memref<1x128xi32, #tpu.memory_space<vmem>>
          %dma_start3A_73 = tpu.memref_squeeze %dma_start3A_72 : memref<1x128xi32, #tpu.memory_space<vmem>> -> memref<128xi32, #tpu.memory_space<vmem>>
          %dma_start3A_74 = arith.constant 0 : i32
          %dma_start3A_75 = arith.constant 0 : i32
          %dma_start3A_76 = tpu.memref_slice %arg2[%dma_start3A_74, %dma_start3A_75] : memref<10112x128xf32, #tpu.memory_space<hbm>> -> memref<10112x128xf32, #tpu.memory_space<hbm>>
          tpu.enqueue_indirect_dma source(%dma_start3A_76 : memref<10112x128xf32, #tpu.memory_space<hbm>>) target(%arg8 : memref<128x128xf32, #tpu.memory_space<vmem>>) offsets(%dma_start3A_73 : memref<128xi32, #tpu.memory_space<vmem>>) semaphore(%arg11 : memref<!tpu.dma_semaphore, #tpu.memory_space<semaphore_mem>>)
        } else {
        }
        %add3A_59 = arith.constant 1 : i32
        %add3A_60 = arith.addi %mul3A_43, %add3A_59 : i32
        %dma_wait3A_61 = arith.constant 0 : i32
        %dma_wait3A_62 = tpu.memref_slice %arg6[%add3A_60, %dma_wait3A_61] : memref<16x128xi32, #tpu.memory_space<vmem>> -> memref<1x128xi32, #tpu.memory_space<vmem>>
        %dma_wait3A_63 = tpu.memref_squeeze %dma_wait3A_62 : memref<1x128xi32, #tpu.memory_space<vmem>> -> memref<128xi32, #tpu.memory_space<vmem>>
        %dma_wait3A_64 = arith.constant 0 : i32
        %dma_wait3A_65 = arith.constant 0 : i32
        %dma_wait3A_66 = tpu.memref_slice %arg2[%dma_wait3A_64, %dma_wait3A_65] : memref<10112x128xf32, #tpu.memory_space<hbm>> -> memref<10112x128xf32, #tpu.memory_space<hbm>>
        tpu.wait_indirect_dma semaphore(%arg12 : memref<!tpu.dma_semaphore, #tpu.memory_space<semaphore_mem>>) src(%dma_wait3A_66 : memref<10112x128xf32, #tpu.memory_space<hbm>>) dst(%arg9 : memref<128x128xf32, #tpu.memory_space<vmem>>)
        %add3A_67 = arith.constant 1 : i32
        %add3A_68 = arith.addi %mul3A_43, %add3A_67 : i32
        "tpu.region"() ({
          %run_scoped3A = tpu.sem_alloc : memref<!tpu.dma_semaphore, #tpu.memory_space<semaphore_mem>>
          %dma_start3A_69 = arith.constant 0 : i32
          %dma_start3A_70 = tpu.memref_slice %arg7[%add3A_68, %dma_start3A_69] : memref<16x128xi32, #tpu.memory_space<vmem>> -> memref<1x128xi32, #tpu.memory_space<vmem>>
          %dma_start3A_71 = tpu.memref_squeeze %dma_start3A_70 : memref<1x128xi32, #tpu.memory_space<vmem>> -> memref<128xi32, #tpu.memory_space<vmem>>
          %dma_start3A_72 = arith.constant 0 : i32
          %dma_start3A_73 = arith.constant 0 : i32
          %dma_start3A_74 = tpu.memref_slice %arg10[%dma_start3A_72, %dma_start3A_73] : memref<10112x128xf32, #tpu.memory_space<vmem_shared>> -> memref<10112x128xf32, #tpu.memory_space<vmem_shared>>
          tpu.enqueue_indirect_dma source(%arg9 : memref<128x128xf32, #tpu.memory_space<vmem>>) target(%dma_start3A_74 : memref<10112x128xf32, #tpu.memory_space<vmem_shared>>) offsets(%dma_start3A_71 : memref<128xi32, #tpu.memory_space<vmem>>) semaphore(%run_scoped3A : memref<!tpu.dma_semaphore, #tpu.memory_space<semaphore_mem>>) {add = true}
          %dma_wait3A_75 = arith.constant 0 : i32
          %dma_wait3A_76 = tpu.memref_slice %arg7[%add3A_68, %dma_wait3A_75] : memref<16x128xi32, #tpu.memory_space<vmem>> -> memref<1x128xi32, #tpu.memory_space<vmem>>
          %dma_wait3A_77 = tpu.memref_squeeze %dma_wait3A_76 : memref<1x128xi32, #tpu.memory_space<vmem>> -> memref<128xi32, #tpu.memory_space<vmem>>
          %dma_wait3A_78 = arith.constant 0 : i32
          %dma_wait3A_79 = arith.constant 0 : i32
          %dma_wait3A_80 = tpu.memref_slice %arg10[%dma_wait3A_78, %dma_wait3A_79] : memref<10112x128xf32, #tpu.memory_space<vmem_shared>> -> memref<10112x128xf32, #tpu.memory_space<vmem_shared>>
          tpu.wait_indirect_dma semaphore(%run_scoped3A : memref<!tpu.dma_semaphore, #tpu.memory_space<semaphore_mem>>) src(%arg9 : memref<128x128xf32, #tpu.memory_space<vmem>>) dst(%dma_wait3A_80 : memref<10112x128xf32, #tpu.memory_space<vmem_shared>>)
          tpu.yield
        }) : () -> ()
      }
      %scan3A_40 = arith.constant 8 : i32
    }
    %barrier3A_22 = arith.constant 0 : index
    tpu.barrier barrier_id(%barrier3A_22)
    "tpu.trace_stop"() : () -> ()
    "tpu.trace_start"() <{level = 10 : i32, message = "writeback"}> : () -> ()
    %mul3A_23 = arith.constant 632 : i32
    %mul3A_24 = arith.muli %arg1, %mul3A_23 : i32
    %mul3A_25 = arith.constant 632 : i32
    %mul3A_26 = arith.muli %arg1, %mul3A_25 : i32
    "tpu.region"() ({
      %run_scoped3A = tpu.sem_alloc : memref<!tpu.dma_semaphore, #tpu.memory_space<semaphore_mem>>
      %dma_start3A = arith.constant 0 : i32
      %dma_start3A_27 = tpu.memref_slice %arg5[%arg0, %mul3A_26, %dma_start3A] : memref<2x10112x128xf32, #tpu.memory_space<hbm>> -> memref<1x632x128xf32, #tpu.memory_space<hbm>>
      %dma_start3A_28 = tpu.memref_squeeze %dma_start3A_27 : memref<1x632x128xf32, #tpu.memory_space<hbm>> -> memref<632x128xf32, #tpu.memory_space<hbm>>
      %dma_start3A_29 = arith.constant 0 : i32
      %dma_start3A_30 = tpu.memref_slice %arg10[%mul3A_24, %dma_start3A_29] : memref<10112x128xf32, #tpu.memory_space<vmem_shared>> -> memref<632x128xf32, #tpu.memory_space<vmem_shared>>
      tpu.enqueue_dma source(%dma_start3A_30 : memref<632x128xf32, #tpu.memory_space<vmem_shared>>) target(%dma_start3A_28 : memref<632x128xf32, #tpu.memory_space<hbm>>) target_semaphore(%run_scoped3A : memref<!tpu.dma_semaphore, #tpu.memory_space<semaphore_mem>>)
      %dma_wait3A = arith.constant 0 : i32
      %dma_wait3A_31 = tpu.memref_slice %arg5[%arg0, %mul3A_26, %dma_wait3A] : memref<2x10112x128xf32, #tpu.memory_space<hbm>> -> memref<1x632x128xf32, #tpu.memory_space<hbm>>
      %dma_wait3A_32 = tpu.memref_squeeze %dma_wait3A_31 : memref<1x632x128xf32, #tpu.memory_space<hbm>> -> memref<632x128xf32, #tpu.memory_space<hbm>>
      %dma_wait3A_33 = arith.constant 0 : i32
      %dma_wait3A_34 = tpu.memref_slice %arg10[%mul3A_24, %dma_wait3A_33] : memref<10112x128xf32, #tpu.memory_space<vmem_shared>> -> memref<632x128xf32, #tpu.memory_space<vmem_shared>>
      tpu.wait_dma2 semaphore(%run_scoped3A : memref<!tpu.dma_semaphore, #tpu.memory_space<semaphore_mem>>) src(%dma_wait3A_34 : memref<632x128xf32, #tpu.memory_space<vmem_shared>>) dst(%dma_wait3A_32 : memref<632x128xf32, #tpu.memory_space<hbm>>)
      tpu.yield
    }) : () -> ()
    "tpu.trace_stop"() : () -> ()
    return
  }
}

#map = affine_map<(d0, d1) -> (0, 0)>
#map1 = affine_map<(d0, d1) -> (0, 0, 0)>
module attributes {stable_mosaic.version = 14 : i64} {
  func.func @_conv_body(%arg0: i32, %arg1: i32, %arg2: memref<10112x128xf32, #tpu.memory_space<hbm>>, %arg3: memref<160x16x128xi32, #tpu.memory_space<hbm>>, %arg4: memref<160x16x128xi32, #tpu.memory_space<hbm>>, %arg5: memref<2x10112x128xf32, #tpu.memory_space<hbm>>, %arg6: memref<16x128xi32, #tpu.memory_space<vmem>>, %arg7: memref<16x128xi32, #tpu.memory_space<vmem>>, %arg8: memref<128x128xf32, #tpu.memory_space<vmem>>, %arg9: memref<128x128xf32, #tpu.memory_space<vmem>>, %arg10: memref<10112x128xf32, #tpu.memory_space<vmem_shared>>, %arg11: memref<!tpu.dma_semaphore, #tpu.memory_space<semaphore_mem>>, %arg12: memref<!tpu.dma_semaphore, #tpu.memory_space<semaphore_mem>>) attributes {dimension_semantics = [#tpu.dimension_semantics<core_parallel>, #tpu.dimension_semantics<subcore_parallel>], iteration_bounds = array<i64: 2, 16>, scalar_prefetch = 0 : i64, scratch_operands = 7 : i64, tpu.core_type = #tpu.core_type<sc_vector_subcore>, window_params = [{transform_indices = #map}, {transform_indices = #map1}, {transform_indices = #map1}, {transform_indices = #map1}]} {
    "tpu.trace_start"() <{level = 10 : i32, message = "acc_init"}> : () -> ()
    %mul3A = arith.constant 632 : i32
    %mul3A_0 = arith.muli %arg1, %mul3A : i32
    %mul3A_1 = arith.constant 632 : i32
    %mul3A_2 = arith.muli %arg1, %mul3A_1 : i32
    "tpu.region"() ({
      %run_scoped3A = tpu.sem_alloc : memref<!tpu.dma_semaphore, #tpu.memory_space<semaphore_mem>>
      %dma_start3A = arith.constant 0 : i32
      %dma_start3A_27 = tpu.memref_slice %arg10[%mul3A_2, %dma_start3A] : memref<10112x128xf32, #tpu.memory_space<vmem_shared>> -> memref<632x128xf32, #tpu.memory_space<vmem_shared>>
      %dma_start3A_28 = arith.constant 0 : i32
      %dma_start3A_29 = tpu.memref_slice %arg2[%mul3A_0, %dma_start3A_28] : memref<10112x128xf32, #tpu.memory_space<hbm>> -> memref<632x128xf32, #tpu.memory_space<hbm>>
      tpu.enqueue_dma source(%dma_start3A_29 : memref<632x128xf32, #tpu.memory_space<hbm>>) target(%dma_start3A_27 : memref<632x128xf32, #tpu.memory_space<vmem_shared>>) target_semaphore(%run_scoped3A : memref<!tpu.dma_semaphore, #tpu.memory_space<semaphore_mem>>)
      %dma_wait3A = arith.constant 0 : i32
      %dma_wait3A_30 = tpu.memref_slice %arg10[%mul3A_2, %dma_wait3A] : memref<10112x128xf32, #tpu.memory_space<vmem_shared>> -> memref<632x128xf32, #tpu.memory_space<vmem_shared>>
      %dma_wait3A_31 = arith.constant 0 : i32
      %dma_wait3A_32 = tpu.memref_slice %arg2[%mul3A_0, %dma_wait3A_31] : memref<10112x128xf32, #tpu.memory_space<hbm>> -> memref<632x128xf32, #tpu.memory_space<hbm>>
      tpu.wait_dma2 semaphore(%run_scoped3A : memref<!tpu.dma_semaphore, #tpu.memory_space<semaphore_mem>>) src(%dma_wait3A_32 : memref<632x128xf32, #tpu.memory_space<hbm>>) dst(%dma_wait3A_30 : memref<632x128xf32, #tpu.memory_space<vmem_shared>>)
      tpu.yield
    }) : () -> ()
    %barrier3A = arith.constant 0 : index
    tpu.barrier barrier_id(%barrier3A)
    %eq3A = arith.constant 0 : i32
    "tpu.trace_stop"() : () -> ()
    %eq3A_3 = arith.cmpi eq, %arg0, %eq3A : i32
    %mul3A_4 = arith.constant 5 : i32
    %mul3A_5 = arith.muli %arg1, %mul3A_4 : i32
    %mul3A_6 = arith.constant 5 : i32
    %mul3A_7 = arith.muli %arg1, %mul3A_6 : i32
    %add3A = arith.constant 80 : i32
    %add3A_8 = arith.addi %add3A, %mul3A_7 : i32
    %select_n3A = arith.select %eq3A_3, %mul3A_5, %add3A_8 : i32
    %eq3A_9 = arith.constant 0 : i32
    %eq3A_10 = arith.cmpi eq, %arg0, %eq3A_9 : i32
    %jit3A = arith.constant 5 : i32
    %jit3A_11 = arith.constant 5 : i32
    %select_n3A_12 = arith.select %eq3A_10, %jit3A, %jit3A_11 : i32
    %while3A = arith.constant 0 : i32
    %while3A_13 = arith.constant 0 : i32
    "tpu.trace_start"() <{level = 10 : i32, message = "edges"}> : () -> ()
    %while3A_14 = arith.subi %select_n3A_12, %while3A_13 : i32
    %while3A_15 = arith.addi %while3A_13, %while3A_14 : i32
    %while3A_16 = arith.constant 1 : i32
    %while3A_17 = arith.divsi %while3A_14, %while3A_16 : i32
    %while3A_18 = arith.muli %while3A_17, %while3A_16 : i32
    %while3A_19 = arith.addi %while3A_13, %while3A_18 : i32
    %while3A_20 = arith.constant 1 : i32
    scf.for %while3A_27 = %while3A_13 to %while3A_19 step %while3A_20  : i32 {
      %add3A_28 = arith.addi %select_n3A, %while3A_27 : i32
      "tpu.region"() ({
        %run_scoped3A = tpu.sem_alloc : memref<!tpu.dma_semaphore, #tpu.memory_space<semaphore_mem>>
        %dma_start3A_41 = arith.constant 0 : i32
        %dma_start3A_42 = arith.constant 0 : i32
        %dma_start3A_43 = tpu.memref_slice %arg3[%add3A_28, %dma_start3A_41, %dma_start3A_42] : memref<160x16x128xi32, #tpu.memory_space<hbm>> -> memref<1x16x128xi32, #tpu.memory_space<hbm>>
        %dma_start3A_44 = tpu.memref_squeeze %dma_start3A_43 : memref<1x16x128xi32, #tpu.memory_space<hbm>> -> memref<16x128xi32, #tpu.memory_space<hbm>>
        %dma_start3A_45 = arith.constant 0 : i32
        %dma_start3A_46 = arith.constant 0 : i32
        %dma_start3A_47 = tpu.memref_slice %arg3[%add3A_28, %dma_start3A_45, %dma_start3A_46] : memref<160x16x128xi32, #tpu.memory_space<hbm>> -> memref<1x16x128xi32, #tpu.memory_space<hbm>>
        %dma_start3A_48 = tpu.memref_squeeze %dma_start3A_47 : memref<1x16x128xi32, #tpu.memory_space<hbm>> -> memref<16x128xi32, #tpu.memory_space<hbm>>
        tpu.enqueue_dma source(%dma_start3A_48 : memref<16x128xi32, #tpu.memory_space<hbm>>) target(%arg6 : memref<16x128xi32, #tpu.memory_space<vmem>>) target_semaphore(%run_scoped3A : memref<!tpu.dma_semaphore, #tpu.memory_space<semaphore_mem>>)
        %dma_wait3A = arith.constant 0 : i32
        %dma_wait3A_49 = arith.constant 0 : i32
        %dma_wait3A_50 = tpu.memref_slice %arg3[%add3A_28, %dma_wait3A, %dma_wait3A_49] : memref<160x16x128xi32, #tpu.memory_space<hbm>> -> memref<1x16x128xi32, #tpu.memory_space<hbm>>
        %dma_wait3A_51 = tpu.memref_squeeze %dma_wait3A_50 : memref<1x16x128xi32, #tpu.memory_space<hbm>> -> memref<16x128xi32, #tpu.memory_space<hbm>>
        %dma_wait3A_52 = arith.constant 0 : i32
        %dma_wait3A_53 = arith.constant 0 : i32
        %dma_wait3A_54 = tpu.memref_slice %arg3[%add3A_28, %dma_wait3A_52, %dma_wait3A_53] : memref<160x16x128xi32, #tpu.memory_space<hbm>> -> memref<1x16x128xi32, #tpu.memory_space<hbm>>
        %dma_wait3A_55 = tpu.memref_squeeze %dma_wait3A_54 : memref<1x16x128xi32, #tpu.memory_space<hbm>> -> memref<16x128xi32, #tpu.memory_space<hbm>>
        tpu.wait_dma2 semaphore(%run_scoped3A : memref<!tpu.dma_semaphore, #tpu.memory_space<semaphore_mem>>) src(%dma_wait3A_55 : memref<16x128xi32, #tpu.memory_space<hbm>>) dst(%arg6 : memref<16x128xi32, #tpu.memory_space<vmem>>)
        tpu.yield
      }) : () -> ()
      %add3A_29 = arith.addi %select_n3A, %while3A_27 : i32
      "tpu.region"() ({
        %run_scoped3A = tpu.sem_alloc : memref<!tpu.dma_semaphore, #tpu.memory_space<semaphore_mem>>
        %dma_start3A_41 = arith.constant 0 : i32
        %dma_start3A_42 = arith.constant 0 : i32
        %dma_start3A_43 = tpu.memref_slice %arg4[%add3A_29, %dma_start3A_41, %dma_start3A_42] : memref<160x16x128xi32, #tpu.memory_space<hbm>> -> memref<1x16x128xi32, #tpu.memory_space<hbm>>
        %dma_start3A_44 = tpu.memref_squeeze %dma_start3A_43 : memref<1x16x128xi32, #tpu.memory_space<hbm>> -> memref<16x128xi32, #tpu.memory_space<hbm>>
        %dma_start3A_45 = arith.constant 0 : i32
        %dma_start3A_46 = arith.constant 0 : i32
        %dma_start3A_47 = tpu.memref_slice %arg4[%add3A_29, %dma_start3A_45, %dma_start3A_46] : memref<160x16x128xi32, #tpu.memory_space<hbm>> -> memref<1x16x128xi32, #tpu.memory_space<hbm>>
        %dma_start3A_48 = tpu.memref_squeeze %dma_start3A_47 : memref<1x16x128xi32, #tpu.memory_space<hbm>> -> memref<16x128xi32, #tpu.memory_space<hbm>>
        tpu.enqueue_dma source(%dma_start3A_48 : memref<16x128xi32, #tpu.memory_space<hbm>>) target(%arg7 : memref<16x128xi32, #tpu.memory_space<vmem>>) target_semaphore(%run_scoped3A : memref<!tpu.dma_semaphore, #tpu.memory_space<semaphore_mem>>)
        %dma_wait3A = arith.constant 0 : i32
        %dma_wait3A_49 = arith.constant 0 : i32
        %dma_wait3A_50 = tpu.memref_slice %arg4[%add3A_29, %dma_wait3A, %dma_wait3A_49] : memref<160x16x128xi32, #tpu.memory_space<hbm>> -> memref<1x16x128xi32, #tpu.memory_space<hbm>>
        %dma_wait3A_51 = tpu.memref_squeeze %dma_wait3A_50 : memref<1x16x128xi32, #tpu.memory_space<hbm>> -> memref<16x128xi32, #tpu.memory_space<hbm>>
        %dma_wait3A_52 = arith.constant 0 : i32
        %dma_wait3A_53 = arith.constant 0 : i32
        %dma_wait3A_54 = tpu.memref_slice %arg4[%add3A_29, %dma_wait3A_52, %dma_wait3A_53] : memref<160x16x128xi32, #tpu.memory_space<hbm>> -> memref<1x16x128xi32, #tpu.memory_space<hbm>>
        %dma_wait3A_55 = tpu.memref_squeeze %dma_wait3A_54 : memref<1x16x128xi32, #tpu.memory_space<hbm>> -> memref<16x128xi32, #tpu.memory_space<hbm>>
        tpu.wait_dma2 semaphore(%run_scoped3A : memref<!tpu.dma_semaphore, #tpu.memory_space<semaphore_mem>>) src(%dma_wait3A_55 : memref<16x128xi32, #tpu.memory_space<hbm>>) dst(%arg7 : memref<16x128xi32, #tpu.memory_space<vmem>>)
        tpu.yield
      }) : () -> ()
      %dma_start3A = arith.constant 0 : i32
      %dma_start3A_30 = arith.constant 0 : i32
      %dma_start3A_31 = tpu.memref_slice %arg6[%dma_start3A, %dma_start3A_30] : memref<16x128xi32, #tpu.memory_space<vmem>> -> memref<1x128xi32, #tpu.memory_space<vmem>>
      %dma_start3A_32 = tpu.memref_squeeze %dma_start3A_31 : memref<1x128xi32, #tpu.memory_space<vmem>> -> memref<128xi32, #tpu.memory_space<vmem>>
      %dma_start3A_33 = arith.constant 0 : i32
      %dma_start3A_34 = arith.constant 0 : i32
      %dma_start3A_35 = tpu.memref_slice %arg2[%dma_start3A_33, %dma_start3A_34] : memref<10112x128xf32, #tpu.memory_space<hbm>> -> memref<10112x128xf32, #tpu.memory_space<hbm>>
      tpu.enqueue_indirect_dma source(%dma_start3A_35 : memref<10112x128xf32, #tpu.memory_space<hbm>>) target(%arg8 : memref<128x128xf32, #tpu.memory_space<vmem>>) offsets(%dma_start3A_32 : memref<128xi32, #tpu.memory_space<vmem>>) semaphore(%arg11 : memref<!tpu.dma_semaphore, #tpu.memory_space<semaphore_mem>>)
      %scan3A = arith.constant 0 : i32
      %scan3A_36 = arith.constant 0 : i32
      %scan3A_37 = arith.constant 8 : i32
      %scan3A_38 = arith.addi %scan3A_36, %scan3A_37 : i32
      %scan3A_39 = arith.constant 1 : i32
      scf.for %scan3A_41 = %scan3A_36 to %scan3A_38 step %scan3A_39  : i32 {
        %mul3A_42 = arith.constant 2 : i32
        %mul3A_43 = arith.muli %mul3A_42, %scan3A_41 : i32
        %add3A_44 = arith.constant 1 : i32
        %add3A_45 = arith.addi %mul3A_43, %add3A_44 : i32
        %dma_start3A_46 = arith.constant 0 : i32
        %dma_start3A_47 = tpu.memref_slice %arg6[%add3A_45, %dma_start3A_46] : memref<16x128xi32, #tpu.memory_space<vmem>> -> memref<1x128xi32, #tpu.memory_space<vmem>>
        %dma_start3A_48 = tpu.memref_squeeze %dma_start3A_47 : memref<1x128xi32, #tpu.memory_space<vmem>> -> memref<128xi32, #tpu.memory_space<vmem>>
        %dma_start3A_49 = arith.constant 0 : i32
        %dma_start3A_50 = arith.constant 0 : i32
        %dma_start3A_51 = tpu.memref_slice %arg2[%dma_start3A_49, %dma_start3A_50] : memref<10112x128xf32, #tpu.memory_space<hbm>> -> memref<10112x128xf32, #tpu.memory_space<hbm>>
        tpu.enqueue_indirect_dma source(%dma_start3A_51 : memref<10112x128xf32, #tpu.memory_space<hbm>>) target(%arg9 : memref<128x128xf32, #tpu.memory_space<vmem>>) offsets(%dma_start3A_48 : memref<128xi32, #tpu.memory_space<vmem>>) semaphore(%arg12 : memref<!tpu.dma_semaphore, #tpu.memory_space<semaphore_mem>>)
        %dma_wait3A = arith.constant 0 : i32
        %dma_wait3A_52 = tpu.memref_slice %arg6[%mul3A_43, %dma_wait3A] : memref<16x128xi32, #tpu.memory_space<vmem>> -> memref<1x128xi32, #tpu.memory_space<vmem>>
        %dma_wait3A_53 = tpu.memref_squeeze %dma_wait3A_52 : memref<1x128xi32, #tpu.memory_space<vmem>> -> memref<128xi32, #tpu.memory_space<vmem>>
        %dma_wait3A_54 = arith.constant 0 : i32
        %dma_wait3A_55 = arith.constant 0 : i32
        %dma_wait3A_56 = tpu.memref_slice %arg2[%dma_wait3A_54, %dma_wait3A_55] : memref<10112x128xf32, #tpu.memory_space<hbm>> -> memref<10112x128xf32, #tpu.memory_space<hbm>>
        tpu.wait_indirect_dma semaphore(%arg11 : memref<!tpu.dma_semaphore, #tpu.memory_space<semaphore_mem>>) src(%dma_wait3A_56 : memref<10112x128xf32, #tpu.memory_space<hbm>>) dst(%arg8 : memref<128x128xf32, #tpu.memory_space<vmem>>)
        "tpu.region"() ({
          %run_scoped3A = tpu.sem_alloc : memref<!tpu.dma_semaphore, #tpu.memory_space<semaphore_mem>>
          %dma_start3A_69 = arith.constant 0 : i32
          %dma_start3A_70 = tpu.memref_slice %arg7[%mul3A_43, %dma_start3A_69] : memref<16x128xi32, #tpu.memory_space<vmem>> -> memref<1x128xi32, #tpu.memory_space<vmem>>
          %dma_start3A_71 = tpu.memref_squeeze %dma_start3A_70 : memref<1x128xi32, #tpu.memory_space<vmem>> -> memref<128xi32, #tpu.memory_space<vmem>>
          %dma_start3A_72 = arith.constant 0 : i32
          %dma_start3A_73 = arith.constant 0 : i32
          %dma_start3A_74 = tpu.memref_slice %arg10[%dma_start3A_72, %dma_start3A_73] : memref<10112x128xf32, #tpu.memory_space<vmem_shared>> -> memref<10112x128xf32, #tpu.memory_space<vmem_shared>>
          tpu.enqueue_indirect_dma source(%arg8 : memref<128x128xf32, #tpu.memory_space<vmem>>) target(%dma_start3A_74 : memref<10112x128xf32, #tpu.memory_space<vmem_shared>>) offsets(%dma_start3A_71 : memref<128xi32, #tpu.memory_space<vmem>>) semaphore(%run_scoped3A : memref<!tpu.dma_semaphore, #tpu.memory_space<semaphore_mem>>) {add = true}
          %dma_wait3A_75 = arith.constant 0 : i32
          %dma_wait3A_76 = tpu.memref_slice %arg7[%mul3A_43, %dma_wait3A_75] : memref<16x128xi32, #tpu.memory_space<vmem>> -> memref<1x128xi32, #tpu.memory_space<vmem>>
          %dma_wait3A_77 = tpu.memref_squeeze %dma_wait3A_76 : memref<1x128xi32, #tpu.memory_space<vmem>> -> memref<128xi32, #tpu.memory_space<vmem>>
          %dma_wait3A_78 = arith.constant 0 : i32
          %dma_wait3A_79 = arith.constant 0 : i32
          %dma_wait3A_80 = tpu.memref_slice %arg10[%dma_wait3A_78, %dma_wait3A_79] : memref<10112x128xf32, #tpu.memory_space<vmem_shared>> -> memref<10112x128xf32, #tpu.memory_space<vmem_shared>>
          tpu.wait_indirect_dma semaphore(%run_scoped3A : memref<!tpu.dma_semaphore, #tpu.memory_space<semaphore_mem>>) src(%arg8 : memref<128x128xf32, #tpu.memory_space<vmem>>) dst(%dma_wait3A_80 : memref<10112x128xf32, #tpu.memory_space<vmem_shared>>)
          tpu.yield
        }) : () -> ()
        %lt3A = arith.constant 7 : i32
        %lt3A_57 = arith.cmpi slt, %scan3A_41, %lt3A : i32
        %convert_element_type3A = arith.extui %lt3A_57 : i1 to i32
        %cond3A = arith.constant 0 : i32
        %cond3A_58 = arith.cmpi ne, %convert_element_type3A, %cond3A : i32
        scf.if %cond3A_58 {
          %add3A_69 = arith.constant 2 : i32
          %add3A_70 = arith.addi %mul3A_43, %add3A_69 : i32
          %dma_start3A_71 = arith.constant 0 : i32
          %dma_start3A_72 = tpu.memref_slice %arg6[%add3A_70, %dma_start3A_71] : memref<16x128xi32, #tpu.memory_space<vmem>> -> memref<1x128xi32, #tpu.memory_space<vmem>>
          %dma_start3A_73 = tpu.memref_squeeze %dma_start3A_72 : memref<1x128xi32, #tpu.memory_space<vmem>> -> memref<128xi32, #tpu.memory_space<vmem>>
          %dma_start3A_74 = arith.constant 0 : i32
          %dma_start3A_75 = arith.constant 0 : i32
          %dma_start3A_76 = tpu.memref_slice %arg2[%dma_start3A_74, %dma_start3A_75] : memref<10112x128xf32, #tpu.memory_space<hbm>> -> memref<10112x128xf32, #tpu.memory_space<hbm>>
          tpu.enqueue_indirect_dma source(%dma_start3A_76 : memref<10112x128xf32, #tpu.memory_space<hbm>>) target(%arg8 : memref<128x128xf32, #tpu.memory_space<vmem>>) offsets(%dma_start3A_73 : memref<128xi32, #tpu.memory_space<vmem>>) semaphore(%arg11 : memref<!tpu.dma_semaphore, #tpu.memory_space<semaphore_mem>>)
        } else {
        }
        %add3A_59 = arith.constant 1 : i32
        %add3A_60 = arith.addi %mul3A_43, %add3A_59 : i32
        %dma_wait3A_61 = arith.constant 0 : i32
        %dma_wait3A_62 = tpu.memref_slice %arg6[%add3A_60, %dma_wait3A_61] : memref<16x128xi32, #tpu.memory_space<vmem>> -> memref<1x128xi32, #tpu.memory_space<vmem>>
        %dma_wait3A_63 = tpu.memref_squeeze %dma_wait3A_62 : memref<1x128xi32, #tpu.memory_space<vmem>> -> memref<128xi32, #tpu.memory_space<vmem>>
        %dma_wait3A_64 = arith.constant 0 : i32
        %dma_wait3A_65 = arith.constant 0 : i32
        %dma_wait3A_66 = tpu.memref_slice %arg2[%dma_wait3A_64, %dma_wait3A_65] : memref<10112x128xf32, #tpu.memory_space<hbm>> -> memref<10112x128xf32, #tpu.memory_space<hbm>>
        tpu.wait_indirect_dma semaphore(%arg12 : memref<!tpu.dma_semaphore, #tpu.memory_space<semaphore_mem>>) src(%dma_wait3A_66 : memref<10112x128xf32, #tpu.memory_space<hbm>>) dst(%arg9 : memref<128x128xf32, #tpu.memory_space<vmem>>)
        %add3A_67 = arith.constant 1 : i32
        %add3A_68 = arith.addi %mul3A_43, %add3A_67 : i32
        "tpu.region"() ({
          %run_scoped3A = tpu.sem_alloc : memref<!tpu.dma_semaphore, #tpu.memory_space<semaphore_mem>>
          %dma_start3A_69 = arith.constant 0 : i32
          %dma_start3A_70 = tpu.memref_slice %arg7[%add3A_68, %dma_start3A_69] : memref<16x128xi32, #tpu.memory_space<vmem>> -> memref<1x128xi32, #tpu.memory_space<vmem>>
          %dma_start3A_71 = tpu.memref_squeeze %dma_start3A_70 : memref<1x128xi32, #tpu.memory_space<vmem>> -> memref<128xi32, #tpu.memory_space<vmem>>
          %dma_start3A_72 = arith.constant 0 : i32
          %dma_start3A_73 = arith.constant 0 : i32
          %dma_start3A_74 = tpu.memref_slice %arg10[%dma_start3A_72, %dma_start3A_73] : memref<10112x128xf32, #tpu.memory_space<vmem_shared>> -> memref<10112x128xf32, #tpu.memory_space<vmem_shared>>
          tpu.enqueue_indirect_dma source(%arg9 : memref<128x128xf32, #tpu.memory_space<vmem>>) target(%dma_start3A_74 : memref<10112x128xf32, #tpu.memory_space<vmem_shared>>) offsets(%dma_start3A_71 : memref<128xi32, #tpu.memory_space<vmem>>) semaphore(%run_scoped3A : memref<!tpu.dma_semaphore, #tpu.memory_space<semaphore_mem>>) {add = true}
          %dma_wait3A_75 = arith.constant 0 : i32
          %dma_wait3A_76 = tpu.memref_slice %arg7[%add3A_68, %dma_wait3A_75] : memref<16x128xi32, #tpu.memory_space<vmem>> -> memref<1x128xi32, #tpu.memory_space<vmem>>
          %dma_wait3A_77 = tpu.memref_squeeze %dma_wait3A_76 : memref<1x128xi32, #tpu.memory_space<vmem>> -> memref<128xi32, #tpu.memory_space<vmem>>
          %dma_wait3A_78 = arith.constant 0 : i32
          %dma_wait3A_79 = arith.constant 0 : i32
          %dma_wait3A_80 = tpu.memref_slice %arg10[%dma_wait3A_78, %dma_wait3A_79] : memref<10112x128xf32, #tpu.memory_space<vmem_shared>> -> memref<10112x128xf32, #tpu.memory_space<vmem_shared>>
          tpu.wait_indirect_dma semaphore(%run_scoped3A : memref<!tpu.dma_semaphore, #tpu.memory_space<semaphore_mem>>) src(%arg9 : memref<128x128xf32, #tpu.memory_space<vmem>>) dst(%dma_wait3A_80 : memref<10112x128xf32, #tpu.memory_space<vmem_shared>>)
          tpu.yield
        }) : () -> ()
      }
      %scan3A_40 = arith.constant 8 : i32
    }
    %while3A_21 = arith.constant 1 : i32
    scf.for %while3A_27 = %while3A_19 to %while3A_15 step %while3A_21  : i32 {
      %add3A_28 = arith.addi %select_n3A, %while3A_27 : i32
      "tpu.region"() ({
        %run_scoped3A = tpu.sem_alloc : memref<!tpu.dma_semaphore, #tpu.memory_space<semaphore_mem>>
        %dma_start3A_41 = arith.constant 0 : i32
        %dma_start3A_42 = arith.constant 0 : i32
        %dma_start3A_43 = tpu.memref_slice %arg3[%add3A_28, %dma_start3A_41, %dma_start3A_42] : memref<160x16x128xi32, #tpu.memory_space<hbm>> -> memref<1x16x128xi32, #tpu.memory_space<hbm>>
        %dma_start3A_44 = tpu.memref_squeeze %dma_start3A_43 : memref<1x16x128xi32, #tpu.memory_space<hbm>> -> memref<16x128xi32, #tpu.memory_space<hbm>>
        %dma_start3A_45 = arith.constant 0 : i32
        %dma_start3A_46 = arith.constant 0 : i32
        %dma_start3A_47 = tpu.memref_slice %arg3[%add3A_28, %dma_start3A_45, %dma_start3A_46] : memref<160x16x128xi32, #tpu.memory_space<hbm>> -> memref<1x16x128xi32, #tpu.memory_space<hbm>>
        %dma_start3A_48 = tpu.memref_squeeze %dma_start3A_47 : memref<1x16x128xi32, #tpu.memory_space<hbm>> -> memref<16x128xi32, #tpu.memory_space<hbm>>
        tpu.enqueue_dma source(%dma_start3A_48 : memref<16x128xi32, #tpu.memory_space<hbm>>) target(%arg6 : memref<16x128xi32, #tpu.memory_space<vmem>>) target_semaphore(%run_scoped3A : memref<!tpu.dma_semaphore, #tpu.memory_space<semaphore_mem>>)
        %dma_wait3A = arith.constant 0 : i32
        %dma_wait3A_49 = arith.constant 0 : i32
        %dma_wait3A_50 = tpu.memref_slice %arg3[%add3A_28, %dma_wait3A, %dma_wait3A_49] : memref<160x16x128xi32, #tpu.memory_space<hbm>> -> memref<1x16x128xi32, #tpu.memory_space<hbm>>
        %dma_wait3A_51 = tpu.memref_squeeze %dma_wait3A_50 : memref<1x16x128xi32, #tpu.memory_space<hbm>> -> memref<16x128xi32, #tpu.memory_space<hbm>>
        %dma_wait3A_52 = arith.constant 0 : i32
        %dma_wait3A_53 = arith.constant 0 : i32
        %dma_wait3A_54 = tpu.memref_slice %arg3[%add3A_28, %dma_wait3A_52, %dma_wait3A_53] : memref<160x16x128xi32, #tpu.memory_space<hbm>> -> memref<1x16x128xi32, #tpu.memory_space<hbm>>
        %dma_wait3A_55 = tpu.memref_squeeze %dma_wait3A_54 : memref<1x16x128xi32, #tpu.memory_space<hbm>> -> memref<16x128xi32, #tpu.memory_space<hbm>>
        tpu.wait_dma2 semaphore(%run_scoped3A : memref<!tpu.dma_semaphore, #tpu.memory_space<semaphore_mem>>) src(%dma_wait3A_55 : memref<16x128xi32, #tpu.memory_space<hbm>>) dst(%arg6 : memref<16x128xi32, #tpu.memory_space<vmem>>)
        tpu.yield
      }) : () -> ()
      %add3A_29 = arith.addi %select_n3A, %while3A_27 : i32
      "tpu.region"() ({
        %run_scoped3A = tpu.sem_alloc : memref<!tpu.dma_semaphore, #tpu.memory_space<semaphore_mem>>
        %dma_start3A_41 = arith.constant 0 : i32
        %dma_start3A_42 = arith.constant 0 : i32
        %dma_start3A_43 = tpu.memref_slice %arg4[%add3A_29, %dma_start3A_41, %dma_start3A_42] : memref<160x16x128xi32, #tpu.memory_space<hbm>> -> memref<1x16x128xi32, #tpu.memory_space<hbm>>
        %dma_start3A_44 = tpu.memref_squeeze %dma_start3A_43 : memref<1x16x128xi32, #tpu.memory_space<hbm>> -> memref<16x128xi32, #tpu.memory_space<hbm>>
        %dma_start3A_45 = arith.constant 0 : i32
        %dma_start3A_46 = arith.constant 0 : i32
        %dma_start3A_47 = tpu.memref_slice %arg4[%add3A_29, %dma_start3A_45, %dma_start3A_46] : memref<160x16x128xi32, #tpu.memory_space<hbm>> -> memref<1x16x128xi32, #tpu.memory_space<hbm>>
        %dma_start3A_48 = tpu.memref_squeeze %dma_start3A_47 : memref<1x16x128xi32, #tpu.memory_space<hbm>> -> memref<16x128xi32, #tpu.memory_space<hbm>>
        tpu.enqueue_dma source(%dma_start3A_48 : memref<16x128xi32, #tpu.memory_space<hbm>>) target(%arg7 : memref<16x128xi32, #tpu.memory_space<vmem>>) target_semaphore(%run_scoped3A : memref<!tpu.dma_semaphore, #tpu.memory_space<semaphore_mem>>)
        %dma_wait3A = arith.constant 0 : i32
        %dma_wait3A_49 = arith.constant 0 : i32
        %dma_wait3A_50 = tpu.memref_slice %arg4[%add3A_29, %dma_wait3A, %dma_wait3A_49] : memref<160x16x128xi32, #tpu.memory_space<hbm>> -> memref<1x16x128xi32, #tpu.memory_space<hbm>>
        %dma_wait3A_51 = tpu.memref_squeeze %dma_wait3A_50 : memref<1x16x128xi32, #tpu.memory_space<hbm>> -> memref<16x128xi32, #tpu.memory_space<hbm>>
        %dma_wait3A_52 = arith.constant 0 : i32
        %dma_wait3A_53 = arith.constant 0 : i32
        %dma_wait3A_54 = tpu.memref_slice %arg4[%add3A_29, %dma_wait3A_52, %dma_wait3A_53] : memref<160x16x128xi32, #tpu.memory_space<hbm>> -> memref<1x16x128xi32, #tpu.memory_space<hbm>>
        %dma_wait3A_55 = tpu.memref_squeeze %dma_wait3A_54 : memref<1x16x128xi32, #tpu.memory_space<hbm>> -> memref<16x128xi32, #tpu.memory_space<hbm>>
        tpu.wait_dma2 semaphore(%run_scoped3A : memref<!tpu.dma_semaphore, #tpu.memory_space<semaphore_mem>>) src(%dma_wait3A_55 : memref<16x128xi32, #tpu.memory_space<hbm>>) dst(%arg7 : memref<16x128xi32, #tpu.memory_space<vmem>>)
        tpu.yield
      }) : () -> ()
      %dma_start3A = arith.constant 0 : i32
      %dma_start3A_30 = arith.constant 0 : i32
      %dma_start3A_31 = tpu.memref_slice %arg6[%dma_start3A, %dma_start3A_30] : memref<16x128xi32, #tpu.memory_space<vmem>> -> memref<1x128xi32, #tpu.memory_space<vmem>>
      %dma_start3A_32 = tpu.memref_squeeze %dma_start3A_31 : memref<1x128xi32, #tpu.memory_space<vmem>> -> memref<128xi32, #tpu.memory_space<vmem>>
      %dma_start3A_33 = arith.constant 0 : i32
      %dma_start3A_34 = arith.constant 0 : i32
      %dma_start3A_35 = tpu.memref_slice %arg2[%dma_start3A_33, %dma_start3A_34] : memref<10112x128xf32, #tpu.memory_space<hbm>> -> memref<10112x128xf32, #tpu.memory_space<hbm>>
      tpu.enqueue_indirect_dma source(%dma_start3A_35 : memref<10112x128xf32, #tpu.memory_space<hbm>>) target(%arg8 : memref<128x128xf32, #tpu.memory_space<vmem>>) offsets(%dma_start3A_32 : memref<128xi32, #tpu.memory_space<vmem>>) semaphore(%arg11 : memref<!tpu.dma_semaphore, #tpu.memory_space<semaphore_mem>>)
      %scan3A = arith.constant 0 : i32
      %scan3A_36 = arith.constant 0 : i32
      %scan3A_37 = arith.constant 8 : i32
      %scan3A_38 = arith.addi %scan3A_36, %scan3A_37 : i32
      %scan3A_39 = arith.constant 1 : i32
      scf.for %scan3A_41 = %scan3A_36 to %scan3A_38 step %scan3A_39  : i32 {
        %mul3A_42 = arith.constant 2 : i32
        %mul3A_43 = arith.muli %mul3A_42, %scan3A_41 : i32
        %add3A_44 = arith.constant 1 : i32
        %add3A_45 = arith.addi %mul3A_43, %add3A_44 : i32
        %dma_start3A_46 = arith.constant 0 : i32
        %dma_start3A_47 = tpu.memref_slice %arg6[%add3A_45, %dma_start3A_46] : memref<16x128xi32, #tpu.memory_space<vmem>> -> memref<1x128xi32, #tpu.memory_space<vmem>>
        %dma_start3A_48 = tpu.memref_squeeze %dma_start3A_47 : memref<1x128xi32, #tpu.memory_space<vmem>> -> memref<128xi32, #tpu.memory_space<vmem>>
        %dma_start3A_49 = arith.constant 0 : i32
        %dma_start3A_50 = arith.constant 0 : i32
        %dma_start3A_51 = tpu.memref_slice %arg2[%dma_start3A_49, %dma_start3A_50] : memref<10112x128xf32, #tpu.memory_space<hbm>> -> memref<10112x128xf32, #tpu.memory_space<hbm>>
        tpu.enqueue_indirect_dma source(%dma_start3A_51 : memref<10112x128xf32, #tpu.memory_space<hbm>>) target(%arg9 : memref<128x128xf32, #tpu.memory_space<vmem>>) offsets(%dma_start3A_48 : memref<128xi32, #tpu.memory_space<vmem>>) semaphore(%arg12 : memref<!tpu.dma_semaphore, #tpu.memory_space<semaphore_mem>>)
        %dma_wait3A = arith.constant 0 : i32
        %dma_wait3A_52 = tpu.memref_slice %arg6[%mul3A_43, %dma_wait3A] : memref<16x128xi32, #tpu.memory_space<vmem>> -> memref<1x128xi32, #tpu.memory_space<vmem>>
        %dma_wait3A_53 = tpu.memref_squeeze %dma_wait3A_52 : memref<1x128xi32, #tpu.memory_space<vmem>> -> memref<128xi32, #tpu.memory_space<vmem>>
        %dma_wait3A_54 = arith.constant 0 : i32
        %dma_wait3A_55 = arith.constant 0 : i32
        %dma_wait3A_56 = tpu.memref_slice %arg2[%dma_wait3A_54, %dma_wait3A_55] : memref<10112x128xf32, #tpu.memory_space<hbm>> -> memref<10112x128xf32, #tpu.memory_space<hbm>>
        tpu.wait_indirect_dma semaphore(%arg11 : memref<!tpu.dma_semaphore, #tpu.memory_space<semaphore_mem>>) src(%dma_wait3A_56 : memref<10112x128xf32, #tpu.memory_space<hbm>>) dst(%arg8 : memref<128x128xf32, #tpu.memory_space<vmem>>)
        "tpu.region"() ({
          %run_scoped3A = tpu.sem_alloc : memref<!tpu.dma_semaphore, #tpu.memory_space<semaphore_mem>>
          %dma_start3A_69 = arith.constant 0 : i32
          %dma_start3A_70 = tpu.memref_slice %arg7[%mul3A_43, %dma_start3A_69] : memref<16x128xi32, #tpu.memory_space<vmem>> -> memref<1x128xi32, #tpu.memory_space<vmem>>
          %dma_start3A_71 = tpu.memref_squeeze %dma_start3A_70 : memref<1x128xi32, #tpu.memory_space<vmem>> -> memref<128xi32, #tpu.memory_space<vmem>>
          %dma_start3A_72 = arith.constant 0 : i32
          %dma_start3A_73 = arith.constant 0 : i32
          %dma_start3A_74 = tpu.memref_slice %arg10[%dma_start3A_72, %dma_start3A_73] : memref<10112x128xf32, #tpu.memory_space<vmem_shared>> -> memref<10112x128xf32, #tpu.memory_space<vmem_shared>>
          tpu.enqueue_indirect_dma source(%arg8 : memref<128x128xf32, #tpu.memory_space<vmem>>) target(%dma_start3A_74 : memref<10112x128xf32, #tpu.memory_space<vmem_shared>>) offsets(%dma_start3A_71 : memref<128xi32, #tpu.memory_space<vmem>>) semaphore(%run_scoped3A : memref<!tpu.dma_semaphore, #tpu.memory_space<semaphore_mem>>) {add = true}
          %dma_wait3A_75 = arith.constant 0 : i32
          %dma_wait3A_76 = tpu.memref_slice %arg7[%mul3A_43, %dma_wait3A_75] : memref<16x128xi32, #tpu.memory_space<vmem>> -> memref<1x128xi32, #tpu.memory_space<vmem>>
          %dma_wait3A_77 = tpu.memref_squeeze %dma_wait3A_76 : memref<1x128xi32, #tpu.memory_space<vmem>> -> memref<128xi32, #tpu.memory_space<vmem>>
          %dma_wait3A_78 = arith.constant 0 : i32
          %dma_wait3A_79 = arith.constant 0 : i32
          %dma_wait3A_80 = tpu.memref_slice %arg10[%dma_wait3A_78, %dma_wait3A_79] : memref<10112x128xf32, #tpu.memory_space<vmem_shared>> -> memref<10112x128xf32, #tpu.memory_space<vmem_shared>>
          tpu.wait_indirect_dma semaphore(%run_scoped3A : memref<!tpu.dma_semaphore, #tpu.memory_space<semaphore_mem>>) src(%arg8 : memref<128x128xf32, #tpu.memory_space<vmem>>) dst(%dma_wait3A_80 : memref<10112x128xf32, #tpu.memory_space<vmem_shared>>)
          tpu.yield
        }) : () -> ()
        %lt3A = arith.constant 7 : i32
        %lt3A_57 = arith.cmpi slt, %scan3A_41, %lt3A : i32
        %convert_element_type3A = arith.extui %lt3A_57 : i1 to i32
        %cond3A = arith.constant 0 : i32
        %cond3A_58 = arith.cmpi ne, %convert_element_type3A, %cond3A : i32
        scf.if %cond3A_58 {
          %add3A_69 = arith.constant 2 : i32
          %add3A_70 = arith.addi %mul3A_43, %add3A_69 : i32
          %dma_start3A_71 = arith.constant 0 : i32
          %dma_start3A_72 = tpu.memref_slice %arg6[%add3A_70, %dma_start3A_71] : memref<16x128xi32, #tpu.memory_space<vmem>> -> memref<1x128xi32, #tpu.memory_space<vmem>>
          %dma_start3A_73 = tpu.memref_squeeze %dma_start3A_72 : memref<1x128xi32, #tpu.memory_space<vmem>> -> memref<128xi32, #tpu.memory_space<vmem>>
          %dma_start3A_74 = arith.constant 0 : i32
          %dma_start3A_75 = arith.constant 0 : i32
          %dma_start3A_76 = tpu.memref_slice %arg2[%dma_start3A_74, %dma_start3A_75] : memref<10112x128xf32, #tpu.memory_space<hbm>> -> memref<10112x128xf32, #tpu.memory_space<hbm>>
          tpu.enqueue_indirect_dma source(%dma_start3A_76 : memref<10112x128xf32, #tpu.memory_space<hbm>>) target(%arg8 : memref<128x128xf32, #tpu.memory_space<vmem>>) offsets(%dma_start3A_73 : memref<128xi32, #tpu.memory_space<vmem>>) semaphore(%arg11 : memref<!tpu.dma_semaphore, #tpu.memory_space<semaphore_mem>>)
        } else {
        }
        %add3A_59 = arith.constant 1 : i32
        %add3A_60 = arith.addi %mul3A_43, %add3A_59 : i32
        %dma_wait3A_61 = arith.constant 0 : i32
        %dma_wait3A_62 = tpu.memref_slice %arg6[%add3A_60, %dma_wait3A_61] : memref<16x128xi32, #tpu.memory_space<vmem>> -> memref<1x128xi32, #tpu.memory_space<vmem>>
        %dma_wait3A_63 = tpu.memref_squeeze %dma_wait3A_62 : memref<1x128xi32, #tpu.memory_space<vmem>> -> memref<128xi32, #tpu.memory_space<vmem>>
        %dma_wait3A_64 = arith.constant 0 : i32
        %dma_wait3A_65 = arith.constant 0 : i32
        %dma_wait3A_66 = tpu.memref_slice %arg2[%dma_wait3A_64, %dma_wait3A_65] : memref<10112x128xf32, #tpu.memory_space<hbm>> -> memref<10112x128xf32, #tpu.memory_space<hbm>>
        tpu.wait_indirect_dma semaphore(%arg12 : memref<!tpu.dma_semaphore, #tpu.memory_space<semaphore_mem>>) src(%dma_wait3A_66 : memref<10112x128xf32, #tpu.memory_space<hbm>>) dst(%arg9 : memref<128x128xf32, #tpu.memory_space<vmem>>)
        %add3A_67 = arith.constant 1 : i32
        %add3A_68 = arith.addi %mul3A_43, %add3A_67 : i32
        "tpu.region"() ({
          %run_scoped3A = tpu.sem_alloc : memref<!tpu.dma_semaphore, #tpu.memory_space<semaphore_mem>>
          %dma_start3A_69 = arith.constant 0 : i32
          %dma_start3A_70 = tpu.memref_slice %arg7[%add3A_68, %dma_start3A_69] : memref<16x128xi32, #tpu.memory_space<vmem>> -> memref<1x128xi32, #tpu.memory_space<vmem>>
          %dma_start3A_71 = tpu.memref_squeeze %dma_start3A_70 : memref<1x128xi32, #tpu.memory_space<vmem>> -> memref<128xi32, #tpu.memory_space<vmem>>
          %dma_start3A_72 = arith.constant 0 : i32
          %dma_start3A_73 = arith.constant 0 : i32
          %dma_start3A_74 = tpu.memref_slice %arg10[%dma_start3A_72, %dma_start3A_73] : memref<10112x128xf32, #tpu.memory_space<vmem_shared>> -> memref<10112x128xf32, #tpu.memory_space<vmem_shared>>
          tpu.enqueue_indirect_dma source(%arg9 : memref<128x128xf32, #tpu.memory_space<vmem>>) target(%dma_start3A_74 : memref<10112x128xf32, #tpu.memory_space<vmem_shared>>) offsets(%dma_start3A_71 : memref<128xi32, #tpu.memory_space<vmem>>) semaphore(%run_scoped3A : memref<!tpu.dma_semaphore, #tpu.memory_space<semaphore_mem>>) {add = true}
          %dma_wait3A_75 = arith.constant 0 : i32
          %dma_wait3A_76 = tpu.memref_slice %arg7[%add3A_68, %dma_wait3A_75] : memref<16x128xi32, #tpu.memory_space<vmem>> -> memref<1x128xi32, #tpu.memory_space<vmem>>
          %dma_wait3A_77 = tpu.memref_squeeze %dma_wait3A_76 : memref<1x128xi32, #tpu.memory_space<vmem>> -> memref<128xi32, #tpu.memory_space<vmem>>
          %dma_wait3A_78 = arith.constant 0 : i32
          %dma_wait3A_79 = arith.constant 0 : i32
          %dma_wait3A_80 = tpu.memref_slice %arg10[%dma_wait3A_78, %dma_wait3A_79] : memref<10112x128xf32, #tpu.memory_space<vmem_shared>> -> memref<10112x128xf32, #tpu.memory_space<vmem_shared>>
          tpu.wait_indirect_dma semaphore(%run_scoped3A : memref<!tpu.dma_semaphore, #tpu.memory_space<semaphore_mem>>) src(%arg9 : memref<128x128xf32, #tpu.memory_space<vmem>>) dst(%dma_wait3A_80 : memref<10112x128xf32, #tpu.memory_space<vmem_shared>>)
          tpu.yield
        }) : () -> ()
      }
      %scan3A_40 = arith.constant 8 : i32
    }
    %barrier3A_22 = arith.constant 0 : index
    tpu.barrier barrier_id(%barrier3A_22)
    "tpu.trace_stop"() : () -> ()
    "tpu.trace_start"() <{level = 10 : i32, message = "writeback"}> : () -> ()
    %mul3A_23 = arith.constant 632 : i32
    %mul3A_24 = arith.muli %arg1, %mul3A_23 : i32
    %mul3A_25 = arith.constant 632 : i32
    %mul3A_26 = arith.muli %arg1, %mul3A_25 : i32
    "tpu.region"() ({
      %run_scoped3A = tpu.sem_alloc : memref<!tpu.dma_semaphore, #tpu.memory_space<semaphore_mem>>
      %dma_start3A = arith.constant 0 : i32
      %dma_start3A_27 = tpu.memref_slice %arg5[%arg0, %mul3A_26, %dma_start3A] : memref<2x10112x128xf32, #tpu.memory_space<hbm>> -> memref<1x632x128xf32, #tpu.memory_space<hbm>>
      %dma_start3A_28 = tpu.memref_squeeze %dma_start3A_27 : memref<1x632x128xf32, #tpu.memory_space<hbm>> -> memref<632x128xf32, #tpu.memory_space<hbm>>
      %dma_start3A_29 = arith.constant 0 : i32
      %dma_start3A_30 = tpu.memref_slice %arg10[%mul3A_24, %dma_start3A_29] : memref<10112x128xf32, #tpu.memory_space<vmem_shared>> -> memref<632x128xf32, #tpu.memory_space<vmem_shared>>
      tpu.enqueue_dma source(%dma_start3A_30 : memref<632x128xf32, #tpu.memory_space<vmem_shared>>) target(%dma_start3A_28 : memref<632x128xf32, #tpu.memory_space<hbm>>) target_semaphore(%run_scoped3A : memref<!tpu.dma_semaphore, #tpu.memory_space<semaphore_mem>>)
      %dma_wait3A = arith.constant 0 : i32
      %dma_wait3A_31 = tpu.memref_slice %arg5[%arg0, %mul3A_26, %dma_wait3A] : memref<2x10112x128xf32, #tpu.memory_space<hbm>> -> memref<1x632x128xf32, #tpu.memory_space<hbm>>
      %dma_wait3A_32 = tpu.memref_squeeze %dma_wait3A_31 : memref<1x632x128xf32, #tpu.memory_space<hbm>> -> memref<632x128xf32, #tpu.memory_space<hbm>>
      %dma_wait3A_33 = arith.constant 0 : i32
      %dma_wait3A_34 = tpu.memref_slice %arg10[%mul3A_24, %dma_wait3A_33] : memref<10112x128xf32, #tpu.memory_space<vmem_shared>> -> memref<632x128xf32, #tpu.memory_space<vmem_shared>>
      tpu.wait_dma2 semaphore(%run_scoped3A : memref<!tpu.dma_semaphore, #tpu.memory_space<semaphore_mem>>) src(%dma_wait3A_34 : memref<632x128xf32, #tpu.memory_space<vmem_shared>>) dst(%dma_wait3A_32 : memref<632x128xf32, #tpu.memory_space<hbm>>)
      tpu.yield
    }) : () -> ()
    "tpu.trace_stop"() : () -> ()
    return
  }
}

module attributes {stable_mosaic.version = 14 : i64} {
  func.func @_tc_deg_body(%arg0: memref<32x80x128xf32, #tpu.memory_space<vmem>>, %arg1: memref<80x128xf32, #tpu.memory_space<vmem>>) attributes {dimension_semantics = [], scalar_prefetch = 0 : i64, scratch_operands = 0 : i64, tpu.core_type = #tpu.core_type<tc>} {
    %get3A = arith.constant 0 : index
    %get3A_0 = arith.constant 0 : index
    %get3A_1 = arith.constant 0 : index
    %get3A_2 = vector.load %arg0[%get3A, %get3A_0, %get3A_1] : memref<32x80x128xf32, #tpu.memory_space<vmem>>, vector<32x80x128xf32>
    %reduce_sum3A = arith.constant dense<0.000000e+00> : vector<80x128xf32>
    %reduce_sum3A_3 = vector.multi_reduction <add>, %get3A_2, %reduce_sum3A [0] : vector<32x80x128xf32> to vector<80x128xf32>
    %add3A = arith.constant 1.000000e+00 : f32
    %add3A_4 = vector.broadcast %add3A : f32 to vector<80x128xf32>
    %add3A_5 = arith.addf %reduce_sum3A_3, %add3A_4 : vector<80x128xf32>
    %rsqrt3A = math.rsqrt %add3A_5 : vector<80x128xf32>
    %swap3A = arith.constant 0 : index
    %swap3A_6 = arith.constant 0 : index
    %swap3A_7 = vector.load %arg1[%swap3A, %swap3A_6] : memref<80x128xf32, #tpu.memory_space<vmem>>, vector<80x128xf32>
    tpu.vector_store %arg1[%swap3A, %swap3A_6], %rsqrt3A {strides = array<i32>} : memref<80x128xf32, #tpu.memory_space<vmem>>, vector<80x128xf32>,
    return
  }
}

module attributes {stable_mosaic.version = 14 : i64} {
  func.func @_tc_pre_body(%arg0: memref<10000x128xf32, #tpu.memory_space<vmem>>, %arg1: memref<128x128xf32, #tpu.memory_space<vmem>>, %arg2: memref<10000x1xf32, #tpu.memory_space<vmem>>, %arg3: memref<10112x128xf32, #tpu.memory_space<vmem>>) attributes {dimension_semantics = [], scalar_prefetch = 0 : i64, scratch_operands = 0 : i64, tpu.core_type = #tpu.core_type<tc>} {
    %get3A = arith.constant 0 : index
    %get3A_0 = arith.constant 0 : index
    %get3A_1 = vector.load %arg2[%get3A, %get3A_0] : memref<10000x1xf32, #tpu.memory_space<vmem>>, vector<10000x1xf32>
    %get3A_2 = arith.constant 0 : index
    %get3A_3 = arith.constant 0 : index
    %get3A_4 = vector.load %arg0[%get3A_2, %get3A_3] : memref<10000x128xf32, #tpu.memory_space<vmem>>, vector<10000x128xf32>
    %get3A_5 = arith.constant 0 : index
    %get3A_6 = arith.constant 0 : index
    %get3A_7 = vector.load %arg1[%get3A_5, %get3A_6] : memref<128x128xf32, #tpu.memory_space<vmem>>, vector<128x128xf32>
    %dot_general3A = arith.constant dense<0.000000e+00> : vector<10000x128xf32>
    %dot_general3A_8 = tpu.matmul %get3A_4, %get3A_7, %dot_general3A {dimension_numbers = #tpu.dot_dimension_numbers<[1], [0], [0], [1], [0, 0, 1, 1], [], []>, transpose_lhs_hint = false} : vector<10000x128xf32>, vector<128x128xf32>, vector<10000x128xf32> -> vector<10000x128xf32>
    %mul3A = vector.broadcast %get3A_1 : vector<10000x1xf32> to vector<10000x128xf32>
    %mul3A_9 = arith.mulf %dot_general3A_8, %mul3A : vector<10000x128xf32>
    %swap3A = arith.constant 0 : index
    %swap3A_10 = arith.constant 0 : index
    %swap3A_11 = vector.load %arg3[%swap3A, %swap3A_10] : memref<10112x128xf32, #tpu.memory_space<vmem>>, vector<10000x128xf32>
    tpu.vector_store %arg3[%swap3A, %swap3A_10], %mul3A_9 {strides = array<i32>} : memref<10112x128xf32, #tpu.memory_space<vmem>>, vector<10000x128xf32>,
    %broadcast_in_dim3A = arith.constant 0.000000e+00 : f32
    %broadcast_in_dim3A_12 = vector.broadcast %broadcast_in_dim3A : f32 to vector<112x128xf32>
    %swap3A_13 = arith.constant 10000 : index
    %swap3A_14 = arith.constant 0 : index
    %swap3A_15 = vector.load %arg3[%swap3A_13, %swap3A_14] : memref<10112x128xf32, #tpu.memory_space<vmem>>, vector<112x128xf32>
    tpu.vector_store %arg3[%swap3A_13, %swap3A_14], %broadcast_in_dim3A_12 {strides = array<i32>} : memref<10112x128xf32, #tpu.memory_space<vmem>>, vector<112x128xf32>,
    return
  }
}

module attributes {stable_mosaic.version = 14 : i64} {
  func.func @_tc_mid_body(%arg0: memref<2x10112x128xf32, #tpu.memory_space<vmem>>, %arg1: memref<10112x128xf32, #tpu.memory_space<vmem>>, %arg2: memref<10000x1xf32, #tpu.memory_space<vmem>>, %arg3: memref<1x128xf32, #tpu.memory_space<vmem>>, %arg4: memref<1x128xf32, #tpu.memory_space<vmem>>, %arg5: memref<1x128xf32, #tpu.memory_space<vmem>>, %arg6: memref<128x128xf32, #tpu.memory_space<vmem>>, %arg7: memref<10112x128xf32, #tpu.memory_space<vmem>>) attributes {dimension_semantics = [], scalar_prefetch = 0 : i64, scratch_operands = 0 : i64, tpu.core_type = #tpu.core_type<tc>} {
    %get3A = arith.constant 0 : index
    %get3A_0 = arith.constant 0 : index
    %get3A_1 = vector.load %arg2[%get3A, %get3A_0] : memref<10000x1xf32, #tpu.memory_space<vmem>>, vector<10000x1xf32>
    %get3A_2 = arith.constant 0 : index
    %get3A_3 = arith.constant 0 : index
    %get3A_4 = arith.constant 0 : index
    %get3A_5 = vector.load %arg0[%get3A_2, %get3A_3, %get3A_4] : memref<2x10112x128xf32, #tpu.memory_space<vmem>>, vector<1x10000x128xf32>
    %get3A_6 = vector.shape_cast %get3A_5 : vector<1x10000x128xf32> to vector<10000x128xf32>
    %get3A_7 = arith.constant 1 : index
    %get3A_8 = arith.constant 0 : index
    %get3A_9 = arith.constant 0 : index
    %get3A_10 = vector.load %arg0[%get3A_7, %get3A_8, %get3A_9] : memref<2x10112x128xf32, #tpu.memory_space<vmem>>, vector<1x10000x128xf32>
    %get3A_11 = vector.shape_cast %get3A_10 : vector<1x10000x128xf32> to vector<10000x128xf32>
    %add3A = arith.addf %get3A_6, %get3A_11 : vector<10000x128xf32>
    %get3A_12 = arith.constant 0 : index
    %get3A_13 = arith.constant 0 : index
    %get3A_14 = vector.load %arg1[%get3A_12, %get3A_13] : memref<10112x128xf32, #tpu.memory_space<vmem>>, vector<10000x128xf32>
    %sub3A = arith.subf %add3A, %get3A_14 : vector<10000x128xf32>
    %mul3A = vector.broadcast %get3A_1 : vector<10000x1xf32> to vector<10000x128xf32>
    %mul3A_15 = arith.mulf %sub3A, %mul3A : vector<10000x128xf32>
    %get3A_16 = arith.constant 0 : index
    %get3A_17 = arith.constant 0 : index
    %get3A_18 = vector.load %arg3[%get3A_16, %get3A_17] : memref<1x128xf32, #tpu.memory_space<vmem>>, vector<1x128xf32>
    %add3A_19 = vector.broadcast %get3A_18 : vector<1x128xf32> to vector<10000x128xf32>
    %add3A_20 = arith.addf %mul3A_15, %add3A_19 : vector<10000x128xf32>
    %reduce_sum3A = arith.constant dense<0.000000e+00> : vector<128xf32>
    %reduce_sum3A_21 = vector.multi_reduction <add>, %add3A_20, %reduce_sum3A [0] : vector<10000x128xf32> to vector<128xf32>
    %broadcast_in_dim3A = vector.shape_cast %reduce_sum3A_21 : vector<128xf32> to vector<1x128xf32>
    %div3A = arith.constant 1.000000e+04 : f32
    %div3A_22 = vector.broadcast %div3A : f32 to vector<1x128xf32>
    %div3A_23 = arith.divf %broadcast_in_dim3A, %div3A_22 : vector<1x128xf32>
    %sub3A_24 = vector.broadcast %div3A_23 : vector<1x128xf32> to vector<10000x128xf32>
    %sub3A_25 = arith.subf %add3A_20, %sub3A_24 : vector<10000x128xf32>
    %integer_pow3A = arith.mulf %sub3A_25, %sub3A_25 : vector<10000x128xf32>
    %reduce_sum3A_26 = arith.constant dense<0.000000e+00> : vector<128xf32>
    %reduce_sum3A_27 = vector.multi_reduction <add>, %integer_pow3A, %reduce_sum3A_26 [0] : vector<10000x128xf32> to vector<128xf32>
    %broadcast_in_dim3A_28 = vector.shape_cast %reduce_sum3A_27 : vector<128xf32> to vector<1x128xf32>
    %div3A_29 = arith.constant 1.000000e+04 : f32
    %div3A_30 = vector.broadcast %div3A_29 : f32 to vector<1x128xf32>
    %div3A_31 = arith.divf %broadcast_in_dim3A_28, %div3A_30 : vector<1x128xf32>
    %sub3A_32 = vector.broadcast %div3A_23 : vector<1x128xf32> to vector<10000x128xf32>
    %sub3A_33 = arith.subf %add3A_20, %sub3A_32 : vector<10000x128xf32>
    %add3A_34 = arith.constant 9.99999974E-6 : f32
    %add3A_35 = vector.broadcast %add3A_34 : f32 to vector<1x128xf32>
    %add3A_36 = arith.addf %div3A_31, %add3A_35 : vector<1x128xf32>
    %rsqrt3A = math.rsqrt %add3A_36 : vector<1x128xf32>
    %mul3A_37 = vector.broadcast %rsqrt3A : vector<1x128xf32> to vector<10000x128xf32>
    %mul3A_38 = arith.mulf %sub3A_33, %mul3A_37 : vector<10000x128xf32>
    %get3A_39 = arith.constant 0 : index
    %get3A_40 = arith.constant 0 : index
    %get3A_41 = vector.load %arg4[%get3A_39, %get3A_40] : memref<1x128xf32, #tpu.memory_space<vmem>>, vector<1x128xf32>
    %mul3A_42 = vector.broadcast %get3A_41 : vector<1x128xf32> to vector<10000x128xf32>
    %mul3A_43 = arith.mulf %mul3A_38, %mul3A_42 : vector<10000x128xf32>
    %get3A_44 = arith.constant 0 : index
    %get3A_45 = arith.constant 0 : index
    %get3A_46 = vector.load %arg5[%get3A_44, %get3A_45] : memref<1x128xf32, #tpu.memory_space<vmem>>, vector<1x128xf32>
    %add3A_47 = vector.broadcast %get3A_46 : vector<1x128xf32> to vector<10000x128xf32>
    %add3A_48 = arith.addf %mul3A_43, %add3A_47 : vector<10000x128xf32>
    %max3A = arith.constant 0.000000e+00 : f32
    %max3A_49 = vector.broadcast %max3A : f32 to vector<10000x128xf32>
    %max3A_50 = arith.maximumf %add3A_48, %max3A_49 : vector<10000x128xf32>
    %get3A_51 = arith.constant 0 : index
    %get3A_52 = arith.constant 0 : index
    %get3A_53 = vector.load %arg6[%get3A_51, %get3A_52] : memref<128x128xf32, #tpu.memory_space<vmem>>, vector<128x128xf32>
    %dot_general3A = arith.constant dense<0.000000e+00> : vector<10000x128xf32>
    %dot_general3A_54 = tpu.matmul %max3A_50, %get3A_53, %dot_general3A {dimension_numbers = #tpu.dot_dimension_numbers<[1], [0], [0], [1], [0, 0, 1, 1], [], []>, transpose_lhs_hint = false} : vector<10000x128xf32>, vector<128x128xf32>, vector<10000x128xf32> -> vector<10000x128xf32>
    %mul3A_55 = vector.broadcast %get3A_1 : vector<10000x1xf32> to vector<10000x128xf32>
    %mul3A_56 = arith.mulf %dot_general3A_54, %mul3A_55 : vector<10000x128xf32>
    %swap3A = arith.constant 0 : index
    %swap3A_57 = arith.constant 0 : index
    %swap3A_58 = vector.load %arg7[%swap3A, %swap3A_57] : memref<10112x128xf32, #tpu.memory_space<vmem>>, vector<10000x128xf32>
    tpu.vector_store %arg7[%swap3A, %swap3A_57], %mul3A_56 {strides = array<i32>} : memref<10112x128xf32, #tpu.memory_space<vmem>>, vector<10000x128xf32>,
    %broadcast_in_dim3A_59 = arith.constant 0.000000e+00 : f32
    %broadcast_in_dim3A_60 = vector.broadcast %broadcast_in_dim3A_59 : f32 to vector<112x128xf32>
    %swap3A_61 = arith.constant 10000 : index
    %swap3A_62 = arith.constant 0 : index
    %swap3A_63 = vector.load %arg7[%swap3A_61, %swap3A_62] : memref<10112x128xf32, #tpu.memory_space<vmem>>, vector<112x128xf32>
    tpu.vector_store %arg7[%swap3A_61, %swap3A_62], %broadcast_in_dim3A_60 {strides = array<i32>} : memref<10112x128xf32, #tpu.memory_space<vmem>>, vector<112x128xf32>,
    return
  }
}

module attributes {stable_mosaic.version = 14 : i64} {
  func.func @_tc_post_body(%arg0: memref<2x10112x128xf32, #tpu.memory_space<vmem>>, %arg1: memref<10112x128xf32, #tpu.memory_space<vmem>>, %arg2: memref<10000x1xf32, #tpu.memory_space<vmem>>, %arg3: memref<1x128xf32, #tpu.memory_space<vmem>>, %arg4: memref<10000x128xf32, #tpu.memory_space<vmem>>) attributes {dimension_semantics = [], scalar_prefetch = 0 : i64, scratch_operands = 0 : i64, tpu.core_type = #tpu.core_type<tc>} {
    %get3A = arith.constant 0 : index
    %get3A_0 = arith.constant 0 : index
    %get3A_1 = vector.load %arg2[%get3A, %get3A_0] : memref<10000x1xf32, #tpu.memory_space<vmem>>, vector<10000x1xf32>
    %get3A_2 = arith.constant 0 : index
    %get3A_3 = arith.constant 0 : index
    %get3A_4 = arith.constant 0 : index
    %get3A_5 = vector.load %arg0[%get3A_2, %get3A_3, %get3A_4] : memref<2x10112x128xf32, #tpu.memory_space<vmem>>, vector<1x10000x128xf32>
    %get3A_6 = vector.shape_cast %get3A_5 : vector<1x10000x128xf32> to vector<10000x128xf32>
    %get3A_7 = arith.constant 1 : index
    %get3A_8 = arith.constant 0 : index
    %get3A_9 = arith.constant 0 : index
    %get3A_10 = vector.load %arg0[%get3A_7, %get3A_8, %get3A_9] : memref<2x10112x128xf32, #tpu.memory_space<vmem>>, vector<1x10000x128xf32>
    %get3A_11 = vector.shape_cast %get3A_10 : vector<1x10000x128xf32> to vector<10000x128xf32>
    %add3A = arith.addf %get3A_6, %get3A_11 : vector<10000x128xf32>
    %get3A_12 = arith.constant 0 : index
    %get3A_13 = arith.constant 0 : index
    %get3A_14 = vector.load %arg1[%get3A_12, %get3A_13] : memref<10112x128xf32, #tpu.memory_space<vmem>>, vector<10000x128xf32>
    %sub3A = arith.subf %add3A, %get3A_14 : vector<10000x128xf32>
    %mul3A = vector.broadcast %get3A_1 : vector<10000x1xf32> to vector<10000x128xf32>
    %mul3A_15 = arith.mulf %sub3A, %mul3A : vector<10000x128xf32>
    %get3A_16 = arith.constant 0 : index
    %get3A_17 = arith.constant 0 : index
    %get3A_18 = vector.load %arg3[%get3A_16, %get3A_17] : memref<1x128xf32, #tpu.memory_space<vmem>>, vector<1x128xf32>
    %add3A_19 = vector.broadcast %get3A_18 : vector<1x128xf32> to vector<10000x128xf32>
    %add3A_20 = arith.addf %mul3A_15, %add3A_19 : vector<10000x128xf32>
    %swap3A = arith.constant 0 : index
    %swap3A_21 = arith.constant 0 : index
    %swap3A_22 = vector.load %arg4[%swap3A, %swap3A_21] : memref<10000x128xf32, #tpu.memory_space<vmem>>, vector<10000x128xf32>
    tpu.vector_store %arg4[%swap3A, %swap3A_21], %add3A_20 {strides = array<i32>} : memref<10000x128xf32, #tpu.memory_space<vmem>>, vector<10000x128xf32>,
    return
  }
}

</mosaic_0001>

<sc_bundles>
// kernel: kernel.11.cloned.1.call-start
scs
__scs_entry_jumppad:
0x0: {  	(pc) =	sbr.rel $0x88, $3  }
0x1: {  	(tag) =	ssettag $0x0;
	lr =	simm.s32 $0x1  }
0x2: {  	[smem:$0x3F95] =	sst lr;
	_ =	strace $0xD0000000  }
0x3: {  	_ = 	snop  }
0x4: {  	_ = 	snop  }
0x5: {  	_ = 	snop  }
0x6: {  	_ = 	snop  }
0x7: {  	_ = 	snop  }
__scs_overlays_trampoline_lowered:
0x8: {  	[smem:$0x3FA4] =	sst s0  }
0x9: {  	[smem:$0x3FA5] =	sst s1  }
0xa: {  	[smem:$0x3FA6] =	sst s2  }
0xb: {  	[smem:$0x3FA7] =	sst s3  }
0xc: {  	[smem:$0x3FA8] =	sst s4  }
0xd: {  	[smem:$0x3FA9] =	sst s5  }
0xe: {  	[smem:$0x3FAA] =	sst s6  }
0xf: {  	[smem:$0x3FAB] =	sst s7  }
0x10: {  	[smem:$0x3FAC] =	sst s8  }
0x11: {  	[smem:$0x3FAD] =	sst s9;
	s0 =	simm.s32 @!p0 $0x0  }
0x12: {  	s1 =	sld [smem:$0x3F93];
	s0 =	simm.s32 @p0 $0x1  }
0x13: {  	[smem:$0x3FAE] =	sst s0;
	s0 =	simm.s32 @!p1 $0x0  }
0x14: {  	s2 =	sld [smem:$0x3F92];
	s0 =	simm.s32 @p1 $0x1  }
0x15: {  	[smem:$0x3FAF] =	sst s0;
	s0 =	simm.s32 @!p2 $0x0  }
0x16: {  	s3 =	sld [smem:$0x3FDB];
	s0 =	simm.s32 @p2 $0x1  }
0x17: {  	s4 =	simm.s32 $0x1BF5;
	[smem:$0x3FB1] =	sst s0  }
0x18: {  	s0 =	sld [smem:$0x3F94];
	_ =	swait.ge [sflag:s4], $0x0  }
0x19: {  	s7 =	sld [smem:$0x3F95]  }
0x1a: {  	s8 =	sadd.s32 $0xFFFFE003, lr  }
0x1b: {  	s9 =	sadd.s32 $0xFFFFFEF7, lr;
	s5 =	simm.s32 $0xFFFFFFFF;
	p2 =	slt.u32 s8, $0xFFFFF086  }
0x1c: {  	p1 =	slt.u32 s9, $0xF7A;
	s5 =	simm.s32 @!p2 $0x0  }
0x1d: {  	s5 =	simm.s32 @p1 $0x1;
	p0 =	seq.s32 s7, s2  }
0x1e: {  	s7 =	smul.u32 @!p0 $0xF7A, s2;
	p2 =	seq.s32 @!p0 s5, $0x0  }
0x1f: {  	s9 =	smul.u32 $0xF7A, s1;
	s8 =	simm.s32 @!p0 $0x1BF5;
	p2 =	por !p2, p0  }
0x20: {  	[sflag:s8] =	ssyncset.s32 @!p0 $0xFFFFF086;
	s6 =	sadd.s32 @!p0 s3, s7;
	s7 =	simm.s32 @!p0 $0x108  }
0x21: {  	s3 =	sadd.s32 s3, s9;
	s6 =	sadd.s32 @!p0 $0x88, s6;
	s7 =	simm.s32 @p2 $0x1082  }
0x22: {  	[simem:s7], [sflag:s8] =	dma.local @!p0 [hbm:s6], $0xF7A  }
0x23: {  	s9 =	sor.u32 $0xD0000000, s2;
	s6 =	simm.s32 $0x108;
	_ =	swait.ge @!p0 [sflag:s8], $0x0  }
0x24: {  	s3 =	sadd.s32 $0x88, s3;
	s6 =	simm.s32 @!p1 $0x1082;
	[sflag:s4] =	ssyncset.s32 $0xFFFFF086  }
0x25: {  	[simem:s6], [sflag:s4] =	dma.local [hbm:s3], $0xF7A  }
0x26: {  	[smem:$0x3F95] =	sst s1;
	(tag) =	ssettag s2;
	_ =	strace s9  }
0x27: {  	s1 =	sld [smem:$0x3FA5]  }
0x28: {  	s2 =	sld [smem:$0x3FA6]  }
0x29: {  	s4 =	sld [smem:$0x3FA8]  }
0x2a: {  	p0 =	seq.s32 s5, $0x0;
	s5 =	sld [smem:$0x3FA9]  }
0x2b: {  	s6 =	sld [smem:$0x3FAA]  }
0x2c: {  	s7 =	sld [smem:$0x3FAB]  }
0x2d: {  	s3 =	simm.s32 $0x108;
	s8 =	sld [smem:$0x3FAC]  }
0x2e: {  	s3 =	simm.s32 @!p0 $0x1082;
	s9 =	sld [smem:$0x3FAD]  }
0x2f: {  	lr =	sadd.s32 s0, s3;
	s0 =	sld [smem:$0x3FA4]  }
0x30: {  	s3 =	sld [smem:$0x3FA7]  }
0x31: {  	[smem:$0x3FB0] =	sst s10  }
0x32: {  	s10 =	sld [smem:$0x3FAE];
	_ =	sdelay $0x3  }
0x33: {  	p0 =	seq.s32 s10, $0x1;
	s10 =	sld [smem:$0x3FB0];
	_ =	sdelay $0x3  }
0x34: {  	[smem:$0x3FB0] =	sst s10  }
0x35: {  	s10 =	sld [smem:$0x3FAF];
	_ =	sdelay $0x3  }
0x36: {  	p1 =	seq.s32 s10, $0x1;
	s10 =	sld [smem:$0x3FB0];
	_ =	sdelay $0x3  }
0x37: {  	[smem:$0x3FB0] =	sst s10  }
0x38: {  	s10 =	sld [smem:$0x3FB1]  }
0x39: {  	_ = 	snop;
	(pc) =	sbr.ind lr, $3  }
0x3a: {  	_ = 	snop  }
0x3b: {  	_ = 	snop  }
0x3c: {  	p2 =	seq.s32 s10, $0x1;
	s10 =	sld [smem:$0x3FB0]  }
0x3d: {  	_ =	shalt  }
0x3e: {  	_ =	shalt  }
0x3f: {  	_ =	shalt  }
0x40: {  	_ =	shalt  }
0x41: {  	_ =	shalt  }
0x42: {  	_ =	shalt  }
0x43: {  	_ =	shalt  }
0x44: {  	_ =	shalt  }
0x45: {  	_ =	shalt  }
0x46: {  	_ =	shalt  }
0x47: {  	_ =	shalt  }
0x48: {  	_ =	shalt  }
0x49: {  	_ =	shalt  }
0x4a: {  	_ =	shalt  }
0x4b: {  	_ =	shalt  }
0x4c: {  	_ =	shalt  }
0x4d: {  	_ =	shalt  }
0x4e: {  	_ =	shalt  }
0x4f: {  	_ =	shalt  }
0x50: {  	_ =	shalt  }
0x51: {  	_ =	shalt  }
0x52: {  	_ =	shalt  }
0x53: {  	_ =	shalt  }
0x54: {  	_ =	shalt  }
0x55: {  	_ =	shalt  }
0x56: {  	_ =	shalt  }
0x57: {  	_ =	shalt  }
0x58: {  	_ =	shalt  }
0x59: {  	_ =	shalt  }
0x5a: {  	_ =	shalt  }
0x5b: {  	_ =	shalt  }
0x5c: {  	_ =	shalt  }
0x5d: {  	_ =	shalt  }
0x5e: {  	_ =	shalt  }
0x5f: {  	_ =	shalt  }
0x60: {  	_ =	shalt  }
0x61: {  	_ =	shalt  }
0x62: {  	_ =	shalt  }
0x63: {  	_ =	shalt  }
0x64: {  	_ =	shalt  }
0x65: {  	_ =	shalt  }
0x66: {  	_ =	shalt  }
0x67: {  	_ =	shalt  }
0x68: {  	_ =	shalt  }
0x69: {  	_ =	shalt  }
0x6a: {  	_ =	shalt  }
0x6b: {  	_ =	shalt  }
0x6c: {  	_ =	shalt  }
0x6d: {  	_ =	shalt  }
0x6e: {  	_ =	shalt  }
0x6f: {  	_ =	shalt  }
0x70: {  	_ =	shalt  }
0x71: {  	_ =	shalt  }
0x72: {  	_ =	shalt  }
0x73: {  	_ =	shalt  }
0x74: {  	_ =	shalt  }
0x75: {  	_ =	shalt  }
0x76: {  	_ =	shalt  }
0x77: {  	_ =	shalt  }
0x78: {  	_ =	shalt  }
0x79: {  	_ =	shalt  }
0x7a: {  	_ =	shalt  }
0x7b: {  	_ =	shalt  }
0x7c: {  	_ =	shalt  }
0x7d: {  	_ =	shalt  }
0x7e: {  	_ =	shalt  }
0x7f: {  	_ =	shalt  }
0x80: {  	_ =	shalt  }
0x81: {  	_ =	shalt  }
0x82: {  	_ =	shalt  }
0x83: {  	_ =	shalt  }
0x84: {  	_ =	shalt  }
0x85: {  	_ =	shalt  }
0x86: {  	_ =	shalt  }
0x87: {  	_ =	shalt  }
.Lfunc_end0:
.L_simem_size_0:
called_computation_lowered:
.L_overlay_start_0:
0x88: {  	s2 =	sld [smem:$0x3FD9]  }
0x89: {  	s3 =	sld [smem:$0x3FFE];
	_ =	sdelay $0x1  }
0x8a: {  	s1 =	srdreg.scid  }
0x8b: {  	s0 =	sand.u32 $0x1, s1  }
0x8c: {  	s17 =	sshll.u32 s0, $0xA;
	s2 =	sadd.s32 s3, s2  }
0x8d: {  	s2 =	sadd.s32 s2, s17  }
0x8e: {  	[smem:$0x3FBC] =	sst s2  }
0x8f: {  	_ = 	snop  }
0x90: {  	s2 =	sld [smem:$0x3FD0];
	(tm) =	ssettm $0x1  }
0x91: {  	s18 =	sld [smem:$0x3FFB];
	_ =	sdelay $0x3  }
0x92: {  	_ =	strace s18  }
0x93: {  	s3 =	sld [smem:$0x3FFC];
	_ =	sdelay $0x3  }
0x94: {  	_ =	strace s3  }
0x95: {  	s3 =	sld [smem:$0x3FFD];
	_ =	sdelay $0x3  }
0x96: {  	_ =	strace s3  }
0x97: {  	_ =	strace $0x8FFFFFFF  }
0x98: {  	s19 =	sld [smem:$0x3FDB];
	_ =	sdelay $0x1  }
0x99: {  	s4 =	simm.s32 $_scs_section_size  }
0x9a: {  	s5 =	simm.s32 $_size__tile_overlayer_lowered;
	s6 =	simm.s32 $_tile_overlayer_lowered  }
0x9b: {  	s22 =	simm.s32 $0x1BFF;
	s21 =	sshll.u32 s6, $0x1;
	s3 =	sadd.s32 s4, s19  }
0x9c: {  	s7 =	simm.s32 $0x0;
	s20 =	sshll.u32 s5, $0x1;
	s5 =	sadd.s32 s21, s3  }
0x9d: {  	[timem:s7], [sflag:s22] =	dma.local [hbm:s5], s20  }
0x9e: {  	_ =	swait.ge [sflag:s22], s20  }
0x9f: {  	s4 =	ssub.s32 $0x0, s20;
	[sflag:s22] =	ssyncset.done $0x0  }
0xa0: {  	[sflag:s22] =	ssyncadd.s32 s4;
	_ =	sdelay $0x1  }
0xa1: {  	s23 =	simm.s32 $0x1B8B  }
0xa2: {  	_ =	swait.ge [sflag:s23], $0x1  }
0xa3: {  	[sflag:s23] =	ssyncset.done $0x0  }
0xa4: {  	s25 =	simm.s32 $0x1B8E;
	s24 =	sld [smem:$0x3FFE];
	[sflag:s23] =	ssyncadd.s32 $0xFFFFFFFF  }
0xa5: {  	s26 =	simm.s32 $execute0_lowered;
	[smem:$0x3FD2] =	sst s25  }
0xa6: {  	s5 =	sshll.u32 s26, $0x1;
	_ =	strace $0x80000046;
	[dreg:$0x1] =	wrdreg $0xFFFFFFFF  }
0xa7: {  	s28 =	simm.s32 $_size_execute0_lowered;
	s3 =	sadd.s32 s3, s5;
	[dreg:$0x0] =	wrdreg $0x0  }
0xa8: {  	s5 =	sshll.u32 s28, $0x1;
	[dreg:$0x2] =	wrdreg s3  }
0xa9: {  	[dreg:$0x3] =	wrdreg s5  }
0xaa: {  	[dreg:$0x4] =	wrdreg $0xC0  }
0xab: {  	_ =	task [dreg:s7], $0x5FFFF  }
0xac: {  	[dreg:$0x1] =	wrdreg $0xFFFFFFFF  }
0xad: {  	[dreg:$0x0] =	wrdreg $0x60  }
0xae: {  	[dreg:$0x2] =	wrdreg s2  }
0xaf: {  	[dreg:$0x3] =	wrdreg s24  }
0xb0: {  	[dreg:$0x4] =	wrdreg $0x9  }
0xb1: {  	_ =	task.clear_ibuf [dreg:s7], $0x5FFFF;
	_ =	strace $0x90000046  }
0xb2: {  	s29 =	simm.s32 $0x9;
	_ =	strace $0x80000048  }
0xb3: {  	_ =	swait.ge [sflag:s29], $0x1  }
0xb4: {  	[sflag:s29] =	ssyncadd.s32 $0xFFFFFFFF  }
0xb5: {  	_ =	strace $0x90000048  }
0xb6: {  	_ =	sfence  }
0xb7: {  	s30 =	sld [smem:$0x0];
	_ =	sdelay $0x2  }
0xb8: {  	s31 =	sshll.u32 s1, $0xD;
	s1 =	sshrl.u32 s1, $0x2  }
0xb9: {  	s3 =	sand.u32 $0x4000, s31;
	s1 =	sadd.s32 s1, s30  }
0xba: {  	s0 =	sor.u32 s3, s0;
	s1 =	sshll.u32 s1, $0x11  }
0xbb: {  	s0 =	sor.u32 s1, s0  }
0xbc: {  	s0 =	sadd.s32 $0x8F2B, s0  }
0xbd: {  	[sflag:s0] =	ssyncadd.remote.s32 $0x1  }
0xbe: {  	_ =	sfence.sel $0xFFFF  }
0xbf: {  	[dreg:$0x0] =	wrdreg $0xFFFFFFFF;
	(pc) =	sbr.abs _section_cstart, $3  }
0xc0: {  	[dreg:$0x1] =	wrdreg $0xFFFFFFFF  }
0xc1: {  	_ =	task.clear_ibuf [dreg:s7], $0x2FFFF;
	_ =	strace $0x9FFFFFFF  }
0xc2: {  	(tm) =	ssettm $0x7FFFFFFF  }
0xc3: {  	_ =	shalt  }
tec
execute0_lowered:
.L_overlay_start_1:
0x0: {  	(tag) =	ssettag $0x1  }
0x1: {  	s2 =	rddreg [dreg:$0x0];
	s1 =	srdreg.scid  }
0x2: {  	s0 =	stileid.u32;
	s5 =	rddreg [dreg:$0x1];
	s3 =	simm.s32 $0x0  }
0x3: {  	s10 =	simm.s32 $0x0;
	s4 =	sand.u32 $0x1, s1;
	s6 =	sshll.u32 s0, $0x1  }
0x4: {  	s1 =	rddreg [dreg:$0x2];
	s6 =	sor.u32 s4, s6;
	s8 =	ssub.s32 $0x2, s4  }
0x5: {  	[smem:$0x7FF] =	sst s3;
	s7 =	smul.u32 $0x500, s6;
	s9 =	sshrl.u32 s8, $0x1  }
0x6: {  	_ =	strace $0x80000047;
	s4 =	sadd.s32 $0xDC00, s5;
	s8 =	ssub.s32 s8, s9  }
0x7: {  	s9 =	simm.s32 $0x1;
	s7 =	sadd.s32 s7, s5;
	s5 =	smul.u32 $0x5, s6  }
0x8: {  	v0 =	vimm.f32 $1.000000000e+00;
	s6 =	sadd.s32 $0xE200, s7;
	s7 =	smax.u32 s8, $0x1;
	s8 =	simm.s32 $0x800  }
.LBB2_1:
0x9: {  	[tilespmem:s8], [sflag:$0x1] =	stream.linear.gather [hbm4b:s4+s3], $0x2800, $0x38;
	[tilespmem:$0x3000] =	vst v63  }
0xa: {  	_ =	swait.ge [sflag:s9], $0x2800  }
0xb: {  	[sflag:s9] =	ssyncset.done $0x0  }
0xc: {  	s11 =	simm.s32 $0x0;
	[sflag:s9] =	ssyncadd.s32 $0xFFFFD800  }
.LBB2_2:
0xd: {  	s12 =	sadd.s32 s5, s11  }
0xe: {  	s12 =	sshll.u32 s12, $0x8  }
0xf: {  	s13 =	sadd.s32 s2, s12;
	s12 =	simm.s32 $0x0  }
0x10: {  	[tilespmem:s12], [sflag:$0x1] =	stream.linear.gather [hbm4b:s13+s12], $0x800, $0x38;
	[tilespmem:$0x3000] =	vst v63  }
0x11: {  	_ =	swait.ge [sflag:s9], $0x800  }
0x12: {  	[sflag:s9] =	ssyncset.done $0x0  }
0x13: {  	[sflag:s9] =	ssyncadd.s32 $0xFFFFF800  }
.LBB2_3:
0x14: {  	s13 =	sshra.s32 s12, $0x2  }
0x15: {  	v1 =	vld [tilespmem:s13+$0x0];
	_ =	sdelay $0x7  }
0x16: {  	[tilespmem:v1+s8+$0x0] =	vst.idx.add.f32.msk $0xffff, v0  }
0x17: {  	v1 =	vld [tilespmem:s13+$0x10];
	_ =	sdelay $0x7  }
0x18: {  	[tilespmem:v1+s8+$0x0] =	vst.idx.add.f32.msk $0xffff, v0  }
0x19: {  	v1 =	vld [tilespmem:s13+$0x20];
	_ =	sdelay $0x7  }
0x1a: {  	[tilespmem:v1+s8+$0x0] =	vst.idx.add.f32.msk $0xffff, v0  }
0x1b: {  	v1 =	vld [tilespmem:s13+$0x30];
	_ =	sdelay $0x7  }
0x1c: {  	[tilespmem:v1+s8+$0x0] =	vst.idx.add.f32.msk $0xffff, v0  }
0x1d: {  	v1 =	vld [tilespmem:s13+$0x40];
	_ =	sdelay $0x7  }
0x1e: {  	[tilespmem:v1+s8+$0x0] =	vst.idx.add.f32.msk $0xffff, v0  }
0x1f: {  	v1 =	vld [tilespmem:s13+$0x50];
	_ =	sdelay $0x7  }
0x20: {  	[tilespmem:v1+s8+$0x0] =	vst.idx.add.f32.msk $0xffff, v0  }
0x21: {  	v1 =	vld [tilespmem:s13+$0x60];
	_ =	sdelay $0x7  }
0x22: {  	[tilespmem:v1+s8+$0x0] =	vst.idx.add.f32.msk $0xffff, v0  }
0x23: {  	v1 =	vld [tilespmem:s13+$0x70];
	_ =	sdelay $0x2  }
0x24: {  	p0 =	sne.s32 s12, $0x1E00  }
.Ltmp0:
0x25: {  	_ = 	snop;
	(pc) =	sbr.rel @p0 .LBB2_3-.Ltmp0, $2  }
0x26: {  	_ =	sdelay $0x2  }
0x27: {  	s12 =	sadd.s32 $0x200, s12;
	[tilespmem:v1+s8+$0x0] =	vst.idx.add.f32.msk $0xffff, v0  }
0x28: {  	s11 =	sadd.s32 $0x1, s11  }
0x29: {  	p0 =	sne.s32 s11, $0x5  }
.Ltmp1:
0x2a: {  	_ = 	snop;
	(pc) =	sbr.rel @p0 .LBB2_2-.Ltmp1, $1  }
0x2b: {  	_ =	sdelay $0x3  }
0x2c: {  	s10 =	sadd.s32 $0x1, s10  }
0x2d: {  	p0 =	sne.s32 s10, s7  }
.Ltmp2:
0x2e: {  	_ = 	snop;
	(pc) =	sbr.rel @p0 .LBB2_1-.Ltmp2, $4  }
0x2f: {  	[hbm4b:s6+s3] =	stream.linear.scatter [tilespmem:s8], [sflag:$0x1], $0x2800, $0x38;
	[tilespmem:$0x3000] =	vst v63  }
0x30: {  	_ =	swait.ge [sflag:s9], $0x2800  }
0x31: {  	[sflag:s9] =	ssyncset.done $0x0  }
0x32: {  	[sflag:s9] =	ssyncadd.s32 $0xFFFFD800  }
0x33: {  	_ =	sfence.sel $0x180000  }
0x34: {  	[bflag:$0x0] =	sbarrier.arrive $0xFFFF  }
0x35: {  	p0 =	sne.s32 s0, $0x0;
	_ =	strace $0x90000047  }
0x36: {  	s0 =	sadd.s32 @!p0 $0x100000, s1;
	[bflag:$0x2] =	sbarrier.arrive $0xFFFF  }
0x37: {  	[sflag:s0] =	ssyncadd.tile.s32 @!p0 $0x1;
	_ =	shalt  }
.Lfunc_end2:
_tile_overlayer_lowered:
.L_overlay_start_2:
0x38: {  	(tag) =	ssettag $0x2  }
0x39: {  	s0 =	rddreg [dreg:$0x0];
	s2 =	stileid.u32  }
0x3a: {  	s1 =	rddreg [dreg:$0x1];
	p0 =	sne.s32 s2, $0x0  }
0x3b: {  	s3 =	rddreg [dreg:$0x2];
	[bflag:$0x3] =	sbarrier.arrive $0xFFFF;
	s2 =	simm.s32 @!p0 $0x1C01  }
0x3c: {  	[timem:s3], [sflag:s2] =	dma.local @!p0 [hbm:s0], s1  }
0x3d: {  	s0 =	simm.s32 @!p0 $0x1  }
0x3e: {  	_ =	swait.ge @!p0 [sflag:s0], s1  }
0x3f: {  	s1 =	ssub.s32 @!p0 $0x0, s1;
	[sflag:s0] =	ssyncset.done @!p0 $0x0  }
0x40: {  	[sflag:s0] =	ssyncadd.s32 @!p0 s1  }
0x41: {  	[bflag:$0x3] =	sbarrier.arrive $0xFFFF  }
0x42: {  	_ =	shalt  }

// kernel: kernel.14.cloned.1.call-start
scs
__scs_entry_jumppad:
0x0: {  	(pc) =	sbr.rel $0x88, $3  }
0x1: {  	(tag) =	ssettag $0x0;
	lr =	simm.s32 $0x1  }
0x2: {  	[smem:$0x3F95] =	sst lr;
	_ =	strace $0xD0000000  }
0x3: {  	_ = 	snop  }
0x4: {  	_ = 	snop  }
0x5: {  	_ = 	snop  }
0x6: {  	_ = 	snop  }
0x7: {  	_ = 	snop  }
__scs_overlays_trampoline_lowered:
0x8: {  	[smem:$0x3FA4] =	sst s0  }
0x9: {  	[smem:$0x3FA5] =	sst s1  }
0xa: {  	[smem:$0x3FA6] =	sst s2  }
0xb: {  	[smem:$0x3FA7] =	sst s3  }
0xc: {  	[smem:$0x3FA8] =	sst s4  }
0xd: {  	[smem:$0x3FA9] =	sst s5  }
0xe: {  	[smem:$0x3FAA] =	sst s6  }
0xf: {  	[smem:$0x3FAB] =	sst s7  }
0x10: {  	[smem:$0x3FAC] =	sst s8  }
0x11: {  	[smem:$0x3FAD] =	sst s9;
	s0 =	simm.s32 @!p0 $0x0  }
0x12: {  	s1 =	sld [smem:$0x3F93];
	s0 =	simm.s32 @p0 $0x1  }
0x13: {  	[smem:$0x3FAE] =	sst s0;
	s0 =	simm.s32 @!p1 $0x0  }
0x14: {  	s2 =	sld [smem:$0x3F92];
	s0 =	simm.s32 @p1 $0x1  }
0x15: {  	[smem:$0x3FAF] =	sst s0;
	s0 =	simm.s32 @!p2 $0x0  }
0x16: {  	s3 =	sld [smem:$0x3FDB];
	s0 =	simm.s32 @p2 $0x1  }
0x17: {  	s4 =	simm.s32 $0x1BF5;
	[smem:$0x3FB1] =	sst s0  }
0x18: {  	s0 =	sld [smem:$0x3F94];
	_ =	swait.ge [sflag:s4], $0x0  }
0x19: {  	s7 =	sld [smem:$0x3F95]  }
0x1a: {  	s8 =	sadd.s32 $0xFFFFE003, lr  }
0x1b: {  	s9 =	sadd.s32 $0xFFFFFEF7, lr;
	s5 =	simm.s32 $0xFFFFFFFF;
	p2 =	slt.u32 s8, $0xFFFFF086  }
0x1c: {  	p1 =	slt.u32 s9, $0xF7A;
	s5 =	simm.s32 @!p2 $0x0  }
0x1d: {  	s5 =	simm.s32 @p1 $0x1;
	p0 =	seq.s32 s7, s2  }
0x1e: {  	s7 =	smul.u32 @!p0 $0xF7A, s2;
	p2 =	seq.s32 @!p0 s5, $0x0  }
0x1f: {  	s9 =	smul.u32 $0xF7A, s1;
	s8 =	simm.s32 @!p0 $0x1BF5;
	p2 =	por !p2, p0  }
0x20: {  	[sflag:s8] =	ssyncset.s32 @!p0 $0xFFFFF086;
	s6 =	sadd.s32 @!p0 s3, s7;
	s7 =	simm.s32 @!p0 $0x108  }
0x21: {  	s3 =	sadd.s32 s3, s9;
	s6 =	sadd.s32 @!p0 $0x88, s6;
	s7 =	simm.s32 @p2 $0x1082  }
0x22: {  	[simem:s7], [sflag:s8] =	dma.local @!p0 [hbm:s6], $0xF7A  }
0x23: {  	s9 =	sor.u32 $0xD0000000, s2;
	s6 =	simm.s32 $0x108;
	_ =	swait.ge @!p0 [sflag:s8], $0x0  }
0x24: {  	s3 =	sadd.s32 $0x88, s3;
	s6 =	simm.s32 @!p1 $0x1082;
	[sflag:s4] =	ssyncset.s32 $0xFFFFF086  }
0x25: {  	[simem:s6], [sflag:s4] =	dma.local [hbm:s3], $0xF7A  }
0x26: {  	[smem:$0x3F95] =	sst s1;
	(tag) =	ssettag s2;
	_ =	strace s9  }
0x27: {  	s1 =	sld [smem:$0x3FA5]  }
0x28: {  	s2 =	sld [smem:$0x3FA6]  }
0x29: {  	s4 =	sld [smem:$0x3FA8]  }
0x2a: {  	p0 =	seq.s32 s5, $0x0;
	s5 =	sld [smem:$0x3FA9]  }
0x2b: {  	s6 =	sld [smem:$0x3FAA]  }
0x2c: {  	s7 =	sld [smem:$0x3FAB]  }
0x2d: {  	s3 =	simm.s32 $0x108;
	s8 =	sld [smem:$0x3FAC]  }
0x2e: {  	s3 =	simm.s32 @!p0 $0x1082;
	s9 =	sld [smem:$0x3FAD]  }
0x2f: {  	lr =	sadd.s32 s0, s3;
	s0 =	sld [smem:$0x3FA4]  }
0x30: {  	s3 =	sld [smem:$0x3FA7]  }
0x31: {  	[smem:$0x3FB0] =	sst s10  }
0x32: {  	s10 =	sld [smem:$0x3FAE];
	_ =	sdelay $0x3  }
0x33: {  	p0 =	seq.s32 s10, $0x1;
	s10 =	sld [smem:$0x3FB0];
	_ =	sdelay $0x3  }
0x34: {  	[smem:$0x3FB0] =	sst s10  }
0x35: {  	s10 =	sld [smem:$0x3FAF];
	_ =	sdelay $0x3  }
0x36: {  	p1 =	seq.s32 s10, $0x1;
	s10 =	sld [smem:$0x3FB0];
	_ =	sdelay $0x3  }
0x37: {  	[smem:$0x3FB0] =	sst s10  }
0x38: {  	s10 =	sld [smem:$0x3FB1]  }
0x39: {  	_ = 	snop;
	(pc) =	sbr.ind lr, $3  }
0x3a: {  	_ = 	snop  }
0x3b: {  	_ = 	snop  }
0x3c: {  	p2 =	seq.s32 s10, $0x1;
	s10 =	sld [smem:$0x3FB0]  }
0x3d: {  	_ =	shalt  }
0x3e: {  	_ =	shalt  }
0x3f: {  	_ =	shalt  }
0x40: {  	_ =	shalt  }
0x41: {  	_ =	shalt  }
0x42: {  	_ =	shalt  }
0x43: {  	_ =	shalt  }
0x44: {  	_ =	shalt  }
0x45: {  	_ =	shalt  }
0x46: {  	_ =	shalt  }
0x47: {  	_ =	shalt  }
0x48: {  	_ =	shalt  }
0x49: {  	_ =	shalt  }
0x4a: {  	_ =	shalt  }
0x4b: {  	_ =	shalt  }
0x4c: {  	_ =	shalt  }
0x4d: {  	_ =	shalt  }
0x4e: {  	_ =	shalt  }
0x4f: {  	_ =	shalt  }
0x50: {  	_ =	shalt  }
0x51: {  	_ =	shalt  }
0x52: {  	_ =	shalt  }
0x53: {  	_ =	shalt  }
0x54: {  	_ =	shalt  }
0x55: {  	_ =	shalt  }
0x56: {  	_ =	shalt  }
0x57: {  	_ =	shalt  }
0x58: {  	_ =	shalt  }
0x59: {  	_ =	shalt  }
0x5a: {  	_ =	shalt  }
0x5b: {  	_ =	shalt  }
0x5c: {  	_ =	shalt  }
0x5d: {  	_ =	shalt  }
0x5e: {  	_ =	shalt  }
0x5f: {  	_ =	shalt  }
0x60: {  	_ =	shalt  }
0x61: {  	_ =	shalt  }
0x62: {  	_ =	shalt  }
0x63: {  	_ =	shalt  }
0x64: {  	_ =	shalt  }
0x65: {  	_ =	shalt  }
0x66: {  	_ =	shalt  }
0x67: {  	_ =	shalt  }
0x68: {  	_ =	shalt  }
0x69: {  	_ =	shalt  }
0x6a: {  	_ =	shalt  }
0x6b: {  	_ =	shalt  }
0x6c: {  	_ =	shalt  }
0x6d: {  	_ =	shalt  }
0x6e: {  	_ =	shalt  }
0x6f: {  	_ =	shalt  }
0x70: {  	_ =	shalt  }
0x71: {  	_ =	shalt  }
0x72: {  	_ =	shalt  }
0x73: {  	_ =	shalt  }
0x74: {  	_ =	shalt  }
0x75: {  	_ =	shalt  }
0x76: {  	_ =	shalt  }
0x77: {  	_ =	shalt  }
0x78: {  	_ =	shalt  }
0x79: {  	_ =	shalt  }
0x7a: {  	_ =	shalt  }
0x7b: {  	_ =	shalt  }
0x7c: {  	_ =	shalt  }
0x7d: {  	_ =	shalt  }
0x7e: {  	_ =	shalt  }
0x7f: {  	_ =	shalt  }
0x80: {  	_ =	shalt  }
0x81: {  	_ =	shalt  }
0x82: {  	_ =	shalt  }
0x83: {  	_ =	shalt  }
0x84: {  	_ =	shalt  }
0x85: {  	_ =	shalt  }
0x86: {  	_ =	shalt  }
0x87: {  	_ =	shalt  }
.Lfunc_end0:
.L_simem_size_0:
called_computation.1_lowered:
.L_overlay_start_0:
0x88: {  	s2 =	sld [smem:$0x3FD9]  }
0x89: {  	s3 =	sld [smem:$0x3FFE];
	_ =	sdelay $0x1  }
0x8a: {  	s1 =	srdreg.scid  }
0x8b: {  	s0 =	sand.u32 $0x1, s1  }
0x8c: {  	s17 =	sshll.u32 s0, $0xA;
	s2 =	sadd.s32 s3, s2  }
0x8d: {  	s2 =	sadd.s32 s2, s17  }
0x8e: {  	[smem:$0x3FBC] =	sst s2  }
0x8f: {  	_ = 	snop  }
0x90: {  	s2 =	sld [smem:$0x3FD0];
	(tm) =	ssettm $0x1  }
0x91: {  	s18 =	sld [smem:$0x3FFB];
	_ =	sdelay $0x3  }
0x92: {  	_ =	strace s18  }
0x93: {  	s3 =	sld [smem:$0x3FFC];
	_ =	sdelay $0x3  }
0x94: {  	_ =	strace s3  }
0x95: {  	s3 =	sld [smem:$0x3FFD];
	_ =	sdelay $0x3  }
0x96: {  	_ =	strace s3  }
0x97: {  	_ =	strace $0x8FFFFFFF  }
0x98: {  	s19 =	sld [smem:$0x3FDB];
	_ =	sdelay $0x1  }
0x99: {  	s4 =	simm.s32 $_scs_section_size  }
0x9a: {  	s5 =	simm.s32 $_size__tile_overlayer_lowered;
	s6 =	simm.s32 $_tile_overlayer_lowered  }
0x9b: {  	s22 =	simm.s32 $0x1BFF;
	s21 =	sshll.u32 s6, $0x1;
	s3 =	sadd.s32 s4, s19  }
0x9c: {  	s7 =	simm.s32 $0x0;
	s20 =	sshll.u32 s5, $0x1;
	s5 =	sadd.s32 s21, s3  }
0x9d: {  	[timem:s7], [sflag:s22] =	dma.local [hbm:s5], s20  }
0x9e: {  	_ =	swait.ge [sflag:s22], s20  }
0x9f: {  	s4 =	ssub.s32 $0x0, s20;
	[sflag:s22] =	ssyncset.done $0x0  }
0xa0: {  	[sflag:s22] =	ssyncadd.s32 s4;
	_ =	sdelay $0x1  }
0xa1: {  	s23 =	simm.s32 $0x1B8B  }
0xa2: {  	_ =	swait.ge [sflag:s23], $0x1  }
0xa3: {  	[sflag:s23] =	ssyncset.done $0x0  }
0xa4: {  	s25 =	simm.s32 $0x1B8E;
	s24 =	sld [smem:$0x3FFE];
	[sflag:s23] =	ssyncadd.s32 $0xFFFFFFFF  }
0xa5: {  	s26 =	simm.s32 $execute0_lowered;
	[smem:$0x3FD2] =	sst s25  }
0xa6: {  	s5 =	sshll.u32 s26, $0x1;
	_ =	strace $0x80000049;
	[dreg:$0x1] =	wrdreg $0xFFFFFFFF  }
0xa7: {  	s28 =	simm.s32 $_size_execute0_lowered;
	s3 =	sadd.s32 s3, s5;
	[dreg:$0x0] =	wrdreg $0x0  }
0xa8: {  	s5 =	sshll.u32 s28, $0x1;
	[dreg:$0x2] =	wrdreg s3  }
0xa9: {  	[dreg:$0x3] =	wrdreg s5  }
0xaa: {  	[dreg:$0x4] =	wrdreg $0xC0  }
0xab: {  	_ =	task [dreg:s7], $0x5FFFF  }
0xac: {  	[dreg:$0x1] =	wrdreg $0xFFFFFFFF  }
0xad: {  	[dreg:$0x0] =	wrdreg $0x60  }
0xae: {  	[dreg:$0x2] =	wrdreg s24  }
0xaf: {  	[dreg:$0x3] =	wrdreg s2  }
0xb0: {  	[dreg:$0x4] =	wrdreg $0x90000  }
0xb1: {  	[dreg:$0x5] =	wrdreg $0x9  }
0xb2: {  	_ =	task.clear_ibuf [dreg:s7], $0x6FFFF;
	_ =	strace $0x90000049  }
0xb3: {  	s29 =	simm.s32 $0x9;
	_ =	strace $0x8000004E  }
0xb4: {  	_ =	swait.ge [sflag:s29], $0x1  }
0xb5: {  	[sflag:s29] =	ssyncadd.s32 $0xFFFFFFFF  }
0xb6: {  	_ =	strace $0x9000004E  }
0xb7: {  	_ =	sfence  }
0xb8: {  	s30 =	sld [smem:$0x0];
	_ =	sdelay $0x2  }
0xb9: {  	s31 =	sshll.u32 s1, $0xD;
	s1 =	sshrl.u32 s1, $0x2  }
0xba: {  	s3 =	sand.u32 $0x4000, s31;
	s1 =	sadd.s32 s1, s30  }
0xbb: {  	s0 =	sor.u32 s3, s0;
	s1 =	sshll.u32 s1, $0x11  }
0xbc: {  	s0 =	sor.u32 s1, s0  }
0xbd: {  	s0 =	sadd.s32 $0x8F2B, s0  }
0xbe: {  	[sflag:s0] =	ssyncadd.remote.s32 $0x1  }
0xbf: {  	_ =	sfence.sel $0xFFFF  }
0xc0: {  	[dreg:$0x0] =	wrdreg $0xFFFFFFFF;
	(pc) =	sbr.abs _section_cstart, $3  }
0xc1: {  	[dreg:$0x1] =	wrdreg $0xFFFFFFFF  }
0xc2: {  	_ =	task.clear_ibuf [dreg:s7], $0x2FFFF;
	_ =	strace $0x9FFFFFFF  }
0xc3: {  	(tm) =	ssettm $0x7FFFFFFF  }
tec
execute0_lowered:
.L_overlay_start_1:
0x0: {  	(tag) =	ssettag $0x1  }
0x1: {  	s0 =	rddreg [dreg:$0x0]  }
0x2: {  	s1 =	rddreg [dreg:$0x1]  }
0x3: {  	s2 =	rddreg [dreg:$0x2];
	s11 =	stileid.u32;
	s3 =	simm.s32 $0x0  }
0x4: {  	s4 =	srdreg.scid;
	s13 =	simm.s32 $0x100;
	s14 =	simm.s32 $0x880  }
0x5: {  	s15 =	simm.s32 $0x180;
	s17 =	simm.s32 $0x900;
	s19 =	simm.s32 $0x200  }
0x6: {  	s20 =	simm.s32 $0x980;
	s21 =	simm.s32 $0x280;
	[smem:$0x7FF] =	sst s3  }
0x7: {  	s22 =	simm.s32 $0xA00;
	_ =	strace $0x8000004A;
	[dreg:$0x6] =	wrdreg s13  }
0x8: {  	s28 =	simm.s32 $0x680;
	s29 =	simm.s32 $0xE00;
	[dreg:$0x7] =	wrdreg s14  }
0x9: {  	s30 =	simm.s32 $0x700;
	s31 =	simm.s32 $0xE80;
	[dreg:$0x8] =	wrdreg s15  }
0xa: {  	s5 =	smul.u32 $0x5, s11;
	s6 =	sand.u32 $0x1, s4;
	[dreg:$0x9] =	wrdreg s17  }
0xb: {  	s7 =	smul.u32 $0x13C00, s11;
	s4 =	sadd.s32 $0xDC00, s0;
	[dreg:$0xa] =	wrdreg s19  }
0xc: {  	s24 =	smul.u32 $0x4F000, s11;
	s18 =	sshll.u32 s11, $0x6;
	[dreg:$0xb] =	wrdreg s20  }
0xd: {  	s11 =	simm.s32 $0x800;
	p0 =	seq.s32 s6, $0x0;
	[dreg:$0xc] =	wrdreg s21  }
0xe: {  	s9 =	smul.u32 $0x13C000, s6;
	s6 =	ssub.s32 $0x2, s6;
	[dreg:$0xd] =	wrdreg s22  }
0xf: {  	s13 =	simm.s32 $0x1000;
	s14 =	simm.s32 $0x5000;
	s15 =	simm.s32 $0x1  }
0x10: {  	s17 =	simm.s32 $0x400;
	s19 =	simm.s32 $0x480;
	s20 =	simm.s32 $0xC00  }
0x11: {  	s21 =	simm.s32 $0x500;
	s22 =	simm.s32 $0xC80;
	s8 =	sadd.s32 $0x50, s5  }
0x12: {  	s25 =	sshrl.u32 s6, $0x1;
	s26 =	sshrl.u32 s24, $0x2;
	s24 =	simm.s32 $0xA80  }
0x13: {  	s8 =	smov.u32 @p0 s5;
	s23 =	sadd.s32 s7, s9;
	s6 =	ssub.s32 s6, s25  }
0x14: {  	s9 =	sadd.s32 s26, s2;
	s7 =	sshrl.u32 s7, $0x3;
	[dreg:$0xf] =	wrdreg s24  }
0x15: {  	s25 =	simm.s32 $0x380;
	s26 =	simm.s32 $0xB00;
	s24 =	simm.s32 $0xD00  }
0x16: {  	s5 =	sshll.u32 s8, $0x8;
	s8 =	sshrl.u32 s23, $0x3;
	s7 =	sadd.s32 s4, s7  }
0x17: {  	s16 =	smax.u32 s6, $0x1;
	s23 =	simm.s32 $0x300;
	[dreg:$0x10] =	wrdreg s25  }
0x18: {  	[dreg:$0x11] =	wrdreg s26;
	s25 =	simm.s32 $0x600;
	s26 =	simm.s32 $0xD80  }
0x19: {  	s10 =	sadd.s32 s5, s0;
	s0 =	sadd.s32 s8, s0;
	[dreg:$0x12] =	wrdreg s7  }
0x1a: {  	s1 =	sadd.s32 s5, s1;
	[dreg:$0x14] =	wrdreg s16;
	s7 =	sor.u32 $0x1C03, s18  }
0x1b: {  	s8 =	sshrl.u32 s9, $0x3;
	[dreg:$0xe] =	wrdreg s23;
	s16 =	simm.s32 $0x2  }
0x1c: {  	s18 =	simm.s32 $0xB80;
	s23 =	simm.s32 $0x580;
	[dreg:$0x4] =	wrdreg s1  }
0x1d: {  	s5 =	simm.s32 $0xF80;
	s9 =	simm.s32 $0x0;
	[dreg:$0x15] =	wrdreg s7  }
0x1e: {  	s12 =	sadd.s32 $0x3C00, s10;
	s0 =	sadd.s32 $0x35400, s0;
	[dreg:$0x16] =	wrdreg s8  }
0x1f: {  	s10 =	simm.s32 $0x3;
	s1 =	simm.s32 $0xF00;
	[dreg:$0x5] =	wrdreg s12  }
0x20: {  	[dreg:$0x13] =	wrdreg s0;
	s12 =	simm.s32 $0x80;
	s0 =	simm.s32 $0x780  }
.LBB2_1:
0x21: {  	[dreg:$0x17] =	wrdreg s9  }
0x22: {  	_ =	strace $0x8000004B  }
0x23: {  	s6 =	rddreg [dreg:$0x12]  }
0x24: {  	[spmem:s8], [sflag:s7] =	dma.local [hbm:s6], $0x2780  }
0x25: {  	_ =	swait.ge [sflag:s10], $0x2780  }
0x26: {  	[sflag:s10] =	ssyncset.done $0x0  }
0x27: {  	[sflag:s10] =	ssyncadd.s32 $0xFFFFD880  }
0x28: {  	[bflag:$0x0] =	sbarrier.arrive $0xFFFF  }
0x29: {  	_ =	strace $0x9000004B  }
0x2a: {  	_ =	strace $0x8000004C  }
0x2b: {  	s8 =	rddreg [dreg:$0x5]  }
0x2c: {  	s7 =	sadd.s32 $0x0, s8  }
0x2d: {  	[tilespmem:s3], [sflag:$0x3] =	stream.linear.gather [hbm4b:s7+s3], $0x800, $0x200038;
	[tilespmem:$0x1CC00] =	vst v63  }
0x2e: {  	_ =	swait.ge [sflag:s10], $0x800  }
0x2f: {  	s9 =	rddreg [dreg:$0x4];
	[sflag:s10] =	ssyncset.done $0x0  }
0x30: {  	[sflag:s10] =	ssyncadd.s32 $0xFFFFF800;
	s7 =	sadd.s32 $0x0, s9  }
0x31: {  	[tilespmem:s11], [sflag:$0x3] =	stream.linear.gather [hbm4b:s7+s3], $0x800, $0x200038;
	[tilespmem:$0x1CC00] =	vst v63  }
0x32: {  	_ =	swait.ge [sflag:s10], $0x800  }
0x33: {  	[sflag:s10] =	ssyncset.done $0x0  }
0x34: {  	[sflag:s10] =	ssyncadd.s32 $0xFFFFF800  }
0x35: {  	[tilespmem:s13], [sflag:$0x1] =	stream.indirect.gather [hbm4b:s4+s12], $0x80, s3, s12, $0x2000b8;
	[tilespmem:$0x1CC00] =	vst v63  }
0x36: {  	_ = 	snop  }
0x37: {  	[tilespmem:s14], [sflag:$0x2] =	stream.indirect.gather [hbm4b:s4+s12], $0x80, s12, s12, $0x2000b8;
	[tilespmem:$0x1CC00] =	vst v63  }
0x38: {  	_ =	swait.ge [sflag:s15], $0x4000  }
0x39: {  	[sflag:s15] =	ssyncset.done $0x0  }
0x3a: {  	[sflag:s15] =	ssyncadd.s32 $0xFFFFC000  }
0x3b: {  	[spmem:s2] =	stream.indirect.scatter.add.f32 [tilespmem:s13], [sflag:$0x3], $0x80, s11, s12, $0x2000b8;
	[tilespmem:$0x1CC00] =	vst v63  }
0x3c: {  	_ =	swait.ge [sflag:s10], $0x4000  }
0x3d: {  	[sflag:s10] =	ssyncset.done $0x0  }
0x3e: {  	s6 =	rddreg [dreg:$0x6];
	[sflag:s10] =	ssyncadd.s32 $0xFFFFC000  }
0x3f: {  	[tilespmem:s13], [sflag:$0x1] =	stream.indirect.gather [hbm4b:s4+s12], $0x80, s6, s12, $0x2000b8;
	[tilespmem:$0x1CC00] =	vst v63  }
0x40: {  	_ =	swait.ge [sflag:s16], $0x4000  }
0x41: {  	[sflag:s16] =	ssyncset.done $0x0  }
0x42: {  	s8 =	rddreg [dreg:$0x7];
	[sflag:s16] =	ssyncadd.s32 $0xFFFFC000  }
0x43: {  	[spmem:s2] =	stream.indirect.scatter.add.f32 [tilespmem:s14], [sflag:$0x3], $0x80, s8, s12, $0x2000b8;
	[tilespmem:$0x1CC00] =	vst v63  }
0x44: {  	_ =	swait.ge [sflag:s10], $0x4000  }
0x45: {  	[sflag:s10] =	ssyncset.done $0x0  }
0x46: {  	s9 =	rddreg [dreg:$0x8];
	[sflag:s10] =	ssyncadd.s32 $0xFFFFC000  }
0x47: {  	[tilespmem:s14], [sflag:$0x2] =	stream.indirect.gather [hbm4b:s4+s12], $0x80, s9, s12, $0x2000b8;
	[tilespmem:$0x1CC00] =	vst v63  }
0x48: {  	_ =	swait.ge [sflag:s15], $0x4000  }
0x49: {  	[sflag:s15] =	ssyncset.done $0x0  }
0x4a: {  	s6 =	rddreg [dreg:$0x9];
	[sflag:s15] =	ssyncadd.s32 $0xFFFFC000  }
0x4b: {  	[spmem:s2] =	stream.indirect.scatter.add.f32 [tilespmem:s13], [sflag:$0x3], $0x80, s6, s12, $0x2000b8;
	[tilespmem:$0x1CC00] =	vst v63  }
0x4c: {  	_ =	swait.ge [sflag:s10], $0x4000  }
0x4d: {  	[sflag:s10] =	ssyncset.done $0x0  }
0x4e: {  	s8 =	rddreg [dreg:$0xa];
	[sflag:s10] =	ssyncadd.s32 $0xFFFFC000  }
0x4f: {  	[tilespmem:s13], [sflag:$0x1] =	stream.indirect.gather [hbm4b:s4+s12], $0x80, s8, s12, $0x2000b8;
	[tilespmem:$0x1CC00] =	vst v63  }
0x50: {  	_ =	swait.ge [sflag:s16], $0x4000  }
0x51: {  	[sflag:s16] =	ssyncset.done $0x0  }
0x52: {  	s9 =	rddreg [dreg:$0xb];
	[sflag:s16] =	ssyncadd.s32 $0xFFFFC000  }
0x53: {  	[spmem:s2] =	stream.indirect.scatter.add.f32 [tilespmem:s14], [sflag:$0x3], $0x80, s9, s12, $0x2000b8;
	[tilespmem:$0x1CC00] =	vst v63  }
0x54: {  	_ =	swait.ge [sflag:s10], $0x4000  }
0x55: {  	[sflag:s10] =	ssyncset.done $0x0  }
0x56: {  	s6 =	rddreg [dreg:$0xc];
	[sflag:s10] =	ssyncadd.s32 $0xFFFFC000  }
0x57: {  	[tilespmem:s14], [sflag:$0x2] =	stream.indirect.gather [hbm4b:s4+s12], $0x80, s6, s12, $0x2000b8;
	[tilespmem:$0x1CC00] =	vst v63  }
0x58: {  	_ =	swait.ge [sflag:s15], $0x4000  }
0x59: {  	[sflag:s15] =	ssyncset.done $0x0  }
0x5a: {  	s8 =	rddreg [dreg:$0xd];
	[sflag:s15] =	ssyncadd.s32 $0xFFFFC000  }
0x5b: {  	[spmem:s2] =	stream.indirect.scatter.add.f32 [tilespmem:s13], [sflag:$0x3], $0x80, s8, s12, $0x2000b8;
	[tilespmem:$0x1CC00] =	vst v63  }
0x5c: {  	_ =	swait.ge [sflag:s10], $0x4000  }
0x5d: {  	[sflag:s10] =	ssyncset.done $0x0  }
0x5e: {  	s9 =	rddreg [dreg:$0xe];
	[sflag:s10] =	ssyncadd.s32 $0xFFFFC000  }
0x5f: {  	[tilespmem:s13], [sflag:$0x1] =	stream.indirect.gather [hbm4b:s4+s12], $0x80, s9, s12, $0x2000b8;
	[tilespmem:$0x1CC00] =	vst v63  }
0x60: {  	_ =	swait.ge [sflag:s16], $0x4000  }
0x61: {  	[sflag:s16] =	ssyncset.done $0x0  }
0x62: {  	s6 =	rddreg [dreg:$0xf];
	[sflag:s16] =	ssyncadd.s32 $0xFFFFC000  }
0x63: {  	[spmem:s2] =	stream.indirect.scatter.add.f32 [tilespmem:s14], [sflag:$0x3], $0x80, s6, s12, $0x2000b8;
	[tilespmem:$0x1CC00] =	vst v63  }
0x64: {  	_ =	swait.ge [sflag:s10], $0x4000  }
0x65: {  	[sflag:s10] =	ssyncset.done $0x0  }
0x66: {  	s8 =	rddreg [dreg:$0x10];
	[sflag:s10] =	ssyncadd.s32 $0xFFFFC000  }
0x67: {  	[tilespmem:s14], [sflag:$0x2] =	stream.indirect.gather [hbm4b:s4+s12], $0x80, s8, s12, $0x2000b8;
	[tilespmem:$0x1CC00] =	vst v63  }
0x68: {  	_ =	swait.ge [sflag:s15], $0x4000  }
0x69: {  	[sflag:s15] =	ssyncset.done $0x0  }
0x6a: {  	s9 =	rddreg [dreg:$0x11];
	[sflag:s15] =	ssyncadd.s32 $0xFFFFC000  }
0x6b: {  	[spmem:s2] =	stream.indirect.scatter.add.f32 [tilespmem:s13], [sflag:$0x3], $0x80, s9, s12, $0x2000b8;
	[tilespmem:$0x1CC00] =	vst v63  }
0x6c: {  	_ =	swait.ge [sflag:s10], $0x4000  }
0x6d: {  	[sflag:s10] =	ssyncset.done $0x0  }
0x6e: {  	[sflag:s10] =	ssyncadd.s32 $0xFFFFC000  }
0x6f: {  	[tilespmem:s13], [sflag:$0x1] =	stream.indirect.gather [hbm4b:s4+s12], $0x80, s17, s12, $0x2000b8;
	[tilespmem:$0x1CC00] =	vst v63  }
0x70: {  	_ =	swait.ge [sflag:s16], $0x4000  }
0x71: {  	[sflag:s16] =	ssyncset.done $0x0  }
0x72: {  	[sflag:s16] =	ssyncadd.s32 $0xFFFFC000  }
0x73: {  	[spmem:s2] =	stream.indirect.scatter.add.f32 [tilespmem:s14], [sflag:$0x3], $0x80, s18, s12, $0x2000b8;
	[tilespmem:$0x1CC00] =	vst v63  }
0x74: {  	_ =	swait.ge [sflag:s10], $0x4000  }
0x75: {  	[sflag:s10] =	ssyncset.done $0x0  }
0x76: {  	[sflag:s10] =	ssyncadd.s32 $0xFFFFC000  }
0x77: {  	[tilespmem:s14], [sflag:$0x2] =	stream.indirect.gather [hbm4b:s4+s12], $0x80, s19, s12, $0x2000b8;
	[tilespmem:$0x1CC00] =	vst v63  }
0x78: {  	_ =	swait.ge [sflag:s15], $0x4000  }
0x79: {  	[sflag:s15] =	ssyncset.done $0x0  }
0x7a: {  	[sflag:s15] =	ssyncadd.s32 $0xFFFFC000  }
0x7b: {  	[spmem:s2] =	stream.indirect.scatter.add.f32 [tilespmem:s13], [sflag:$0x3], $0x80, s20, s12, $0x2000b8;
	[tilespmem:$0x1CC00] =	vst v63  }
0x7c: {  	_ =	swait.ge [sflag:s10], $0x4000  }
0x7d: {  	[sflag:s10] =	ssyncset.done $0x0  }
0x7e: {  	[sflag:s10] =	ssyncadd.s32 $0xFFFFC000  }
0x7f: {  	[tilespmem:s13], [sflag:$0x1] =	stream.indirect.gather [hbm4b:s4+s12], $0x80, s21, s12, $0x2000b8;
	[tilespmem:$0x1CC00] =	vst v63  }
0x80: {  	_ =	swait.ge [sflag:s16], $0x4000  }
0x81: {  	[sflag:s16] =	ssyncset.done $0x0  }
0x82: {  	[sflag:s16] =	ssyncadd.s32 $0xFFFFC000  }
0x83: {  	[spmem:s2] =	stream.indirect.scatter.add.f32 [tilespmem:s14], [sflag:$0x3], $0x80, s22, s12, $0x2000b8;
	[tilespmem:$0x1CC00] =	vst v63  }
0x84: {  	_ =	swait.ge [sflag:s10], $0x4000  }
0x85: {  	[sflag:s10] =	ssyncset.done $0x0  }
0x86: {  	[sflag:s10] =	ssyncadd.s32 $0xFFFFC000  }
0x87: {  	[tilespmem:s14], [sflag:$0x2] =	stream.indirect.gather [hbm4b:s4+s12], $0x80, s23, s12, $0x2000b8;
	[tilespmem:$0x1CC00] =	vst v63  }
0x88: {  	_ =	swait.ge [sflag:s15], $0x4000  }
0x89: {  	[sflag:s15] =	ssyncset.done $0x0  }
0x8a: {  	[sflag:s15] =	ssyncadd.s32 $0xFFFFC000  }
0x8b: {  	[spmem:s2] =	stream.indirect.scatter.add.f32 [tilespmem:s13], [sflag:$0x3], $0x80, s24, s12, $0x2000b8;
	[tilespmem:$0x1CC00] =	vst v63  }
0x8c: {  	_ =	swait.ge [sflag:s10], $0x4000  }
0x8d: {  	[sflag:s10] =	ssyncset.done $0x0  }
0x8e: {  	[sflag:s10] =	ssyncadd.s32 $0xFFFFC000  }
0x8f: {  	[tilespmem:s13], [sflag:$0x1] =	stream.indirect.gather [hbm4b:s4+s12], $0x80, s25, s12, $0x2000b8;
	[tilespmem:$0x1CC00] =	vst v63  }
0x90: {  	_ =	swait.ge [sflag:s16], $0x4000  }
0x91: {  	[sflag:s16] =	ssyncset.done $0x0  }
0x92: {  	[sflag:s16] =	ssyncadd.s32 $0xFFFFC000  }
0x93: {  	[spmem:s2] =	stream.indirect.scatter.add.f32 [tilespmem:s14], [sflag:$0x3], $0x80, s26, s12, $0x2000b8;
	[tilespmem:$0x1CC00] =	vst v63  }
0x94: {  	_ =	swait.ge [sflag:s10], $0x4000  }
0x95: {  	[sflag:s10] =	ssyncset.done $0x0  }
0x96: {  	[sflag:s10] =	ssyncadd.s32 $0xFFFFC000  }
0x97: {  	[tilespmem:s14], [sflag:$0x2] =	stream.indirect.gather [hbm4b:s4+s12], $0x80, s28, s12, $0x2000b8;
	[tilespmem:$0x1CC00] =	vst v63  }
0x98: {  	_ =	swait.ge [sflag:s15], $0x4000  }
0x99: {  	[sflag:s15] =	ssyncset.done $0x0  }
0x9a: {  	[sflag:s15] =	ssyncadd.s32 $0xFFFFC000  }
0x9b: {  	[spmem:s2] =	stream.indirect.scatter.add.f32 [tilespmem:s13], [sflag:$0x3], $0x80, s29, s12, $0x2000b8;
	[tilespmem:$0x1CC00] =	vst v63  }
0x9c: {  	_ =	swait.ge [sflag:s10], $0x4000  }
0x9d: {  	[sflag:s10] =	ssyncset.done $0x0  }
0x9e: {  	[sflag:s10] =	ssyncadd.s32 $0xFFFFC000  }
0x9f: {  	[tilespmem:s13], [sflag:$0x1] =	stream.indirect.gather [hbm4b:s4+s12], $0x80, s30, s12, $0x2000b8;
	[tilespmem:$0x1CC00] =	vst v63  }
0xa0: {  	_ =	swait.ge [sflag:s16], $0x4000  }
0xa1: {  	[sflag:s16] =	ssyncset.done $0x0  }
0xa2: {  	[sflag:s16] =	ssyncadd.s32 $0xFFFFC000  }
0xa3: {  	[spmem:s2] =	stream.indirect.scatter.add.f32 [tilespmem:s14], [sflag:$0x3], $0x80, s31, s12, $0x2000b8;
	[tilespmem:$0x1CC00] =	vst v63  }
0xa4: {  	_ =	swait.ge [sflag:s10], $0x4000  }
0xa5: {  	[sflag:s10] =	ssyncset.done $0x0  }
0xa6: {  	[sflag:s10] =	ssyncadd.s32 $0xFFFFC000  }
0xa7: {  	[tilespmem:s14], [sflag:$0x2] =	stream.indirect.gather [hbm4b:s4+s12], $0x80, s0, s12, $0x2000b8;
	[tilespmem:$0x1CC00] =	vst v63  }
0xa8: {  	_ =	swait.ge [sflag:s15], $0x4000  }
0xa9: {  	[sflag:s15] =	ssyncset.done $0x0  }
0xaa: {  	[sflag:s15] =	ssyncadd.s32 $0xFFFFC000  }
0xab: {  	[spmem:s2] =	stream.indirect.scatter.add.f32 [tilespmem:s13], [sflag:$0x3], $0x80, s1, s12, $0x2000b8;
	[tilespmem:$0x1CC00] =	vst v63  }
0xac: {  	_ =	swait.ge [sflag:s10], $0x4000  }
0xad: {  	[sflag:s10] =	ssyncset.done $0x0  }
0xae: {  	[sflag:s10] =	ssyncadd.s32 $0xFFFFC000  }
0xaf: {  	_ =	swait.ge [sflag:s16], $0x4000  }
0xb0: {  	[sflag:s16] =	ssyncset.done $0x0  }
0xb1: {  	[sflag:s16] =	ssyncadd.s32 $0xFFFFC000  }
0xb2: {  	[spmem:s2] =	stream.indirect.scatter.add.f32 [tilespmem:s14], [sflag:$0x3], $0x80, s5, s12, $0x2000b8;
	[tilespmem:$0x1CC00] =	vst v63  }
0xb3: {  	s7 =	simm.s32 $0x100;
	_ =	swait.ge [sflag:s10], $0x4000  }
0xb4: {  	s8 =	simm.s32 $0x200;
	s9 =	rddreg [dreg:$0x5];
	[sflag:s10] =	ssyncset.done $0x0  }
.LBB2_2:
0xb5: {  	[sflag:s10] =	ssyncadd.s32 $0xFFFFC000;
	s9 =	sadd.s32 s7, s9  }
0xb6: {  	[tilespmem:s3], [sflag:$0x3] =	stream.linear.gather [hbm4b:s9+s3], $0x800, $0x200038;
	[tilespmem:$0x1CC00] =	vst v63  }
0xb7: {  	_ =	swait.ge [sflag:s10], $0x800  }
0xb8: {  	s9 =	rddreg [dreg:$0x4];
	[sflag:s10] =	ssyncset.done $0x0  }
0xb9: {  	[sflag:s10] =	ssyncadd.s32 $0xFFFFF800;
	s9 =	sadd.s32 s7, s9  }
0xba: {  	[tilespmem:s11], [sflag:$0x3] =	stream.linear.gather [hbm4b:s9+s3], $0x800, $0x200038;
	[tilespmem:$0x1CC00] =	vst v63  }
0xbb: {  	_ =	swait.ge [sflag:s10], $0x800  }
0xbc: {  	[sflag:s10] =	ssyncset.done $0x0  }
0xbd: {  	[sflag:s10] =	ssyncadd.s32 $0xFFFFF800  }
0xbe: {  	[tilespmem:s13], [sflag:$0x1] =	stream.indirect.gather [hbm4b:s4+s12], $0x80, s3, s12, $0x2000b8;
	[tilespmem:$0x1CC00] =	vst v63  }
0xbf: {  	_ = 	snop  }
0xc0: {  	[tilespmem:s14], [sflag:$0x2] =	stream.indirect.gather [hbm4b:s4+s12], $0x80, s12, s12, $0x2000b8;
	[tilespmem:$0x1CC00] =	vst v63  }
0xc1: {  	_ =	swait.ge [sflag:s15], $0x4000  }
0xc2: {  	[sflag:s15] =	ssyncset.done $0x0  }
0xc3: {  	[sflag:s15] =	ssyncadd.s32 $0xFFFFC000  }
0xc4: {  	[spmem:s2] =	stream.indirect.scatter.add.f32 [tilespmem:s13], [sflag:$0x3], $0x80, s11, s12, $0x2000b8;
	[tilespmem:$0x1CC00] =	vst v63  }
0xc5: {  	_ =	swait.ge [sflag:s10], $0x4000  }
0xc6: {  	[sflag:s10] =	ssyncset.done $0x0  }
0xc7: {  	s9 =	rddreg [dreg:$0x6];
	[sflag:s10] =	ssyncadd.s32 $0xFFFFC000  }
0xc8: {  	[tilespmem:s13], [sflag:$0x1] =	stream.indirect.gather [hbm4b:s4+s12], $0x80, s9, s12, $0x2000b8;
	[tilespmem:$0x1CC00] =	vst v63  }
0xc9: {  	_ =	swait.ge [sflag:s16], $0x4000  }
0xca: {  	[sflag:s16] =	ssyncset.done $0x0  }
0xcb: {  	s9 =	rddreg [dreg:$0x7];
	[sflag:s16] =	ssyncadd.s32 $0xFFFFC000  }
0xcc: {  	[spmem:s2] =	stream.indirect.scatter.add.f32 [tilespmem:s14], [sflag:$0x3], $0x80, s9, s12, $0x2000b8;
	[tilespmem:$0x1CC00] =	vst v63  }
0xcd: {  	_ =	swait.ge [sflag:s10], $0x4000  }
0xce: {  	[sflag:s10] =	ssyncset.done $0x0  }
0xcf: {  	s9 =	rddreg [dreg:$0x8];
	[sflag:s10] =	ssyncadd.s32 $0xFFFFC000  }
0xd0: {  	[tilespmem:s14], [sflag:$0x2] =	stream.indirect.gather [hbm4b:s4+s12], $0x80, s9, s12, $0x2000b8;
	[tilespmem:$0x1CC00] =	vst v63  }
0xd1: {  	_ =	swait.ge [sflag:s15], $0x4000  }
0xd2: {  	[sflag:s15] =	ssyncset.done $0x0  }
0xd3: {  	s9 =	rddreg [dreg:$0x9];
	[sflag:s15] =	ssyncadd.s32 $0xFFFFC000  }
0xd4: {  	[spmem:s2] =	stream.indirect.scatter.add.f32 [tilespmem:s13], [sflag:$0x3], $0x80, s9, s12, $0x2000b8;
	[tilespmem:$0x1CC00] =	vst v63  }
0xd5: {  	_ =	swait.ge [sflag:s10], $0x4000  }
0xd6: {  	[sflag:s10] =	ssyncset.done $0x0  }
0xd7: {  	s9 =	rddreg [dreg:$0xa];
	[sflag:s10] =	ssyncadd.s32 $0xFFFFC000  }
0xd8: {  	[tilespmem:s13], [sflag:$0x1] =	stream.indirect.gather [hbm4b:s4+s12], $0x80, s9, s12, $0x2000b8;
	[tilespmem:$0x1CC00] =	vst v63  }
0xd9: {  	_ =	swait.ge [sflag:s16], $0x4000  }
0xda: {  	[sflag:s16] =	ssyncset.done $0x0  }
0xdb: {  	s9 =	rddreg [dreg:$0xb];
	[sflag:s16] =	ssyncadd.s32 $0xFFFFC000  }
0xdc: {  	[spmem:s2] =	stream.indirect.scatter.add.f32 [tilespmem:s14], [sflag:$0x3], $0x80, s9, s12, $0x2000b8;
	[tilespmem:$0x1CC00] =	vst v63  }
0xdd: {  	_ =	swait.ge [sflag:s10], $0x4000  }
0xde: {  	[sflag:s10] =	ssyncset.done $0x0  }
0xdf: {  	s9 =	rddreg [dreg:$0xc];
	[sflag:s10] =	ssyncadd.s32 $0xFFFFC000  }
0xe0: {  	[tilespmem:s14], [sflag:$0x2] =	stream.indirect.gather [hbm4b:s4+s12], $0x80, s9, s12, $0x2000b8;
	[tilespmem:$0x1CC00] =	vst v63  }
0xe1: {  	_ =	swait.ge [sflag:s15], $0x4000  }
0xe2: {  	[sflag:s15] =	ssyncset.done $0x0  }
0xe3: {  	s9 =	rddreg [dreg:$0xd];
	[sflag:s15] =	ssyncadd.s32 $0xFFFFC000  }
0xe4: {  	[spmem:s2] =	stream.indirect.scatter.add.f32 [tilespmem:s13], [sflag:$0x3], $0x80, s9, s12, $0x2000b8;
	[tilespmem:$0x1CC00] =	vst v63  }
0xe5: {  	_ =	swait.ge [sflag:s10], $0x4000  }
0xe6: {  	[sflag:s10] =	ssyncset.done $0x0  }
0xe7: {  	s9 =	rddreg [dreg:$0xe];
	[sflag:s10] =	ssyncadd.s32 $0xFFFFC000  }
0xe8: {  	[tilespmem:s13], [sflag:$0x1] =	stream.indirect.gather [hbm4b:s4+s12], $0x80, s9, s12, $0x2000b8;
	[tilespmem:$0x1CC00] =	vst v63  }
0xe9: {  	_ =	swait.ge [sflag:s16], $0x4000  }
0xea: {  	[sflag:s16] =	ssyncset.done $0x0  }
0xeb: {  	s9 =	rddreg [dreg:$0xf];
	[sflag:s16] =	ssyncadd.s32 $0xFFFFC000  }
0xec: {  	[spmem:s2] =	stream.indirect.scatter.add.f32 [tilespmem:s14], [sflag:$0x3], $0x80, s9, s12, $0x2000b8;
	[tilespmem:$0x1CC00] =	vst v63  }
0xed: {  	_ =	swait.ge [sflag:s10], $0x4000  }
0xee: {  	[sflag:s10] =	ssyncset.done $0x0  }
0xef: {  	s9 =	rddreg [dreg:$0x10];
	[sflag:s10] =	ssyncadd.s32 $0xFFFFC000  }
0xf0: {  	[tilespmem:s14], [sflag:$0x2] =	stream.indirect.gather [hbm4b:s4+s12], $0x80, s9, s12, $0x2000b8;
	[tilespmem:$0x1CC00] =	vst v63  }
0xf1: {  	_ =	swait.ge [sflag:s15], $0x4000  }
0xf2: {  	[sflag:s15] =	ssyncset.done $0x0  }
0xf3: {  	s9 =	rddreg [dreg:$0x11];
	[sflag:s15] =	ssyncadd.s32 $0xFFFFC000  }
0xf4: {  	[spmem:s2] =	stream.indirect.scatter.add.f32 [tilespmem:s13], [sflag:$0x3], $0x80, s9, s12, $0x2000b8;
	[tilespmem:$0x1CC00] =	vst v63  }
0xf5: {  	_ =	swait.ge [sflag:s10], $0x4000  }
0xf6: {  	[sflag:s10] =	ssyncset.done $0x0  }
0xf7: {  	[sflag:s10] =	ssyncadd.s32 $0xFFFFC000  }
0xf8: {  	[tilespmem:s13], [sflag:$0x1] =	stream.indirect.gather [hbm4b:s4+s12], $0x80, s17, s12, $0x2000b8;
	[tilespmem:$0x1CC00] =	vst v63  }
0xf9: {  	_ =	swait.ge [sflag:s16], $0x4000  }
0xfa: {  	[sflag:s16] =	ssyncset.done $0x0  }
0xfb: {  	[sflag:s16] =	ssyncadd.s32 $0xFFFFC000  }
0xfc: {  	[spmem:s2] =	stream.indirect.scatter.add.f32 [tilespmem:s14], [sflag:$0x3], $0x80, s18, s12, $0x2000b8;
	[tilespmem:$0x1CC00] =	vst v63  }
0xfd: {  	_ =	swait.ge [sflag:s10], $0x4000  }
0xfe: {  	[sflag:s10] =	ssyncset.done $0x0  }
0xff: {  	[sflag:s10] =	ssyncadd.s32 $0xFFFFC000  }
0x100: {  	[tilespmem:s14], [sflag:$0x2] =	stream.indirect.gather [hbm4b:s4+s12], $0x80, s19, s12, $0x2000b8;
	[tilespmem:$0x1CC00] =	vst v63  }
0x101: {  	_ =	swait.ge [sflag:s15], $0x4000  }
0x102: {  	[sflag:s15] =	ssyncset.done $0x0  }
0x103: {  	[sflag:s15] =	ssyncadd.s32 $0xFFFFC000  }
0x104: {  	[spmem:s2] =	stream.indirect.scatter.add.f32 [tilespmem:s13], [sflag:$0x3], $0x80, s20, s12, $0x2000b8;
	[tilespmem:$0x1CC00] =	vst v63  }
0x105: {  	_ =	swait.ge [sflag:s10], $0x4000  }
0x106: {  	[sflag:s10] =	ssyncset.done $0x0  }
0x107: {  	[sflag:s10] =	ssyncadd.s32 $0xFFFFC000  }
0x108: {  	[tilespmem:s13], [sflag:$0x1] =	stream.indirect.gather [hbm4b:s4+s12], $0x80, s21, s12, $0x2000b8;
	[tilespmem:$0x1CC00] =	vst v63  }
0x109: {  	_ =	swait.ge [sflag:s16], $0x4000  }
0x10a: {  	[sflag:s16] =	ssyncset.done $0x0  }
0x10b: {  	[sflag:s16] =	ssyncadd.s32 $0xFFFFC000  }
0x10c: {  	[spmem:s2] =	stream.indirect.scatter.add.f32 [tilespmem:s14], [sflag:$0x3], $0x80, s22, s12, $0x2000b8;
	[tilespmem:$0x1CC00] =	vst v63  }
0x10d: {  	_ =	swait.ge [sflag:s10], $0x4000  }
0x10e: {  	[sflag:s10] =	ssyncset.done $0x0  }
0x10f: {  	[sflag:s10] =	ssyncadd.s32 $0xFFFFC000  }
0x110: {  	[tilespmem:s14], [sflag:$0x2] =	stream.indirect.gather [hbm4b:s4+s12], $0x80, s23, s12, $0x2000b8;
	[tilespmem:$0x1CC00] =	vst v63  }
0x111: {  	_ =	swait.ge [sflag:s15], $0x4000  }
0x112: {  	[sflag:s15] =	ssyncset.done $0x0  }
0x113: {  	[sflag:s15] =	ssyncadd.s32 $0xFFFFC000  }
0x114: {  	[spmem:s2] =	stream.indirect.scatter.add.f32 [tilespmem:s13], [sflag:$0x3], $0x80, s24, s12, $0x2000b8;
	[tilespmem:$0x1CC00] =	vst v63  }
0x115: {  	_ =	swait.ge [sflag:s10], $0x4000  }
0x116: {  	[sflag:s10] =	ssyncset.done $0x0  }
0x117: {  	[sflag:s10] =	ssyncadd.s32 $0xFFFFC000  }
0x118: {  	[tilespmem:s13], [sflag:$0x1] =	stream.indirect.gather [hbm4b:s4+s12], $0x80, s25, s12, $0x2000b8;
	[tilespmem:$0x1CC00] =	vst v63  }
0x119: {  	_ =	swait.ge [sflag:s16], $0x4000  }
0x11a: {  	[sflag:s16] =	ssyncset.done $0x0  }
0x11b: {  	[sflag:s16] =	ssyncadd.s32 $0xFFFFC000  }
0x11c: {  	[spmem:s2] =	stream.indirect.scatter.add.f32 [tilespmem:s14], [sflag:$0x3], $0x80, s26, s12, $0x2000b8;
	[tilespmem:$0x1CC00] =	vst v63  }
0x11d: {  	_ =	swait.ge [sflag:s10], $0x4000  }
0x11e: {  	[sflag:s10] =	ssyncset.done $0x0  }
0x11f: {  	[sflag:s10] =	ssyncadd.s32 $0xFFFFC000  }
0x120: {  	[tilespmem:s14], [sflag:$0x2] =	stream.indirect.gather [hbm4b:s4+s12], $0x80, s28, s12, $0x2000b8;
	[tilespmem:$0x1CC00] =	vst v63  }
0x121: {  	_ =	swait.ge [sflag:s15], $0x4000  }
0x122: {  	[sflag:s15] =	ssyncset.done $0x0  }
0x123: {  	[sflag:s15] =	ssyncadd.s32 $0xFFFFC000  }
0x124: {  	[spmem:s2] =	stream.indirect.scatter.add.f32 [tilespmem:s13], [sflag:$0x3], $0x80, s29, s12, $0x2000b8;
	[tilespmem:$0x1CC00] =	vst v63  }
0x125: {  	_ =	swait.ge [sflag:s10], $0x4000  }
0x126: {  	[sflag:s10] =	ssyncset.done $0x0  }
0x127: {  	[sflag:s10] =	ssyncadd.s32 $0xFFFFC000  }
0x128: {  	[tilespmem:s13], [sflag:$0x1] =	stream.indirect.gather [hbm4b:s4+s12], $0x80, s30, s12, $0x2000b8;
	[tilespmem:$0x1CC00] =	vst v63  }
0x129: {  	_ =	swait.ge [sflag:s16], $0x4000  }
0x12a: {  	[sflag:s16] =	ssyncset.done $0x0  }
0x12b: {  	[sflag:s16] =	ssyncadd.s32 $0xFFFFC000  }
0x12c: {  	[spmem:s2] =	stream.indirect.scatter.add.f32 [tilespmem:s14], [sflag:$0x3], $0x80, s31, s12, $0x2000b8;
	[tilespmem:$0x1CC00] =	vst v63  }
0x12d: {  	_ =	swait.ge [sflag:s10], $0x4000  }
0x12e: {  	[sflag:s10] =	ssyncset.done $0x0  }
0x12f: {  	[sflag:s10] =	ssyncadd.s32 $0xFFFFC000  }
0x130: {  	[tilespmem:s14], [sflag:$0x2] =	stream.indirect.gather [hbm4b:s4+s12], $0x80, s0, s12, $0x2000b8;
	[tilespmem:$0x1CC00] =	vst v63  }
0x131: {  	_ =	swait.ge [sflag:s15], $0x4000  }
0x132: {  	[sflag:s15] =	ssyncset.done $0x0  }
0x133: {  	[sflag:s15] =	ssyncadd.s32 $0xFFFFC000  }
0x134: {  	[spmem:s2] =	stream.indirect.scatter.add.f32 [tilespmem:s13], [sflag:$0x3], $0x80, s1, s12, $0x2000b8;
	[tilespmem:$0x1CC00] =	vst v63  }
0x135: {  	_ =	swait.ge [sflag:s10], $0x4000  }
0x136: {  	[sflag:s10] =	ssyncset.done $0x0  }
0x137: {  	[sflag:s10] =	ssyncadd.s32 $0xFFFFC000  }
0x138: {  	p0 =	sne.s32 s8, $0x400;
	_ =	swait.ge [sflag:s16], $0x4000  }
.Ltmp0:
0x139: {  	[sflag:s16] =	ssyncset.done $0x0;
	(pc) =	sbr.rel @p0 .LBB2_2-.Ltmp0, $4  }
0x13a: {  	[sflag:s16] =	ssyncadd.s32 $0xFFFFC000  }
0x13b: {  	[spmem:s2] =	stream.indirect.scatter.add.f32 [tilespmem:s14], [sflag:$0x3], $0x80, s5, s12, $0x2000b8;
	[tilespmem:$0x1CC00] =	vst v63  }
0x13c: {  	s6 =	smov.u32 s8;
	s8 =	sadd.s32 $0x100, s8;
	_ =	swait.ge [sflag:s10], $0x4000  }
0x13d: {  	s7 =	smov.u32 s6;
	s9 =	rddreg [dreg:$0x5];
	[sflag:s10] =	ssyncset.done $0x0  }
0x13e: {  	[sflag:s10] =	ssyncadd.s32 $0xFFFFC000;
	s6 =	sadd.s32 s7, s9  }
0x13f: {  	[tilespmem:s3], [sflag:$0x3] =	stream.linear.gather [hbm4b:s6+s3], $0x800, $0x200038;
	[tilespmem:$0x1CC00] =	vst v63  }
0x140: {  	_ =	swait.ge [sflag:s10], $0x800  }
0x141: {  	s8 =	rddreg [dreg:$0x4];
	[sflag:s10] =	ssyncset.done $0x0  }
0x142: {  	s6 =	sadd.s32 s7, s8;
	[sflag:s10] =	ssyncadd.s32 $0xFFFFF800  }
0x143: {  	[tilespmem:s11], [sflag:$0x3] =	stream.linear.gather [hbm4b:s6+s3], $0x800, $0x200038;
	[tilespmem:$0x1CC00] =	vst v63  }
0x144: {  	_ =	swait.ge [sflag:s10], $0x800  }
0x145: {  	[sflag:s10] =	ssyncset.done $0x0  }
0x146: {  	[sflag:s10] =	ssyncadd.s32 $0xFFFFF800  }
0x147: {  	[tilespmem:s13], [sflag:$0x1] =	stream.indirect.gather [hbm4b:s4+s12], $0x80, s3, s12, $0x2000b8;
	[tilespmem:$0x1CC00] =	vst v63  }
0x148: {  	_ = 	snop  }
0x149: {  	[tilespmem:s14], [sflag:$0x2] =	stream.indirect.gather [hbm4b:s4+s12], $0x80, s12, s12, $0x2000b8;
	[tilespmem:$0x1CC00] =	vst v63  }
0x14a: {  	_ =	swait.ge [sflag:s15], $0x4000  }
0x14b: {  	[sflag:s15] =	ssyncset.done $0x0  }
0x14c: {  	[sflag:s15] =	ssyncadd.s32 $0xFFFFC000  }
0x14d: {  	[spmem:s2] =	stream.indirect.scatter.add.f32 [tilespmem:s13], [sflag:$0x3], $0x80, s11, s12, $0x2000b8;
	[tilespmem:$0x1CC00] =	vst v63  }
0x14e: {  	_ =	swait.ge [sflag:s10], $0x4000  }
0x14f: {  	[sflag:s10] =	ssyncset.done $0x0  }
0x150: {  	s9 =	rddreg [dreg:$0x6];
	[sflag:s10] =	ssyncadd.s32 $0xFFFFC000  }
0x151: {  	[tilespmem:s13], [sflag:$0x1] =	stream.indirect.gather [hbm4b:s4+s12], $0x80, s9, s12, $0x2000b8;
	[tilespmem:$0x1CC00] =	vst v63  }
0x152: {  	_ =	swait.ge [sflag:s16], $0x4000  }
0x153: {  	[sflag:s16] =	ssyncset.done $0x0  }
0x154: {  	s7 =	rddreg [dreg:$0x7];
	[sflag:s16] =	ssyncadd.s32 $0xFFFFC000  }
0x155: {  	[spmem:s2] =	stream.indirect.scatter.add.f32 [tilespmem:s14], [sflag:$0x3], $0x80, s7, s12, $0x2000b8;
	[tilespmem:$0x1CC00] =	vst v63  }
0x156: {  	_ =	swait.ge [sflag:s10], $0x4000  }
0x157: {  	[sflag:s10] =	ssyncset.done $0x0  }
0x158: {  	s8 =	rddreg [dreg:$0x8];
	[sflag:s10] =	ssyncadd.s32 $0xFFFFC000  }
0x159: {  	[tilespmem:s14], [sflag:$0x2] =	stream.indirect.gather [hbm4b:s4+s12], $0x80, s8, s12, $0x2000b8;
	[tilespmem:$0x1CC00] =	vst v63  }
0x15a: {  	_ =	swait.ge [sflag:s15], $0x4000  }
0x15b: {  	[sflag:s15] =	ssyncset.done $0x0  }
0x15c: {  	s9 =	rddreg [dreg:$0x9];
	[sflag:s15] =	ssyncadd.s32 $0xFFFFC000  }
0x15d: {  	[spmem:s2] =	stream.indirect.scatter.add.f32 [tilespmem:s13], [sflag:$0x3], $0x80, s9, s12, $0x2000b8;
	[tilespmem:$0x1CC00] =	vst v63  }
0x15e: {  	_ =	swait.ge [sflag:s10], $0x4000  }
0x15f: {  	[sflag:s10] =	ssyncset.done $0x0  }
0x160: {  	s7 =	rddreg [dreg:$0xa];
	[sflag:s10] =	ssyncadd.s32 $0xFFFFC000  }
0x161: {  	[tilespmem:s13], [sflag:$0x1] =	stream.indirect.gather [hbm4b:s4+s12], $0x80, s7, s12, $0x2000b8;
	[tilespmem:$0x1CC00] =	vst v63  }
0x162: {  	_ =	swait.ge [sflag:s16], $0x4000  }
0x163: {  	[sflag:s16] =	ssyncset.done $0x0  }
0x164: {  	s8 =	rddreg [dreg:$0xb];
	[sflag:s16] =	ssyncadd.s32 $0xFFFFC000  }
0x165: {  	[spmem:s2] =	stream.indirect.scatter.add.f32 [tilespmem:s14], [sflag:$0x3], $0x80, s8, s12, $0x2000b8;
	[tilespmem:$0x1CC00] =	vst v63  }
0x166: {  	_ =	swait.ge [sflag:s10], $0x4000  }
0x167: {  	[sflag:s10] =	ssyncset.done $0x0  }
0x168: {  	s9 =	rddreg [dreg:$0xc];
	[sflag:s10] =	ssyncadd.s32 $0xFFFFC000  }
0x169: {  	[tilespmem:s14], [sflag:$0x2] =	stream.indirect.gather [hbm4b:s4+s12], $0x80, s9, s12, $0x2000b8;
	[tilespmem:$0x1CC00] =	vst v63  }
0x16a: {  	_ =	swait.ge [sflag:s15], $0x4000  }
0x16b: {  	[sflag:s15] =	ssyncset.done $0x0  }
0x16c: {  	s7 =	rddreg [dreg:$0xd];
	[sflag:s15] =	ssyncadd.s32 $0xFFFFC000  }
0x16d: {  	[spmem:s2] =	stream.indirect.scatter.add.f32 [tilespmem:s13], [sflag:$0x3], $0x80, s7, s12, $0x2000b8;
	[tilespmem:$0x1CC00] =	vst v63  }
0x16e: {  	_ =	swait.ge [sflag:s10], $0x4000  }
0x16f: {  	[sflag:s10] =	ssyncset.done $0x0  }
0x170: {  	s8 =	rddreg [dreg:$0xe];
	[sflag:s10] =	ssyncadd.s32 $0xFFFFC000  }
0x171: {  	[tilespmem:s13], [sflag:$0x1] =	stream.indirect.gather [hbm4b:s4+s12], $0x80, s8, s12, $0x2000b8;
	[tilespmem:$0x1CC00] =	vst v63  }
0x172: {  	_ =	swait.ge [sflag:s16], $0x4000  }
0x173: {  	[sflag:s16] =	ssyncset.done $0x0  }
0x174: {  	s9 =	rddreg [dreg:$0xf];
	[sflag:s16] =	ssyncadd.s32 $0xFFFFC000  }
0x175: {  	[spmem:s2] =	stream.indirect.scatter.add.f32 [tilespmem:s14], [sflag:$0x3], $0x80, s9, s12, $0x2000b8;
	[tilespmem:$0x1CC00] =	vst v63  }
0x176: {  	_ =	swait.ge [sflag:s10], $0x4000  }
0x177: {  	[sflag:s10] =	ssyncset.done $0x0  }
0x178: {  	s7 =	rddreg [dreg:$0x10];
	[sflag:s10] =	ssyncadd.s32 $0xFFFFC000  }
0x179: {  	[tilespmem:s14], [sflag:$0x2] =	stream.indirect.gather [hbm4b:s4+s12], $0x80, s7, s12, $0x2000b8;
	[tilespmem:$0x1CC00] =	vst v63  }
0x17a: {  	_ =	swait.ge [sflag:s15], $0x4000  }
0x17b: {  	[sflag:s15] =	ssyncset.done $0x0  }
0x17c: {  	s8 =	rddreg [dreg:$0x11];
	[sflag:s15] =	ssyncadd.s32 $0xFFFFC000  }
0x17d: {  	[spmem:s2] =	stream.indirect.scatter.add.f32 [tilespmem:s13], [sflag:$0x3], $0x80, s8, s12, $0x2000b8;
	[tilespmem:$0x1CC00] =	vst v63  }
0x17e: {  	_ =	swait.ge [sflag:s10], $0x4000  }
0x17f: {  	[sflag:s10] =	ssyncset.done $0x0  }
0x180: {  	[sflag:s10] =	ssyncadd.s32 $0xFFFFC000  }
0x181: {  	[tilespmem:s13], [sflag:$0x1] =	stream.indirect.gather [hbm4b:s4+s12], $0x80, s17, s12, $0x2000b8;
	[tilespmem:$0x1CC00] =	vst v63  }
0x182: {  	_ =	swait.ge [sflag:s16], $0x4000  }
0x183: {  	[sflag:s16] =	ssyncset.done $0x0  }
0x184: {  	[sflag:s16] =	ssyncadd.s32 $0xFFFFC000  }
0x185: {  	[spmem:s2] =	stream.indirect.scatter.add.f32 [tilespmem:s14], [sflag:$0x3], $0x80, s18, s12, $0x2000b8;
	[tilespmem:$0x1CC00] =	vst v63  }
0x186: {  	_ =	swait.ge [sflag:s10], $0x4000  }
0x187: {  	[sflag:s10] =	ssyncset.done $0x0  }
0x188: {  	[sflag:s10] =	ssyncadd.s32 $0xFFFFC000  }
0x189: {  	[tilespmem:s14], [sflag:$0x2] =	stream.indirect.gather [hbm4b:s4+s12], $0x80, s19, s12, $0x2000b8;
	[tilespmem:$0x1CC00] =	vst v63  }
0x18a: {  	_ =	swait.ge [sflag:s15], $0x4000  }
0x18b: {  	[sflag:s15] =	ssyncset.done $0x0  }
0x18c: {  	[sflag:s15] =	ssyncadd.s32 $0xFFFFC000  }
0x18d: {  	[spmem:s2] =	stream.indirect.scatter.add.f32 [tilespmem:s13], [sflag:$0x3], $0x80, s20, s12, $0x2000b8;
	[tilespmem:$0x1CC00] =	vst v63  }
0x18e: {  	_ =	swait.ge [sflag:s10], $0x4000  }
0x18f: {  	[sflag:s10] =	ssyncset.done $0x0  }
0x190: {  	[sflag:s10] =	ssyncadd.s32 $0xFFFFC000  }
0x191: {  	[tilespmem:s13], [sflag:$0x1] =	stream.indirect.gather [hbm4b:s4+s12], $0x80, s21, s12, $0x2000b8;
	[tilespmem:$0x1CC00] =	vst v63  }
0x192: {  	_ =	swait.ge [sflag:s16], $0x4000  }
0x193: {  	[sflag:s16] =	ssyncset.done $0x0  }
0x194: {  	[sflag:s16] =	ssyncadd.s32 $0xFFFFC000  }
0x195: {  	[spmem:s2] =	stream.indirect.scatter.add.f32 [tilespmem:s14], [sflag:$0x3], $0x80, s22, s12, $0x2000b8;
	[tilespmem:$0x1CC00] =	vst v63  }
0x196: {  	_ =	swait.ge [sflag:s10], $0x4000  }
0x197: {  	[sflag:s10] =	ssyncset.done $0x0  }
0x198: {  	[sflag:s10] =	ssyncadd.s32 $0xFFFFC000  }
0x199: {  	[tilespmem:s14], [sflag:$0x2] =	stream.indirect.gather [hbm4b:s4+s12], $0x80, s23, s12, $0x2000b8;
	[tilespmem:$0x1CC00] =	vst v63  }
0x19a: {  	_ =	swait.ge [sflag:s15], $0x4000  }
0x19b: {  	[sflag:s15] =	ssyncset.done $0x0  }
0x19c: {  	[sflag:s15] =	ssyncadd.s32 $0xFFFFC000  }
0x19d: {  	[spmem:s2] =	stream.indirect.scatter.add.f32 [tilespmem:s13], [sflag:$0x3], $0x80, s24, s12, $0x2000b8;
	[tilespmem:$0x1CC00] =	vst v63  }
0x19e: {  	_ =	swait.ge [sflag:s10], $0x4000  }
0x19f: {  	[sflag:s10] =	ssyncset.done $0x0  }
0x1a0: {  	[sflag:s10] =	ssyncadd.s32 $0xFFFFC000  }
0x1a1: {  	[tilespmem:s13], [sflag:$0x1] =	stream.indirect.gather [hbm4b:s4+s12], $0x80, s25, s12, $0x2000b8;
	[tilespmem:$0x1CC00] =	vst v63  }
0x1a2: {  	_ =	swait.ge [sflag:s16], $0x4000  }
0x1a3: {  	[sflag:s16] =	ssyncset.done $0x0  }
0x1a4: {  	[sflag:s16] =	ssyncadd.s32 $0xFFFFC000  }
0x1a5: {  	[spmem:s2] =	stream.indirect.scatter.add.f32 [tilespmem:s14], [sflag:$0x3], $0x80, s26, s12, $0x2000b8;
	[tilespmem:$0x1CC00] =	vst v63  }
0x1a6: {  	_ =	swait.ge [sflag:s10], $0x4000  }
0x1a7: {  	[sflag:s10] =	ssyncset.done $0x0  }
0x1a8: {  	[sflag:s10] =	ssyncadd.s32 $0xFFFFC000  }
0x1a9: {  	[tilespmem:s14], [sflag:$0x2] =	stream.indirect.gather [hbm4b:s4+s12], $0x80, s28, s12, $0x2000b8;
	[tilespmem:$0x1CC00] =	vst v63  }
0x1aa: {  	_ =	swait.ge [sflag:s15], $0x4000  }
0x1ab: {  	[sflag:s15] =	ssyncset.done $0x0  }
0x1ac: {  	[sflag:s15] =	ssyncadd.s32 $0xFFFFC000  }
0x1ad: {  	[spmem:s2] =	stream.indirect.scatter.add.f32 [tilespmem:s13], [sflag:$0x3], $0x80, s29, s12, $0x2000b8;
	[tilespmem:$0x1CC00] =	vst v63  }
0x1ae: {  	_ =	swait.ge [sflag:s10], $0x4000  }
0x1af: {  	[sflag:s10] =	ssyncset.done $0x0  }
0x1b0: {  	[sflag:s10] =	ssyncadd.s32 $0xFFFFC000  }
0x1b1: {  	[tilespmem:s13], [sflag:$0x1] =	stream.indirect.gather [hbm4b:s4+s12], $0x80, s30, s12, $0x2000b8;
	[tilespmem:$0x1CC00] =	vst v63  }
0x1b2: {  	_ =	swait.ge [sflag:s16], $0x4000  }
0x1b3: {  	[sflag:s16] =	ssyncset.done $0x0  }
0x1b4: {  	[sflag:s16] =	ssyncadd.s32 $0xFFFFC000  }
0x1b5: {  	[spmem:s2] =	stream.indirect.scatter.add.f32 [tilespmem:s14], [sflag:$0x3], $0x80, s31, s12, $0x2000b8;
	[tilespmem:$0x1CC00] =	vst v63  }
0x1b6: {  	_ =	swait.ge [sflag:s10], $0x4000  }
0x1b7: {  	[sflag:s10] =	ssyncset.done $0x0  }
0x1b8: {  	[sflag:s10] =	ssyncadd.s32 $0xFFFFC000  }
0x1b9: {  	[tilespmem:s14], [sflag:$0x2] =	stream.indirect.gather [hbm4b:s4+s12], $0x80, s0, s12, $0x2000b8;
	[tilespmem:$0x1CC00] =	vst v63  }
0x1ba: {  	_ =	swait.ge [sflag:s15], $0x4000  }
0x1bb: {  	[sflag:s15] =	ssyncset.done $0x0  }
0x1bc: {  	[sflag:s15] =	ssyncadd.s32 $0xFFFFC000  }
0x1bd: {  	[spmem:s2] =	stream.indirect.scatter.add.f32 [tilespmem:s13], [sflag:$0x3], $0x80, s1, s12, $0x2000b8;
	[tilespmem:$0x1CC00] =	vst v63  }
0x1be: {  	_ =	swait.ge [sflag:s10], $0x4000  }
0x1bf: {  	[sflag:s10] =	ssyncset.done $0x0  }
0x1c0: {  	[sflag:s10] =	ssyncadd.s32 $0xFFFFC000  }
0x1c1: {  	_ =	swait.ge [sflag:s16], $0x4000  }
0x1c2: {  	[sflag:s16] =	ssyncset.done $0x0  }
0x1c3: {  	[sflag:s16] =	ssyncadd.s32 $0xFFFFC000  }
0x1c4: {  	[spmem:s2] =	stream.indirect.scatter.add.f32 [tilespmem:s14], [sflag:$0x3], $0x80, s5, s12, $0x2000b8;
	[tilespmem:$0x1CC00] =	vst v63  }
0x1c5: {  	_ =	swait.ge [sflag:s10], $0x4000  }
0x1c6: {  	[sflag:s10] =	ssyncset.done $0x0  }
0x1c7: {  	[sflag:s10] =	ssyncadd.s32 $0xFFFFC000  }
0x1c8: {  	[bflag:$0x0] =	sbarrier.arrive $0xFFFF  }
0x1c9: {  	_ =	strace $0x9000004C  }
0x1ca: {  	_ =	strace $0x8000004D  }
0x1cb: {  	s9 =	rddreg [dreg:$0x13]  }
0x1cc: {  	s7 =	rddreg [dreg:$0x15]  }
0x1cd: {  	s8 =	rddreg [dreg:$0x16]  }
0x1ce: {  	[hbm:s9], [sflag:s7] =	dma.local [spmem:s8], $0x2780  }
0x1cf: {  	_ =	swait.ge [sflag:s10], $0x2780  }
0x1d0: {  	s6 =	rddreg [dreg:$0x17]  }
0x1d1: {  	s9 =	sadd.s32 $0x1, s6;
	s6 =	rddreg [dreg:$0x14]  }
0x1d2: {  	p0 =	sne.s32 s9, s6  }
.Ltmp1:
0x1d3: {  	_ = 	snop;
	(pc) =	sbr.rel @p0 .LBB2_1-.Ltmp1, $4  }
0x1d4: {  	_ = 	snop  }
0x1d5: {  	[sflag:s10] =	ssyncset.done $0x0  }
0x1d6: {  	[sflag:s10] =	ssyncadd.s32 $0xFFFFD880  }
0x1d7: {  	_ =	strace $0x9000004D  }
0x1d8: {  	_ =	sfence.sel $0x180000  }
0x1d9: {  	[bflag:$0x0] =	sbarrier.arrive $0xFFFF  }
0x1da: {  	_ =	strace $0x9000004A  }
0x1db: {  	s0 =	stileid.u32;
	[bflag:$0x2] =	sbarrier.arrive $0xFFFF  }
0x1dc: {  	p0 =	sne.s32 s0, $0x0;
	s0 =	rddreg [dreg:$0x3]  }
0x1dd: {  	s0 =	sadd.s32 @!p0 $0x100000, s0  }
0x1de: {  	[sflag:s0] =	ssyncadd.tile.s32 @!p0 $0x1;
	_ =	shalt  }
.Lfunc_end2:
_tile_overlayer_lowered:
.L_overlay_start_2:
0x1df: {  	(tag) =	ssettag $0x2  }
0x1e0: {  	s0 =	rddreg [dreg:$0x0];
	s2 =	stileid.u32  }
0x1e1: {  	s1 =	rddreg [dreg:$0x1];
	p0 =	sne.s32 s2, $0x0  }
0x1e2: {  	s3 =	rddreg [dreg:$0x2];
	[bflag:$0x3] =	sbarrier.arrive $0xFFFF;
	s2 =	simm.s32 @!p0 $0x1C03  }
0x1e3: {  	[timem:s3], [sflag:s2] =	dma.local @!p0 [hbm:s0], s1  }
0x1e4: {  	s0 =	simm.s32 @!p0 $0x3  }
0x1e5: {  	_ =	swait.ge @!p0 [sflag:s0], s1  }
0x1e6: {  	s1 =	ssub.s32 @!p0 $0x0, s1;
	[sflag:s0] =	ssyncset.done @!p0 $0x0  }
0x1e7: {  	[sflag:s0] =	ssyncadd.s32 @!p0 s1  }
0x1e8: {  	[bflag:$0x3] =	sbarrier.arrive $0xFFFF  }
0x1e9: {  	_ =	shalt  }

// kernel: kernel.17.cloned.1.call-start
scs
__scs_entry_jumppad:
0x0: {  	(pc) =	sbr.rel $0x88, $3  }
0x1: {  	(tag) =	ssettag $0x0;
	lr =	simm.s32 $0x1  }
0x2: {  	[smem:$0x3F95] =	sst lr;
	_ =	strace $0xD0000000  }
0x3: {  	_ = 	snop  }
0x4: {  	_ = 	snop  }
0x5: {  	_ = 	snop  }
0x6: {  	_ = 	snop  }
0x7: {  	_ = 	snop  }
__scs_overlays_trampoline_lowered:
0x8: {  	[smem:$0x3FA4] =	sst s0  }
0x9: {  	[smem:$0x3FA5] =	sst s1  }
0xa: {  	[smem:$0x3FA6] =	sst s2  }
0xb: {  	[smem:$0x3FA7] =	sst s3  }
0xc: {  	[smem:$0x3FA8] =	sst s4  }
0xd: {  	[smem:$0x3FA9] =	sst s5  }
0xe: {  	[smem:$0x3FAA] =	sst s6  }
0xf: {  	[smem:$0x3FAB] =	sst s7  }
0x10: {  	[smem:$0x3FAC] =	sst s8  }
0x11: {  	[smem:$0x3FAD] =	sst s9;
	s0 =	simm.s32 @!p0 $0x0  }
0x12: {  	s1 =	sld [smem:$0x3F93];
	s0 =	simm.s32 @p0 $0x1  }
0x13: {  	[smem:$0x3FAE] =	sst s0;
	s0 =	simm.s32 @!p1 $0x0  }
0x14: {  	s2 =	sld [smem:$0x3F92];
	s0 =	simm.s32 @p1 $0x1  }
0x15: {  	[smem:$0x3FAF] =	sst s0;
	s0 =	simm.s32 @!p2 $0x0  }
0x16: {  	s3 =	sld [smem:$0x3FDB];
	s0 =	simm.s32 @p2 $0x1  }
0x17: {  	s4 =	simm.s32 $0x1BF5;
	[smem:$0x3FB1] =	sst s0  }
0x18: {  	s0 =	sld [smem:$0x3F94];
	_ =	swait.ge [sflag:s4], $0x0  }
0x19: {  	s7 =	sld [smem:$0x3F95]  }
0x1a: {  	s8 =	sadd.s32 $0xFFFFE003, lr  }
0x1b: {  	s9 =	sadd.s32 $0xFFFFFEF7, lr;
	s5 =	simm.s32 $0xFFFFFFFF;
	p2 =	slt.u32 s8, $0xFFFFF086  }
0x1c: {  	p1 =	slt.u32 s9, $0xF7A;
	s5 =	simm.s32 @!p2 $0x0  }
0x1d: {  	s5 =	simm.s32 @p1 $0x1;
	p0 =	seq.s32 s7, s2  }
0x1e: {  	s7 =	smul.u32 @!p0 $0xF7A, s2;
	p2 =	seq.s32 @!p0 s5, $0x0  }
0x1f: {  	s9 =	smul.u32 $0xF7A, s1;
	s8 =	simm.s32 @!p0 $0x1BF5;
	p2 =	por !p2, p0  }
0x20: {  	[sflag:s8] =	ssyncset.s32 @!p0 $0xFFFFF086;
	s6 =	sadd.s32 @!p0 s3, s7;
	s7 =	simm.s32 @!p0 $0x108  }
0x21: {  	s3 =	sadd.s32 s3, s9;
	s6 =	sadd.s32 @!p0 $0x88, s6;
	s7 =	simm.s32 @p2 $0x1082  }
0x22: {  	[simem:s7], [sflag:s8] =	dma.local @!p0 [hbm:s6], $0xF7A  }
0x23: {  	s9 =	sor.u32 $0xD0000000, s2;
	s6 =	simm.s32 $0x108;
	_ =	swait.ge @!p0 [sflag:s8], $0x0  }
0x24: {  	s3 =	sadd.s32 $0x88, s3;
	s6 =	simm.s32 @!p1 $0x1082;
	[sflag:s4] =	ssyncset.s32 $0xFFFFF086  }
0x25: {  	[simem:s6], [sflag:s4] =	dma.local [hbm:s3], $0xF7A  }
0x26: {  	[smem:$0x3F95] =	sst s1;
	(tag) =	ssettag s2;
	_ =	strace s9  }
0x27: {  	s1 =	sld [smem:$0x3FA5]  }
0x28: {  	s2 =	sld [smem:$0x3FA6]  }
0x29: {  	s4 =	sld [smem:$0x3FA8]  }
0x2a: {  	p0 =	seq.s32 s5, $0x0;
	s5 =	sld [smem:$0x3FA9]  }
0x2b: {  	s6 =	sld [smem:$0x3FAA]  }
0x2c: {  	s7 =	sld [smem:$0x3FAB]  }
0x2d: {  	s3 =	simm.s32 $0x108;
	s8 =	sld [smem:$0x3FAC]  }
0x2e: {  	s3 =	simm.s32 @!p0 $0x1082;
	s9 =	sld [smem:$0x3FAD]  }
0x2f: {  	lr =	sadd.s32 s0, s3;
	s0 =	sld [smem:$0x3FA4]  }
0x30: {  	s3 =	sld [smem:$0x3FA7]  }
0x31: {  	[smem:$0x3FB0] =	sst s10  }
0x32: {  	s10 =	sld [smem:$0x3FAE];
	_ =	sdelay $0x3  }
0x33: {  	p0 =	seq.s32 s10, $0x1;
	s10 =	sld [smem:$0x3FB0];
	_ =	sdelay $0x3  }
0x34: {  	[smem:$0x3FB0] =	sst s10  }
0x35: {  	s10 =	sld [smem:$0x3FAF];
	_ =	sdelay $0x3  }
0x36: {  	p1 =	seq.s32 s10, $0x1;
	s10 =	sld [smem:$0x3FB0];
	_ =	sdelay $0x3  }
0x37: {  	[smem:$0x3FB0] =	sst s10  }
0x38: {  	s10 =	sld [smem:$0x3FB1]  }
0x39: {  	_ = 	snop;
	(pc) =	sbr.ind lr, $3  }
0x3a: {  	_ = 	snop  }
0x3b: {  	_ = 	snop  }
0x3c: {  	p2 =	seq.s32 s10, $0x1;
	s10 =	sld [smem:$0x3FB0]  }
0x3d: {  	_ =	shalt  }
0x3e: {  	_ =	shalt  }
0x3f: {  	_ =	shalt  }
0x40: {  	_ =	shalt  }
0x41: {  	_ =	shalt  }
0x42: {  	_ =	shalt  }
0x43: {  	_ =	shalt  }
0x44: {  	_ =	shalt  }
0x45: {  	_ =	shalt  }
0x46: {  	_ =	shalt  }
0x47: {  	_ =	shalt  }
0x48: {  	_ =	shalt  }
0x49: {  	_ =	shalt  }
0x4a: {  	_ =	shalt  }
0x4b: {  	_ =	shalt  }
0x4c: {  	_ =	shalt  }
0x4d: {  	_ =	shalt  }
0x4e: {  	_ =	shalt  }
0x4f: {  	_ =	shalt  }
0x50: {  	_ =	shalt  }
0x51: {  	_ =	shalt  }
0x52: {  	_ =	shalt  }
0x53: {  	_ =	shalt  }
0x54: {  	_ =	shalt  }
0x55: {  	_ =	shalt  }
0x56: {  	_ =	shalt  }
0x57: {  	_ =	shalt  }
0x58: {  	_ =	shalt  }
0x59: {  	_ =	shalt  }
0x5a: {  	_ =	shalt  }
0x5b: {  	_ =	shalt  }
0x5c: {  	_ =	shalt  }
0x5d: {  	_ =	shalt  }
0x5e: {  	_ =	shalt  }
0x5f: {  	_ =	shalt  }
0x60: {  	_ =	shalt  }
0x61: {  	_ =	shalt  }
0x62: {  	_ =	shalt  }
0x63: {  	_ =	shalt  }
0x64: {  	_ =	shalt  }
0x65: {  	_ =	shalt  }
0x66: {  	_ =	shalt  }
0x67: {  	_ =	shalt  }
0x68: {  	_ =	shalt  }
0x69: {  	_ =	shalt  }
0x6a: {  	_ =	shalt  }
0x6b: {  	_ =	shalt  }
0x6c: {  	_ =	shalt  }
0x6d: {  	_ =	shalt  }
0x6e: {  	_ =	shalt  }
0x6f: {  	_ =	shalt  }
0x70: {  	_ =	shalt  }
0x71: {  	_ =	shalt  }
0x72: {  	_ =	shalt  }
0x73: {  	_ =	shalt  }
0x74: {  	_ =	shalt  }
0x75: {  	_ =	shalt  }
0x76: {  	_ =	shalt  }
0x77: {  	_ =	shalt  }
0x78: {  	_ =	shalt  }
0x79: {  	_ =	shalt  }
0x7a: {  	_ =	shalt  }
0x7b: {  	_ =	shalt  }
0x7c: {  	_ =	shalt  }
0x7d: {  	_ =	shalt  }
0x7e: {  	_ =	shalt  }
0x7f: {  	_ =	shalt  }
0x80: {  	_ =	shalt  }
0x81: {  	_ =	shalt  }
0x82: {  	_ =	shalt  }
0x83: {  	_ =	shalt  }
0x84: {  	_ =	shalt  }
0x85: {  	_ =	shalt  }
0x86: {  	_ =	shalt  }
0x87: {  	_ =	shalt  }
.Lfunc_end0:
.L_simem_size_0:
called_computation.2_lowered:
.L_overlay_start_0:
0x88: {  	s2 =	sld [smem:$0x3FD9]  }
0x89: {  	s3 =	sld [smem:$0x3FFE];
	_ =	sdelay $0x1  }
0x8a: {  	s1 =	srdreg.scid  }
0x8b: {  	s0 =	sand.u32 $0x1, s1  }
0x8c: {  	s17 =	sshll.u32 s0, $0xA;
	s2 =	sadd.s32 s3, s2  }
0x8d: {  	s2 =	sadd.s32 s2, s17  }
0x8e: {  	[smem:$0x3FBC] =	sst s2  }
0x8f: {  	_ = 	snop  }
0x90: {  	s2 =	sld [smem:$0x3FD0];
	(tm) =	ssettm $0x1  }
0x91: {  	s18 =	sld [smem:$0x3FFB];
	_ =	sdelay $0x3  }
0x92: {  	_ =	strace s18  }
0x93: {  	s3 =	sld [smem:$0x3FFC];
	_ =	sdelay $0x3  }
0x94: {  	_ =	strace s3  }
0x95: {  	s3 =	sld [smem:$0x3FFD];
	_ =	sdelay $0x3  }
0x96: {  	_ =	strace s3  }
0x97: {  	_ =	strace $0x8FFFFFFF  }
0x98: {  	s19 =	sld [smem:$0x3FDB];
	_ =	sdelay $0x1  }
0x99: {  	s4 =	simm.s32 $_scs_section_size  }
0x9a: {  	s5 =	simm.s32 $_size__tile_overlayer_lowered;
	s6 =	simm.s32 $_tile_overlayer_lowered  }
0x9b: {  	s22 =	simm.s32 $0x1BFF;
	s21 =	sshll.u32 s6, $0x1;
	s3 =	sadd.s32 s4, s19  }
0x9c: {  	s7 =	simm.s32 $0x0;
	s20 =	sshll.u32 s5, $0x1;
	s5 =	sadd.s32 s21, s3  }
0x9d: {  	[timem:s7], [sflag:s22] =	dma.local [hbm:s5], s20  }
0x9e: {  	_ =	swait.ge [sflag:s22], s20  }
0x9f: {  	s4 =	ssub.s32 $0x0, s20;
	[sflag:s22] =	ssyncset.done $0x0  }
0xa0: {  	[sflag:s22] =	ssyncadd.s32 s4;
	_ =	sdelay $0x1  }
0xa1: {  	s23 =	simm.s32 $0x1B8B  }
0xa2: {  	_ =	swait.ge [sflag:s23], $0x1  }
0xa3: {  	[sflag:s23] =	ssyncset.done $0x0  }
0xa4: {  	s25 =	simm.s32 $0x1B8E;
	s24 =	sld [smem:$0x3FFE];
	[sflag:s23] =	ssyncadd.s32 $0xFFFFFFFF  }
0xa5: {  	s26 =	simm.s32 $execute0_lowered;
	[smem:$0x3FD2] =	sst s25  }
0xa6: {  	s5 =	sshll.u32 s26, $0x1;
	_ =	strace $0x8000004F;
	[dreg:$0x1] =	wrdreg $0xFFFFFFFF  }
0xa7: {  	s28 =	simm.s32 $_size_execute0_lowered;
	s3 =	sadd.s32 s3, s5;
	[dreg:$0x0] =	wrdreg $0x0  }
0xa8: {  	s5 =	sshll.u32 s28, $0x1;
	[dreg:$0x2] =	wrdreg s3  }
0xa9: {  	[dreg:$0x3] =	wrdreg s5  }
0xaa: {  	[dreg:$0x4] =	wrdreg $0xC0  }
0xab: {  	_ =	task [dreg:s7], $0x5FFFF  }
0xac: {  	[dreg:$0x1] =	wrdreg $0xFFFFFFFF  }
0xad: {  	[dreg:$0x0] =	wrdreg $0x60  }
0xae: {  	[dreg:$0x2] =	wrdreg s24  }
0xaf: {  	[dreg:$0x3] =	wrdreg s2  }
0xb0: {  	[dreg:$0x4] =	wrdreg $0x90000  }
0xb1: {  	[dreg:$0x5] =	wrdreg $0x9  }
0xb2: {  	_ =	task.clear_ibuf [dreg:s7], $0x6FFFF;
	_ =	strace $0x9000004F  }
0xb3: {  	s29 =	simm.s32 $0x9;
	_ =	strace $0x80000054  }
0xb4: {  	_ =	swait.ge [sflag:s29], $0x1  }
0xb5: {  	[sflag:s29] =	ssyncadd.s32 $0xFFFFFFFF  }
0xb6: {  	_ =	strace $0x90000054  }
0xb7: {  	_ =	sfence  }
0xb8: {  	s30 =	sld [smem:$0x0];
	_ =	sdelay $0x2  }
0xb9: {  	s31 =	sshll.u32 s1, $0xD;
	s1 =	sshrl.u32 s1, $0x2  }
0xba: {  	s3 =	sand.u32 $0x4000, s31;
	s1 =	sadd.s32 s1, s30  }
0xbb: {  	s0 =	sor.u32 s3, s0;
	s1 =	sshll.u32 s1, $0x11  }
0xbc: {  	s0 =	sor.u32 s1, s0  }
0xbd: {  	s0 =	sadd.s32 $0x8F2B, s0  }
0xbe: {  	[sflag:s0] =	ssyncadd.remote.s32 $0x1  }
0xbf: {  	_ =	sfence.sel $0xFFFF  }
0xc0: {  	[dreg:$0x0] =	wrdreg $0xFFFFFFFF;
	(pc) =	sbr.abs _section_cstart, $3  }
0xc1: {  	[dreg:$0x1] =	wrdreg $0xFFFFFFFF  }
0xc2: {  	_ =	task.clear_ibuf [dreg:s7], $0x2FFFF;
	_ =	strace $0x9FFFFFFF  }
0xc3: {  	(tm) =	ssettm $0x7FFFFFFF  }
tec
execute0_lowered:
.L_overlay_start_1:
0x0: {  	(tag) =	ssettag $0x1  }
0x1: {  	s0 =	rddreg [dreg:$0x0]  }
0x2: {  	s1 =	rddreg [dreg:$0x1]  }
0x3: {  	s2 =	rddreg [dreg:$0x2];
	s11 =	stileid.u32;
	s3 =	simm.s32 $0x0  }
0x4: {  	s4 =	srdreg.scid;
	s13 =	simm.s32 $0x100;
	s14 =	simm.s32 $0x880  }
0x5: {  	s15 =	simm.s32 $0x180;
	s17 =	simm.s32 $0x900;
	s19 =	simm.s32 $0x200  }
0x6: {  	s20 =	simm.s32 $0x980;
	s21 =	simm.s32 $0x280;
	[smem:$0x7FF] =	sst s3  }
0x7: {  	s22 =	simm.s32 $0xA00;
	_ =	strace $0x80000050;
	[dreg:$0x6] =	wrdreg s13  }
0x8: {  	s28 =	simm.s32 $0x680;
	s29 =	simm.s32 $0xE00;
	[dreg:$0x7] =	wrdreg s14  }
0x9: {  	s30 =	simm.s32 $0x700;
	s31 =	simm.s32 $0xE80;
	[dreg:$0x8] =	wrdreg s15  }
0xa: {  	s5 =	smul.u32 $0x5, s11;
	s6 =	sand.u32 $0x1, s4;
	[dreg:$0x9] =	wrdreg s17  }
0xb: {  	s7 =	smul.u32 $0x13C00, s11;
	s4 =	sadd.s32 $0xDC00, s0;
	[dreg:$0xa] =	wrdreg s19  }
0xc: {  	s24 =	smul.u32 $0x4F000, s11;
	s18 =	sshll.u32 s11, $0x6;
	[dreg:$0xb] =	wrdreg s20  }
0xd: {  	s11 =	simm.s32 $0x800;
	p0 =	seq.s32 s6, $0x0;
	[dreg:$0xc] =	wrdreg s21  }
0xe: {  	s9 =	smul.u32 $0x13C000, s6;
	s6 =	ssub.s32 $0x2, s6;
	[dreg:$0xd] =	wrdreg s22  }
0xf: {  	s13 =	simm.s32 $0x1000;
	s14 =	simm.s32 $0x5000;
	s15 =	simm.s32 $0x1  }
0x10: {  	s17 =	simm.s32 $0x400;
	s19 =	simm.s32 $0x480;
	s20 =	simm.s32 $0xC00  }
0x11: {  	s21 =	simm.s32 $0x500;
	s22 =	simm.s32 $0xC80;
	s8 =	sadd.s32 $0x50, s5  }
0x12: {  	s25 =	sshrl.u32 s6, $0x1;
	s26 =	sshrl.u32 s24, $0x2;
	s24 =	simm.s32 $0xA80  }
0x13: {  	s8 =	smov.u32 @p0 s5;
	s23 =	sadd.s32 s7, s9;
	s6 =	ssub.s32 s6, s25  }
0x14: {  	s9 =	sadd.s32 s26, s2;
	s7 =	sshrl.u32 s7, $0x3;
	[dreg:$0xf] =	wrdreg s24  }
0x15: {  	s25 =	simm.s32 $0x380;
	s26 =	simm.s32 $0xB00;
	s24 =	simm.s32 $0xD00  }
0x16: {  	s5 =	sshll.u32 s8, $0x8;
	s8 =	sshrl.u32 s23, $0x3;
	s7 =	sadd.s32 s4, s7  }
0x17: {  	s16 =	smax.u32 s6, $0x1;
	s23 =	simm.s32 $0x300;
	[dreg:$0x10] =	wrdreg s25  }
0x18: {  	[dreg:$0x11] =	wrdreg s26;
	s25 =	simm.s32 $0x600;
	s26 =	simm.s32 $0xD80  }
0x19: {  	s10 =	sadd.s32 s5, s0;
	s0 =	sadd.s32 s8, s0;
	[dreg:$0x12] =	wrdreg s7  }
0x1a: {  	s1 =	sadd.s32 s5, s1;
	[dreg:$0x14] =	wrdreg s16;
	s7 =	sor.u32 $0x1C03, s18  }
0x1b: {  	s8 =	sshrl.u32 s9, $0x3;
	[dreg:$0xe] =	wrdreg s23;
	s16 =	simm.s32 $0x2  }
0x1c: {  	s18 =	simm.s32 $0xB80;
	s23 =	simm.s32 $0x580;
	[dreg:$0x4] =	wrdreg s1  }
0x1d: {  	s5 =	simm.s32 $0xF80;
	s9 =	simm.s32 $0x0;
	[dreg:$0x15] =	wrdreg s7  }
0x1e: {  	s12 =	sadd.s32 $0x3C00, s10;
	s0 =	sadd.s32 $0x35400, s0;
	[dreg:$0x16] =	wrdreg s8  }
0x1f: {  	s10 =	simm.s32 $0x3;
	s1 =	simm.s32 $0xF00;
	[dreg:$0x5] =	wrdreg s12  }
0x20: {  	[dreg:$0x13] =	wrdreg s0;
	s12 =	simm.s32 $0x80;
	s0 =	simm.s32 $0x780  }
.LBB2_1:
0x21: {  	[dreg:$0x17] =	wrdreg s9  }
0x22: {  	_ =	strace $0x80000051  }
0x23: {  	s6 =	rddreg [dreg:$0x12]  }
0x24: {  	[spmem:s8], [sflag:s7] =	dma.local [hbm:s6], $0x2780  }
0x25: {  	_ =	swait.ge [sflag:s10], $0x2780  }
0x26: {  	[sflag:s10] =	ssyncset.done $0x0  }
0x27: {  	[sflag:s10] =	ssyncadd.s32 $0xFFFFD880  }
0x28: {  	[bflag:$0x0] =	sbarrier.arrive $0xFFFF  }
0x29: {  	_ =	strace $0x90000051  }
0x2a: {  	_ =	strace $0x80000052  }
0x2b: {  	s8 =	rddreg [dreg:$0x5]  }
0x2c: {  	s7 =	sadd.s32 $0x0, s8  }
0x2d: {  	[tilespmem:s3], [sflag:$0x3] =	stream.linear.gather [hbm4b:s7+s3], $0x800, $0x200038;
	[tilespmem:$0x1CC00] =	vst v63  }
0x2e: {  	_ =	swait.ge [sflag:s10], $0x800  }
0x2f: {  	s9 =	rddreg [dreg:$0x4];
	[sflag:s10] =	ssyncset.done $0x0  }
0x30: {  	[sflag:s10] =	ssyncadd.s32 $0xFFFFF800;
	s7 =	sadd.s32 $0x0, s9  }
0x31: {  	[tilespmem:s11], [sflag:$0x3] =	stream.linear.gather [hbm4b:s7+s3], $0x800, $0x200038;
	[tilespmem:$0x1CC00] =	vst v63  }
0x32: {  	_ =	swait.ge [sflag:s10], $0x800  }
0x33: {  	[sflag:s10] =	ssyncset.done $0x0  }
0x34: {  	[sflag:s10] =	ssyncadd.s32 $0xFFFFF800  }
0x35: {  	[tilespmem:s13], [sflag:$0x1] =	stream.indirect.gather [hbm4b:s4+s12], $0x80, s3, s12, $0x2000b8;
	[tilespmem:$0x1CC00] =	vst v63  }
0x36: {  	_ = 	snop  }
0x37: {  	[tilespmem:s14], [sflag:$0x2] =	stream.indirect.gather [hbm4b:s4+s12], $0x80, s12, s12, $0x2000b8;
	[tilespmem:$0x1CC00] =	vst v63  }
0x38: {  	_ =	swait.ge [sflag:s15], $0x4000  }
0x39: {  	[sflag:s15] =	ssyncset.done $0x0  }
0x3a: {  	[sflag:s15] =	ssyncadd.s32 $0xFFFFC000  }
0x3b: {  	[spmem:s2] =	stream.indirect.scatter.add.f32 [tilespmem:s13], [sflag:$0x3], $0x80, s11, s12, $0x2000b8;
	[tilespmem:$0x1CC00] =	vst v63  }
0x3c: {  	_ =	swait.ge [sflag:s10], $0x4000  }
0x3d: {  	[sflag:s10] =	ssyncset.done $0x0  }
0x3e: {  	s6 =	rddreg [dreg:$0x6];
	[sflag:s10] =	ssyncadd.s32 $0xFFFFC000  }
0x3f: {  	[tilespmem:s13], [sflag:$0x1] =	stream.indirect.gather [hbm4b:s4+s12], $0x80, s6, s12, $0x2000b8;
	[tilespmem:$0x1CC00] =	vst v63  }
0x40: {  	_ =	swait.ge [sflag:s16], $0x4000  }
0x41: {  	[sflag:s16] =	ssyncset.done $0x0  }
0x42: {  	s8 =	rddreg [dreg:$0x7];
	[sflag:s16] =	ssyncadd.s32 $0xFFFFC000  }
0x43: {  	[spmem:s2] =	stream.indirect.scatter.add.f32 [tilespmem:s14], [sflag:$0x3], $0x80, s8, s12, $0x2000b8;
	[tilespmem:$0x1CC00] =	vst v63  }
0x44: {  	_ =	swait.ge [sflag:s10], $0x4000  }
0x45: {  	[sflag:s10] =	ssyncset.done $0x0  }
0x46: {  	s9 =	rddreg [dreg:$0x8];
	[sflag:s10] =	ssyncadd.s32 $0xFFFFC000  }
0x47: {  	[tilespmem:s14], [sflag:$0x2] =	stream.indirect.gather [hbm4b:s4+s12], $0x80, s9, s12, $0x2000b8;
	[tilespmem:$0x1CC00] =	vst v63  }
0x48: {  	_ =	swait.ge [sflag:s15], $0x4000  }
0x49: {  	[sflag:s15] =	ssyncset.done $0x0  }
0x4a: {  	s6 =	rddreg [dreg:$0x9];
	[sflag:s15] =	ssyncadd.s32 $0xFFFFC000  }
0x4b: {  	[spmem:s2] =	stream.indirect.scatter.add.f32 [tilespmem:s13], [sflag:$0x3], $0x80, s6, s12, $0x2000b8;
	[tilespmem:$0x1CC00] =	vst v63  }
0x4c: {  	_ =	swait.ge [sflag:s10], $0x4000  }
0x4d: {  	[sflag:s10] =	ssyncset.done $0x0  }
0x4e: {  	s8 =	rddreg [dreg:$0xa];
	[sflag:s10] =	ssyncadd.s32 $0xFFFFC000  }
0x4f: {  	[tilespmem:s13], [sflag:$0x1] =	stream.indirect.gather [hbm4b:s4+s12], $0x80, s8, s12, $0x2000b8;
	[tilespmem:$0x1CC00] =	vst v63  }
0x50: {  	_ =	swait.ge [sflag:s16], $0x4000  }
0x51: {  	[sflag:s16] =	ssyncset.done $0x0  }
0x52: {  	s9 =	rddreg [dreg:$0xb];
	[sflag:s16] =	ssyncadd.s32 $0xFFFFC000  }
0x53: {  	[spmem:s2] =	stream.indirect.scatter.add.f32 [tilespmem:s14], [sflag:$0x3], $0x80, s9, s12, $0x2000b8;
	[tilespmem:$0x1CC00] =	vst v63  }
0x54: {  	_ =	swait.ge [sflag:s10], $0x4000  }
0x55: {  	[sflag:s10] =	ssyncset.done $0x0  }
0x56: {  	s6 =	rddreg [dreg:$0xc];
	[sflag:s10] =	ssyncadd.s32 $0xFFFFC000  }
0x57: {  	[tilespmem:s14], [sflag:$0x2] =	stream.indirect.gather [hbm4b:s4+s12], $0x80, s6, s12, $0x2000b8;
	[tilespmem:$0x1CC00] =	vst v63  }
0x58: {  	_ =	swait.ge [sflag:s15], $0x4000  }
0x59: {  	[sflag:s15] =	ssyncset.done $0x0  }
0x5a: {  	s8 =	rddreg [dreg:$0xd];
	[sflag:s15] =	ssyncadd.s32 $0xFFFFC000  }
0x5b: {  	[spmem:s2] =	stream.indirect.scatter.add.f32 [tilespmem:s13], [sflag:$0x3], $0x80, s8, s12, $0x2000b8;
	[tilespmem:$0x1CC00] =	vst v63  }
0x5c: {  	_ =	swait.ge [sflag:s10], $0x4000  }
0x5d: {  	[sflag:s10] =	ssyncset.done $0x0  }
0x5e: {  	s9 =	rddreg [dreg:$0xe];
	[sflag:s10] =	ssyncadd.s32 $0xFFFFC000  }
0x5f: {  	[tilespmem:s13], [sflag:$0x1] =	stream.indirect.gather [hbm4b:s4+s12], $0x80, s9, s12, $0x2000b8;
	[tilespmem:$0x1CC00] =	vst v63  }
0x60: {  	_ =	swait.ge [sflag:s16], $0x4000  }
0x61: {  	[sflag:s16] =	ssyncset.done $0x0  }
0x62: {  	s6 =	rddreg [dreg:$0xf];
	[sflag:s16] =	ssyncadd.s32 $0xFFFFC000  }
0x63: {  	[spmem:s2] =	stream.indirect.scatter.add.f32 [tilespmem:s14], [sflag:$0x3], $0x80, s6, s12, $0x2000b8;
	[tilespmem:$0x1CC00] =	vst v63  }
0x64: {  	_ =	swait.ge [sflag:s10], $0x4000  }
0x65: {  	[sflag:s10] =	ssyncset.done $0x0  }
0x66: {  	s8 =	rddreg [dreg:$0x10];
	[sflag:s10] =	ssyncadd.s32 $0xFFFFC000  }
0x67: {  	[tilespmem:s14], [sflag:$0x2] =	stream.indirect.gather [hbm4b:s4+s12], $0x80, s8, s12, $0x2000b8;
	[tilespmem:$0x1CC00] =	vst v63  }
0x68: {  	_ =	swait.ge [sflag:s15], $0x4000  }
0x69: {  	[sflag:s15] =	ssyncset.done $0x0  }
0x6a: {  	s9 =	rddreg [dreg:$0x11];
	[sflag:s15] =	ssyncadd.s32 $0xFFFFC000  }
0x6b: {  	[spmem:s2] =	stream.indirect.scatter.add.f32 [tilespmem:s13], [sflag:$0x3], $0x80, s9, s12, $0x2000b8;
	[tilespmem:$0x1CC00] =	vst v63  }
0x6c: {  	_ =	swait.ge [sflag:s10], $0x4000  }
0x6d: {  	[sflag:s10] =	ssyncset.done $0x0  }
0x6e: {  	[sflag:s10] =	ssyncadd.s32 $0xFFFFC000  }
0x6f: {  	[tilespmem:s13], [sflag:$0x1] =	stream.indirect.gather [hbm4b:s4+s12], $0x80, s17, s12, $0x2000b8;
	[tilespmem:$0x1CC00] =	vst v63  }
0x70: {  	_ =	swait.ge [sflag:s16], $0x4000  }
0x71: {  	[sflag:s16] =	ssyncset.done $0x0  }
0x72: {  	[sflag:s16] =	ssyncadd.s32 $0xFFFFC000  }
0x73: {  	[spmem:s2] =	stream.indirect.scatter.add.f32 [tilespmem:s14], [sflag:$0x3], $0x80, s18, s12, $0x2000b8;
	[tilespmem:$0x1CC00] =	vst v63  }
0x74: {  	_ =	swait.ge [sflag:s10], $0x4000  }
0x75: {  	[sflag:s10] =	ssyncset.done $0x0  }
0x76: {  	[sflag:s10] =	ssyncadd.s32 $0xFFFFC000  }
0x77: {  	[tilespmem:s14], [sflag:$0x2] =	stream.indirect.gather [hbm4b:s4+s12], $0x80, s19, s12, $0x2000b8;
	[tilespmem:$0x1CC00] =	vst v63  }
0x78: {  	_ =	swait.ge [sflag:s15], $0x4000  }
0x79: {  	[sflag:s15] =	ssyncset.done $0x0  }
0x7a: {  	[sflag:s15] =	ssyncadd.s32 $0xFFFFC000  }
0x7b: {  	[spmem:s2] =	stream.indirect.scatter.add.f32 [tilespmem:s13], [sflag:$0x3], $0x80, s20, s12, $0x2000b8;
	[tilespmem:$0x1CC00] =	vst v63  }
0x7c: {  	_ =	swait.ge [sflag:s10], $0x4000  }
0x7d: {  	[sflag:s10] =	ssyncset.done $0x0  }
0x7e: {  	[sflag:s10] =	ssyncadd.s32 $0xFFFFC000  }
0x7f: {  	[tilespmem:s13], [sflag:$0x1] =	stream.indirect.gather [hbm4b:s4+s12], $0x80, s21, s12, $0x2000b8;
	[tilespmem:$0x1CC00] =	vst v63  }
0x80: {  	_ =	swait.ge [sflag:s16], $0x4000  }
0x81: {  	[sflag:s16] =	ssyncset.done $0x0  }
0x82: {  	[sflag:s16] =	ssyncadd.s32 $0xFFFFC000  }
0x83: {  	[spmem:s2] =	stream.indirect.scatter.add.f32 [tilespmem:s14], [sflag:$0x3], $0x80, s22, s12, $0x2000b8;
	[tilespmem:$0x1CC00] =	vst v63  }
0x84: {  	_ =	swait.ge [sflag:s10], $0x4000  }
0x85: {  	[sflag:s10] =	ssyncset.done $0x0  }
0x86: {  	[sflag:s10] =	ssyncadd.s32 $0xFFFFC000  }
0x87: {  	[tilespmem:s14], [sflag:$0x2] =	stream.indirect.gather [hbm4b:s4+s12], $0x80, s23, s12, $0x2000b8;
	[tilespmem:$0x1CC00] =	vst v63  }
0x88: {  	_ =	swait.ge [sflag:s15], $0x4000  }
0x89: {  	[sflag:s15] =	ssyncset.done $0x0  }
0x8a: {  	[sflag:s15] =	ssyncadd.s32 $0xFFFFC000  }
0x8b: {  	[spmem:s2] =	stream.indirect.scatter.add.f32 [tilespmem:s13], [sflag:$0x3], $0x80, s24, s12, $0x2000b8;
	[tilespmem:$0x1CC00] =	vst v63  }
0x8c: {  	_ =	swait.ge [sflag:s10], $0x4000  }
0x8d: {  	[sflag:s10] =	ssyncset.done $0x0  }
0x8e: {  	[sflag:s10] =	ssyncadd.s32 $0xFFFFC000  }
0x8f: {  	[tilespmem:s13], [sflag:$0x1] =	stream.indirect.gather [hbm4b:s4+s12], $0x80, s25, s12, $0x2000b8;
	[tilespmem:$0x1CC00] =	vst v63  }
0x90: {  	_ =	swait.ge [sflag:s16], $0x4000  }
0x91: {  	[sflag:s16] =	ssyncset.done $0x0  }
0x92: {  	[sflag:s16] =	ssyncadd.s32 $0xFFFFC000  }
0x93: {  	[spmem:s2] =	stream.indirect.scatter.add.f32 [tilespmem:s14], [sflag:$0x3], $0x80, s26, s12, $0x2000b8;
	[tilespmem:$0x1CC00] =	vst v63  }
0x94: {  	_ =	swait.ge [sflag:s10], $0x4000  }
0x95: {  	[sflag:s10] =	ssyncset.done $0x0  }
0x96: {  	[sflag:s10] =	ssyncadd.s32 $0xFFFFC000  }
0x97: {  	[tilespmem:s14], [sflag:$0x2] =	stream.indirect.gather [hbm4b:s4+s12], $0x80, s28, s12, $0x2000b8;
	[tilespmem:$0x1CC00] =	vst v63  }
0x98: {  	_ =	swait.ge [sflag:s15], $0x4000  }
0x99: {  	[sflag:s15] =	ssyncset.done $0x0  }
0x9a: {  	[sflag:s15] =	ssyncadd.s32 $0xFFFFC000  }
0x9b: {  	[spmem:s2] =	stream.indirect.scatter.add.f32 [tilespmem:s13], [sflag:$0x3], $0x80, s29, s12, $0x2000b8;
	[tilespmem:$0x1CC00] =	vst v63  }
0x9c: {  	_ =	swait.ge [sflag:s10], $0x4000  }
0x9d: {  	[sflag:s10] =	ssyncset.done $0x0  }
0x9e: {  	[sflag:s10] =	ssyncadd.s32 $0xFFFFC000  }
0x9f: {  	[tilespmem:s13], [sflag:$0x1] =	stream.indirect.gather [hbm4b:s4+s12], $0x80, s30, s12, $0x2000b8;
	[tilespmem:$0x1CC00] =	vst v63  }
0xa0: {  	_ =	swait.ge [sflag:s16], $0x4000  }
0xa1: {  	[sflag:s16] =	ssyncset.done $0x0  }
0xa2: {  	[sflag:s16] =	ssyncadd.s32 $0xFFFFC000  }
0xa3: {  	[spmem:s2] =	stream.indirect.scatter.add.f32 [tilespmem:s14], [sflag:$0x3], $0x80, s31, s12, $0x2000b8;
	[tilespmem:$0x1CC00] =	vst v63  }
0xa4: {  	_ =	swait.ge [sflag:s10], $0x4000  }
0xa5: {  	[sflag:s10] =	ssyncset.done $0x0  }
0xa6: {  	[sflag:s10] =	ssyncadd.s32 $0xFFFFC000  }
0xa7: {  	[tilespmem:s14], [sflag:$0x2] =	stream.indirect.gather [hbm4b:s4+s12], $0x80, s0, s12, $0x2000b8;
	[tilespmem:$0x1CC00] =	vst v63  }
0xa8: {  	_ =	swait.ge [sflag:s15], $0x4000  }
0xa9: {  	[sflag:s15] =	ssyncset.done $0x0  }
0xaa: {  	[sflag:s15] =	ssyncadd.s32 $0xFFFFC000  }
0xab: {  	[spmem:s2] =	stream.indirect.scatter.add.f32 [tilespmem:s13], [sflag:$0x3], $0x80, s1, s12, $0x2000b8;
	[tilespmem:$0x1CC00] =	vst v63  }
0xac: {  	_ =	swait.ge [sflag:s10], $0x4000  }
0xad: {  	[sflag:s10] =	ssyncset.done $0x0  }
0xae: {  	[sflag:s10] =	ssyncadd.s32 $0xFFFFC000  }
0xaf: {  	_ =	swait.ge [sflag:s16], $0x4000  }
0xb0: {  	[sflag:s16] =	ssyncset.done $0x0  }
0xb1: {  	[sflag:s16] =	ssyncadd.s32 $0xFFFFC000  }
0xb2: {  	[spmem:s2] =	stream.indirect.scatter.add.f32 [tilespmem:s14], [sflag:$0x3], $0x80, s5, s12, $0x2000b8;
	[tilespmem:$0x1CC00] =	vst v63  }
0xb3: {  	s7 =	simm.s32 $0x100;
	_ =	swait.ge [sflag:s10], $0x4000  }
0xb4: {  	s8 =	simm.s32 $0x200;
	s9 =	rddreg [dreg:$0x5];
	[sflag:s10] =	ssyncset.done $0x0  }
.LBB2_2:
0xb5: {  	[sflag:s10] =	ssyncadd.s32 $0xFFFFC000;
	s9 =	sadd.s32 s7, s9  }
0xb6: {  	[tilespmem:s3], [sflag:$0x3] =	stream.linear.gather [hbm4b:s9+s3], $0x800, $0x200038;
	[tilespmem:$0x1CC00] =	vst v63  }
0xb7: {  	_ =	swait.ge [sflag:s10], $0x800  }
0xb8: {  	s9 =	rddreg [dreg:$0x4];
	[sflag:s10] =	ssyncset.done $0x0  }
0xb9: {  	[sflag:s10] =	ssyncadd.s32 $0xFFFFF800;
	s9 =	sadd.s32 s7, s9  }
0xba: {  	[tilespmem:s11], [sflag:$0x3] =	stream.linear.gather [hbm4b:s9+s3], $0x800, $0x200038;
	[tilespmem:$0x1CC00] =	vst v63  }
0xbb: {  	_ =	swait.ge [sflag:s10], $0x800  }
0xbc: {  	[sflag:s10] =	ssyncset.done $0x0  }
0xbd: {  	[sflag:s10] =	ssyncadd.s32 $0xFFFFF800  }
0xbe: {  	[tilespmem:s13], [sflag:$0x1] =	stream.indirect.gather [hbm4b:s4+s12], $0x80, s3, s12, $0x2000b8;
	[tilespmem:$0x1CC00] =	vst v63  }
0xbf: {  	_ = 	snop  }
0xc0: {  	[tilespmem:s14], [sflag:$0x2] =	stream.indirect.gather [hbm4b:s4+s12], $0x80, s12, s12, $0x2000b8;
	[tilespmem:$0x1CC00] =	vst v63  }
0xc1: {  	_ =	swait.ge [sflag:s15], $0x4000  }
0xc2: {  	[sflag:s15] =	ssyncset.done $0x0  }
0xc3: {  	[sflag:s15] =	ssyncadd.s32 $0xFFFFC000  }
0xc4: {  	[spmem:s2] =	stream.indirect.scatter.add.f32 [tilespmem:s13], [sflag:$0x3], $0x80, s11, s12, $0x2000b8;
	[tilespmem:$0x1CC00] =	vst v63  }
0xc5: {  	_ =	swait.ge [sflag:s10], $0x4000  }
0xc6: {  	[sflag:s10] =	ssyncset.done $0x0  }
0xc7: {  	s9 =	rddreg [dreg:$0x6];
	[sflag:s10] =	ssyncadd.s32 $0xFFFFC000  }
0xc8: {  	[tilespmem:s13], [sflag:$0x1] =	stream.indirect.gather [hbm4b:s4+s12], $0x80, s9, s12, $0x2000b8;
	[tilespmem:$0x1CC00] =	vst v63  }
0xc9: {  	_ =	swait.ge [sflag:s16], $0x4000  }
0xca: {  	[sflag:s16] =	ssyncset.done $0x0  }
0xcb: {  	s9 =	rddreg [dreg:$0x7];
	[sflag:s16] =	ssyncadd.s32 $0xFFFFC000  }
0xcc: {  	[spmem:s2] =	stream.indirect.scatter.add.f32 [tilespmem:s14], [sflag:$0x3], $0x80, s9, s12, $0x2000b8;
	[tilespmem:$0x1CC00] =	vst v63  }
0xcd: {  	_ =	swait.ge [sflag:s10], $0x4000  }
0xce: {  	[sflag:s10] =	ssyncset.done $0x0  }
0xcf: {  	s9 =	rddreg [dreg:$0x8];
	[sflag:s10] =	ssyncadd.s32 $0xFFFFC000  }
0xd0: {  	[tilespmem:s14], [sflag:$0x2] =	stream.indirect.gather [hbm4b:s4+s12], $0x80, s9, s12, $0x2000b8;
	[tilespmem:$0x1CC00] =	vst v63  }
0xd1: {  	_ =	swait.ge [sflag:s15], $0x4000  }
0xd2: {  	[sflag:s15] =	ssyncset.done $0x0  }
0xd3: {  	s9 =	rddreg [dreg:$0x9];
	[sflag:s15] =	ssyncadd.s32 $0xFFFFC000  }
0xd4: {  	[spmem:s2] =	stream.indirect.scatter.add.f32 [tilespmem:s13], [sflag:$0x3], $0x80, s9, s12, $0x2000b8;
	[tilespmem:$0x1CC00] =	vst v63  }
0xd5: {  	_ =	swait.ge [sflag:s10], $0x4000  }
0xd6: {  	[sflag:s10] =	ssyncset.done $0x0  }
0xd7: {  	s9 =	rddreg [dreg:$0xa];
	[sflag:s10] =	ssyncadd.s32 $0xFFFFC000  }
0xd8: {  	[tilespmem:s13], [sflag:$0x1] =	stream.indirect.gather [hbm4b:s4+s12], $0x80, s9, s12, $0x2000b8;
	[tilespmem:$0x1CC00] =	vst v63  }
0xd9: {  	_ =	swait.ge [sflag:s16], $0x4000  }
0xda: {  	[sflag:s16] =	ssyncset.done $0x0  }
0xdb: {  	s9 =	rddreg [dreg:$0xb];
	[sflag:s16] =	ssyncadd.s32 $0xFFFFC000  }
0xdc: {  	[spmem:s2] =	stream.indirect.scatter.add.f32 [tilespmem:s14], [sflag:$0x3], $0x80, s9, s12, $0x2000b8;
	[tilespmem:$0x1CC00] =	vst v63  }
0xdd: {  	_ =	swait.ge [sflag:s10], $0x4000  }
0xde: {  	[sflag:s10] =	ssyncset.done $0x0  }
0xdf: {  	s9 =	rddreg [dreg:$0xc];
	[sflag:s10] =	ssyncadd.s32 $0xFFFFC000  }
0xe0: {  	[tilespmem:s14], [sflag:$0x2] =	stream.indirect.gather [hbm4b:s4+s12], $0x80, s9, s12, $0x2000b8;
	[tilespmem:$0x1CC00] =	vst v63  }
0xe1: {  	_ =	swait.ge [sflag:s15], $0x4000  }
0xe2: {  	[sflag:s15] =	ssyncset.done $0x0  }
0xe3: {  	s9 =	rddreg [dreg:$0xd];
	[sflag:s15] =	ssyncadd.s32 $0xFFFFC000  }
0xe4: {  	[spmem:s2] =	stream.indirect.scatter.add.f32 [tilespmem:s13], [sflag:$0x3], $0x80, s9, s12, $0x2000b8;
	[tilespmem:$0x1CC00] =	vst v63  }
0xe5: {  	_ =	swait.ge [sflag:s10], $0x4000  }
0xe6: {  	[sflag:s10] =	ssyncset.done $0x0  }
0xe7: {  	s9 =	rddreg [dreg:$0xe];
	[sflag:s10] =	ssyncadd.s32 $0xFFFFC000  }
0xe8: {  	[tilespmem:s13], [sflag:$0x1] =	stream.indirect.gather [hbm4b:s4+s12], $0x80, s9, s12, $0x2000b8;
	[tilespmem:$0x1CC00] =	vst v63  }
0xe9: {  	_ =	swait.ge [sflag:s16], $0x4000  }
0xea: {  	[sflag:s16] =	ssyncset.done $0x0  }
0xeb: {  	s9 =	rddreg [dreg:$0xf];
	[sflag:s16] =	ssyncadd.s32 $0xFFFFC000  }
0xec: {  	[spmem:s2] =	stream.indirect.scatter.add.f32 [tilespmem:s14], [sflag:$0x3], $0x80, s9, s12, $0x2000b8;
	[tilespmem:$0x1CC00] =	vst v63  }
0xed: {  	_ =	swait.ge [sflag:s10], $0x4000  }
0xee: {  	[sflag:s10] =	ssyncset.done $0x0  }
0xef: {  	s9 =	rddreg [dreg:$0x10];
	[sflag:s10] =	ssyncadd.s32 $0xFFFFC000  }
0xf0: {  	[tilespmem:s14], [sflag:$0x2] =	stream.indirect.gather [hbm4b:s4+s12], $0x80, s9, s12, $0x2000b8;
	[tilespmem:$0x1CC00] =	vst v63  }
0xf1: {  	_ =	swait.ge [sflag:s15], $0x4000  }
0xf2: {  	[sflag:s15] =	ssyncset.done $0x0  }
0xf3: {  	s9 =	rddreg [dreg:$0x11];
	[sflag:s15] =	ssyncadd.s32 $0xFFFFC000  }
0xf4: {  	[spmem:s2] =	stream.indirect.scatter.add.f32 [tilespmem:s13], [sflag:$0x3], $0x80, s9, s12, $0x2000b8;
	[tilespmem:$0x1CC00] =	vst v63  }
0xf5: {  	_ =	swait.ge [sflag:s10], $0x4000  }
0xf6: {  	[sflag:s10] =	ssyncset.done $0x0  }
0xf7: {  	[sflag:s10] =	ssyncadd.s32 $0xFFFFC000  }
0xf8: {  	[tilespmem:s13], [sflag:$0x1] =	stream.indirect.gather [hbm4b:s4+s12], $0x80, s17, s12, $0x2000b8;
	[tilespmem:$0x1CC00] =	vst v63  }
0xf9: {  	_ =	swait.ge [sflag:s16], $0x4000  }
0xfa: {  	[sflag:s16] =	ssyncset.done $0x0  }
0xfb: {  	[sflag:s16] =	ssyncadd.s32 $0xFFFFC000  }
0xfc: {  	[spmem:s2] =	stream.indirect.scatter.add.f32 [tilespmem:s14], [sflag:$0x3], $0x80, s18, s12, $0x2000b8;
	[tilespmem:$0x1CC00] =	vst v63  }
0xfd: {  	_ =	swait.ge [sflag:s10], $0x4000  }
0xfe: {  	[sflag:s10] =	ssyncset.done $0x0  }
0xff: {  	[sflag:s10] =	ssyncadd.s32 $0xFFFFC000  }
0x100: {  	[tilespmem:s14], [sflag:$0x2] =	stream.indirect.gather [hbm4b:s4+s12], $0x80, s19, s12, $0x2000b8;
	[tilespmem:$0x1CC00] =	vst v63  }
0x101: {  	_ =	swait.ge [sflag:s15], $0x4000  }
0x102: {  	[sflag:s15] =	ssyncset.done $0x0  }
0x103: {  	[sflag:s15] =	ssyncadd.s32 $0xFFFFC000  }
0x104: {  	[spmem:s2] =	stream.indirect.scatter.add.f32 [tilespmem:s13], [sflag:$0x3], $0x80, s20, s12, $0x2000b8;
	[tilespmem:$0x1CC00] =	vst v63  }
0x105: {  	_ =	swait.ge [sflag:s10], $0x4000  }
0x106: {  	[sflag:s10] =	ssyncset.done $0x0  }
0x107: {  	[sflag:s10] =	ssyncadd.s32 $0xFFFFC000  }
0x108: {  	[tilespmem:s13], [sflag:$0x1] =	stream.indirect.gather [hbm4b:s4+s12], $0x80, s21, s12, $0x2000b8;
	[tilespmem:$0x1CC00] =	vst v63  }
0x109: {  	_ =	swait.ge [sflag:s16], $0x4000  }
0x10a: {  	[sflag:s16] =	ssyncset.done $0x0  }
0x10b: {  	[sflag:s16] =	ssyncadd.s32 $0xFFFFC000  }
0x10c: {  	[spmem:s2] =	stream.indirect.scatter.add.f32 [tilespmem:s14], [sflag:$0x3], $0x80, s22, s12, $0x2000b8;
	[tilespmem:$0x1CC00] =	vst v63  }
0x10d: {  	_ =	swait.ge [sflag:s10], $0x4000  }
0x10e: {  	[sflag:s10] =	ssyncset.done $0x0  }
0x10f: {  	[sflag:s10] =	ssyncadd.s32 $0xFFFFC000  }
0x110: {  	[tilespmem:s14], [sflag:$0x2] =	stream.indirect.gather [hbm4b:s4+s12], $0x80, s23, s12, $0x2000b8;
	[tilespmem:$0x1CC00] =	vst v63  }
0x111: {  	_ =	swait.ge [sflag:s15], $0x4000  }
0x112: {  	[sflag:s15] =	ssyncset.done $0x0  }
0x113: {  	[sflag:s15] =	ssyncadd.s32 $0xFFFFC000  }
0x114: {  	[spmem:s2] =	stream.indirect.scatter.add.f32 [tilespmem:s13], [sflag:$0x3], $0x80, s24, s12, $0x2000b8;
	[tilespmem:$0x1CC00] =	vst v63  }
0x115: {  	_ =	swait.ge [sflag:s10], $0x4000  }
0x116: {  	[sflag:s10] =	ssyncset.done $0x0  }
0x117: {  	[sflag:s10] =	ssyncadd.s32 $0xFFFFC000  }
0x118: {  	[tilespmem:s13], [sflag:$0x1] =	stream.indirect.gather [hbm4b:s4+s12], $0x80, s25, s12, $0x2000b8;
	[tilespmem:$0x1CC00] =	vst v63  }
0x119: {  	_ =	swait.ge [sflag:s16], $0x4000  }
0x11a: {  	[sflag:s16] =	ssyncset.done $0x0  }
0x11b: {  	[sflag:s16] =	ssyncadd.s32 $0xFFFFC000  }
0x11c: {  	[spmem:s2] =	stream.indirect.scatter.add.f32 [tilespmem:s14], [sflag:$0x3], $0x80, s26, s12, $0x2000b8;
	[tilespmem:$0x1CC00] =	vst v63  }
0x11d: {  	_ =	swait.ge [sflag:s10], $0x4000  }
0x11e: {  	[sflag:s10] =	ssyncset.done $0x0  }
0x11f: {  	[sflag:s10] =	ssyncadd.s32 $0xFFFFC000  }
0x120: {  	[tilespmem:s14], [sflag:$0x2] =	stream.indirect.gather [hbm4b:s4+s12], $0x80, s28, s12, $0x2000b8;
	[tilespmem:$0x1CC00] =	vst v63  }
0x121: {  	_ =	swait.ge [sflag:s15], $0x4000  }
0x122: {  	[sflag:s15] =	ssyncset.done $0x0  }
0x123: {  	[sflag:s15] =	ssyncadd.s32 $0xFFFFC000  }
0x124: {  	[spmem:s2] =	stream.indirect.scatter.add.f32 [tilespmem:s13], [sflag:$0x3], $0x80, s29, s12, $0x2000b8;
	[tilespmem:$0x1CC00] =	vst v63  }
0x125: {  	_ =	swait.ge [sflag:s10], $0x4000  }
0x126: {  	[sflag:s10] =	ssyncset.done $0x0  }
0x127: {  	[sflag:s10] =	ssyncadd.s32 $0xFFFFC000  }
0x128: {  	[tilespmem:s13], [sflag:$0x1] =	stream.indirect.gather [hbm4b:s4+s12], $0x80, s30, s12, $0x2000b8;
	[tilespmem:$0x1CC00] =	vst v63  }
0x129: {  	_ =	swait.ge [sflag:s16], $0x4000  }
0x12a: {  	[sflag:s16] =	ssyncset.done $0x0  }
0x12b: {  	[sflag:s16] =	ssyncadd.s32 $0xFFFFC000  }
0x12c: {  	[spmem:s2] =	stream.indirect.scatter.add.f32 [tilespmem:s14], [sflag:$0x3], $0x80, s31, s12, $0x2000b8;
	[tilespmem:$0x1CC00] =	vst v63  }
0x12d: {  	_ =	swait.ge [sflag:s10], $0x4000  }
0x12e: {  	[sflag:s10] =	ssyncset.done $0x0  }
0x12f: {  	[sflag:s10] =	ssyncadd.s32 $0xFFFFC000  }
0x130: {  	[tilespmem:s14], [sflag:$0x2] =	stream.indirect.gather [hbm4b:s4+s12], $0x80, s0, s12, $0x2000b8;
	[tilespmem:$0x1CC00] =	vst v63  }
0x131: {  	_ =	swait.ge [sflag:s15], $0x4000  }
0x132: {  	[sflag:s15] =	ssyncset.done $0x0  }
0x133: {  	[sflag:s15] =	ssyncadd.s32 $0xFFFFC000  }
0x134: {  	[spmem:s2] =	stream.indirect.scatter.add.f32 [tilespmem:s13], [sflag:$0x3], $0x80, s1, s12, $0x2000b8;
	[tilespmem:$0x1CC00] =	vst v63  }
0x135: {  	_ =	swait.ge [sflag:s10], $0x4000  }
0x136: {  	[sflag:s10] =	ssyncset.done $0x0  }
0x137: {  	[sflag:s10] =	ssyncadd.s32 $0xFFFFC000  }
0x138: {  	p0 =	sne.s32 s8, $0x400;
	_ =	swait.ge [sflag:s16], $0x4000  }
.Ltmp0:
0x139: {  	[sflag:s16] =	ssyncset.done $0x0;
	(pc) =	sbr.rel @p0 .LBB2_2-.Ltmp0, $4  }
0x13a: {  	[sflag:s16] =	ssyncadd.s32 $0xFFFFC000  }
0x13b: {  	[spmem:s2] =	stream.indirect.scatter.add.f32 [tilespmem:s14], [sflag:$0x3], $0x80, s5, s12, $0x2000b8;
	[tilespmem:$0x1CC00] =	vst v63  }
0x13c: {  	s6 =	smov.u32 s8;
	s8 =	sadd.s32 $0x100, s8;
	_ =	swait.ge [sflag:s10], $0x4000  }
0x13d: {  	s7 =	smov.u32 s6;
	s9 =	rddreg [dreg:$0x5];
	[sflag:s10] =	ssyncset.done $0x0  }
0x13e: {  	[sflag:s10] =	ssyncadd.s32 $0xFFFFC000;
	s6 =	sadd.s32 s7, s9  }
0x13f: {  	[tilespmem:s3], [sflag:$0x3] =	stream.linear.gather [hbm4b:s6+s3], $0x800, $0x200038;
	[tilespmem:$0x1CC00] =	vst v63  }
0x140: {  	_ =	swait.ge [sflag:s10], $0x800  }
0x141: {  	s8 =	rddreg [dreg:$0x4];
	[sflag:s10] =	ssyncset.done $0x0  }
0x142: {  	s6 =	sadd.s32 s7, s8;
	[sflag:s10] =	ssyncadd.s32 $0xFFFFF800  }
0x143: {  	[tilespmem:s11], [sflag:$0x3] =	stream.linear.gather [hbm4b:s6+s3], $0x800, $0x200038;
	[tilespmem:$0x1CC00] =	vst v63  }
0x144: {  	_ =	swait.ge [sflag:s10], $0x800  }
0x145: {  	[sflag:s10] =	ssyncset.done $0x0  }
0x146: {  	[sflag:s10] =	ssyncadd.s32 $0xFFFFF800  }
0x147: {  	[tilespmem:s13], [sflag:$0x1] =	stream.indirect.gather [hbm4b:s4+s12], $0x80, s3, s12, $0x2000b8;
	[tilespmem:$0x1CC00] =	vst v63  }
0x148: {  	_ = 	snop  }
0x149: {  	[tilespmem:s14], [sflag:$0x2] =	stream.indirect.gather [hbm4b:s4+s12], $0x80, s12, s12, $0x2000b8;
	[tilespmem:$0x1CC00] =	vst v63  }
0x14a: {  	_ =	swait.ge [sflag:s15], $0x4000  }
0x14b: {  	[sflag:s15] =	ssyncset.done $0x0  }
0x14c: {  	[sflag:s15] =	ssyncadd.s32 $0xFFFFC000  }
0x14d: {  	[spmem:s2] =	stream.indirect.scatter.add.f32 [tilespmem:s13], [sflag:$0x3], $0x80, s11, s12, $0x2000b8;
	[tilespmem:$0x1CC00] =	vst v63  }
0x14e: {  	_ =	swait.ge [sflag:s10], $0x4000  }
0x14f: {  	[sflag:s10] =	ssyncset.done $0x0  }
0x150: {  	s9 =	rddreg [dreg:$0x6];
	[sflag:s10] =	ssyncadd.s32 $0xFFFFC000  }
0x151: {  	[tilespmem:s13], [sflag:$0x1] =	stream.indirect.gather [hbm4b:s4+s12], $0x80, s9, s12, $0x2000b8;
	[tilespmem:$0x1CC00] =	vst v63  }
0x152: {  	_ =	swait.ge [sflag:s16], $0x4000  }
0x153: {  	[sflag:s16] =	ssyncset.done $0x0  }
0x154: {  	s7 =	rddreg [dreg:$0x7];
	[sflag:s16] =	ssyncadd.s32 $0xFFFFC000  }
0x155: {  	[spmem:s2] =	stream.indirect.scatter.add.f32 [tilespmem:s14], [sflag:$0x3], $0x80, s7, s12, $0x2000b8;
	[tilespmem:$0x1CC00] =	vst v63  }
0x156: {  	_ =	swait.ge [sflag:s10], $0x4000  }
0x157: {  	[sflag:s10] =	ssyncset.done $0x0  }
0x158: {  	s8 =	rddreg [dreg:$0x8];
	[sflag:s10] =	ssyncadd.s32 $0xFFFFC000  }
0x159: {  	[tilespmem:s14], [sflag:$0x2] =	stream.indirect.gather [hbm4b:s4+s12], $0x80, s8, s12, $0x2000b8;
	[tilespmem:$0x1CC00] =	vst v63  }
0x15a: {  	_ =	swait.ge [sflag:s15], $0x4000  }
0x15b: {  	[sflag:s15] =	ssyncset.done $0x0  }
0x15c: {  	s9 =	rddreg [dreg:$0x9];
	[sflag:s15] =	ssyncadd.s32 $0xFFFFC000  }
0x15d: {  	[spmem:s2] =	stream.indirect.scatter.add.f32 [tilespmem:s13], [sflag:$0x3], $0x80, s9, s12, $0x2000b8;
	[tilespmem:$0x1CC00] =	vst v63  }
0x15e: {  	_ =	swait.ge [sflag:s10], $0x4000  }
0x15f: {  	[sflag:s10] =	ssyncset.done $0x0  }
0x160: {  	s7 =	rddreg [dreg:$0xa];
	[sflag:s10] =	ssyncadd.s32 $0xFFFFC000  }
0x161: {  	[tilespmem:s13], [sflag:$0x1] =	stream.indirect.gather [hbm4b:s4+s12], $0x80, s7, s12, $0x2000b8;
	[tilespmem:$0x1CC00] =	vst v63  }
0x162: {  	_ =	swait.ge [sflag:s16], $0x4000  }
0x163: {  	[sflag:s16] =	ssyncset.done $0x0  }
0x164: {  	s8 =	rddreg [dreg:$0xb];
	[sflag:s16] =	ssyncadd.s32 $0xFFFFC000  }
0x165: {  	[spmem:s2] =	stream.indirect.scatter.add.f32 [tilespmem:s14], [sflag:$0x3], $0x80, s8, s12, $0x2000b8;
	[tilespmem:$0x1CC00] =	vst v63  }
0x166: {  	_ =	swait.ge [sflag:s10], $0x4000  }
0x167: {  	[sflag:s10] =	ssyncset.done $0x0  }
0x168: {  	s9 =	rddreg [dreg:$0xc];
	[sflag:s10] =	ssyncadd.s32 $0xFFFFC000  }
0x169: {  	[tilespmem:s14], [sflag:$0x2] =	stream.indirect.gather [hbm4b:s4+s12], $0x80, s9, s12, $0x2000b8;
	[tilespmem:$0x1CC00] =	vst v63  }
0x16a: {  	_ =	swait.ge [sflag:s15], $0x4000  }
0x16b: {  	[sflag:s15] =	ssyncset.done $0x0  }
0x16c: {  	s7 =	rddreg [dreg:$0xd];
	[sflag:s15] =	ssyncadd.s32 $0xFFFFC000  }
0x16d: {  	[spmem:s2] =	stream.indirect.scatter.add.f32 [tilespmem:s13], [sflag:$0x3], $0x80, s7, s12, $0x2000b8;
	[tilespmem:$0x1CC00] =	vst v63  }
0x16e: {  	_ =	swait.ge [sflag:s10], $0x4000  }
0x16f: {  	[sflag:s10] =	ssyncset.done $0x0  }
0x170: {  	s8 =	rddreg [dreg:$0xe];
	[sflag:s10] =	ssyncadd.s32 $0xFFFFC000  }
0x171: {  	[tilespmem:s13], [sflag:$0x1] =	stream.indirect.gather [hbm4b:s4+s12], $0x80, s8, s12, $0x2000b8;
	[tilespmem:$0x1CC00] =	vst v63  }
0x172: {  	_ =	swait.ge [sflag:s16], $0x4000  }
0x173: {  	[sflag:s16] =	ssyncset.done $0x0  }
0x174: {  	s9 =	rddreg [dreg:$0xf];
	[sflag:s16] =	ssyncadd.s32 $0xFFFFC000  }
0x175: {  	[spmem:s2] =	stream.indirect.scatter.add.f32 [tilespmem:s14], [sflag:$0x3], $0x80, s9, s12, $0x2000b8;
	[tilespmem:$0x1CC00] =	vst v63  }
0x176: {  	_ =	swait.ge [sflag:s10], $0x4000  }
0x177: {  	[sflag:s10] =	ssyncset.done $0x0  }
0x178: {  	s7 =	rddreg [dreg:$0x10];
	[sflag:s10] =	ssyncadd.s32 $0xFFFFC000  }
0x179: {  	[tilespmem:s14], [sflag:$0x2] =	stream.indirect.gather [hbm4b:s4+s12], $0x80, s7, s12, $0x2000b8;
	[tilespmem:$0x1CC00] =	vst v63  }
0x17a: {  	_ =	swait.ge [sflag:s15], $0x4000  }
0x17b: {  	[sflag:s15] =	ssyncset.done $0x0  }
0x17c: {  	s8 =	rddreg [dreg:$0x11];
	[sflag:s15] =	ssyncadd.s32 $0xFFFFC000  }
0x17d: {  	[spmem:s2] =	stream.indirect.scatter.add.f32 [tilespmem:s13], [sflag:$0x3], $0x80, s8, s12, $0x2000b8;
	[tilespmem:$0x1CC00] =	vst v63  }
0x17e: {  	_ =	swait.ge [sflag:s10], $0x4000  }
0x17f: {  	[sflag:s10] =	ssyncset.done $0x0  }
0x180: {  	[sflag:s10] =	ssyncadd.s32 $0xFFFFC000  }
0x181: {  	[tilespmem:s13], [sflag:$0x1] =	stream.indirect.gather [hbm4b:s4+s12], $0x80, s17, s12, $0x2000b8;
	[tilespmem:$0x1CC00] =	vst v63  }
0x182: {  	_ =	swait.ge [sflag:s16], $0x4000  }
0x183: {  	[sflag:s16] =	ssyncset.done $0x0  }
0x184: {  	[sflag:s16] =	ssyncadd.s32 $0xFFFFC000  }
0x185: {  	[spmem:s2] =	stream.indirect.scatter.add.f32 [tilespmem:s14], [sflag:$0x3], $0x80, s18, s12, $0x2000b8;
	[tilespmem:$0x1CC00] =	vst v63  }
0x186: {  	_ =	swait.ge [sflag:s10], $0x4000  }
0x187: {  	[sflag:s10] =	ssyncset.done $0x0  }
0x188: {  	[sflag:s10] =	ssyncadd.s32 $0xFFFFC000  }
0x189: {  	[tilespmem:s14], [sflag:$0x2] =	stream.indirect.gather [hbm4b:s4+s12], $0x80, s19, s12, $0x2000b8;
	[tilespmem:$0x1CC00] =	vst v63  }
0x18a: {  	_ =	swait.ge [sflag:s15], $0x4000  }
0x18b: {  	[sflag:s15] =	ssyncset.done $0x0  }
0x18c: {  	[sflag:s15] =	ssyncadd.s32 $0xFFFFC000  }
0x18d: {  	[spmem:s2] =	stream.indirect.scatter.add.f32 [tilespmem:s13], [sflag:$0x3], $0x80, s20, s12, $0x2000b8;
	[tilespmem:$0x1CC00] =	vst v63  }
0x18e: {  	_ =	swait.ge [sflag:s10], $0x4000  }
0x18f: {  	[sflag:s10] =	ssyncset.done $0x0  }
0x190: {  	[sflag:s10] =	ssyncadd.s32 $0xFFFFC000  }
0x191: {  	[tilespmem:s13], [sflag:$0x1] =	stream.indirect.gather [hbm4b:s4+s12], $0x80, s21, s12, $0x2000b8;
	[tilespmem:$0x1CC00] =	vst v63  }
0x192: {  	_ =	swait.ge [sflag:s16], $0x4000  }
0x193: {  	[sflag:s16] =	ssyncset.done $0x0  }
0x194: {  	[sflag:s16] =	ssyncadd.s32 $0xFFFFC000  }
0x195: {  	[spmem:s2] =	stream.indirect.scatter.add.f32 [tilespmem:s14], [sflag:$0x3], $0x80, s22, s12, $0x2000b8;
	[tilespmem:$0x1CC00] =	vst v63  }
0x196: {  	_ =	swait.ge [sflag:s10], $0x4000  }
0x197: {  	[sflag:s10] =	ssyncset.done $0x0  }
0x198: {  	[sflag:s10] =	ssyncadd.s32 $0xFFFFC000  }
0x199: {  	[tilespmem:s14], [sflag:$0x2] =	stream.indirect.gather [hbm4b:s4+s12], $0x80, s23, s12, $0x2000b8;
	[tilespmem:$0x1CC00] =	vst v63  }
0x19a: {  	_ =	swait.ge [sflag:s15], $0x4000  }
0x19b: {  	[sflag:s15] =	ssyncset.done $0x0  }
0x19c: {  	[sflag:s15] =	ssyncadd.s32 $0xFFFFC000  }
0x19d: {  	[spmem:s2] =	stream.indirect.scatter.add.f32 [tilespmem:s13], [sflag:$0x3], $0x80, s24, s12, $0x2000b8;
	[tilespmem:$0x1CC00] =	vst v63  }
0x19e: {  	_ =	swait.ge [sflag:s10], $0x4000  }
0x19f: {  	[sflag:s10] =	ssyncset.done $0x0  }
0x1a0: {  	[sflag:s10] =	ssyncadd.s32 $0xFFFFC000  }
0x1a1: {  	[tilespmem:s13], [sflag:$0x1] =	stream.indirect.gather [hbm4b:s4+s12], $0x80, s25, s12, $0x2000b8;
	[tilespmem:$0x1CC00] =	vst v63  }
0x1a2: {  	_ =	swait.ge [sflag:s16], $0x4000  }
0x1a3: {  	[sflag:s16] =	ssyncset.done $0x0  }
0x1a4: {  	[sflag:s16] =	ssyncadd.s32 $0xFFFFC000  }
0x1a5: {  	[spmem:s2] =	stream.indirect.scatter.add.f32 [tilespmem:s14], [sflag:$0x3], $0x80, s26, s12, $0x2000b8;
	[tilespmem:$0x1CC00] =	vst v63  }
0x1a6: {  	_ =	swait.ge [sflag:s10], $0x4000  }
0x1a7: {  	[sflag:s10] =	ssyncset.done $0x0  }
0x1a8: {  	[sflag:s10] =	ssyncadd.s32 $0xFFFFC000  }
0x1a9: {  	[tilespmem:s14], [sflag:$0x2] =	stream.indirect.gather [hbm4b:s4+s12], $0x80, s28, s12, $0x2000b8;
	[tilespmem:$0x1CC00] =	vst v63  }
0x1aa: {  	_ =	swait.ge [sflag:s15], $0x4000  }
0x1ab: {  	[sflag:s15] =	ssyncset.done $0x0  }
0x1ac: {  	[sflag:s15] =	ssyncadd.s32 $0xFFFFC000  }
0x1ad: {  	[spmem:s2] =	stream.indirect.scatter.add.f32 [tilespmem:s13], [sflag:$0x3], $0x80, s29, s12, $0x2000b8;
	[tilespmem:$0x1CC00] =	vst v63  }
0x1ae: {  	_ =	swait.ge [sflag:s10], $0x4000  }
0x1af: {  	[sflag:s10] =	ssyncset.done $0x0  }
0x1b0: {  	[sflag:s10] =	ssyncadd.s32 $0xFFFFC000  }
0x1b1: {  	[tilespmem:s13], [sflag:$0x1] =	stream.indirect.gather [hbm4b:s4+s12], $0x80, s30, s12, $0x2000b8;
	[tilespmem:$0x1CC00] =	vst v63  }
0x1b2: {  	_ =	swait.ge [sflag:s16], $0x4000  }
0x1b3: {  	[sflag:s16] =	ssyncset.done $0x0  }
0x1b4: {  	[sflag:s16] =	ssyncadd.s32 $0xFFFFC000  }
0x1b5: {  	[spmem:s2] =	stream.indirect.scatter.add.f32 [tilespmem:s14], [sflag:$0x3], $0x80, s31, s12, $0x2000b8;
	[tilespmem:$0x1CC00] =	vst v63  }
0x1b6: {  	_ =	swait.ge [sflag:s10], $0x4000  }
0x1b7: {  	[sflag:s10] =	ssyncset.done $0x0  }
0x1b8: {  	[sflag:s10] =	ssyncadd.s32 $0xFFFFC000  }
0x1b9: {  	[tilespmem:s14], [sflag:$0x2] =	stream.indirect.gather [hbm4b:s4+s12], $0x80, s0, s12, $0x2000b8;
	[tilespmem:$0x1CC00] =	vst v63  }
0x1ba: {  	_ =	swait.ge [sflag:s15], $0x4000  }
0x1bb: {  	[sflag:s15] =	ssyncset.done $0x0  }
0x1bc: {  	[sflag:s15] =	ssyncadd.s32 $0xFFFFC000  }
0x1bd: {  	[spmem:s2] =	stream.indirect.scatter.add.f32 [tilespmem:s13], [sflag:$0x3], $0x80, s1, s12, $0x2000b8;
	[tilespmem:$0x1CC00] =	vst v63  }
0x1be: {  	_ =	swait.ge [sflag:s10], $0x4000  }
0x1bf: {  	[sflag:s10] =	ssyncset.done $0x0  }
0x1c0: {  	[sflag:s10] =	ssyncadd.s32 $0xFFFFC000  }
0x1c1: {  	_ =	swait.ge [sflag:s16], $0x4000  }
0x1c2: {  	[sflag:s16] =	ssyncset.done $0x0  }
0x1c3: {  	[sflag:s16] =	ssyncadd.s32 $0xFFFFC000  }
0x1c4: {  	[spmem:s2] =	stream.indirect.scatter.add.f32 [tilespmem:s14], [sflag:$0x3], $0x80, s5, s12, $0x2000b8;
	[tilespmem:$0x1CC00] =	vst v63  }
0x1c5: {  	_ =	swait.ge [sflag:s10], $0x4000  }
0x1c6: {  	[sflag:s10] =	ssyncset.done $0x0  }
0x1c7: {  	[sflag:s10] =	ssyncadd.s32 $0xFFFFC000  }
0x1c8: {  	[bflag:$0x0] =	sbarrier.arrive $0xFFFF  }
0x1c9: {  	_ =	strace $0x90000052  }
0x1ca: {  	_ =	strace $0x80000053  }
0x1cb: {  	s9 =	rddreg [dreg:$0x13]  }
0x1cc: {  	s7 =	rddreg [dreg:$0x15]  }
0x1cd: {  	s8 =	rddreg [dreg:$0x16]  }
0x1ce: {  	[hbm:s9], [sflag:s7] =	dma.local [spmem:s8], $0x2780  }
0x1cf: {  	_ =	swait.ge [sflag:s10], $0x2780  }
0x1d0: {  	s6 =	rddreg [dreg:$0x17]  }
0x1d1: {  	s9 =	sadd.s32 $0x1, s6;
	s6 =	rddreg [dreg:$0x14]  }
0x1d2: {  	p0 =	sne.s32 s9, s6  }
.Ltmp1:
0x1d3: {  	_ = 	snop;
	(pc) =	sbr.rel @p0 .LBB2_1-.Ltmp1, $4  }
0x1d4: {  	_ = 	snop  }
0x1d5: {  	[sflag:s10] =	ssyncset.done $0x0  }
0x1d6: {  	[sflag:s10] =	ssyncadd.s32 $0xFFFFD880  }
0x1d7: {  	_ =	strace $0x90000053  }
0x1d8: {  	_ =	sfence.sel $0x180000  }
0x1d9: {  	[bflag:$0x0] =	sbarrier.arrive $0xFFFF  }
0x1da: {  	_ =	strace $0x90000050  }
0x1db: {  	s0 =	stileid.u32;
	[bflag:$0x2] =	sbarrier.arrive $0xFFFF  }
0x1dc: {  	p0 =	sne.s32 s0, $0x0;
	s0 =	rddreg [dreg:$0x3]  }
0x1dd: {  	s0 =	sadd.s32 @!p0 $0x100000, s0  }
0x1de: {  	[sflag:s0] =	ssyncadd.tile.s32 @!p0 $0x1;
	_ =	shalt  }
.Lfunc_end2:
_tile_overlayer_lowered:
.L_overlay_start_2:
0x1df: {  	(tag) =	ssettag $0x2  }
0x1e0: {  	s0 =	rddreg [dreg:$0x0];
	s2 =	stileid.u32  }
0x1e1: {  	s1 =	rddreg [dreg:$0x1];
	p0 =	sne.s32 s2, $0x0  }
0x1e2: {  	s3 =	rddreg [dreg:$0x2];
	[bflag:$0x3] =	sbarrier.arrive $0xFFFF;
	s2 =	simm.s32 @!p0 $0x1C03  }
0x1e3: {  	[timem:s3], [sflag:s2] =	dma.local @!p0 [hbm:s0], s1  }
0x1e4: {  	s0 =	simm.s32 @!p0 $0x3  }
0x1e5: {  	_ =	swait.ge @!p0 [sflag:s0], s1  }
0x1e6: {  	s1 =	ssub.s32 @!p0 $0x0, s1;
	[sflag:s0] =	ssyncset.done @!p0 $0x0  }
0x1e7: {  	[sflag:s0] =	ssyncadd.s32 @!p0 s1  }
0x1e8: {  	[bflag:$0x3] =	sbarrier.arrive $0xFFFF  }
0x1e9: {  	_ =	shalt  }

// kernel: kernel.20.cloned.1.call-start
scs
__scs_entry_jumppad:
0x0: {  	(pc) =	sbr.rel $0x88, $3  }
0x1: {  	(tag) =	ssettag $0x0;
	lr =	simm.s32 $0x1  }
0x2: {  	[smem:$0x3F95] =	sst lr;
	_ =	strace $0xD0000000  }
0x3: {  	_ = 	snop  }
0x4: {  	_ = 	snop  }
0x5: {  	_ = 	snop  }
0x6: {  	_ = 	snop  }
0x7: {  	_ = 	snop  }
__scs_overlays_trampoline_lowered:
0x8: {  	[smem:$0x3FA4] =	sst s0  }
0x9: {  	[smem:$0x3FA5] =	sst s1  }
0xa: {  	[smem:$0x3FA6] =	sst s2  }
0xb: {  	[smem:$0x3FA7] =	sst s3  }
0xc: {  	[smem:$0x3FA8] =	sst s4  }
0xd: {  	[smem:$0x3FA9] =	sst s5  }
0xe: {  	[smem:$0x3FAA] =	sst s6  }
0xf: {  	[smem:$0x3FAB] =	sst s7  }
0x10: {  	[smem:$0x3FAC] =	sst s8  }
0x11: {  	[smem:$0x3FAD] =	sst s9;
	s0 =	simm.s32 @!p0 $0x0  }
0x12: {  	s1 =	sld [smem:$0x3F93];
	s0 =	simm.s32 @p0 $0x1  }
0x13: {  	[smem:$0x3FAE] =	sst s0;
	s0 =	simm.s32 @!p1 $0x0  }
0x14: {  	s2 =	sld [smem:$0x3F92];
	s0 =	simm.s32 @p1 $0x1  }
0x15: {  	[smem:$0x3FAF] =	sst s0;
	s0 =	simm.s32 @!p2 $0x0  }
0x16: {  	s3 =	sld [smem:$0x3FDB];
	s0 =	simm.s32 @p2 $0x1  }
0x17: {  	s4 =	simm.s32 $0x1BF5;
	[smem:$0x3FB1] =	sst s0  }
0x18: {  	s0 =	sld [smem:$0x3F94];
	_ =	swait.ge [sflag:s4], $0x0  }
0x19: {  	s7 =	sld [smem:$0x3F95]  }
0x1a: {  	s8 =	sadd.s32 $0xFFFFE003, lr  }
0x1b: {  	s9 =	sadd.s32 $0xFFFFFEF7, lr;
	s5 =	simm.s32 $0xFFFFFFFF;
	p2 =	slt.u32 s8, $0xFFFFF086  }
0x1c: {  	p1 =	slt.u32 s9, $0xF7A;
	s5 =	simm.s32 @!p2 $0x0  }
0x1d: {  	s5 =	simm.s32 @p1 $0x1;
	p0 =	seq.s32 s7, s2  }
0x1e: {  	s7 =	smul.u32 @!p0 $0xF7A, s2;
	p2 =	seq.s32 @!p0 s5, $0x0  }
0x1f: {  	s9 =	smul.u32 $0xF7A, s1;
	s8 =	simm.s32 @!p0 $0x1BF5;
	p2 =	por !p2, p0  }
0x20: {  	[sflag:s8] =	ssyncset.s32 @!p0 $0xFFFFF086;
	s6 =	sadd.s32 @!p0 s3, s7;
	s7 =	simm.s32 @!p0 $0x108  }
0x21: {  	s3 =	sadd.s32 s3, s9;
	s6 =	sadd.s32 @!p0 $0x88, s6;
	s7 =	simm.s32 @p2 $0x1082  }
0x22: {  	[simem:s7], [sflag:s8] =	dma.local @!p0 [hbm:s6], $0xF7A  }
0x23: {  	s9 =	sor.u32 $0xD0000000, s2;
	s6 =	simm.s32 $0x108;
	_ =	swait.ge @!p0 [sflag:s8], $0x0  }
0x24: {  	s3 =	sadd.s32 $0x88, s3;
	s6 =	simm.s32 @!p1 $0x1082;
	[sflag:s4] =	ssyncset.s32 $0xFFFFF086  }
0x25: {  	[simem:s6], [sflag:s4] =	dma.local [hbm:s3], $0xF7A  }
0x26: {  	[smem:$0x3F95] =	sst s1;
	(tag) =	ssettag s2;
	_ =	strace s9  }
0x27: {  	s1 =	sld [smem:$0x3FA5]  }
0x28: {  	s2 =	sld [smem:$0x3FA6]  }
0x29: {  	s4 =	sld [smem:$0x3FA8]  }
0x2a: {  	p0 =	seq.s32 s5, $0x0;
	s5 =	sld [smem:$0x3FA9]  }
0x2b: {  	s6 =	sld [smem:$0x3FAA]  }
0x2c: {  	s7 =	sld [smem:$0x3FAB]  }
0x2d: {  	s3 =	simm.s32 $0x108;
	s8 =	sld [smem:$0x3FAC]  }
0x2e: {  	s3 =	simm.s32 @!p0 $0x1082;
	s9 =	sld [smem:$0x3FAD]  }
0x2f: {  	lr =	sadd.s32 s0, s3;
	s0 =	sld [smem:$0x3FA4]  }
0x30: {  	s3 =	sld [smem:$0x3FA7]  }
0x31: {  	[smem:$0x3FB0] =	sst s10  }
0x32: {  	s10 =	sld [smem:$0x3FAE];
	_ =	sdelay $0x3  }
0x33: {  	p0 =	seq.s32 s10, $0x1;
	s10 =	sld [smem:$0x3FB0];
	_ =	sdelay $0x3  }
0x34: {  	[smem:$0x3FB0] =	sst s10  }
0x35: {  	s10 =	sld [smem:$0x3FAF];
	_ =	sdelay $0x3  }
0x36: {  	p1 =	seq.s32 s10, $0x1;
	s10 =	sld [smem:$0x3FB0];
	_ =	sdelay $0x3  }
0x37: {  	[smem:$0x3FB0] =	sst s10  }
0x38: {  	s10 =	sld [smem:$0x3FB1]  }
0x39: {  	_ = 	snop;
	(pc) =	sbr.ind lr, $3  }
0x3a: {  	_ = 	snop  }
0x3b: {  	_ = 	snop  }
0x3c: {  	p2 =	seq.s32 s10, $0x1;
	s10 =	sld [smem:$0x3FB0]  }
0x3d: {  	_ =	shalt  }
0x3e: {  	_ =	shalt  }
0x3f: {  	_ =	shalt  }
0x40: {  	_ =	shalt  }
0x41: {  	_ =	shalt  }
0x42: {  	_ =	shalt  }
0x43: {  	_ =	shalt  }
0x44: {  	_ =	shalt  }
0x45: {  	_ =	shalt  }
0x46: {  	_ =	shalt  }
0x47: {  	_ =	shalt  }
0x48: {  	_ =	shalt  }
0x49: {  	_ =	shalt  }
0x4a: {  	_ =	shalt  }
0x4b: {  	_ =	shalt  }
0x4c: {  	_ =	shalt  }
0x4d: {  	_ =	shalt  }
0x4e: {  	_ =	shalt  }
0x4f: {  	_ =	shalt  }
0x50: {  	_ =	shalt  }
0x51: {  	_ =	shalt  }
0x52: {  	_ =	shalt  }
0x53: {  	_ =	shalt  }
0x54: {  	_ =	shalt  }
0x55: {  	_ =	shalt  }
0x56: {  	_ =	shalt  }
0x57: {  	_ =	shalt  }
0x58: {  	_ =	shalt  }
0x59: {  	_ =	shalt  }
0x5a: {  	_ =	shalt  }
0x5b: {  	_ =	shalt  }
0x5c: {  	_ =	shalt  }
0x5d: {  	_ =	shalt  }
0x5e: {  	_ =	shalt  }
0x5f: {  	_ =	shalt  }
0x60: {  	_ =	shalt  }
0x61: {  	_ =	shalt  }
0x62: {  	_ =	shalt  }
0x63: {  	_ =	shalt  }
0x64: {  	_ =	shalt  }
0x65: {  	_ =	shalt  }
0x66: {  	_ =	shalt  }
0x67: {  	_ =	shalt  }
0x68: {  	_ =	shalt  }
0x69: {  	_ =	shalt  }
0x6a: {  	_ =	shalt  }
0x6b: {  	_ =	shalt  }
0x6c: {  	_ =	shalt  }
0x6d: {  	_ =	shalt  }
0x6e: {  	_ =	shalt  }
0x6f: {  	_ =	shalt  }
0x70: {  	_ =	shalt  }
0x71: {  	_ =	shalt  }
0x72: {  	_ =	shalt  }
0x73: {  	_ =	shalt  }
0x74: {  	_ =	shalt  }
0x75: {  	_ =	shalt  }
0x76: {  	_ =	shalt  }
0x77: {  	_ =	shalt  }
0x78: {  	_ =	shalt  }
0x79: {  	_ =	shalt  }
0x7a: {  	_ =	shalt  }
0x7b: {  	_ =	shalt  }
0x7c: {  	_ =	shalt  }
0x7d: {  	_ =	shalt  }
0x7e: {  	_ =	shalt  }
0x7f: {  	_ =	shalt  }
0x80: {  	_ =	shalt  }
0x81: {  	_ =	shalt  }
0x82: {  	_ =	shalt  }
0x83: {  	_ =	shalt  }
0x84: {  	_ =	shalt  }
0x85: {  	_ =	shalt  }
0x86: {  	_ =	shalt  }
0x87: {  	_ =	shalt  }
.Lfunc_end0:
.L_simem_size_0:
called_computation.3_lowered:
.L_overlay_start_0:
0x88: {  	s2 =	sld [smem:$0x3FD9]  }
0x89: {  	s3 =	sld [smem:$0x3FFE];
	_ =	sdelay $0x1  }
0x8a: {  	s1 =	srdreg.scid  }
0x8b: {  	s0 =	sand.u32 $0x1, s1  }
0x8c: {  	s17 =	sshll.u32 s0, $0xA;
	s2 =	sadd.s32 s3, s2  }
0x8d: {  	s2 =	sadd.s32 s2, s17  }
0x8e: {  	[smem:$0x3FBC] =	sst s2  }
0x8f: {  	_ = 	snop  }
0x90: {  	s2 =	sld [smem:$0x3FD0];
	(tm) =	ssettm $0x1  }
0x91: {  	s18 =	sld [smem:$0x3FFB];
	_ =	sdelay $0x3  }
0x92: {  	_ =	strace s18  }
0x93: {  	s3 =	sld [smem:$0x3FFC];
	_ =	sdelay $0x3  }
0x94: {  	_ =	strace s3  }
0x95: {  	s3 =	sld [smem:$0x3FFD];
	_ =	sdelay $0x3  }
0x96: {  	_ =	strace s3  }
0x97: {  	_ =	strace $0x8FFFFFFF  }
0x98: {  	s19 =	sld [smem:$0x3FDB];
	_ =	sdelay $0x1  }
0x99: {  	s4 =	simm.s32 $_scs_section_size  }
0x9a: {  	s5 =	simm.s32 $_size__tile_overlayer_lowered;
	s6 =	simm.s32 $_tile_overlayer_lowered  }
0x9b: {  	s22 =	simm.s32 $0x1BFF;
	s21 =	sshll.u32 s6, $0x1;
	s3 =	sadd.s32 s4, s19  }
0x9c: {  	s7 =	simm.s32 $0x0;
	s20 =	sshll.u32 s5, $0x1;
	s5 =	sadd.s32 s21, s3  }
0x9d: {  	[timem:s7], [sflag:s22] =	dma.local [hbm:s5], s20  }
0x9e: {  	_ =	swait.ge [sflag:s22], s20  }
0x9f: {  	s4 =	ssub.s32 $0x0, s20;
	[sflag:s22] =	ssyncset.done $0x0  }
0xa0: {  	[sflag:s22] =	ssyncadd.s32 s4;
	_ =	sdelay $0x1  }
0xa1: {  	s23 =	simm.s32 $0x1B8B  }
0xa2: {  	_ =	swait.ge [sflag:s23], $0x1  }
0xa3: {  	[sflag:s23] =	ssyncset.done $0x0  }
0xa4: {  	s25 =	simm.s32 $0x1B8E;
	s24 =	sld [smem:$0x3FFE];
	[sflag:s23] =	ssyncadd.s32 $0xFFFFFFFF  }
0xa5: {  	s26 =	simm.s32 $execute0_lowered;
	[smem:$0x3FD2] =	sst s25  }
0xa6: {  	s5 =	sshll.u32 s26, $0x1;
	_ =	strace $0x80000055;
	[dreg:$0x1] =	wrdreg $0xFFFFFFFF  }
0xa7: {  	s28 =	simm.s32 $_size_execute0_lowered;
	s3 =	sadd.s32 s3, s5;
	[dreg:$0x0] =	wrdreg $0x0  }
0xa8: {  	s5 =	sshll.u32 s28, $0x1;
	[dreg:$0x2] =	wrdreg s3  }
0xa9: {  	[dreg:$0x3] =	wrdreg s5  }
0xaa: {  	[dreg:$0x4] =	wrdreg $0xC0  }
0xab: {  	_ =	task [dreg:s7], $0x5FFFF  }
0xac: {  	[dreg:$0x1] =	wrdreg $0xFFFFFFFF  }
0xad: {  	[dreg:$0x0] =	wrdreg $0x60  }
0xae: {  	[dreg:$0x2] =	wrdreg s24  }
0xaf: {  	[dreg:$0x3] =	wrdreg s2  }
0xb0: {  	[dreg:$0x4] =	wrdreg $0x90000  }
0xb1: {  	[dreg:$0x5] =	wrdreg $0x9  }
0xb2: {  	_ =	task.clear_ibuf [dreg:s7], $0x6FFFF;
	_ =	strace $0x90000055  }
0xb3: {  	s29 =	simm.s32 $0x9;
	_ =	strace $0x8000005A  }
0xb4: {  	_ =	swait.ge [sflag:s29], $0x1  }
0xb5: {  	[sflag:s29] =	ssyncadd.s32 $0xFFFFFFFF  }
0xb6: {  	_ =	strace $0x9000005A  }
0xb7: {  	_ =	sfence  }
0xb8: {  	s30 =	sld [smem:$0x0];
	_ =	sdelay $0x2  }
0xb9: {  	s31 =	sshll.u32 s1, $0xD;
	s1 =	sshrl.u32 s1, $0x2  }
0xba: {  	s3 =	sand.u32 $0x4000, s31;
	s1 =	sadd.s32 s1, s30  }
0xbb: {  	s0 =	sor.u32 s3, s0;
	s1 =	sshll.u32 s1, $0x11  }
0xbc: {  	s0 =	sor.u32 s1, s0  }
0xbd: {  	s0 =	sadd.s32 $0x8F2B, s0  }
0xbe: {  	[sflag:s0] =	ssyncadd.remote.s32 $0x1  }
0xbf: {  	_ =	sfence.sel $0xFFFF  }
0xc0: {  	[dreg:$0x0] =	wrdreg $0xFFFFFFFF;
	(pc) =	sbr.abs _section_cstart, $3  }
0xc1: {  	[dreg:$0x1] =	wrdreg $0xFFFFFFFF  }
0xc2: {  	_ =	task.clear_ibuf [dreg:s7], $0x2FFFF;
	_ =	strace $0x9FFFFFFF  }
0xc3: {  	(tm) =	ssettm $0x7FFFFFFF  }
tec
execute0_lowered:
.L_overlay_start_1:
0x0: {  	(tag) =	ssettag $0x1  }
0x1: {  	s0 =	rddreg [dreg:$0x0]  }
0x2: {  	s1 =	rddreg [dreg:$0x1]  }
0x3: {  	s2 =	rddreg [dreg:$0x2];
	s11 =	stileid.u32;
	s3 =	simm.s32 $0x0  }
0x4: {  	s4 =	srdreg.scid;
	s13 =	simm.s32 $0x100;
	s14 =	simm.s32 $0x880  }
0x5: {  	s15 =	simm.s32 $0x180;
	s17 =	simm.s32 $0x900;
	s19 =	simm.s32 $0x200  }
0x6: {  	s20 =	simm.s32 $0x980;
	s21 =	simm.s32 $0x280;
	[smem:$0x7FF] =	sst s3  }
0x7: {  	s22 =	simm.s32 $0xA00;
	_ =	strace $0x80000056;
	[dreg:$0x6] =	wrdreg s13  }
0x8: {  	s28 =	simm.s32 $0x680;
	s29 =	simm.s32 $0xE00;
	[dreg:$0x7] =	wrdreg s14  }
0x9: {  	s30 =	simm.s32 $0x700;
	s31 =	simm.s32 $0xE80;
	[dreg:$0x8] =	wrdreg s15  }
0xa: {  	s5 =	smul.u32 $0x5, s11;
	s6 =	sand.u32 $0x1, s4;
	[dreg:$0x9] =	wrdreg s17  }
0xb: {  	s7 =	smul.u32 $0x13C00, s11;
	s4 =	sadd.s32 $0xDC00, s0;
	[dreg:$0xa] =	wrdreg s19  }
0xc: {  	s24 =	smul.u32 $0x4F000, s11;
	s18 =	sshll.u32 s11, $0x6;
	[dreg:$0xb] =	wrdreg s20  }
0xd: {  	s11 =	simm.s32 $0x800;
	p0 =	seq.s32 s6, $0x0;
	[dreg:$0xc] =	wrdreg s21  }
0xe: {  	s9 =	smul.u32 $0x13C000, s6;
	s6 =	ssub.s32 $0x2, s6;
	[dreg:$0xd] =	wrdreg s22  }
0xf: {  	s13 =	simm.s32 $0x1000;
	s14 =	simm.s32 $0x5000;
	s15 =	simm.s32 $0x1  }
0x10: {  	s17 =	simm.s32 $0x400;
	s19 =	simm.s32 $0x480;
	s20 =	simm.s32 $0xC00  }
0x11: {  	s21 =	simm.s32 $0x500;
	s22 =	simm.s32 $0xC80;
	s8 =	sadd.s32 $0x50, s5  }
0x12: {  	s25 =	sshrl.u32 s6, $0x1;
	s26 =	sshrl.u32 s24, $0x2;
	s24 =	simm.s32 $0xA80  }
0x13: {  	s8 =	smov.u32 @p0 s5;
	s23 =	sadd.s32 s7, s9;
	s6 =	ssub.s32 s6, s25  }
0x14: {  	s9 =	sadd.s32 s26, s2;
	s7 =	sshrl.u32 s7, $0x3;
	[dreg:$0xf] =	wrdreg s24  }
0x15: {  	s25 =	simm.s32 $0x380;
	s26 =	simm.s32 $0xB00;
	s24 =	simm.s32 $0xD00  }
0x16: {  	s5 =	sshll.u32 s8, $0x8;
	s8 =	sshrl.u32 s23, $0x3;
	s7 =	sadd.s32 s4, s7  }
0x17: {  	s16 =	smax.u32 s6, $0x1;
	s23 =	simm.s32 $0x300;
	[dreg:$0x10] =	wrdreg s25  }
0x18: {  	[dreg:$0x11] =	wrdreg s26;
	s25 =	simm.s32 $0x600;
	s26 =	simm.s32 $0xD80  }
0x19: {  	s10 =	sadd.s32 s5, s0;
	s0 =	sadd.s32 s8, s0;
	[dreg:$0x12] =	wrdreg s7  }
0x1a: {  	s1 =	sadd.s32 s5, s1;
	[dreg:$0x14] =	wrdreg s16;
	s7 =	sor.u32 $0x1C03, s18  }
0x1b: {  	s8 =	sshrl.u32 s9, $0x3;
	[dreg:$0xe] =	wrdreg s23;
	s16 =	simm.s32 $0x2  }
0x1c: {  	s18 =	simm.s32 $0xB80;
	s23 =	simm.s32 $0x580;
	[dreg:$0x4] =	wrdreg s1  }
0x1d: {  	s5 =	simm.s32 $0xF80;
	s9 =	simm.s32 $0x0;
	[dreg:$0x15] =	wrdreg s7  }
0x1e: {  	s12 =	sadd.s32 $0x3C00, s10;
	s0 =	sadd.s32 $0x35400, s0;
	[dreg:$0x16] =	wrdreg s8  }
0x1f: {  	s10 =	simm.s32 $0x3;
	s1 =	simm.s32 $0xF00;
	[dreg:$0x5] =	wrdreg s12  }
0x20: {  	[dreg:$0x13] =	wrdreg s0;
	s12 =	simm.s32 $0x80;
	s0 =	simm.s32 $0x780  }
.LBB2_1:
0x21: {  	[dreg:$0x17] =	wrdreg s9  }
0x22: {  	_ =	strace $0x80000057  }
0x23: {  	s6 =	rddreg [dreg:$0x12]  }
0x24: {  	[spmem:s8], [sflag:s7] =	dma.local [hbm:s6], $0x2780  }
0x25: {  	_ =	swait.ge [sflag:s10], $0x2780  }
0x26: {  	[sflag:s10] =	ssyncset.done $0x0  }
0x27: {  	[sflag:s10] =	ssyncadd.s32 $0xFFFFD880  }
0x28: {  	[bflag:$0x0] =	sbarrier.arrive $0xFFFF  }
0x29: {  	_ =	strace $0x90000057  }
0x2a: {  	_ =	strace $0x80000058  }
0x2b: {  	s8 =	rddreg [dreg:$0x5]  }
0x2c: {  	s7 =	sadd.s32 $0x0, s8  }
0x2d: {  	[tilespmem:s3], [sflag:$0x3] =	stream.linear.gather [hbm4b:s7+s3], $0x800, $0x200038;
	[tilespmem:$0x1CC00] =	vst v63  }
0x2e: {  	_ =	swait.ge [sflag:s10], $0x800  }
0x2f: {  	s9 =	rddreg [dreg:$0x4];
	[sflag:s10] =	ssyncset.done $0x0  }
0x30: {  	[sflag:s10] =	ssyncadd.s32 $0xFFFFF800;
	s7 =	sadd.s32 $0x0, s9  }
0x31: {  	[tilespmem:s11], [sflag:$0x3] =	stream.linear.gather [hbm4b:s7+s3], $0x800, $0x200038;
	[tilespmem:$0x1CC00] =	vst v63  }
0x32: {  	_ =	swait.ge [sflag:s10], $0x800  }
0x33: {  	[sflag:s10] =	ssyncset.done $0x0  }
0x34: {  	[sflag:s10] =	ssyncadd.s32 $0xFFFFF800  }
0x35: {  	[tilespmem:s13], [sflag:$0x1] =	stream.indirect.gather [hbm4b:s4+s12], $0x80, s3, s12, $0x2000b8;
	[tilespmem:$0x1CC00] =	vst v63  }
0x36: {  	_ = 	snop  }
0x37: {  	[tilespmem:s14], [sflag:$0x2] =	stream.indirect.gather [hbm4b:s4+s12], $0x80, s12, s12, $0x2000b8;
	[tilespmem:$0x1CC00] =	vst v63  }
0x38: {  	_ =	swait.ge [sflag:s15], $0x4000  }
0x39: {  	[sflag:s15] =	ssyncset.done $0x0  }
0x3a: {  	[sflag:s15] =	ssyncadd.s32 $0xFFFFC000  }
0x3b: {  	[spmem:s2] =	stream.indirect.scatter.add.f32 [tilespmem:s13], [sflag:$0x3], $0x80, s11, s12, $0x2000b8;
	[tilespmem:$0x1CC00] =	vst v63  }
0x3c: {  	_ =	swait.ge [sflag:s10], $0x4000  }
0x3d: {  	[sflag:s10] =	ssyncset.done $0x0  }
0x3e: {  	s6 =	rddreg [dreg:$0x6];
	[sflag:s10] =	ssyncadd.s32 $0xFFFFC000  }
0x3f: {  	[tilespmem:s13], [sflag:$0x1] =	stream.indirect.gather [hbm4b:s4+s12], $0x80, s6, s12, $0x2000b8;
	[tilespmem:$0x1CC00] =	vst v63  }
0x40: {  	_ =	swait.ge [sflag:s16], $0x4000  }
0x41: {  	[sflag:s16] =	ssyncset.done $0x0  }
0x42: {  	s8 =	rddreg [dreg:$0x7];
	[sflag:s16] =	ssyncadd.s32 $0xFFFFC000  }
0x43: {  	[spmem:s2] =	stream.indirect.scatter.add.f32 [tilespmem:s14], [sflag:$0x3], $0x80, s8, s12, $0x2000b8;
	[tilespmem:$0x1CC00] =	vst v63  }
0x44: {  	_ =	swait.ge [sflag:s10], $0x4000  }
0x45: {  	[sflag:s10] =	ssyncset.done $0x0  }
0x46: {  	s9 =	rddreg [dreg:$0x8];
	[sflag:s10] =	ssyncadd.s32 $0xFFFFC000  }
0x47: {  	[tilespmem:s14], [sflag:$0x2] =	stream.indirect.gather [hbm4b:s4+s12], $0x80, s9, s12, $0x2000b8;
	[tilespmem:$0x1CC00] =	vst v63  }
0x48: {  	_ =	swait.ge [sflag:s15], $0x4000  }
0x49: {  	[sflag:s15] =	ssyncset.done $0x0  }
0x4a: {  	s6 =	rddreg [dreg:$0x9];
	[sflag:s15] =	ssyncadd.s32 $0xFFFFC000  }
0x4b: {  	[spmem:s2] =	stream.indirect.scatter.add.f32 [tilespmem:s13], [sflag:$0x3], $0x80, s6, s12, $0x2000b8;
	[tilespmem:$0x1CC00] =	vst v63  }
0x4c: {  	_ =	swait.ge [sflag:s10], $0x4000  }
0x4d: {  	[sflag:s10] =	ssyncset.done $0x0  }
0x4e: {  	s8 =	rddreg [dreg:$0xa];
	[sflag:s10] =	ssyncadd.s32 $0xFFFFC000  }
0x4f: {  	[tilespmem:s13], [sflag:$0x1] =	stream.indirect.gather [hbm4b:s4+s12], $0x80, s8, s12, $0x2000b8;
	[tilespmem:$0x1CC00] =	vst v63  }
0x50: {  	_ =	swait.ge [sflag:s16], $0x4000  }
0x51: {  	[sflag:s16] =	ssyncset.done $0x0  }
0x52: {  	s9 =	rddreg [dreg:$0xb];
	[sflag:s16] =	ssyncadd.s32 $0xFFFFC000  }
0x53: {  	[spmem:s2] =	stream.indirect.scatter.add.f32 [tilespmem:s14], [sflag:$0x3], $0x80, s9, s12, $0x2000b8;
	[tilespmem:$0x1CC00] =	vst v63  }
0x54: {  	_ =	swait.ge [sflag:s10], $0x4000  }
0x55: {  	[sflag:s10] =	ssyncset.done $0x0  }
0x56: {  	s6 =	rddreg [dreg:$0xc];
	[sflag:s10] =	ssyncadd.s32 $0xFFFFC000  }
0x57: {  	[tilespmem:s14], [sflag:$0x2] =	stream.indirect.gather [hbm4b:s4+s12], $0x80, s6, s12, $0x2000b8;
	[tilespmem:$0x1CC00] =	vst v63  }
0x58: {  	_ =	swait.ge [sflag:s15], $0x4000  }
0x59: {  	[sflag:s15] =	ssyncset.done $0x0  }
0x5a: {  	s8 =	rddreg [dreg:$0xd];
	[sflag:s15] =	ssyncadd.s32 $0xFFFFC000  }
0x5b: {  	[spmem:s2] =	stream.indirect.scatter.add.f32 [tilespmem:s13], [sflag:$0x3], $0x80, s8, s12, $0x2000b8;
	[tilespmem:$0x1CC00] =	vst v63  }
0x5c: {  	_ =	swait.ge [sflag:s10], $0x4000  }
0x5d: {  	[sflag:s10] =	ssyncset.done $0x0  }
0x5e: {  	s9 =	rddreg [dreg:$0xe];
	[sflag:s10] =	ssyncadd.s32 $0xFFFFC000  }
0x5f: {  	[tilespmem:s13], [sflag:$0x1] =	stream.indirect.gather [hbm4b:s4+s12], $0x80, s9, s12, $0x2000b8;
	[tilespmem:$0x1CC00] =	vst v63  }
0x60: {  	_ =	swait.ge [sflag:s16], $0x4000  }
0x61: {  	[sflag:s16] =	ssyncset.done $0x0  }
0x62: {  	s6 =	rddreg [dreg:$0xf];
	[sflag:s16] =	ssyncadd.s32 $0xFFFFC000  }
0x63: {  	[spmem:s2] =	stream.indirect.scatter.add.f32 [tilespmem:s14], [sflag:$0x3], $0x80, s6, s12, $0x2000b8;
	[tilespmem:$0x1CC00] =	vst v63  }
0x64: {  	_ =	swait.ge [sflag:s10], $0x4000  }
0x65: {  	[sflag:s10] =	ssyncset.done $0x0  }
0x66: {  	s8 =	rddreg [dreg:$0x10];
	[sflag:s10] =	ssyncadd.s32 $0xFFFFC000  }
0x67: {  	[tilespmem:s14], [sflag:$0x2] =	stream.indirect.gather [hbm4b:s4+s12], $0x80, s8, s12, $0x2000b8;
	[tilespmem:$0x1CC00] =	vst v63  }
0x68: {  	_ =	swait.ge [sflag:s15], $0x4000  }
0x69: {  	[sflag:s15] =	ssyncset.done $0x0  }
0x6a: {  	s9 =	rddreg [dreg:$0x11];
	[sflag:s15] =	ssyncadd.s32 $0xFFFFC000  }
0x6b: {  	[spmem:s2] =	stream.indirect.scatter.add.f32 [tilespmem:s13], [sflag:$0x3], $0x80, s9, s12, $0x2000b8;
	[tilespmem:$0x1CC00] =	vst v63  }
0x6c: {  	_ =	swait.ge [sflag:s10], $0x4000  }
0x6d: {  	[sflag:s10] =	ssyncset.done $0x0  }
0x6e: {  	[sflag:s10] =	ssyncadd.s32 $0xFFFFC000  }
0x6f: {  	[tilespmem:s13], [sflag:$0x1] =	stream.indirect.gather [hbm4b:s4+s12], $0x80, s17, s12, $0x2000b8;
	[tilespmem:$0x1CC00] =	vst v63  }
0x70: {  	_ =	swait.ge [sflag:s16], $0x4000  }
0x71: {  	[sflag:s16] =	ssyncset.done $0x0  }
0x72: {  	[sflag:s16] =	ssyncadd.s32 $0xFFFFC000  }
0x73: {  	[spmem:s2] =	stream.indirect.scatter.add.f32 [tilespmem:s14], [sflag:$0x3], $0x80, s18, s12, $0x2000b8;
	[tilespmem:$0x1CC00] =	vst v63  }
0x74: {  	_ =	swait.ge [sflag:s10], $0x4000  }
0x75: {  	[sflag:s10] =	ssyncset.done $0x0  }
0x76: {  	[sflag:s10] =	ssyncadd.s32 $0xFFFFC000  }
0x77: {  	[tilespmem:s14], [sflag:$0x2] =	stream.indirect.gather [hbm4b:s4+s12], $0x80, s19, s12, $0x2000b8;
	[tilespmem:$0x1CC00] =	vst v63  }
0x78: {  	_ =	swait.ge [sflag:s15], $0x4000  }
0x79: {  	[sflag:s15] =	ssyncset.done $0x0  }
0x7a: {  	[sflag:s15] =	ssyncadd.s32 $0xFFFFC000  }
0x7b: {  	[spmem:s2] =	stream.indirect.scatter.add.f32 [tilespmem:s13], [sflag:$0x3], $0x80, s20, s12, $0x2000b8;
	[tilespmem:$0x1CC00] =	vst v63  }
0x7c: {  	_ =	swait.ge [sflag:s10], $0x4000  }
0x7d: {  	[sflag:s10] =	ssyncset.done $0x0  }
0x7e: {  	[sflag:s10] =	ssyncadd.s32 $0xFFFFC000  }
0x7f: {  	[tilespmem:s13], [sflag:$0x1] =	stream.indirect.gather [hbm4b:s4+s12], $0x80, s21, s12, $0x2000b8;
	[tilespmem:$0x1CC00] =	vst v63  }
0x80: {  	_ =	swait.ge [sflag:s16], $0x4000  }
0x81: {  	[sflag:s16] =	ssyncset.done $0x0  }
0x82: {  	[sflag:s16] =	ssyncadd.s32 $0xFFFFC000  }
0x83: {  	[spmem:s2] =	stream.indirect.scatter.add.f32 [tilespmem:s14], [sflag:$0x3], $0x80, s22, s12, $0x2000b8;
	[tilespmem:$0x1CC00] =	vst v63  }
0x84: {  	_ =	swait.ge [sflag:s10], $0x4000  }
0x85: {  	[sflag:s10] =	ssyncset.done $0x0  }
0x86: {  	[sflag:s10] =	ssyncadd.s32 $0xFFFFC000  }
0x87: {  	[tilespmem:s14], [sflag:$0x2] =	stream.indirect.gather [hbm4b:s4+s12], $0x80, s23, s12, $0x2000b8;
	[tilespmem:$0x1CC00] =	vst v63  }
0x88: {  	_ =	swait.ge [sflag:s15], $0x4000  }
0x89: {  	[sflag:s15] =	ssyncset.done $0x0  }
0x8a: {  	[sflag:s15] =	ssyncadd.s32 $0xFFFFC000  }
0x8b: {  	[spmem:s2] =	stream.indirect.scatter.add.f32 [tilespmem:s13], [sflag:$0x3], $0x80, s24, s12, $0x2000b8;
	[tilespmem:$0x1CC00] =	vst v63  }
0x8c: {  	_ =	swait.ge [sflag:s10], $0x4000  }
0x8d: {  	[sflag:s10] =	ssyncset.done $0x0  }
0x8e: {  	[sflag:s10] =	ssyncadd.s32 $0xFFFFC000  }
0x8f: {  	[tilespmem:s13], [sflag:$0x1] =	stream.indirect.gather [hbm4b:s4+s12], $0x80, s25, s12, $0x2000b8;
	[tilespmem:$0x1CC00] =	vst v63  }
0x90: {  	_ =	swait.ge [sflag:s16], $0x4000  }
0x91: {  	[sflag:s16] =	ssyncset.done $0x0  }
0x92: {  	[sflag:s16] =	ssyncadd.s32 $0xFFFFC000  }
0x93: {  	[spmem:s2] =	stream.indirect.scatter.add.f32 [tilespmem:s14], [sflag:$0x3], $0x80, s26, s12, $0x2000b8;
	[tilespmem:$0x1CC00] =	vst v63  }
0x94: {  	_ =	swait.ge [sflag:s10], $0x4000  }
0x95: {  	[sflag:s10] =	ssyncset.done $0x0  }
0x96: {  	[sflag:s10] =	ssyncadd.s32 $0xFFFFC000  }
0x97: {  	[tilespmem:s14], [sflag:$0x2] =	stream.indirect.gather [hbm4b:s4+s12], $0x80, s28, s12, $0x2000b8;
	[tilespmem:$0x1CC00] =	vst v63  }
0x98: {  	_ =	swait.ge [sflag:s15], $0x4000  }
0x99: {  	[sflag:s15] =	ssyncset.done $0x0  }
0x9a: {  	[sflag:s15] =	ssyncadd.s32 $0xFFFFC000  }
0x9b: {  	[spmem:s2] =	stream.indirect.scatter.add.f32 [tilespmem:s13], [sflag:$0x3], $0x80, s29, s12, $0x2000b8;
	[tilespmem:$0x1CC00] =	vst v63  }
0x9c: {  	_ =	swait.ge [sflag:s10], $0x4000  }
0x9d: {  	[sflag:s10] =	ssyncset.done $0x0  }
0x9e: {  	[sflag:s10] =	ssyncadd.s32 $0xFFFFC000  }
0x9f: {  	[tilespmem:s13], [sflag:$0x1] =	stream.indirect.gather [hbm4b:s4+s12], $0x80, s30, s12, $0x2000b8;
	[tilespmem:$0x1CC00] =	vst v63  }
0xa0: {  	_ =	swait.ge [sflag:s16], $0x4000  }
0xa1: {  	[sflag:s16] =	ssyncset.done $0x0  }
0xa2: {  	[sflag:s16] =	ssyncadd.s32 $0xFFFFC000  }
0xa3: {  	[spmem:s2] =	stream.indirect.scatter.add.f32 [tilespmem:s14], [sflag:$0x3], $0x80, s31, s12, $0x2000b8;
	[tilespmem:$0x1CC00] =	vst v63  }
0xa4: {  	_ =	swait.ge [sflag:s10], $0x4000  }
0xa5: {  	[sflag:s10] =	ssyncset.done $0x0  }
0xa6: {  	[sflag:s10] =	ssyncadd.s32 $0xFFFFC000  }
0xa7: {  	[tilespmem:s14], [sflag:$0x2] =	stream.indirect.gather [hbm4b:s4+s12], $0x80, s0, s12, $0x2000b8;
	[tilespmem:$0x1CC00] =	vst v63  }
0xa8: {  	_ =	swait.ge [sflag:s15], $0x4000  }
0xa9: {  	[sflag:s15] =	ssyncset.done $0x0  }
0xaa: {  	[sflag:s15] =	ssyncadd.s32 $0xFFFFC000  }
0xab: {  	[spmem:s2] =	stream.indirect.scatter.add.f32 [tilespmem:s13], [sflag:$0x3], $0x80, s1, s12, $0x2000b8;
	[tilespmem:$0x1CC00] =	vst v63  }
0xac: {  	_ =	swait.ge [sflag:s10], $0x4000  }
0xad: {  	[sflag:s10] =	ssyncset.done $0x0  }
0xae: {  	[sflag:s10] =	ssyncadd.s32 $0xFFFFC000  }
0xaf: {  	_ =	swait.ge [sflag:s16], $0x4000  }
0xb0: {  	[sflag:s16] =	ssyncset.done $0x0  }
0xb1: {  	[sflag:s16] =	ssyncadd.s32 $0xFFFFC000  }
0xb2: {  	[spmem:s2] =	stream.indirect.scatter.add.f32 [tilespmem:s14], [sflag:$0x3], $0x80, s5, s12, $0x2000b8;
	[tilespmem:$0x1CC00] =	vst v63  }
0xb3: {  	s7 =	simm.s32 $0x100;
	_ =	swait.ge [sflag:s10], $0x4000  }
0xb4: {  	s8 =	simm.s32 $0x200;
	s9 =	rddreg [dreg:$0x5];
	[sflag:s10] =	ssyncset.done $0x0  }
.LBB2_2:
0xb5: {  	[sflag:s10] =	ssyncadd.s32 $0xFFFFC000;
	s9 =	sadd.s32 s7, s9  }
0xb6: {  	[tilespmem:s3], [sflag:$0x3] =	stream.linear.gather [hbm4b:s9+s3], $0x800, $0x200038;
	[tilespmem:$0x1CC00] =	vst v63  }
0xb7: {  	_ =	swait.ge [sflag:s10], $0x800  }
0xb8: {  	s9 =	rddreg [dreg:$0x4];
	[sflag:s10] =	ssyncset.done $0x0  }
0xb9: {  	[sflag:s10] =	ssyncadd.s32 $0xFFFFF800;
	s9 =	sadd.s32 s7, s9  }
0xba: {  	[tilespmem:s11], [sflag:$0x3] =	stream.linear.gather [hbm4b:s9+s3], $0x800, $0x200038;
	[tilespmem:$0x1CC00] =	vst v63  }
0xbb: {  	_ =	swait.ge [sflag:s10], $0x800  }
0xbc: {  	[sflag:s10] =	ssyncset.done $0x0  }
0xbd: {  	[sflag:s10] =	ssyncadd.s32 $0xFFFFF800  }
0xbe: {  	[tilespmem:s13], [sflag:$0x1] =	stream.indirect.gather [hbm4b:s4+s12], $0x80, s3, s12, $0x2000b8;
	[tilespmem:$0x1CC00] =	vst v63  }
0xbf: {  	_ = 	snop  }
0xc0: {  	[tilespmem:s14], [sflag:$0x2] =	stream.indirect.gather [hbm4b:s4+s12], $0x80, s12, s12, $0x2000b8;
	[tilespmem:$0x1CC00] =	vst v63  }
0xc1: {  	_ =	swait.ge [sflag:s15], $0x4000  }
0xc2: {  	[sflag:s15] =	ssyncset.done $0x0  }
0xc3: {  	[sflag:s15] =	ssyncadd.s32 $0xFFFFC000  }
0xc4: {  	[spmem:s2] =	stream.indirect.scatter.add.f32 [tilespmem:s13], [sflag:$0x3], $0x80, s11, s12, $0x2000b8;
	[tilespmem:$0x1CC00] =	vst v63  }
0xc5: {  	_ =	swait.ge [sflag:s10], $0x4000  }
0xc6: {  	[sflag:s10] =	ssyncset.done $0x0  }
0xc7: {  	s9 =	rddreg [dreg:$0x6];
	[sflag:s10] =	ssyncadd.s32 $0xFFFFC000  }
0xc8: {  	[tilespmem:s13], [sflag:$0x1] =	stream.indirect.gather [hbm4b:s4+s12], $0x80, s9, s12, $0x2000b8;
	[tilespmem:$0x1CC00] =	vst v63  }
0xc9: {  	_ =	swait.ge [sflag:s16], $0x4000  }
0xca: {  	[sflag:s16] =	ssyncset.done $0x0  }
0xcb: {  	s9 =	rddreg [dreg:$0x7];
	[sflag:s16] =	ssyncadd.s32 $0xFFFFC000  }
0xcc: {  	[spmem:s2] =	stream.indirect.scatter.add.f32 [tilespmem:s14], [sflag:$0x3], $0x80, s9, s12, $0x2000b8;
	[tilespmem:$0x1CC00] =	vst v63  }
0xcd: {  	_ =	swait.ge [sflag:s10], $0x4000  }
0xce: {  	[sflag:s10] =	ssyncset.done $0x0  }
0xcf: {  	s9 =	rddreg [dreg:$0x8];
	[sflag:s10] =	ssyncadd.s32 $0xFFFFC000  }
0xd0: {  	[tilespmem:s14], [sflag:$0x2] =	stream.indirect.gather [hbm4b:s4+s12], $0x80, s9, s12, $0x2000b8;
	[tilespmem:$0x1CC00] =	vst v63  }
0xd1: {  	_ =	swait.ge [sflag:s15], $0x4000  }
0xd2: {  	[sflag:s15] =	ssyncset.done $0x0  }
0xd3: {  	s9 =	rddreg [dreg:$0x9];
	[sflag:s15] =	ssyncadd.s32 $0xFFFFC000  }
0xd4: {  	[spmem:s2] =	stream.indirect.scatter.add.f32 [tilespmem:s13], [sflag:$0x3], $0x80, s9, s12, $0x2000b8;
	[tilespmem:$0x1CC00] =	vst v63  }
0xd5: {  	_ =	swait.ge [sflag:s10], $0x4000  }
0xd6: {  	[sflag:s10] =	ssyncset.done $0x0  }
0xd7: {  	s9 =	rddreg [dreg:$0xa];
	[sflag:s10] =	ssyncadd.s32 $0xFFFFC000  }
0xd8: {  	[tilespmem:s13], [sflag:$0x1] =	stream.indirect.gather [hbm4b:s4+s12], $0x80, s9, s12, $0x2000b8;
	[tilespmem:$0x1CC00] =	vst v63  }
0xd9: {  	_ =	swait.ge [sflag:s16], $0x4000  }
0xda: {  	[sflag:s16] =	ssyncset.done $0x0  }
0xdb: {  	s9 =	rddreg [dreg:$0xb];
	[sflag:s16] =	ssyncadd.s32 $0xFFFFC000  }
0xdc: {  	[spmem:s2] =	stream.indirect.scatter.add.f32 [tilespmem:s14], [sflag:$0x3], $0x80, s9, s12, $0x2000b8;
	[tilespmem:$0x1CC00] =	vst v63  }
0xdd: {  	_ =	swait.ge [sflag:s10], $0x4000  }
0xde: {  	[sflag:s10] =	ssyncset.done $0x0  }
0xdf: {  	s9 =	rddreg [dreg:$0xc];
	[sflag:s10] =	ssyncadd.s32 $0xFFFFC000  }
0xe0: {  	[tilespmem:s14], [sflag:$0x2] =	stream.indirect.gather [hbm4b:s4+s12], $0x80, s9, s12, $0x2000b8;
	[tilespmem:$0x1CC00] =	vst v63  }
0xe1: {  	_ =	swait.ge [sflag:s15], $0x4000  }
0xe2: {  	[sflag:s15] =	ssyncset.done $0x0  }
0xe3: {  	s9 =	rddreg [dreg:$0xd];
	[sflag:s15] =	ssyncadd.s32 $0xFFFFC000  }
0xe4: {  	[spmem:s2] =	stream.indirect.scatter.add.f32 [tilespmem:s13], [sflag:$0x3], $0x80, s9, s12, $0x2000b8;
	[tilespmem:$0x1CC00] =	vst v63  }
0xe5: {  	_ =	swait.ge [sflag:s10], $0x4000  }
0xe6: {  	[sflag:s10] =	ssyncset.done $0x0  }
0xe7: {  	s9 =	rddreg [dreg:$0xe];
	[sflag:s10] =	ssyncadd.s32 $0xFFFFC000  }
0xe8: {  	[tilespmem:s13], [sflag:$0x1] =	stream.indirect.gather [hbm4b:s4+s12], $0x80, s9, s12, $0x2000b8;
	[tilespmem:$0x1CC00] =	vst v63  }
0xe9: {  	_ =	swait.ge [sflag:s16], $0x4000  }
0xea: {  	[sflag:s16] =	ssyncset.done $0x0  }
0xeb: {  	s9 =	rddreg [dreg:$0xf];
	[sflag:s16] =	ssyncadd.s32 $0xFFFFC000  }
0xec: {  	[spmem:s2] =	stream.indirect.scatter.add.f32 [tilespmem:s14], [sflag:$0x3], $0x80, s9, s12, $0x2000b8;
	[tilespmem:$0x1CC00] =	vst v63  }
0xed: {  	_ =	swait.ge [sflag:s10], $0x4000  }
0xee: {  	[sflag:s10] =	ssyncset.done $0x0  }
0xef: {  	s9 =	rddreg [dreg:$0x10];
	[sflag:s10] =	ssyncadd.s32 $0xFFFFC000  }
0xf0: {  	[tilespmem:s14], [sflag:$0x2] =	stream.indirect.gather [hbm4b:s4+s12], $0x80, s9, s12, $0x2000b8;
	[tilespmem:$0x1CC00] =	vst v63  }
0xf1: {  	_ =	swait.ge [sflag:s15], $0x4000  }
0xf2: {  	[sflag:s15] =	ssyncset.done $0x0  }
0xf3: {  	s9 =	rddreg [dreg:$0x11];
	[sflag:s15] =	ssyncadd.s32 $0xFFFFC000  }
0xf4: {  	[spmem:s2] =	stream.indirect.scatter.add.f32 [tilespmem:s13], [sflag:$0x3], $0x80, s9, s12, $0x2000b8;
	[tilespmem:$0x1CC00] =	vst v63  }
0xf5: {  	_ =	swait.ge [sflag:s10], $0x4000  }
0xf6: {  	[sflag:s10] =	ssyncset.done $0x0  }
0xf7: {  	[sflag:s10] =	ssyncadd.s32 $0xFFFFC000  }
0xf8: {  	[tilespmem:s13], [sflag:$0x1] =	stream.indirect.gather [hbm4b:s4+s12], $0x80, s17, s12, $0x2000b8;
	[tilespmem:$0x1CC00] =	vst v63  }
0xf9: {  	_ =	swait.ge [sflag:s16], $0x4000  }
0xfa: {  	[sflag:s16] =	ssyncset.done $0x0  }
0xfb: {  	[sflag:s16] =	ssyncadd.s32 $0xFFFFC000  }
0xfc: {  	[spmem:s2] =	stream.indirect.scatter.add.f32 [tilespmem:s14], [sflag:$0x3], $0x80, s18, s12, $0x2000b8;
	[tilespmem:$0x1CC00] =	vst v63  }
0xfd: {  	_ =	swait.ge [sflag:s10], $0x4000  }
0xfe: {  	[sflag:s10] =	ssyncset.done $0x0  }
0xff: {  	[sflag:s10] =	ssyncadd.s32 $0xFFFFC000  }
0x100: {  	[tilespmem:s14], [sflag:$0x2] =	stream.indirect.gather [hbm4b:s4+s12], $0x80, s19, s12, $0x2000b8;
	[tilespmem:$0x1CC00] =	vst v63  }
0x101: {  	_ =	swait.ge [sflag:s15], $0x4000  }
0x102: {  	[sflag:s15] =	ssyncset.done $0x0  }
0x103: {  	[sflag:s15] =	ssyncadd.s32 $0xFFFFC000  }
0x104: {  	[spmem:s2] =	stream.indirect.scatter.add.f32 [tilespmem:s13], [sflag:$0x3], $0x80, s20, s12, $0x2000b8;
	[tilespmem:$0x1CC00] =	vst v63  }
0x105: {  	_ =	swait.ge [sflag:s10], $0x4000  }
0x106: {  	[sflag:s10] =	ssyncset.done $0x0  }
0x107: {  	[sflag:s10] =	ssyncadd.s32 $0xFFFFC000  }
0x108: {  	[tilespmem:s13], [sflag:$0x1] =	stream.indirect.gather [hbm4b:s4+s12], $0x80, s21, s12, $0x2000b8;
	[tilespmem:$0x1CC00] =	vst v63  }
0x109: {  	_ =	swait.ge [sflag:s16], $0x4000  }
0x10a: {  	[sflag:s16] =	ssyncset.done $0x0  }
0x10b: {  	[sflag:s16] =	ssyncadd.s32 $0xFFFFC000  }
0x10c: {  	[spmem:s2] =	stream.indirect.scatter.add.f32 [tilespmem:s14], [sflag:$0x3], $0x80, s22, s12, $0x2000b8;
	[tilespmem:$0x1CC00] =	vst v63  }
0x10d: {  	_ =	swait.ge [sflag:s10], $0x4000  }
0x10e: {  	[sflag:s10] =	ssyncset.done $0x0  }
0x10f: {  	[sflag:s10] =	ssyncadd.s32 $0xFFFFC000  }
0x110: {  	[tilespmem:s14], [sflag:$0x2] =	stream.indirect.gather [hbm4b:s4+s12], $0x80, s23, s12, $0x2000b8;
	[tilespmem:$0x1CC00] =	vst v63  }
0x111: {  	_ =	swait.ge [sflag:s15], $0x4000  }
0x112: {  	[sflag:s15] =	ssyncset.done $0x0  }
0x113: {  	[sflag:s15] =	ssyncadd.s32 $0xFFFFC000  }
0x114: {  	[spmem:s2] =	stream.indirect.scatter.add.f32 [tilespmem:s13], [sflag:$0x3], $0x80, s24, s12, $0x2000b8;
	[tilespmem:$0x1CC00] =	vst v63  }
0x115: {  	_ =	swait.ge [sflag:s10], $0x4000  }
0x116: {  	[sflag:s10] =	ssyncset.done $0x0  }
0x117: {  	[sflag:s10] =	ssyncadd.s32 $0xFFFFC000  }
0x118: {  	[tilespmem:s13], [sflag:$0x1] =	stream.indirect.gather [hbm4b:s4+s12], $0x80, s25, s12, $0x2000b8;
	[tilespmem:$0x1CC00] =	vst v63  }
0x119: {  	_ =	swait.ge [sflag:s16], $0x4000  }
0x11a: {  	[sflag:s16] =	ssyncset.done $0x0  }
0x11b: {  	[sflag:s16] =	ssyncadd.s32 $0xFFFFC000  }
0x11c: {  	[spmem:s2] =	stream.indirect.scatter.add.f32 [tilespmem:s14], [sflag:$0x3], $0x80, s26, s12, $0x2000b8;
	[tilespmem:$0x1CC00] =	vst v63  }
0x11d: {  	_ =	swait.ge [sflag:s10], $0x4000  }
0x11e: {  	[sflag:s10] =	ssyncset.done $0x0  }
0x11f: {  	[sflag:s10] =	ssyncadd.s32 $0xFFFFC000  }
0x120: {  	[tilespmem:s14], [sflag:$0x2] =	stream.indirect.gather [hbm4b:s4+s12], $0x80, s28, s12, $0x2000b8;
	[tilespmem:$0x1CC00] =	vst v63  }
0x121: {  	_ =	swait.ge [sflag:s15], $0x4000  }
0x122: {  	[sflag:s15] =	ssyncset.done $0x0  }
0x123: {  	[sflag:s15] =	ssyncadd.s32 $0xFFFFC000  }
0x124: {  	[spmem:s2] =	stream.indirect.scatter.add.f32 [tilespmem:s13], [sflag:$0x3], $0x80, s29, s12, $0x2000b8;
	[tilespmem:$0x1CC00] =	vst v63  }
0x125: {  	_ =	swait.ge [sflag:s10], $0x4000  }
0x126: {  	[sflag:s10] =	ssyncset.done $0x0  }
0x127: {  	[sflag:s10] =	ssyncadd.s32 $0xFFFFC000  }
0x128: {  	[tilespmem:s13], [sflag:$0x1] =	stream.indirect.gather [hbm4b:s4+s12], $0x80, s30, s12, $0x2000b8;
	[tilespmem:$0x1CC00] =	vst v63  }
0x129: {  	_ =	swait.ge [sflag:s16], $0x4000  }
0x12a: {  	[sflag:s16] =	ssyncset.done $0x0  }
0x12b: {  	[sflag:s16] =	ssyncadd.s32 $0xFFFFC000  }
0x12c: {  	[spmem:s2] =	stream.indirect.scatter.add.f32 [tilespmem:s14], [sflag:$0x3], $0x80, s31, s12, $0x2000b8;
	[tilespmem:$0x1CC00] =	vst v63  }
0x12d: {  	_ =	swait.ge [sflag:s10], $0x4000  }
0x12e: {  	[sflag:s10] =	ssyncset.done $0x0  }
0x12f: {  	[sflag:s10] =	ssyncadd.s32 $0xFFFFC000  }
0x130: {  	[tilespmem:s14], [sflag:$0x2] =	stream.indirect.gather [hbm4b:s4+s12], $0x80, s0, s12, $0x2000b8;
	[tilespmem:$0x1CC00] =	vst v63  }
0x131: {  	_ =	swait.ge [sflag:s15], $0x4000  }
0x132: {  	[sflag:s15] =	ssyncset.done $0x0  }
0x133: {  	[sflag:s15] =	ssyncadd.s32 $0xFFFFC000  }
0x134: {  	[spmem:s2] =	stream.indirect.scatter.add.f32 [tilespmem:s13], [sflag:$0x3], $0x80, s1, s12, $0x2000b8;
	[tilespmem:$0x1CC00] =	vst v63  }
0x135: {  	_ =	swait.ge [sflag:s10], $0x4000  }
0x136: {  	[sflag:s10] =	ssyncset.done $0x0  }
0x137: {  	[sflag:s10] =	ssyncadd.s32 $0xFFFFC000  }
0x138: {  	p0 =	sne.s32 s8, $0x400;
	_ =	swait.ge [sflag:s16], $0x4000  }
.Ltmp0:
0x139: {  	[sflag:s16] =	ssyncset.done $0x0;
	(pc) =	sbr.rel @p0 .LBB2_2-.Ltmp0, $4  }
0x13a: {  	[sflag:s16] =	ssyncadd.s32 $0xFFFFC000  }
0x13b: {  	[spmem:s2] =	stream.indirect.scatter.add.f32 [tilespmem:s14], [sflag:$0x3], $0x80, s5, s12, $0x2000b8;
	[tilespmem:$0x1CC00] =	vst v63  }
0x13c: {  	s6 =	smov.u32 s8;
	s8 =	sadd.s32 $0x100, s8;
	_ =	swait.ge [sflag:s10], $0x4000  }
0x13d: {  	s7 =	smov.u32 s6;
	s9 =	rddreg [dreg:$0x5];
	[sflag:s10] =	ssyncset.done $0x0  }
0x13e: {  	[sflag:s10] =	ssyncadd.s32 $0xFFFFC000;
	s6 =	sadd.s32 s7, s9  }
0x13f: {  	[tilespmem:s3], [sflag:$0x3] =	stream.linear.gather [hbm4b:s6+s3], $0x800, $0x200038;
	[tilespmem:$0x1CC00] =	vst v63  }
0x140: {  	_ =	swait.ge [sflag:s10], $0x800  }
0x141: {  	s8 =	rddreg [dreg:$0x4];
	[sflag:s10] =	ssyncset.done $0x0  }
0x142: {  	s6 =	sadd.s32 s7, s8;
	[sflag:s10] =	ssyncadd.s32 $0xFFFFF800  }
0x143: {  	[tilespmem:s11], [sflag:$0x3] =	stream.linear.gather [hbm4b:s6+s3], $0x800, $0x200038;
	[tilespmem:$0x1CC00] =	vst v63  }
0x144: {  	_ =	swait.ge [sflag:s10], $0x800  }
0x145: {  	[sflag:s10] =	ssyncset.done $0x0  }
0x146: {  	[sflag:s10] =	ssyncadd.s32 $0xFFFFF800  }
0x147: {  	[tilespmem:s13], [sflag:$0x1] =	stream.indirect.gather [hbm4b:s4+s12], $0x80, s3, s12, $0x2000b8;
	[tilespmem:$0x1CC00] =	vst v63  }
0x148: {  	_ = 	snop  }
0x149: {  	[tilespmem:s14], [sflag:$0x2] =	stream.indirect.gather [hbm4b:s4+s12], $0x80, s12, s12, $0x2000b8;
	[tilespmem:$0x1CC00] =	vst v63  }
0x14a: {  	_ =	swait.ge [sflag:s15], $0x4000  }
0x14b: {  	[sflag:s15] =	ssyncset.done $0x0  }
0x14c: {  	[sflag:s15] =	ssyncadd.s32 $0xFFFFC000  }
0x14d: {  	[spmem:s2] =	stream.indirect.scatter.add.f32 [tilespmem:s13], [sflag:$0x3], $0x80, s11, s12, $0x2000b8;
	[tilespmem:$0x1CC00] =	vst v63  }
0x14e: {  	_ =	swait.ge [sflag:s10], $0x4000  }
0x14f: {  	[sflag:s10] =	ssyncset.done $0x0  }
0x150: {  	s9 =	rddreg [dreg:$0x6];
	[sflag:s10] =	ssyncadd.s32 $0xFFFFC000  }
0x151: {  	[tilespmem:s13], [sflag:$0x1] =	stream.indirect.gather [hbm4b:s4+s12], $0x80, s9, s12, $0x2000b8;
	[tilespmem:$0x1CC00] =	vst v63  }
0x152: {  	_ =	swait.ge [sflag:s16], $0x4000  }
0x153: {  	[sflag:s16] =	ssyncset.done $0x0  }
0x154: {  	s7 =	rddreg [dreg:$0x7];
	[sflag:s16] =	ssyncadd.s32 $0xFFFFC000  }
0x155: {  	[spmem:s2] =	stream.indirect.scatter.add.f32 [tilespmem:s14], [sflag:$0x3], $0x80, s7, s12, $0x2000b8;
	[tilespmem:$0x1CC00] =	vst v63  }
0x156: {  	_ =	swait.ge [sflag:s10], $0x4000  }
0x157: {  	[sflag:s10] =	ssyncset.done $0x0  }
0x158: {  	s8 =	rddreg [dreg:$0x8];
	[sflag:s10] =	ssyncadd.s32 $0xFFFFC000  }
0x159: {  	[tilespmem:s14], [sflag:$0x2] =	stream.indirect.gather [hbm4b:s4+s12], $0x80, s8, s12, $0x2000b8;
	[tilespmem:$0x1CC00] =	vst v63  }
0x15a: {  	_ =	swait.ge [sflag:s15], $0x4000  }
0x15b: {  	[sflag:s15] =	ssyncset.done $0x0  }
0x15c: {  	s9 =	rddreg [dreg:$0x9];
	[sflag:s15] =	ssyncadd.s32 $0xFFFFC000  }
0x15d: {  	[spmem:s2] =	stream.indirect.scatter.add.f32 [tilespmem:s13], [sflag:$0x3], $0x80, s9, s12, $0x2000b8;
	[tilespmem:$0x1CC00] =	vst v63  }
0x15e: {  	_ =	swait.ge [sflag:s10], $0x4000  }
0x15f: {  	[sflag:s10] =	ssyncset.done $0x0  }
0x160: {  	s7 =	rddreg [dreg:$0xa];
	[sflag:s10] =	ssyncadd.s32 $0xFFFFC000  }
0x161: {  	[tilespmem:s13], [sflag:$0x1] =	stream.indirect.gather [hbm4b:s4+s12], $0x80, s7, s12, $0x2000b8;
	[tilespmem:$0x1CC00] =	vst v63  }
0x162: {  	_ =	swait.ge [sflag:s16], $0x4000  }
0x163: {  	[sflag:s16] =	ssyncset.done $0x0  }
0x164: {  	s8 =	rddreg [dreg:$0xb];
	[sflag:s16] =	ssyncadd.s32 $0xFFFFC000  }
0x165: {  	[spmem:s2] =	stream.indirect.scatter.add.f32 [tilespmem:s14], [sflag:$0x3], $0x80, s8, s12, $0x2000b8;
	[tilespmem:$0x1CC00] =	vst v63  }
0x166: {  	_ =	swait.ge [sflag:s10], $0x4000  }
0x167: {  	[sflag:s10] =	ssyncset.done $0x0  }
0x168: {  	s9 =	rddreg [dreg:$0xc];
	[sflag:s10] =	ssyncadd.s32 $0xFFFFC000  }
0x169: {  	[tilespmem:s14], [sflag:$0x2] =	stream.indirect.gather [hbm4b:s4+s12], $0x80, s9, s12, $0x2000b8;
	[tilespmem:$0x1CC00] =	vst v63  }
0x16a: {  	_ =	swait.ge [sflag:s15], $0x4000  }
0x16b: {  	[sflag:s15] =	ssyncset.done $0x0  }
0x16c: {  	s7 =	rddreg [dreg:$0xd];
	[sflag:s15] =	ssyncadd.s32 $0xFFFFC000  }
0x16d: {  	[spmem:s2] =	stream.indirect.scatter.add.f32 [tilespmem:s13], [sflag:$0x3], $0x80, s7, s12, $0x2000b8;
	[tilespmem:$0x1CC00] =	vst v63  }
0x16e: {  	_ =	swait.ge [sflag:s10], $0x4000  }
0x16f: {  	[sflag:s10] =	ssyncset.done $0x0  }
0x170: {  	s8 =	rddreg [dreg:$0xe];
	[sflag:s10] =	ssyncadd.s32 $0xFFFFC000  }
0x171: {  	[tilespmem:s13], [sflag:$0x1] =	stream.indirect.gather [hbm4b:s4+s12], $0x80, s8, s12, $0x2000b8;
	[tilespmem:$0x1CC00] =	vst v63  }
0x172: {  	_ =	swait.ge [sflag:s16], $0x4000  }
0x173: {  	[sflag:s16] =	ssyncset.done $0x0  }
0x174: {  	s9 =	rddreg [dreg:$0xf];
	[sflag:s16] =	ssyncadd.s32 $0xFFFFC000  }
0x175: {  	[spmem:s2] =	stream.indirect.scatter.add.f32 [tilespmem:s14], [sflag:$0x3], $0x80, s9, s12, $0x2000b8;
	[tilespmem:$0x1CC00] =	vst v63  }
0x176: {  	_ =	swait.ge [sflag:s10], $0x4000  }
0x177: {  	[sflag:s10] =	ssyncset.done $0x0  }
0x178: {  	s7 =	rddreg [dreg:$0x10];
	[sflag:s10] =	ssyncadd.s32 $0xFFFFC000  }
0x179: {  	[tilespmem:s14], [sflag:$0x2] =	stream.indirect.gather [hbm4b:s4+s12], $0x80, s7, s12, $0x2000b8;
	[tilespmem:$0x1CC00] =	vst v63  }
0x17a: {  	_ =	swait.ge [sflag:s15], $0x4000  }
0x17b: {  	[sflag:s15] =	ssyncset.done $0x0  }
0x17c: {  	s8 =	rddreg [dreg:$0x11];
	[sflag:s15] =	ssyncadd.s32 $0xFFFFC000  }
0x17d: {  	[spmem:s2] =	stream.indirect.scatter.add.f32 [tilespmem:s13], [sflag:$0x3], $0x80, s8, s12, $0x2000b8;
	[tilespmem:$0x1CC00] =	vst v63  }
0x17e: {  	_ =	swait.ge [sflag:s10], $0x4000  }
0x17f: {  	[sflag:s10] =	ssyncset.done $0x0  }
0x180: {  	[sflag:s10] =	ssyncadd.s32 $0xFFFFC000  }
0x181: {  	[tilespmem:s13], [sflag:$0x1] =	stream.indirect.gather [hbm4b:s4+s12], $0x80, s17, s12, $0x2000b8;
	[tilespmem:$0x1CC00] =	vst v63  }
0x182: {  	_ =	swait.ge [sflag:s16], $0x4000  }
0x183: {  	[sflag:s16] =	ssyncset.done $0x0  }
0x184: {  	[sflag:s16] =	ssyncadd.s32 $0xFFFFC000  }
0x185: {  	[spmem:s2] =	stream.indirect.scatter.add.f32 [tilespmem:s14], [sflag:$0x3], $0x80, s18, s12, $0x2000b8;
	[tilespmem:$0x1CC00] =	vst v63  }
0x186: {  	_ =	swait.ge [sflag:s10], $0x4000  }
0x187: {  	[sflag:s10] =	ssyncset.done $0x0  }
0x188: {  	[sflag:s10] =	ssyncadd.s32 $0xFFFFC000  }
0x189: {  	[tilespmem:s14], [sflag:$0x2] =	stream.indirect.gather [hbm4b:s4+s12], $0x80, s19, s12, $0x2000b8;
	[tilespmem:$0x1CC00] =	vst v63  }
0x18a: {  	_ =	swait.ge [sflag:s15], $0x4000  }
0x18b: {  	[sflag:s15] =	ssyncset.done $0x0  }
0x18c: {  	[sflag:s15] =	ssyncadd.s32 $0xFFFFC000  }
0x18d: {  	[spmem:s2] =	stream.indirect.scatter.add.f32 [tilespmem:s13], [sflag:$0x3], $0x80, s20, s12, $0x2000b8;
	[tilespmem:$0x1CC00] =	vst v63  }
0x18e: {  	_ =	swait.ge [sflag:s10], $0x4000  }
0x18f: {  	[sflag:s10] =	ssyncset.done $0x0  }
0x190: {  	[sflag:s10] =	ssyncadd.s32 $0xFFFFC000  }
0x191: {  	[tilespmem:s13], [sflag:$0x1] =	stream.indirect.gather [hbm4b:s4+s12], $0x80, s21, s12, $0x2000b8;
	[tilespmem:$0x1CC00] =	vst v63  }
0x192: {  	_ =	swait.ge [sflag:s16], $0x4000  }
0x193: {  	[sflag:s16] =	ssyncset.done $0x0  }
0x194: {  	[sflag:s16] =	ssyncadd.s32 $0xFFFFC000  }
0x195: {  	[spmem:s2] =	stream.indirect.scatter.add.f32 [tilespmem:s14], [sflag:$0x3], $0x80, s22, s12, $0x2000b8;
	[tilespmem:$0x1CC00] =	vst v63  }
0x196: {  	_ =	swait.ge [sflag:s10], $0x4000  }
0x197: {  	[sflag:s10] =	ssyncset.done $0x0  }
0x198: {  	[sflag:s10] =	ssyncadd.s32 $0xFFFFC000  }
0x199: {  	[tilespmem:s14], [sflag:$0x2] =	stream.indirect.gather [hbm4b:s4+s12], $0x80, s23, s12, $0x2000b8;
	[tilespmem:$0x1CC00] =	vst v63  }
0x19a: {  	_ =	swait.ge [sflag:s15], $0x4000  }
0x19b: {  	[sflag:s15] =	ssyncset.done $0x0  }
0x19c: {  	[sflag:s15] =	ssyncadd.s32 $0xFFFFC000  }
0x19d: {  	[spmem:s2] =	stream.indirect.scatter.add.f32 [tilespmem:s13], [sflag:$0x3], $0x80, s24, s12, $0x2000b8;
	[tilespmem:$0x1CC00] =	vst v63  }
0x19e: {  	_ =	swait.ge [sflag:s10], $0x4000  }
0x19f: {  	[sflag:s10] =	ssyncset.done $0x0  }
0x1a0: {  	[sflag:s10] =	ssyncadd.s32 $0xFFFFC000  }
0x1a1: {  	[tilespmem:s13], [sflag:$0x1] =	stream.indirect.gather [hbm4b:s4+s12], $0x80, s25, s12, $0x2000b8;
	[tilespmem:$0x1CC00] =	vst v63  }
0x1a2: {  	_ =	swait.ge [sflag:s16], $0x4000  }
0x1a3: {  	[sflag:s16] =	ssyncset.done $0x0  }
0x1a4: {  	[sflag:s16] =	ssyncadd.s32 $0xFFFFC000  }
0x1a5: {  	[spmem:s2] =	stream.indirect.scatter.add.f32 [tilespmem:s14], [sflag:$0x3], $0x80, s26, s12, $0x2000b8;
	[tilespmem:$0x1CC00] =	vst v63  }
0x1a6: {  	_ =	swait.ge [sflag:s10], $0x4000  }
0x1a7: {  	[sflag:s10] =	ssyncset.done $0x0  }
0x1a8: {  	[sflag:s10] =	ssyncadd.s32 $0xFFFFC000  }
0x1a9: {  	[tilespmem:s14], [sflag:$0x2] =	stream.indirect.gather [hbm4b:s4+s12], $0x80, s28, s12, $0x2000b8;
	[tilespmem:$0x1CC00] =	vst v63  }
0x1aa: {  	_ =	swait.ge [sflag:s15], $0x4000  }
0x1ab: {  	[sflag:s15] =	ssyncset.done $0x0  }
0x1ac: {  	[sflag:s15] =	ssyncadd.s32 $0xFFFFC000  }
0x1ad: {  	[spmem:s2] =	stream.indirect.scatter.add.f32 [tilespmem:s13], [sflag:$0x3], $0x80, s29, s12, $0x2000b8;
	[tilespmem:$0x1CC00] =	vst v63  }
0x1ae: {  	_ =	swait.ge [sflag:s10], $0x4000  }
0x1af: {  	[sflag:s10] =	ssyncset.done $0x0  }
0x1b0: {  	[sflag:s10] =	ssyncadd.s32 $0xFFFFC000  }
0x1b1: {  	[tilespmem:s13], [sflag:$0x1] =	stream.indirect.gather [hbm4b:s4+s12], $0x80, s30, s12, $0x2000b8;
	[tilespmem:$0x1CC00] =	vst v63  }
0x1b2: {  	_ =	swait.ge [sflag:s16], $0x4000  }
0x1b3: {  	[sflag:s16] =	ssyncset.done $0x0  }
0x1b4: {  	[sflag:s16] =	ssyncadd.s32 $0xFFFFC000  }
0x1b5: {  	[spmem:s2] =	stream.indirect.scatter.add.f32 [tilespmem:s14], [sflag:$0x3], $0x80, s31, s12, $0x2000b8;
	[tilespmem:$0x1CC00] =	vst v63  }
0x1b6: {  	_ =	swait.ge [sflag:s10], $0x4000  }
0x1b7: {  	[sflag:s10] =	ssyncset.done $0x0  }
0x1b8: {  	[sflag:s10] =	ssyncadd.s32 $0xFFFFC000  }
0x1b9: {  	[tilespmem:s14], [sflag:$0x2] =	stream.indirect.gather [hbm4b:s4+s12], $0x80, s0, s12, $0x2000b8;
	[tilespmem:$0x1CC00] =	vst v63  }
0x1ba: {  	_ =	swait.ge [sflag:s15], $0x4000  }
0x1bb: {  	[sflag:s15] =	ssyncset.done $0x0  }
0x1bc: {  	[sflag:s15] =	ssyncadd.s32 $0xFFFFC000  }
0x1bd: {  	[spmem:s2] =	stream.indirect.scatter.add.f32 [tilespmem:s13], [sflag:$0x3], $0x80, s1, s12, $0x2000b8;
	[tilespmem:$0x1CC00] =	vst v63  }
0x1be: {  	_ =	swait.ge [sflag:s10], $0x4000  }
0x1bf: {  	[sflag:s10] =	ssyncset.done $0x0  }
0x1c0: {  	[sflag:s10] =	ssyncadd.s32 $0xFFFFC000  }
0x1c1: {  	_ =	swait.ge [sflag:s16], $0x4000  }
0x1c2: {  	[sflag:s16] =	ssyncset.done $0x0  }
0x1c3: {  	[sflag:s16] =	ssyncadd.s32 $0xFFFFC000  }
0x1c4: {  	[spmem:s2] =	stream.indirect.scatter.add.f32 [tilespmem:s14], [sflag:$0x3], $0x80, s5, s12, $0x2000b8;
	[tilespmem:$0x1CC00] =	vst v63  }
0x1c5: {  	_ =	swait.ge [sflag:s10], $0x4000  }
0x1c6: {  	[sflag:s10] =	ssyncset.done $0x0  }
0x1c7: {  	[sflag:s10] =	ssyncadd.s32 $0xFFFFC000  }
0x1c8: {  	[bflag:$0x0] =	sbarrier.arrive $0xFFFF  }
0x1c9: {  	_ =	strace $0x90000058  }
0x1ca: {  	_ =	strace $0x80000059  }
0x1cb: {  	s9 =	rddreg [dreg:$0x13]  }
0x1cc: {  	s7 =	rddreg [dreg:$0x15]  }
0x1cd: {  	s8 =	rddreg [dreg:$0x16]  }
0x1ce: {  	[hbm:s9], [sflag:s7] =	dma.local [spmem:s8], $0x2780  }
0x1cf: {  	_ =	swait.ge [sflag:s10], $0x2780  }
0x1d0: {  	s6 =	rddreg [dreg:$0x17]  }
0x1d1: {  	s9 =	sadd.s32 $0x1, s6;
	s6 =	rddreg [dreg:$0x14]  }
0x1d2: {  	p0 =	sne.s32 s9, s6  }
.Ltmp1:
0x1d3: {  	_ = 	snop;
	(pc) =	sbr.rel @p0 .LBB2_1-.Ltmp1, $4  }
0x1d4: {  	_ = 	snop  }
0x1d5: {  	[sflag:s10] =	ssyncset.done $0x0  }
0x1d6: {  	[sflag:s10] =	ssyncadd.s32 $0xFFFFD880  }
0x1d7: {  	_ =	strace $0x90000059  }
0x1d8: {  	_ =	sfence.sel $0x180000  }
0x1d9: {  	[bflag:$0x0] =	sbarrier.arrive $0xFFFF  }
0x1da: {  	_ =	strace $0x90000056  }
0x1db: {  	s0 =	stileid.u32;
	[bflag:$0x2] =	sbarrier.arrive $0xFFFF  }
0x1dc: {  	p0 =	sne.s32 s0, $0x0;
	s0 =	rddreg [dreg:$0x3]  }
0x1dd: {  	s0 =	sadd.s32 @!p0 $0x100000, s0  }
0x1de: {  	[sflag:s0] =	ssyncadd.tile.s32 @!p0 $0x1;
	_ =	shalt  }
.Lfunc_end2:
_tile_overlayer_lowered:
.L_overlay_start_2:
0x1df: {  	(tag) =	ssettag $0x2  }
0x1e0: {  	s0 =	rddreg [dreg:$0x0];
	s2 =	stileid.u32  }
0x1e1: {  	s1 =	rddreg [dreg:$0x1];
	p0 =	sne.s32 s2, $0x0  }
0x1e2: {  	s3 =	rddreg [dreg:$0x2];
	[bflag:$0x3] =	sbarrier.arrive $0xFFFF;
	s2 =	simm.s32 @!p0 $0x1C03  }
0x1e3: {  	[timem:s3], [sflag:s2] =	dma.local @!p0 [hbm:s0], s1  }
0x1e4: {  	s0 =	simm.s32 @!p0 $0x3  }
0x1e5: {  	_ =	swait.ge @!p0 [sflag:s0], s1  }
0x1e6: {  	s1 =	ssub.s32 @!p0 $0x0, s1;
	[sflag:s0] =	ssyncset.done @!p0 $0x0  }
0x1e7: {  	[sflag:s0] =	ssyncadd.s32 @!p0 s1  }
0x1e8: {  	[bflag:$0x3] =	sbarrier.arrive $0xFFFF  }
0x1e9: {  	_ =	shalt  }

</sc_bundles>
